<compile_context>
chip_gen: v7x
topology: tpu7x:2x2x1
jax: 0.10.2.dev20260603
libtpu: 0.0.44.dev20260713+nightly
codegen_flags: <defaults>
</compile_context>

<pallas_src>
import functools

import jax
import jax.numpy as jnp
from jax import lax
from jax.experimental import pallas as pl
from jax.experimental.pallas import tpu as pltpu
from jax.experimental.pallas import tpu_sc as plsc

N_NODES = 10000
N_EDGES = 320000
D = 128
NC = 2
NS = 16
NW = NC * NS

PW = N_EDGES // NW
CHUNK = 48
NCHUNK = 209
PWP = NCHUNK * CHUNK
DUMMY_DST = N_NODES
NPAD = 10240
RPW = NPAD // NS
ZR = 40


def _sc_segsum(y, srcp, dstp):
    mesh = plsc.VectorSubcoreMesh(core_axis_name="c", subcore_axis_name="s")

    @functools.partial(
        pl.kernel,
        mesh=mesh,
        out_type=jax.ShapeDtypeStruct((NC, NPAD, D), jnp.float32),
        scratch_types=[
            pltpu.VMEM((PWP,), jnp.int32),
            pltpu.VMEM((PWP,), jnp.int32),
            pltpu.VMEM((CHUNK, D), jnp.float32),
            pltpu.VMEM((CHUNK, D), jnp.float32),
            pltpu.VMEM((CHUNK, D), jnp.float32),
            pltpu.VMEM((CHUNK, D), jnp.float32),
            pltpu.VMEM_SHARED((NPAD, D), jnp.float32),
            pltpu.SemaphoreType.DMA,
            pltpu.SemaphoreType.DMA,
            pltpu.SemaphoreType.DMA,
        ],
    )
    def k(y_hbm, src_hbm, dst_hbm, out_hbm, src_v, dst_v, rows0, rows1,
          rows2, rows3, agg_s, sem_i, sem_g, sem_s):
        cid = lax.axis_index("c")
        sid = lax.axis_index("s")
        wid = cid * NS + sid
        rows = (rows0, rows1, rows2, rows3)

        pltpu.async_copy(src_hbm.at[wid], src_v, sem_i)
        pltpu.async_copy(dst_hbm.at[wid], dst_v, sem_i)

        z16 = jnp.zeros((16,), jnp.float32)

        def zrow(i, carry):
            for j in range(D // 16):
                rows0[i, pl.ds(j * 16, 16)] = z16
            return carry

        lax.fori_loop(0, ZR, zrow, 0)
        r0 = sid * RPW
        for j in range(RPW // ZR):
            pltpu.sync_copy(rows0.at[pl.ds(0, ZR)],
                            agg_s.at[pl.ds(r0 + j * ZR, ZR)])
        pltpu.make_async_copy(src_hbm.at[wid], src_v, sem_i).wait()
        pltpu.make_async_copy(dst_hbm.at[wid], dst_v, sem_i).wait()
        plsc.subcore_barrier()

        def start_gather(i, buf):
            off = pl.multiple_of(i * CHUNK, 8)
            pltpu.async_copy(y_hbm.at[src_v.at[pl.ds(off, CHUNK)]], buf,
                             sem_g)

        def wait_gather(buf):
            pltpu.make_async_copy(y_hbm.at[pl.ds(0, CHUNK)], buf,
                                  sem_g).wait()

        def start_scatter(i, buf):
            off = pl.multiple_of(i * CHUNK, 8)
            pltpu.async_copy(buf, agg_s.at[dst_v.at[pl.ds(off, CHUNK)]],
                             sem_s, add=True)

        def wait_scatter(buf):
            pltpu.make_async_copy(y_hbm.at[pl.ds(0, CHUNK)], buf,
                                  sem_s).wait()

        start_gather(0, rows[0])
        start_gather(1, rows[1])
        start_gather(2, rows[2])
        wait_gather(rows[0])
        start_scatter(0, rows[0])
        start_gather(3, rows[3])

        def body(t, carry):
            g = t * 4 + 1
            for b4 in range(4):
                b = (b4 + 1) % 4
                wait_gather(rows[b])
                start_scatter(g + b4, rows[b])
                wait_scatter(rows[(b + 3) % 4])
                start_gather(g + b4 + 3, rows[(b + 3) % 4])
            return carry

        lax.fori_loop(0, 51, body, 0)
        wait_gather(rows[1])
        start_scatter(205, rows[1])
        wait_scatter(rows[0])
        start_gather(208, rows[0])
        wait_gather(rows[2])
        start_scatter(206, rows[2])
        wait_scatter(rows[1])
        wait_gather(rows[3])
        start_scatter(207, rows[3])
        wait_scatter(rows[2])
        wait_gather(rows[0])
        start_scatter(208, rows[0])
        wait_scatter(rows[3])
        wait_scatter(rows[0])
        plsc.subcore_barrier()

        pltpu.sync_copy(agg_s.at[pl.ds(r0, RPW)],
                        out_hbm.at[cid].at[pl.ds(r0, RPW)])

    return k(y, srcp, dstp)


def _tc_body(agg_ref, h_ref, w_ref, b_ref, wr_ref, br_ref, o_ref):
    a = agg_ref[0] + agg_ref[1]
    t = jnp.dot(a, w_ref[...], preferred_element_type=jnp.float32) + b_ref[...]
    r = (jnp.dot(h_ref[...], wr_ref[...], preferred_element_type=jnp.float32)
         + br_ref[...])
    o_ref[...] = jnp.maximum(t, 0.0) + jnp.maximum(r, 0.0)


BLK = 400


def _tc_layer(agg2, h, wl, bl, wrl, brl):
    return pl.pallas_call(
        _tc_body,
        grid=(N_NODES // BLK,),
        in_specs=[
            pl.BlockSpec((NC, BLK, D), lambda i: (0, i, 0)),
            pl.BlockSpec((BLK, D), lambda i: (i, 0)),
            pl.BlockSpec((D, D), lambda i: (0, 0)),
            pl.BlockSpec((1, D), lambda i: (0, 0)),
            pl.BlockSpec((D, D), lambda i: (0, 0)),
            pl.BlockSpec((1, D), lambda i: (0, 0)),
        ],
        out_specs=pl.BlockSpec((BLK, D), lambda i: (i, 0)),
        out_shape=jax.ShapeDtypeStruct((N_NODES, D), jnp.float32),
    )(agg2, h, wl, bl, wrl, brl)


def kernel(x, edge_index, W, b, Wres, bres):
    src = edge_index[0].astype(jnp.int32).reshape(NW, PW)
    dst = edge_index[1].astype(jnp.int32).reshape(NW, PW)
    pad_s = jnp.zeros((NW, PWP - PW), jnp.int32)
    pad_d = jnp.full((NW, PWP - PW), DUMMY_DST, jnp.int32)
    srcp = jnp.concatenate([src, pad_s], axis=1)
    dstp = jnp.concatenate([dst, pad_d], axis=1)
    h = x
    for l in range(W.shape[0]):
        agg2 = _sc_segsum(h, srcp, dstp)
        h = _tc_layer(agg2, h, W[l], b[l].reshape(1, D),
                      Wres[l], bres[l].reshape(1, D))
    return h

# --- scband reference (transcript-rebuilt; emitter-appended) ---
"""Pipeline reference for scband-gnns-979252543711 (READ-ONLY COPY).

The authoritative reference and input builder live on the scoring server;
editing this copy changes nothing except your own understanding.
"""

import jax, jax.numpy as jnp
import numpy as np

N_NODES = 10000
N_EDGES = 320000
D_FEAT = 128
N_HID = 128
N_LAYER = 3


def setup_inputs(seed: int = 0) -> dict:
    key = jax.random.key(seed)
    ks = jax.random.split(key, 8)
    x = jax.random.normal(ks[0], (N_NODES, D_FEAT), dtype=jnp.float32)
    edge_index = jax.random.randint(ks[1], (2, N_EDGES), 0, N_NODES, dtype=jnp.int64)
    # GCN layer params: graph-conv weight/bias + residual linear weight/bias per layer
    # layer 0: in=D_FEAT -> N_HID; layers 1..: N_HID -> N_HID (all 128 here)
    scale = 1.0 / np.sqrt(D_FEAT)
    W = jax.random.uniform(ks[2], (N_LAYER, D_FEAT, N_HID), dtype=jnp.float32, minval=-scale, maxval=scale)
    b = jnp.zeros((N_LAYER, N_HID), dtype=jnp.float32)
    Wres = jax.random.uniform(ks[3], (N_LAYER, D_FEAT, N_HID), dtype=jnp.float32, minval=-scale, maxval=scale)
    bres = jnp.zeros((N_LAYER, N_HID), dtype=jnp.float32)
    return {"x": x, "edge_index": edge_index, "W": W, "b": b, "Wres": Wres, "bres": bres}


def reference(x, edge_index, W, b, Wres, bres):
    # Faithful jax translation of dgllife GCN encoder (GNN='GCN', JK='last'):
    # each GCNLayer: GraphConv(norm='none') -> relu, plus residual
    # res_feats = relu(Linear(h)); new = relu(A @ h @ W + b) + res_feats
    src = edge_index[0]
    dst = edge_index[1]
    n = x.shape[0]
    h = x
    for l in range(N_LAYER):
        msgs = h[src]                              # gather over edges
        agg = jax.ops.segment_sum(msgs, dst, num_segments=n)  # scatter-add (norm='none' => sum)
        new_h = agg @ W[l] + b[l]
        new_h = jax.nn.relu(new_h)
        res = jax.nn.relu(h @ Wres[l] + bres[l])
        h = new_h + res
    return h

if __name__ == "__main__":
    import jax
    _d = setup_inputs()
    print(jax.jit(kernel)(*tuple(_d.values())))

</pallas_src>

<mosaic_0001>
#map = affine_map<(d0, d1) -> (0, 0)>
#map1 = affine_map<(d0, d1) -> (0, 0, 0)>
module attributes {stable_mosaic.version = 14 : i64} {
  func.func @k(%arg0: i32, %arg1: i32, %arg2: memref<10000x128xf32, #tpu.memory_space<hbm>>, %arg3: memref<32x10032xi32, #tpu.memory_space<hbm>>, %arg4: memref<32x10032xi32, #tpu.memory_space<hbm>>, %arg5: memref<2x10240x128xf32, #tpu.memory_space<hbm>>, %arg6: memref<10032xi32, #tpu.memory_space<vmem>>, %arg7: memref<10032xi32, #tpu.memory_space<vmem>>, %arg8: memref<48x128xf32, #tpu.memory_space<vmem>>, %arg9: memref<48x128xf32, #tpu.memory_space<vmem>>, %arg10: memref<48x128xf32, #tpu.memory_space<vmem>>, %arg11: memref<48x128xf32, #tpu.memory_space<vmem>>, %arg12: memref<10240x128xf32, #tpu.memory_space<vmem_shared>>, %arg13: memref<!tpu.dma_semaphore, #tpu.memory_space<semaphore_mem>>, %arg14: memref<!tpu.dma_semaphore, #tpu.memory_space<semaphore_mem>>, %arg15: memref<!tpu.dma_semaphore, #tpu.memory_space<semaphore_mem>>) attributes {dimension_semantics = [#tpu.dimension_semantics<core_parallel>, #tpu.dimension_semantics<subcore_parallel>], iteration_bounds = array<i64: 2, 16>, scalar_prefetch = 0 : i64, scratch_operands = 10 : i64, tpu.core_type = #tpu.core_type<sc_vector_subcore>, window_params = [{transform_indices = #map}, {transform_indices = #map}, {transform_indices = #map}, {transform_indices = #map1}]} {
    %mul3A = arith.constant 16 : i32
    %mul3A_0 = arith.muli %arg0, %mul3A : i32
    %add3A = arith.addi %mul3A_0, %arg1 : i32
    %dma_start3A = arith.constant 0 : i32
    %dma_start3A_1 = tpu.memref_slice %arg3[%add3A, %dma_start3A] : memref<32x10032xi32, #tpu.memory_space<hbm>> -> memref<1x10032xi32, #tpu.memory_space<hbm>>
    %dma_start3A_2 = tpu.memref_squeeze %dma_start3A_1 : memref<1x10032xi32, #tpu.memory_space<hbm>> -> memref<10032xi32, #tpu.memory_space<hbm>>
    %dma_start3A_3 = arith.constant 0 : i32
    %dma_start3A_4 = tpu.memref_slice %arg3[%add3A, %dma_start3A_3] : memref<32x10032xi32, #tpu.memory_space<hbm>> -> memref<1x10032xi32, #tpu.memory_space<hbm>>
    %dma_start3A_5 = tpu.memref_squeeze %dma_start3A_4 : memref<1x10032xi32, #tpu.memory_space<hbm>> -> memref<10032xi32, #tpu.memory_space<hbm>>
    tpu.enqueue_dma source(%dma_start3A_5 : memref<10032xi32, #tpu.memory_space<hbm>>) target(%arg6 : memref<10032xi32, #tpu.memory_space<vmem>>) target_semaphore(%arg13 : memref<!tpu.dma_semaphore, #tpu.memory_space<semaphore_mem>>)
    %dma_start3A_6 = arith.constant 0 : i32
    %dma_start3A_7 = tpu.memref_slice %arg4[%add3A, %dma_start3A_6] : memref<32x10032xi32, #tpu.memory_space<hbm>> -> memref<1x10032xi32, #tpu.memory_space<hbm>>
    %dma_start3A_8 = tpu.memref_squeeze %dma_start3A_7 : memref<1x10032xi32, #tpu.memory_space<hbm>> -> memref<10032xi32, #tpu.memory_space<hbm>>
    %dma_start3A_9 = arith.constant 0 : i32
    %dma_start3A_10 = tpu.memref_slice %arg4[%add3A, %dma_start3A_9] : memref<32x10032xi32, #tpu.memory_space<hbm>> -> memref<1x10032xi32, #tpu.memory_space<hbm>>
    %dma_start3A_11 = tpu.memref_squeeze %dma_start3A_10 : memref<1x10032xi32, #tpu.memory_space<hbm>> -> memref<10032xi32, #tpu.memory_space<hbm>>
    tpu.enqueue_dma source(%dma_start3A_11 : memref<10032xi32, #tpu.memory_space<hbm>>) target(%arg7 : memref<10032xi32, #tpu.memory_space<vmem>>) target_semaphore(%arg13 : memref<!tpu.dma_semaphore, #tpu.memory_space<semaphore_mem>>)
    %broadcast_in_dim3A = arith.constant 0.000000e+00 : f32
    %broadcast_in_dim3A_12 = vector.broadcast %broadcast_in_dim3A : f32 to vector<16xf32>
    %scan3A = arith.constant 0 : i32
    %scan3A_13 = arith.constant 0 : i32
    %scan3A_14 = arith.constant 40 : i32
    %scan3A_15 = arith.addi %scan3A_13, %scan3A_14 : i32
    %scan3A_16 = arith.constant 1 : i32
    scf.for %scan3A_189 = %scan3A_13 to %scan3A_15 step %scan3A_16  : i32 {
      %swap3A = arith.index_cast %scan3A_189 : i32 to index
      %swap3A_190 = arith.constant 0 : index
      %swap3A_191 = tpu.vector_load %arg8[%swap3A, %swap3A_190] {strides = array<i32>} : memref<48x128xf32, #tpu.memory_space<vmem>>, vector<1x16xf32>,
      %swap3A_192 = vector.shape_cast %swap3A_191 : vector<1x16xf32> to vector<16xf32>
      %swap3A_193 = vector.shape_cast %broadcast_in_dim3A_12 : vector<16xf32> to vector<1x16xf32>
      tpu.vector_store %arg8[%swap3A, %swap3A_190], %swap3A_193 {strides = array<i32>} : memref<48x128xf32, #tpu.memory_space<vmem>>, vector<1x16xf32>,
      %swap3A_194 = arith.index_cast %scan3A_189 : i32 to index
      %swap3A_195 = arith.constant 16 : index
      %swap3A_196 = tpu.vector_load %arg8[%swap3A_194, %swap3A_195] {strides = array<i32>} : memref<48x128xf32, #tpu.memory_space<vmem>>, vector<1x16xf32>,
      %swap3A_197 = vector.shape_cast %swap3A_196 : vector<1x16xf32> to vector<16xf32>
      %swap3A_198 = vector.shape_cast %broadcast_in_dim3A_12 : vector<16xf32> to vector<1x16xf32>
      tpu.vector_store %arg8[%swap3A_194, %swap3A_195], %swap3A_198 {strides = array<i32>} : memref<48x128xf32, #tpu.memory_space<vmem>>, vector<1x16xf32>,
      %swap3A_199 = arith.index_cast %scan3A_189 : i32 to index
      %swap3A_200 = arith.constant 32 : index
      %swap3A_201 = tpu.vector_load %arg8[%swap3A_199, %swap3A_200] {strides = array<i32>} : memref<48x128xf32, #tpu.memory_space<vmem>>, vector<1x16xf32>,
      %swap3A_202 = vector.shape_cast %swap3A_201 : vector<1x16xf32> to vector<16xf32>
      %swap3A_203 = vector.shape_cast %broadcast_in_dim3A_12 : vector<16xf32> to vector<1x16xf32>
      tpu.vector_store %arg8[%swap3A_199, %swap3A_200], %swap3A_203 {strides = array<i32>} : memref<48x128xf32, #tpu.memory_space<vmem>>, vector<1x16xf32>,
      %swap3A_204 = arith.index_cast %scan3A_189 : i32 to index
      %swap3A_205 = arith.constant 48 : index
      %swap3A_206 = tpu.vector_load %arg8[%swap3A_204, %swap3A_205] {strides = array<i32>} : memref<48x128xf32, #tpu.memory_space<vmem>>, vector<1x16xf32>,
      %swap3A_207 = vector.shape_cast %swap3A_206 : vector<1x16xf32> to vector<16xf32>
      %swap3A_208 = vector.shape_cast %broadcast_in_dim3A_12 : vector<16xf32> to vector<1x16xf32>
      tpu.vector_store %arg8[%swap3A_204, %swap3A_205], %swap3A_208 {strides = array<i32>} : memref<48x128xf32, #tpu.memory_space<vmem>>, vector<1x16xf32>,
      %swap3A_209 = arith.index_cast %scan3A_189 : i32 to index
      %swap3A_210 = arith.constant 64 : index
      %swap3A_211 = tpu.vector_load %arg8[%swap3A_209, %swap3A_210] {strides = array<i32>} : memref<48x128xf32, #tpu.memory_space<vmem>>, vector<1x16xf32>,
      %swap3A_212 = vector.shape_cast %swap3A_211 : vector<1x16xf32> to vector<16xf32>
      %swap3A_213 = vector.shape_cast %broadcast_in_dim3A_12 : vector<16xf32> to vector<1x16xf32>
      tpu.vector_store %arg8[%swap3A_209, %swap3A_210], %swap3A_213 {strides = array<i32>} : memref<48x128xf32, #tpu.memory_space<vmem>>, vector<1x16xf32>,
      %swap3A_214 = arith.index_cast %scan3A_189 : i32 to index
      %swap3A_215 = arith.constant 80 : index
      %swap3A_216 = tpu.vector_load %arg8[%swap3A_214, %swap3A_215] {strides = array<i32>} : memref<48x128xf32, #tpu.memory_space<vmem>>, vector<1x16xf32>,
      %swap3A_217 = vector.shape_cast %swap3A_216 : vector<1x16xf32> to vector<16xf32>
      %swap3A_218 = vector.shape_cast %broadcast_in_dim3A_12 : vector<16xf32> to vector<1x16xf32>
      tpu.vector_store %arg8[%swap3A_214, %swap3A_215], %swap3A_218 {strides = array<i32>} : memref<48x128xf32, #tpu.memory_space<vmem>>, vector<1x16xf32>,
      %swap3A_219 = arith.index_cast %scan3A_189 : i32 to index
      %swap3A_220 = arith.constant 96 : index
      %swap3A_221 = tpu.vector_load %arg8[%swap3A_219, %swap3A_220] {strides = array<i32>} : memref<48x128xf32, #tpu.memory_space<vmem>>, vector<1x16xf32>,
      %swap3A_222 = vector.shape_cast %swap3A_221 : vector<1x16xf32> to vector<16xf32>
      %swap3A_223 = vector.shape_cast %broadcast_in_dim3A_12 : vector<16xf32> to vector<1x16xf32>
      tpu.vector_store %arg8[%swap3A_219, %swap3A_220], %swap3A_223 {strides = array<i32>} : memref<48x128xf32, #tpu.memory_space<vmem>>, vector<1x16xf32>,
      %swap3A_224 = arith.index_cast %scan3A_189 : i32 to index
      %swap3A_225 = arith.constant 112 : index
      %swap3A_226 = tpu.vector_load %arg8[%swap3A_224, %swap3A_225] {strides = array<i32>} : memref<48x128xf32, #tpu.memory_space<vmem>>, vector<1x16xf32>,
      %swap3A_227 = vector.shape_cast %swap3A_226 : vector<1x16xf32> to vector<16xf32>
      %swap3A_228 = vector.shape_cast %broadcast_in_dim3A_12 : vector<16xf32> to vector<1x16xf32>
      tpu.vector_store %arg8[%swap3A_224, %swap3A_225], %swap3A_228 {strides = array<i32>} : memref<48x128xf32, #tpu.memory_space<vmem>>, vector<1x16xf32>,
    }
    %scan3A_17 = arith.constant 40 : i32
    %mul3A_18 = arith.constant 640 : i32
    %mul3A_19 = arith.muli %arg1, %mul3A_18 : i32
    %add3A_20 = arith.constant 0 : i32
    %add3A_21 = arith.addi %mul3A_19, %add3A_20 : i32
    "tpu.region"() ({
      %run_scoped3A = tpu.sem_alloc : memref<!tpu.dma_semaphore, #tpu.memory_space<semaphore_mem>>
      %dma_start3A_189 = arith.constant 0 : i32
      %dma_start3A_190 = arith.constant 0 : i32
      %dma_start3A_191 = tpu.memref_slice %arg8[%dma_start3A_189, %dma_start3A_190] : memref<48x128xf32, #tpu.memory_space<vmem>> -> memref<40x128xf32, #tpu.memory_space<vmem>>
      %dma_start3A_192 = arith.constant 0 : i32
      %dma_start3A_193 = tpu.memref_slice %arg12[%add3A_21, %dma_start3A_192] : memref<10240x128xf32, #tpu.memory_space<vmem_shared>> -> memref<40x128xf32, #tpu.memory_space<vmem_shared>>
      %dma_start3A_194 = arith.constant 0 : i32
      %dma_start3A_195 = tpu.memref_slice %arg12[%add3A_21, %dma_start3A_194] : memref<10240x128xf32, #tpu.memory_space<vmem_shared>> -> memref<40x128xf32, #tpu.memory_space<vmem_shared>>
      %dma_start3A_196 = arith.constant 0 : i32
      %dma_start3A_197 = arith.constant 0 : i32
      %dma_start3A_198 = tpu.memref_slice %arg8[%dma_start3A_196, %dma_start3A_197] : memref<48x128xf32, #tpu.memory_space<vmem>> -> memref<40x128xf32, #tpu.memory_space<vmem>>
      tpu.enqueue_dma source(%dma_start3A_198 : memref<40x128xf32, #tpu.memory_space<vmem>>) target(%dma_start3A_195 : memref<40x128xf32, #tpu.memory_space<vmem_shared>>) target_semaphore(%run_scoped3A : memref<!tpu.dma_semaphore, #tpu.memory_space<semaphore_mem>>)
      %dma_wait3A_199 = arith.constant 0 : i32
      %dma_wait3A_200 = arith.constant 0 : i32
      %dma_wait3A_201 = tpu.memref_slice %arg8[%dma_wait3A_199, %dma_wait3A_200] : memref<48x128xf32, #tpu.memory_space<vmem>> -> memref<40x128xf32, #tpu.memory_space<vmem>>
      %dma_wait3A_202 = arith.constant 0 : i32
      %dma_wait3A_203 = tpu.memref_slice %arg12[%add3A_21, %dma_wait3A_202] : memref<10240x128xf32, #tpu.memory_space<vmem_shared>> -> memref<40x128xf32, #tpu.memory_space<vmem_shared>>
      %dma_wait3A_204 = arith.constant 0 : i32
      %dma_wait3A_205 = tpu.memref_slice %arg12[%add3A_21, %dma_wait3A_204] : memref<10240x128xf32, #tpu.memory_space<vmem_shared>> -> memref<40x128xf32, #tpu.memory_space<vmem_shared>>
      %dma_wait3A_206 = arith.constant 0 : i32
      %dma_wait3A_207 = arith.constant 0 : i32
      %dma_wait3A_208 = tpu.memref_slice %arg8[%dma_wait3A_206, %dma_wait3A_207] : memref<48x128xf32, #tpu.memory_space<vmem>> -> memref<40x128xf32, #tpu.memory_space<vmem>>
      tpu.wait_dma2 semaphore(%run_scoped3A : memref<!tpu.dma_semaphore, #tpu.memory_space<semaphore_mem>>) src(%dma_wait3A_208 : memref<40x128xf32, #tpu.memory_space<vmem>>) dst(%dma_wait3A_205 : memref<40x128xf32, #tpu.memory_space<vmem_shared>>)
      tpu.yield
    }) : () -> ()
    %add3A_22 = arith.constant 40 : i32
    %add3A_23 = arith.addi %mul3A_19, %add3A_22 : i32
    "tpu.region"() ({
      %run_scoped3A = tpu.sem_alloc : memref<!tpu.dma_semaphore, #tpu.memory_space<semaphore_mem>>
      %dma_start3A_189 = arith.constant 0 : i32
      %dma_start3A_190 = arith.constant 0 : i32
      %dma_start3A_191 = tpu.memref_slice %arg8[%dma_start3A_189, %dma_start3A_190] : memref<48x128xf32, #tpu.memory_space<vmem>> -> memref<40x128xf32, #tpu.memory_space<vmem>>
      %dma_start3A_192 = arith.constant 0 : i32
      %dma_start3A_193 = tpu.memref_slice %arg12[%add3A_23, %dma_start3A_192] : memref<10240x128xf32, #tpu.memory_space<vmem_shared>> -> memref<40x128xf32, #tpu.memory_space<vmem_shared>>
      %dma_start3A_194 = arith.constant 0 : i32
      %dma_start3A_195 = tpu.memref_slice %arg12[%add3A_23, %dma_start3A_194] : memref<10240x128xf32, #tpu.memory_space<vmem_shared>> -> memref<40x128xf32, #tpu.memory_space<vmem_shared>>
      %dma_start3A_196 = arith.constant 0 : i32
      %dma_start3A_197 = arith.constant 0 : i32
      %dma_start3A_198 = tpu.memref_slice %arg8[%dma_start3A_196, %dma_start3A_197] : memref<48x128xf32, #tpu.memory_space<vmem>> -> memref<40x128xf32, #tpu.memory_space<vmem>>
      tpu.enqueue_dma source(%dma_start3A_198 : memref<40x128xf32, #tpu.memory_space<vmem>>) target(%dma_start3A_195 : memref<40x128xf32, #tpu.memory_space<vmem_shared>>) target_semaphore(%run_scoped3A : memref<!tpu.dma_semaphore, #tpu.memory_space<semaphore_mem>>)
      %dma_wait3A_199 = arith.constant 0 : i32
      %dma_wait3A_200 = arith.constant 0 : i32
      %dma_wait3A_201 = tpu.memref_slice %arg8[%dma_wait3A_199, %dma_wait3A_200] : memref<48x128xf32, #tpu.memory_space<vmem>> -> memref<40x128xf32, #tpu.memory_space<vmem>>
      %dma_wait3A_202 = arith.constant 0 : i32
      %dma_wait3A_203 = tpu.memref_slice %arg12[%add3A_23, %dma_wait3A_202] : memref<10240x128xf32, #tpu.memory_space<vmem_shared>> -> memref<40x128xf32, #tpu.memory_space<vmem_shared>>
      %dma_wait3A_204 = arith.constant 0 : i32
      %dma_wait3A_205 = tpu.memref_slice %arg12[%add3A_23, %dma_wait3A_204] : memref<10240x128xf32, #tpu.memory_space<vmem_shared>> -> memref<40x128xf32, #tpu.memory_space<vmem_shared>>
      %dma_wait3A_206 = arith.constant 0 : i32
      %dma_wait3A_207 = arith.constant 0 : i32
      %dma_wait3A_208 = tpu.memref_slice %arg8[%dma_wait3A_206, %dma_wait3A_207] : memref<48x128xf32, #tpu.memory_space<vmem>> -> memref<40x128xf32, #tpu.memory_space<vmem>>
      tpu.wait_dma2 semaphore(%run_scoped3A : memref<!tpu.dma_semaphore, #tpu.memory_space<semaphore_mem>>) src(%dma_wait3A_208 : memref<40x128xf32, #tpu.memory_space<vmem>>) dst(%dma_wait3A_205 : memref<40x128xf32, #tpu.memory_space<vmem_shared>>)
      tpu.yield
    }) : () -> ()
    %add3A_24 = arith.constant 80 : i32
    %add3A_25 = arith.addi %mul3A_19, %add3A_24 : i32
    "tpu.region"() ({
      %run_scoped3A = tpu.sem_alloc : memref<!tpu.dma_semaphore, #tpu.memory_space<semaphore_mem>>
      %dma_start3A_189 = arith.constant 0 : i32
      %dma_start3A_190 = arith.constant 0 : i32
      %dma_start3A_191 = tpu.memref_slice %arg8[%dma_start3A_189, %dma_start3A_190] : memref<48x128xf32, #tpu.memory_space<vmem>> -> memref<40x128xf32, #tpu.memory_space<vmem>>
      %dma_start3A_192 = arith.constant 0 : i32
      %dma_start3A_193 = tpu.memref_slice %arg12[%add3A_25, %dma_start3A_192] : memref<10240x128xf32, #tpu.memory_space<vmem_shared>> -> memref<40x128xf32, #tpu.memory_space<vmem_shared>>
      %dma_start3A_194 = arith.constant 0 : i32
      %dma_start3A_195 = tpu.memref_slice %arg12[%add3A_25, %dma_start3A_194] : memref<10240x128xf32, #tpu.memory_space<vmem_shared>> -> memref<40x128xf32, #tpu.memory_space<vmem_shared>>
      %dma_start3A_196 = arith.constant 0 : i32
      %dma_start3A_197 = arith.constant 0 : i32
      %dma_start3A_198 = tpu.memref_slice %arg8[%dma_start3A_196, %dma_start3A_197] : memref<48x128xf32, #tpu.memory_space<vmem>> -> memref<40x128xf32, #tpu.memory_space<vmem>>
      tpu.enqueue_dma source(%dma_start3A_198 : memref<40x128xf32, #tpu.memory_space<vmem>>) target(%dma_start3A_195 : memref<40x128xf32, #tpu.memory_space<vmem_shared>>) target_semaphore(%run_scoped3A : memref<!tpu.dma_semaphore, #tpu.memory_space<semaphore_mem>>)
      %dma_wait3A_199 = arith.constant 0 : i32
      %dma_wait3A_200 = arith.constant 0 : i32
      %dma_wait3A_201 = tpu.memref_slice %arg8[%dma_wait3A_199, %dma_wait3A_200] : memref<48x128xf32, #tpu.memory_space<vmem>> -> memref<40x128xf32, #tpu.memory_space<vmem>>
      %dma_wait3A_202 = arith.constant 0 : i32
      %dma_wait3A_203 = tpu.memref_slice %arg12[%add3A_25, %dma_wait3A_202] : memref<10240x128xf32, #tpu.memory_space<vmem_shared>> -> memref<40x128xf32, #tpu.memory_space<vmem_shared>>
      %dma_wait3A_204 = arith.constant 0 : i32
      %dma_wait3A_205 = tpu.memref_slice %arg12[%add3A_25, %dma_wait3A_204] : memref<10240x128xf32, #tpu.memory_space<vmem_shared>> -> memref<40x128xf32, #tpu.memory_space<vmem_shared>>
      %dma_wait3A_206 = arith.constant 0 : i32
      %dma_wait3A_207 = arith.constant 0 : i32
      %dma_wait3A_208 = tpu.memref_slice %arg8[%dma_wait3A_206, %dma_wait3A_207] : memref<48x128xf32, #tpu.memory_space<vmem>> -> memref<40x128xf32, #tpu.memory_space<vmem>>
      tpu.wait_dma2 semaphore(%run_scoped3A : memref<!tpu.dma_semaphore, #tpu.memory_space<semaphore_mem>>) src(%dma_wait3A_208 : memref<40x128xf32, #tpu.memory_space<vmem>>) dst(%dma_wait3A_205 : memref<40x128xf32, #tpu.memory_space<vmem_shared>>)
      tpu.yield
    }) : () -> ()
    %add3A_26 = arith.constant 120 : i32
    %add3A_27 = arith.addi %mul3A_19, %add3A_26 : i32
    "tpu.region"() ({
      %run_scoped3A = tpu.sem_alloc : memref<!tpu.dma_semaphore, #tpu.memory_space<semaphore_mem>>
      %dma_start3A_189 = arith.constant 0 : i32
      %dma_start3A_190 = arith.constant 0 : i32
      %dma_start3A_191 = tpu.memref_slice %arg8[%dma_start3A_189, %dma_start3A_190] : memref<48x128xf32, #tpu.memory_space<vmem>> -> memref<40x128xf32, #tpu.memory_space<vmem>>
      %dma_start3A_192 = arith.constant 0 : i32
      %dma_start3A_193 = tpu.memref_slice %arg12[%add3A_27, %dma_start3A_192] : memref<10240x128xf32, #tpu.memory_space<vmem_shared>> -> memref<40x128xf32, #tpu.memory_space<vmem_shared>>
      %dma_start3A_194 = arith.constant 0 : i32
      %dma_start3A_195 = tpu.memref_slice %arg12[%add3A_27, %dma_start3A_194] : memref<10240x128xf32, #tpu.memory_space<vmem_shared>> -> memref<40x128xf32, #tpu.memory_space<vmem_shared>>
      %dma_start3A_196 = arith.constant 0 : i32
      %dma_start3A_197 = arith.constant 0 : i32
      %dma_start3A_198 = tpu.memref_slice %arg8[%dma_start3A_196, %dma_start3A_197] : memref<48x128xf32, #tpu.memory_space<vmem>> -> memref<40x128xf32, #tpu.memory_space<vmem>>
      tpu.enqueue_dma source(%dma_start3A_198 : memref<40x128xf32, #tpu.memory_space<vmem>>) target(%dma_start3A_195 : memref<40x128xf32, #tpu.memory_space<vmem_shared>>) target_semaphore(%run_scoped3A : memref<!tpu.dma_semaphore, #tpu.memory_space<semaphore_mem>>)
      %dma_wait3A_199 = arith.constant 0 : i32
      %dma_wait3A_200 = arith.constant 0 : i32
      %dma_wait3A_201 = tpu.memref_slice %arg8[%dma_wait3A_199, %dma_wait3A_200] : memref<48x128xf32, #tpu.memory_space<vmem>> -> memref<40x128xf32, #tpu.memory_space<vmem>>
      %dma_wait3A_202 = arith.constant 0 : i32
      %dma_wait3A_203 = tpu.memref_slice %arg12[%add3A_27, %dma_wait3A_202] : memref<10240x128xf32, #tpu.memory_space<vmem_shared>> -> memref<40x128xf32, #tpu.memory_space<vmem_shared>>
      %dma_wait3A_204 = arith.constant 0 : i32
      %dma_wait3A_205 = tpu.memref_slice %arg12[%add3A_27, %dma_wait3A_204] : memref<10240x128xf32, #tpu.memory_space<vmem_shared>> -> memref<40x128xf32, #tpu.memory_space<vmem_shared>>
      %dma_wait3A_206 = arith.constant 0 : i32
      %dma_wait3A_207 = arith.constant 0 : i32
      %dma_wait3A_208 = tpu.memref_slice %arg8[%dma_wait3A_206, %dma_wait3A_207] : memref<48x128xf32, #tpu.memory_space<vmem>> -> memref<40x128xf32, #tpu.memory_space<vmem>>
      tpu.wait_dma2 semaphore(%run_scoped3A : memref<!tpu.dma_semaphore, #tpu.memory_space<semaphore_mem>>) src(%dma_wait3A_208 : memref<40x128xf32, #tpu.memory_space<vmem>>) dst(%dma_wait3A_205 : memref<40x128xf32, #tpu.memory_space<vmem_shared>>)
      tpu.yield
    }) : () -> ()
    %add3A_28 = arith.constant 160 : i32
    %add3A_29 = arith.addi %mul3A_19, %add3A_28 : i32
    "tpu.region"() ({
      %run_scoped3A = tpu.sem_alloc : memref<!tpu.dma_semaphore, #tpu.memory_space<semaphore_mem>>
      %dma_start3A_189 = arith.constant 0 : i32
      %dma_start3A_190 = arith.constant 0 : i32
      %dma_start3A_191 = tpu.memref_slice %arg8[%dma_start3A_189, %dma_start3A_190] : memref<48x128xf32, #tpu.memory_space<vmem>> -> memref<40x128xf32, #tpu.memory_space<vmem>>
      %dma_start3A_192 = arith.constant 0 : i32
      %dma_start3A_193 = tpu.memref_slice %arg12[%add3A_29, %dma_start3A_192] : memref<10240x128xf32, #tpu.memory_space<vmem_shared>> -> memref<40x128xf32, #tpu.memory_space<vmem_shared>>
      %dma_start3A_194 = arith.constant 0 : i32
      %dma_start3A_195 = tpu.memref_slice %arg12[%add3A_29, %dma_start3A_194] : memref<10240x128xf32, #tpu.memory_space<vmem_shared>> -> memref<40x128xf32, #tpu.memory_space<vmem_shared>>
      %dma_start3A_196 = arith.constant 0 : i32
      %dma_start3A_197 = arith.constant 0 : i32
      %dma_start3A_198 = tpu.memref_slice %arg8[%dma_start3A_196, %dma_start3A_197] : memref<48x128xf32, #tpu.memory_space<vmem>> -> memref<40x128xf32, #tpu.memory_space<vmem>>
      tpu.enqueue_dma source(%dma_start3A_198 : memref<40x128xf32, #tpu.memory_space<vmem>>) target(%dma_start3A_195 : memref<40x128xf32, #tpu.memory_space<vmem_shared>>) target_semaphore(%run_scoped3A : memref<!tpu.dma_semaphore, #tpu.memory_space<semaphore_mem>>)
      %dma_wait3A_199 = arith.constant 0 : i32
      %dma_wait3A_200 = arith.constant 0 : i32
      %dma_wait3A_201 = tpu.memref_slice %arg8[%dma_wait3A_199, %dma_wait3A_200] : memref<48x128xf32, #tpu.memory_space<vmem>> -> memref<40x128xf32, #tpu.memory_space<vmem>>
      %dma_wait3A_202 = arith.constant 0 : i32
      %dma_wait3A_203 = tpu.memref_slice %arg12[%add3A_29, %dma_wait3A_202] : memref<10240x128xf32, #tpu.memory_space<vmem_shared>> -> memref<40x128xf32, #tpu.memory_space<vmem_shared>>
      %dma_wait3A_204 = arith.constant 0 : i32
      %dma_wait3A_205 = tpu.memref_slice %arg12[%add3A_29, %dma_wait3A_204] : memref<10240x128xf32, #tpu.memory_space<vmem_shared>> -> memref<40x128xf32, #tpu.memory_space<vmem_shared>>
      %dma_wait3A_206 = arith.constant 0 : i32
      %dma_wait3A_207 = arith.constant 0 : i32
      %dma_wait3A_208 = tpu.memref_slice %arg8[%dma_wait3A_206, %dma_wait3A_207] : memref<48x128xf32, #tpu.memory_space<vmem>> -> memref<40x128xf32, #tpu.memory_space<vmem>>
      tpu.wait_dma2 semaphore(%run_scoped3A : memref<!tpu.dma_semaphore, #tpu.memory_space<semaphore_mem>>) src(%dma_wait3A_208 : memref<40x128xf32, #tpu.memory_space<vmem>>) dst(%dma_wait3A_205 : memref<40x128xf32, #tpu.memory_space<vmem_shared>>)
      tpu.yield
    }) : () -> ()
    %add3A_30 = arith.constant 200 : i32
    %add3A_31 = arith.addi %mul3A_19, %add3A_30 : i32
    "tpu.region"() ({
      %run_scoped3A = tpu.sem_alloc : memref<!tpu.dma_semaphore, #tpu.memory_space<semaphore_mem>>
      %dma_start3A_189 = arith.constant 0 : i32
      %dma_start3A_190 = arith.constant 0 : i32
      %dma_start3A_191 = tpu.memref_slice %arg8[%dma_start3A_189, %dma_start3A_190] : memref<48x128xf32, #tpu.memory_space<vmem>> -> memref<40x128xf32, #tpu.memory_space<vmem>>
      %dma_start3A_192 = arith.constant 0 : i32
      %dma_start3A_193 = tpu.memref_slice %arg12[%add3A_31, %dma_start3A_192] : memref<10240x128xf32, #tpu.memory_space<vmem_shared>> -> memref<40x128xf32, #tpu.memory_space<vmem_shared>>
      %dma_start3A_194 = arith.constant 0 : i32
      %dma_start3A_195 = tpu.memref_slice %arg12[%add3A_31, %dma_start3A_194] : memref<10240x128xf32, #tpu.memory_space<vmem_shared>> -> memref<40x128xf32, #tpu.memory_space<vmem_shared>>
      %dma_start3A_196 = arith.constant 0 : i32
      %dma_start3A_197 = arith.constant 0 : i32
      %dma_start3A_198 = tpu.memref_slice %arg8[%dma_start3A_196, %dma_start3A_197] : memref<48x128xf32, #tpu.memory_space<vmem>> -> memref<40x128xf32, #tpu.memory_space<vmem>>
      tpu.enqueue_dma source(%dma_start3A_198 : memref<40x128xf32, #tpu.memory_space<vmem>>) target(%dma_start3A_195 : memref<40x128xf32, #tpu.memory_space<vmem_shared>>) target_semaphore(%run_scoped3A : memref<!tpu.dma_semaphore, #tpu.memory_space<semaphore_mem>>)
      %dma_wait3A_199 = arith.constant 0 : i32
      %dma_wait3A_200 = arith.constant 0 : i32
      %dma_wait3A_201 = tpu.memref_slice %arg8[%dma_wait3A_199, %dma_wait3A_200] : memref<48x128xf32, #tpu.memory_space<vmem>> -> memref<40x128xf32, #tpu.memory_space<vmem>>
      %dma_wait3A_202 = arith.constant 0 : i32
      %dma_wait3A_203 = tpu.memref_slice %arg12[%add3A_31, %dma_wait3A_202] : memref<10240x128xf32, #tpu.memory_space<vmem_shared>> -> memref<40x128xf32, #tpu.memory_space<vmem_shared>>
      %dma_wait3A_204 = arith.constant 0 : i32
      %dma_wait3A_205 = tpu.memref_slice %arg12[%add3A_31, %dma_wait3A_204] : memref<10240x128xf32, #tpu.memory_space<vmem_shared>> -> memref<40x128xf32, #tpu.memory_space<vmem_shared>>
      %dma_wait3A_206 = arith.constant 0 : i32
      %dma_wait3A_207 = arith.constant 0 : i32
      %dma_wait3A_208 = tpu.memref_slice %arg8[%dma_wait3A_206, %dma_wait3A_207] : memref<48x128xf32, #tpu.memory_space<vmem>> -> memref<40x128xf32, #tpu.memory_space<vmem>>
      tpu.wait_dma2 semaphore(%run_scoped3A : memref<!tpu.dma_semaphore, #tpu.memory_space<semaphore_mem>>) src(%dma_wait3A_208 : memref<40x128xf32, #tpu.memory_space<vmem>>) dst(%dma_wait3A_205 : memref<40x128xf32, #tpu.memory_space<vmem_shared>>)
      tpu.yield
    }) : () -> ()
    %add3A_32 = arith.constant 240 : i32
    %add3A_33 = arith.addi %mul3A_19, %add3A_32 : i32
    "tpu.region"() ({
      %run_scoped3A = tpu.sem_alloc : memref<!tpu.dma_semaphore, #tpu.memory_space<semaphore_mem>>
      %dma_start3A_189 = arith.constant 0 : i32
      %dma_start3A_190 = arith.constant 0 : i32
      %dma_start3A_191 = tpu.memref_slice %arg8[%dma_start3A_189, %dma_start3A_190] : memref<48x128xf32, #tpu.memory_space<vmem>> -> memref<40x128xf32, #tpu.memory_space<vmem>>
      %dma_start3A_192 = arith.constant 0 : i32
      %dma_start3A_193 = tpu.memref_slice %arg12[%add3A_33, %dma_start3A_192] : memref<10240x128xf32, #tpu.memory_space<vmem_shared>> -> memref<40x128xf32, #tpu.memory_space<vmem_shared>>
      %dma_start3A_194 = arith.constant 0 : i32
      %dma_start3A_195 = tpu.memref_slice %arg12[%add3A_33, %dma_start3A_194] : memref<10240x128xf32, #tpu.memory_space<vmem_shared>> -> memref<40x128xf32, #tpu.memory_space<vmem_shared>>
      %dma_start3A_196 = arith.constant 0 : i32
      %dma_start3A_197 = arith.constant 0 : i32
      %dma_start3A_198 = tpu.memref_slice %arg8[%dma_start3A_196, %dma_start3A_197] : memref<48x128xf32, #tpu.memory_space<vmem>> -> memref<40x128xf32, #tpu.memory_space<vmem>>
      tpu.enqueue_dma source(%dma_start3A_198 : memref<40x128xf32, #tpu.memory_space<vmem>>) target(%dma_start3A_195 : memref<40x128xf32, #tpu.memory_space<vmem_shared>>) target_semaphore(%run_scoped3A : memref<!tpu.dma_semaphore, #tpu.memory_space<semaphore_mem>>)
      %dma_wait3A_199 = arith.constant 0 : i32
      %dma_wait3A_200 = arith.constant 0 : i32
      %dma_wait3A_201 = tpu.memref_slice %arg8[%dma_wait3A_199, %dma_wait3A_200] : memref<48x128xf32, #tpu.memory_space<vmem>> -> memref<40x128xf32, #tpu.memory_space<vmem>>
      %dma_wait3A_202 = arith.constant 0 : i32
      %dma_wait3A_203 = tpu.memref_slice %arg12[%add3A_33, %dma_wait3A_202] : memref<10240x128xf32, #tpu.memory_space<vmem_shared>> -> memref<40x128xf32, #tpu.memory_space<vmem_shared>>
      %dma_wait3A_204 = arith.constant 0 : i32
      %dma_wait3A_205 = tpu.memref_slice %arg12[%add3A_33, %dma_wait3A_204] : memref<10240x128xf32, #tpu.memory_space<vmem_shared>> -> memref<40x128xf32, #tpu.memory_space<vmem_shared>>
      %dma_wait3A_206 = arith.constant 0 : i32
      %dma_wait3A_207 = arith.constant 0 : i32
      %dma_wait3A_208 = tpu.memref_slice %arg8[%dma_wait3A_206, %dma_wait3A_207] : memref<48x128xf32, #tpu.memory_space<vmem>> -> memref<40x128xf32, #tpu.memory_space<vmem>>
      tpu.wait_dma2 semaphore(%run_scoped3A : memref<!tpu.dma_semaphore, #tpu.memory_space<semaphore_mem>>) src(%dma_wait3A_208 : memref<40x128xf32, #tpu.memory_space<vmem>>) dst(%dma_wait3A_205 : memref<40x128xf32, #tpu.memory_space<vmem_shared>>)
      tpu.yield
    }) : () -> ()
    %add3A_34 = arith.constant 280 : i32
    %add3A_35 = arith.addi %mul3A_19, %add3A_34 : i32
    "tpu.region"() ({
      %run_scoped3A = tpu.sem_alloc : memref<!tpu.dma_semaphore, #tpu.memory_space<semaphore_mem>>
      %dma_start3A_189 = arith.constant 0 : i32
      %dma_start3A_190 = arith.constant 0 : i32
      %dma_start3A_191 = tpu.memref_slice %arg8[%dma_start3A_189, %dma_start3A_190] : memref<48x128xf32, #tpu.memory_space<vmem>> -> memref<40x128xf32, #tpu.memory_space<vmem>>
      %dma_start3A_192 = arith.constant 0 : i32
      %dma_start3A_193 = tpu.memref_slice %arg12[%add3A_35, %dma_start3A_192] : memref<10240x128xf32, #tpu.memory_space<vmem_shared>> -> memref<40x128xf32, #tpu.memory_space<vmem_shared>>
      %dma_start3A_194 = arith.constant 0 : i32
      %dma_start3A_195 = tpu.memref_slice %arg12[%add3A_35, %dma_start3A_194] : memref<10240x128xf32, #tpu.memory_space<vmem_shared>> -> memref<40x128xf32, #tpu.memory_space<vmem_shared>>
      %dma_start3A_196 = arith.constant 0 : i32
      %dma_start3A_197 = arith.constant 0 : i32
      %dma_start3A_198 = tpu.memref_slice %arg8[%dma_start3A_196, %dma_start3A_197] : memref<48x128xf32, #tpu.memory_space<vmem>> -> memref<40x128xf32, #tpu.memory_space<vmem>>
      tpu.enqueue_dma source(%dma_start3A_198 : memref<40x128xf32, #tpu.memory_space<vmem>>) target(%dma_start3A_195 : memref<40x128xf32, #tpu.memory_space<vmem_shared>>) target_semaphore(%run_scoped3A : memref<!tpu.dma_semaphore, #tpu.memory_space<semaphore_mem>>)
      %dma_wait3A_199 = arith.constant 0 : i32
      %dma_wait3A_200 = arith.constant 0 : i32
      %dma_wait3A_201 = tpu.memref_slice %arg8[%dma_wait3A_199, %dma_wait3A_200] : memref<48x128xf32, #tpu.memory_space<vmem>> -> memref<40x128xf32, #tpu.memory_space<vmem>>
      %dma_wait3A_202 = arith.constant 0 : i32
      %dma_wait3A_203 = tpu.memref_slice %arg12[%add3A_35, %dma_wait3A_202] : memref<10240x128xf32, #tpu.memory_space<vmem_shared>> -> memref<40x128xf32, #tpu.memory_space<vmem_shared>>
      %dma_wait3A_204 = arith.constant 0 : i32
      %dma_wait3A_205 = tpu.memref_slice %arg12[%add3A_35, %dma_wait3A_204] : memref<10240x128xf32, #tpu.memory_space<vmem_shared>> -> memref<40x128xf32, #tpu.memory_space<vmem_shared>>
      %dma_wait3A_206 = arith.constant 0 : i32
      %dma_wait3A_207 = arith.constant 0 : i32
      %dma_wait3A_208 = tpu.memref_slice %arg8[%dma_wait3A_206, %dma_wait3A_207] : memref<48x128xf32, #tpu.memory_space<vmem>> -> memref<40x128xf32, #tpu.memory_space<vmem>>
      tpu.wait_dma2 semaphore(%run_scoped3A : memref<!tpu.dma_semaphore, #tpu.memory_space<semaphore_mem>>) src(%dma_wait3A_208 : memref<40x128xf32, #tpu.memory_space<vmem>>) dst(%dma_wait3A_205 : memref<40x128xf32, #tpu.memory_space<vmem_shared>>)
      tpu.yield
    }) : () -> ()
    %add3A_36 = arith.constant 320 : i32
    %add3A_37 = arith.addi %mul3A_19, %add3A_36 : i32
    "tpu.region"() ({
      %run_scoped3A = tpu.sem_alloc : memref<!tpu.dma_semaphore, #tpu.memory_space<semaphore_mem>>
      %dma_start3A_189 = arith.constant 0 : i32
      %dma_start3A_190 = arith.constant 0 : i32
      %dma_start3A_191 = tpu.memref_slice %arg8[%dma_start3A_189, %dma_start3A_190] : memref<48x128xf32, #tpu.memory_space<vmem>> -> memref<40x128xf32, #tpu.memory_space<vmem>>
      %dma_start3A_192 = arith.constant 0 : i32
      %dma_start3A_193 = tpu.memref_slice %arg12[%add3A_37, %dma_start3A_192] : memref<10240x128xf32, #tpu.memory_space<vmem_shared>> -> memref<40x128xf32, #tpu.memory_space<vmem_shared>>
      %dma_start3A_194 = arith.constant 0 : i32
      %dma_start3A_195 = tpu.memref_slice %arg12[%add3A_37, %dma_start3A_194] : memref<10240x128xf32, #tpu.memory_space<vmem_shared>> -> memref<40x128xf32, #tpu.memory_space<vmem_shared>>
      %dma_start3A_196 = arith.constant 0 : i32
      %dma_start3A_197 = arith.constant 0 : i32
      %dma_start3A_198 = tpu.memref_slice %arg8[%dma_start3A_196, %dma_start3A_197] : memref<48x128xf32, #tpu.memory_space<vmem>> -> memref<40x128xf32, #tpu.memory_space<vmem>>
      tpu.enqueue_dma source(%dma_start3A_198 : memref<40x128xf32, #tpu.memory_space<vmem>>) target(%dma_start3A_195 : memref<40x128xf32, #tpu.memory_space<vmem_shared>>) target_semaphore(%run_scoped3A : memref<!tpu.dma_semaphore, #tpu.memory_space<semaphore_mem>>)
      %dma_wait3A_199 = arith.constant 0 : i32
      %dma_wait3A_200 = arith.constant 0 : i32
      %dma_wait3A_201 = tpu.memref_slice %arg8[%dma_wait3A_199, %dma_wait3A_200] : memref<48x128xf32, #tpu.memory_space<vmem>> -> memref<40x128xf32, #tpu.memory_space<vmem>>
      %dma_wait3A_202 = arith.constant 0 : i32
      %dma_wait3A_203 = tpu.memref_slice %arg12[%add3A_37, %dma_wait3A_202] : memref<10240x128xf32, #tpu.memory_space<vmem_shared>> -> memref<40x128xf32, #tpu.memory_space<vmem_shared>>
      %dma_wait3A_204 = arith.constant 0 : i32
      %dma_wait3A_205 = tpu.memref_slice %arg12[%add3A_37, %dma_wait3A_204] : memref<10240x128xf32, #tpu.memory_space<vmem_shared>> -> memref<40x128xf32, #tpu.memory_space<vmem_shared>>
      %dma_wait3A_206 = arith.constant 0 : i32
      %dma_wait3A_207 = arith.constant 0 : i32
      %dma_wait3A_208 = tpu.memref_slice %arg8[%dma_wait3A_206, %dma_wait3A_207] : memref<48x128xf32, #tpu.memory_space<vmem>> -> memref<40x128xf32, #tpu.memory_space<vmem>>
      tpu.wait_dma2 semaphore(%run_scoped3A : memref<!tpu.dma_semaphore, #tpu.memory_space<semaphore_mem>>) src(%dma_wait3A_208 : memref<40x128xf32, #tpu.memory_space<vmem>>) dst(%dma_wait3A_205 : memref<40x128xf32, #tpu.memory_space<vmem_shared>>)
      tpu.yield
    }) : () -> ()
    %add3A_38 = arith.constant 360 : i32
    %add3A_39 = arith.addi %mul3A_19, %add3A_38 : i32
    "tpu.region"() ({
      %run_scoped3A = tpu.sem_alloc : memref<!tpu.dma_semaphore, #tpu.memory_space<semaphore_mem>>
      %dma_start3A_189 = arith.constant 0 : i32
      %dma_start3A_190 = arith.constant 0 : i32
      %dma_start3A_191 = tpu.memref_slice %arg8[%dma_start3A_189, %dma_start3A_190] : memref<48x128xf32, #tpu.memory_space<vmem>> -> memref<40x128xf32, #tpu.memory_space<vmem>>
      %dma_start3A_192 = arith.constant 0 : i32
      %dma_start3A_193 = tpu.memref_slice %arg12[%add3A_39, %dma_start3A_192] : memref<10240x128xf32, #tpu.memory_space<vmem_shared>> -> memref<40x128xf32, #tpu.memory_space<vmem_shared>>
      %dma_start3A_194 = arith.constant 0 : i32
      %dma_start3A_195 = tpu.memref_slice %arg12[%add3A_39, %dma_start3A_194] : memref<10240x128xf32, #tpu.memory_space<vmem_shared>> -> memref<40x128xf32, #tpu.memory_space<vmem_shared>>
      %dma_start3A_196 = arith.constant 0 : i32
      %dma_start3A_197 = arith.constant 0 : i32
      %dma_start3A_198 = tpu.memref_slice %arg8[%dma_start3A_196, %dma_start3A_197] : memref<48x128xf32, #tpu.memory_space<vmem>> -> memref<40x128xf32, #tpu.memory_space<vmem>>
      tpu.enqueue_dma source(%dma_start3A_198 : memref<40x128xf32, #tpu.memory_space<vmem>>) target(%dma_start3A_195 : memref<40x128xf32, #tpu.memory_space<vmem_shared>>) target_semaphore(%run_scoped3A : memref<!tpu.dma_semaphore, #tpu.memory_space<semaphore_mem>>)
      %dma_wait3A_199 = arith.constant 0 : i32
      %dma_wait3A_200 = arith.constant 0 : i32
      %dma_wait3A_201 = tpu.memref_slice %arg8[%dma_wait3A_199, %dma_wait3A_200] : memref<48x128xf32, #tpu.memory_space<vmem>> -> memref<40x128xf32, #tpu.memory_space<vmem>>
      %dma_wait3A_202 = arith.constant 0 : i32
      %dma_wait3A_203 = tpu.memref_slice %arg12[%add3A_39, %dma_wait3A_202] : memref<10240x128xf32, #tpu.memory_space<vmem_shared>> -> memref<40x128xf32, #tpu.memory_space<vmem_shared>>
      %dma_wait3A_204 = arith.constant 0 : i32
      %dma_wait3A_205 = tpu.memref_slice %arg12[%add3A_39, %dma_wait3A_204] : memref<10240x128xf32, #tpu.memory_space<vmem_shared>> -> memref<40x128xf32, #tpu.memory_space<vmem_shared>>
      %dma_wait3A_206 = arith.constant 0 : i32
      %dma_wait3A_207 = arith.constant 0 : i32
      %dma_wait3A_208 = tpu.memref_slice %arg8[%dma_wait3A_206, %dma_wait3A_207] : memref<48x128xf32, #tpu.memory_space<vmem>> -> memref<40x128xf32, #tpu.memory_space<vmem>>
      tpu.wait_dma2 semaphore(%run_scoped3A : memref<!tpu.dma_semaphore, #tpu.memory_space<semaphore_mem>>) src(%dma_wait3A_208 : memref<40x128xf32, #tpu.memory_space<vmem>>) dst(%dma_wait3A_205 : memref<40x128xf32, #tpu.memory_space<vmem_shared>>)
      tpu.yield
    }) : () -> ()
    %add3A_40 = arith.constant 400 : i32
    %add3A_41 = arith.addi %mul3A_19, %add3A_40 : i32
    "tpu.region"() ({
      %run_scoped3A = tpu.sem_alloc : memref<!tpu.dma_semaphore, #tpu.memory_space<semaphore_mem>>
      %dma_start3A_189 = arith.constant 0 : i32
      %dma_start3A_190 = arith.constant 0 : i32
      %dma_start3A_191 = tpu.memref_slice %arg8[%dma_start3A_189, %dma_start3A_190] : memref<48x128xf32, #tpu.memory_space<vmem>> -> memref<40x128xf32, #tpu.memory_space<vmem>>
      %dma_start3A_192 = arith.constant 0 : i32
      %dma_start3A_193 = tpu.memref_slice %arg12[%add3A_41, %dma_start3A_192] : memref<10240x128xf32, #tpu.memory_space<vmem_shared>> -> memref<40x128xf32, #tpu.memory_space<vmem_shared>>
      %dma_start3A_194 = arith.constant 0 : i32
      %dma_start3A_195 = tpu.memref_slice %arg12[%add3A_41, %dma_start3A_194] : memref<10240x128xf32, #tpu.memory_space<vmem_shared>> -> memref<40x128xf32, #tpu.memory_space<vmem_shared>>
      %dma_start3A_196 = arith.constant 0 : i32
      %dma_start3A_197 = arith.constant 0 : i32
      %dma_start3A_198 = tpu.memref_slice %arg8[%dma_start3A_196, %dma_start3A_197] : memref<48x128xf32, #tpu.memory_space<vmem>> -> memref<40x128xf32, #tpu.memory_space<vmem>>
      tpu.enqueue_dma source(%dma_start3A_198 : memref<40x128xf32, #tpu.memory_space<vmem>>) target(%dma_start3A_195 : memref<40x128xf32, #tpu.memory_space<vmem_shared>>) target_semaphore(%run_scoped3A : memref<!tpu.dma_semaphore, #tpu.memory_space<semaphore_mem>>)
      %dma_wait3A_199 = arith.constant 0 : i32
      %dma_wait3A_200 = arith.constant 0 : i32
      %dma_wait3A_201 = tpu.memref_slice %arg8[%dma_wait3A_199, %dma_wait3A_200] : memref<48x128xf32, #tpu.memory_space<vmem>> -> memref<40x128xf32, #tpu.memory_space<vmem>>
      %dma_wait3A_202 = arith.constant 0 : i32
      %dma_wait3A_203 = tpu.memref_slice %arg12[%add3A_41, %dma_wait3A_202] : memref<10240x128xf32, #tpu.memory_space<vmem_shared>> -> memref<40x128xf32, #tpu.memory_space<vmem_shared>>
      %dma_wait3A_204 = arith.constant 0 : i32
      %dma_wait3A_205 = tpu.memref_slice %arg12[%add3A_41, %dma_wait3A_204] : memref<10240x128xf32, #tpu.memory_space<vmem_shared>> -> memref<40x128xf32, #tpu.memory_space<vmem_shared>>
      %dma_wait3A_206 = arith.constant 0 : i32
      %dma_wait3A_207 = arith.constant 0 : i32
      %dma_wait3A_208 = tpu.memref_slice %arg8[%dma_wait3A_206, %dma_wait3A_207] : memref<48x128xf32, #tpu.memory_space<vmem>> -> memref<40x128xf32, #tpu.memory_space<vmem>>
      tpu.wait_dma2 semaphore(%run_scoped3A : memref<!tpu.dma_semaphore, #tpu.memory_space<semaphore_mem>>) src(%dma_wait3A_208 : memref<40x128xf32, #tpu.memory_space<vmem>>) dst(%dma_wait3A_205 : memref<40x128xf32, #tpu.memory_space<vmem_shared>>)
      tpu.yield
    }) : () -> ()
    %add3A_42 = arith.constant 440 : i32
    %add3A_43 = arith.addi %mul3A_19, %add3A_42 : i32
    "tpu.region"() ({
      %run_scoped3A = tpu.sem_alloc : memref<!tpu.dma_semaphore, #tpu.memory_space<semaphore_mem>>
      %dma_start3A_189 = arith.constant 0 : i32
      %dma_start3A_190 = arith.constant 0 : i32
      %dma_start3A_191 = tpu.memref_slice %arg8[%dma_start3A_189, %dma_start3A_190] : memref<48x128xf32, #tpu.memory_space<vmem>> -> memref<40x128xf32, #tpu.memory_space<vmem>>
      %dma_start3A_192 = arith.constant 0 : i32
      %dma_start3A_193 = tpu.memref_slice %arg12[%add3A_43, %dma_start3A_192] : memref<10240x128xf32, #tpu.memory_space<vmem_shared>> -> memref<40x128xf32, #tpu.memory_space<vmem_shared>>
      %dma_start3A_194 = arith.constant 0 : i32
      %dma_start3A_195 = tpu.memref_slice %arg12[%add3A_43, %dma_start3A_194] : memref<10240x128xf32, #tpu.memory_space<vmem_shared>> -> memref<40x128xf32, #tpu.memory_space<vmem_shared>>
      %dma_start3A_196 = arith.constant 0 : i32
      %dma_start3A_197 = arith.constant 0 : i32
      %dma_start3A_198 = tpu.memref_slice %arg8[%dma_start3A_196, %dma_start3A_197] : memref<48x128xf32, #tpu.memory_space<vmem>> -> memref<40x128xf32, #tpu.memory_space<vmem>>
      tpu.enqueue_dma source(%dma_start3A_198 : memref<40x128xf32, #tpu.memory_space<vmem>>) target(%dma_start3A_195 : memref<40x128xf32, #tpu.memory_space<vmem_shared>>) target_semaphore(%run_scoped3A : memref<!tpu.dma_semaphore, #tpu.memory_space<semaphore_mem>>)
      %dma_wait3A_199 = arith.constant 0 : i32
      %dma_wait3A_200 = arith.constant 0 : i32
      %dma_wait3A_201 = tpu.memref_slice %arg8[%dma_wait3A_199, %dma_wait3A_200] : memref<48x128xf32, #tpu.memory_space<vmem>> -> memref<40x128xf32, #tpu.memory_space<vmem>>
      %dma_wait3A_202 = arith.constant 0 : i32
      %dma_wait3A_203 = tpu.memref_slice %arg12[%add3A_43, %dma_wait3A_202] : memref<10240x128xf32, #tpu.memory_space<vmem_shared>> -> memref<40x128xf32, #tpu.memory_space<vmem_shared>>
      %dma_wait3A_204 = arith.constant 0 : i32
      %dma_wait3A_205 = tpu.memref_slice %arg12[%add3A_43, %dma_wait3A_204] : memref<10240x128xf32, #tpu.memory_space<vmem_shared>> -> memref<40x128xf32, #tpu.memory_space<vmem_shared>>
      %dma_wait3A_206 = arith.constant 0 : i32
      %dma_wait3A_207 = arith.constant 0 : i32
      %dma_wait3A_208 = tpu.memref_slice %arg8[%dma_wait3A_206, %dma_wait3A_207] : memref<48x128xf32, #tpu.memory_space<vmem>> -> memref<40x128xf32, #tpu.memory_space<vmem>>
      tpu.wait_dma2 semaphore(%run_scoped3A : memref<!tpu.dma_semaphore, #tpu.memory_space<semaphore_mem>>) src(%dma_wait3A_208 : memref<40x128xf32, #tpu.memory_space<vmem>>) dst(%dma_wait3A_205 : memref<40x128xf32, #tpu.memory_space<vmem_shared>>)
      tpu.yield
    }) : () -> ()
    %add3A_44 = arith.constant 480 : i32
    %add3A_45 = arith.addi %mul3A_19, %add3A_44 : i32
    "tpu.region"() ({
      %run_scoped3A = tpu.sem_alloc : memref<!tpu.dma_semaphore, #tpu.memory_space<semaphore_mem>>
      %dma_start3A_189 = arith.constant 0 : i32
      %dma_start3A_190 = arith.constant 0 : i32
      %dma_start3A_191 = tpu.memref_slice %arg8[%dma_start3A_189, %dma_start3A_190] : memref<48x128xf32, #tpu.memory_space<vmem>> -> memref<40x128xf32, #tpu.memory_space<vmem>>
      %dma_start3A_192 = arith.constant 0 : i32
      %dma_start3A_193 = tpu.memref_slice %arg12[%add3A_45, %dma_start3A_192] : memref<10240x128xf32, #tpu.memory_space<vmem_shared>> -> memref<40x128xf32, #tpu.memory_space<vmem_shared>>
      %dma_start3A_194 = arith.constant 0 : i32
      %dma_start3A_195 = tpu.memref_slice %arg12[%add3A_45, %dma_start3A_194] : memref<10240x128xf32, #tpu.memory_space<vmem_shared>> -> memref<40x128xf32, #tpu.memory_space<vmem_shared>>
      %dma_start3A_196 = arith.constant 0 : i32
      %dma_start3A_197 = arith.constant 0 : i32
      %dma_start3A_198 = tpu.memref_slice %arg8[%dma_start3A_196, %dma_start3A_197] : memref<48x128xf32, #tpu.memory_space<vmem>> -> memref<40x128xf32, #tpu.memory_space<vmem>>
      tpu.enqueue_dma source(%dma_start3A_198 : memref<40x128xf32, #tpu.memory_space<vmem>>) target(%dma_start3A_195 : memref<40x128xf32, #tpu.memory_space<vmem_shared>>) target_semaphore(%run_scoped3A : memref<!tpu.dma_semaphore, #tpu.memory_space<semaphore_mem>>)
      %dma_wait3A_199 = arith.constant 0 : i32
      %dma_wait3A_200 = arith.constant 0 : i32
      %dma_wait3A_201 = tpu.memref_slice %arg8[%dma_wait3A_199, %dma_wait3A_200] : memref<48x128xf32, #tpu.memory_space<vmem>> -> memref<40x128xf32, #tpu.memory_space<vmem>>
      %dma_wait3A_202 = arith.constant 0 : i32
      %dma_wait3A_203 = tpu.memref_slice %arg12[%add3A_45, %dma_wait3A_202] : memref<10240x128xf32, #tpu.memory_space<vmem_shared>> -> memref<40x128xf32, #tpu.memory_space<vmem_shared>>
      %dma_wait3A_204 = arith.constant 0 : i32
      %dma_wait3A_205 = tpu.memref_slice %arg12[%add3A_45, %dma_wait3A_204] : memref<10240x128xf32, #tpu.memory_space<vmem_shared>> -> memref<40x128xf32, #tpu.memory_space<vmem_shared>>
      %dma_wait3A_206 = arith.constant 0 : i32
      %dma_wait3A_207 = arith.constant 0 : i32
      %dma_wait3A_208 = tpu.memref_slice %arg8[%dma_wait3A_206, %dma_wait3A_207] : memref<48x128xf32, #tpu.memory_space<vmem>> -> memref<40x128xf32, #tpu.memory_space<vmem>>
      tpu.wait_dma2 semaphore(%run_scoped3A : memref<!tpu.dma_semaphore, #tpu.memory_space<semaphore_mem>>) src(%dma_wait3A_208 : memref<40x128xf32, #tpu.memory_space<vmem>>) dst(%dma_wait3A_205 : memref<40x128xf32, #tpu.memory_space<vmem_shared>>)
      tpu.yield
    }) : () -> ()
    %add3A_46 = arith.constant 520 : i32
    %add3A_47 = arith.addi %mul3A_19, %add3A_46 : i32
    "tpu.region"() ({
      %run_scoped3A = tpu.sem_alloc : memref<!tpu.dma_semaphore, #tpu.memory_space<semaphore_mem>>
      %dma_start3A_189 = arith.constant 0 : i32
      %dma_start3A_190 = arith.constant 0 : i32
      %dma_start3A_191 = tpu.memref_slice %arg8[%dma_start3A_189, %dma_start3A_190] : memref<48x128xf32, #tpu.memory_space<vmem>> -> memref<40x128xf32, #tpu.memory_space<vmem>>
      %dma_start3A_192 = arith.constant 0 : i32
      %dma_start3A_193 = tpu.memref_slice %arg12[%add3A_47, %dma_start3A_192] : memref<10240x128xf32, #tpu.memory_space<vmem_shared>> -> memref<40x128xf32, #tpu.memory_space<vmem_shared>>
      %dma_start3A_194 = arith.constant 0 : i32
      %dma_start3A_195 = tpu.memref_slice %arg12[%add3A_47, %dma_start3A_194] : memref<10240x128xf32, #tpu.memory_space<vmem_shared>> -> memref<40x128xf32, #tpu.memory_space<vmem_shared>>
      %dma_start3A_196 = arith.constant 0 : i32
      %dma_start3A_197 = arith.constant 0 : i32
      %dma_start3A_198 = tpu.memref_slice %arg8[%dma_start3A_196, %dma_start3A_197] : memref<48x128xf32, #tpu.memory_space<vmem>> -> memref<40x128xf32, #tpu.memory_space<vmem>>
      tpu.enqueue_dma source(%dma_start3A_198 : memref<40x128xf32, #tpu.memory_space<vmem>>) target(%dma_start3A_195 : memref<40x128xf32, #tpu.memory_space<vmem_shared>>) target_semaphore(%run_scoped3A : memref<!tpu.dma_semaphore, #tpu.memory_space<semaphore_mem>>)
      %dma_wait3A_199 = arith.constant 0 : i32
      %dma_wait3A_200 = arith.constant 0 : i32
      %dma_wait3A_201 = tpu.memref_slice %arg8[%dma_wait3A_199, %dma_wait3A_200] : memref<48x128xf32, #tpu.memory_space<vmem>> -> memref<40x128xf32, #tpu.memory_space<vmem>>
      %dma_wait3A_202 = arith.constant 0 : i32
      %dma_wait3A_203 = tpu.memref_slice %arg12[%add3A_47, %dma_wait3A_202] : memref<10240x128xf32, #tpu.memory_space<vmem_shared>> -> memref<40x128xf32, #tpu.memory_space<vmem_shared>>
      %dma_wait3A_204 = arith.constant 0 : i32
      %dma_wait3A_205 = tpu.memref_slice %arg12[%add3A_47, %dma_wait3A_204] : memref<10240x128xf32, #tpu.memory_space<vmem_shared>> -> memref<40x128xf32, #tpu.memory_space<vmem_shared>>
      %dma_wait3A_206 = arith.constant 0 : i32
      %dma_wait3A_207 = arith.constant 0 : i32
      %dma_wait3A_208 = tpu.memref_slice %arg8[%dma_wait3A_206, %dma_wait3A_207] : memref<48x128xf32, #tpu.memory_space<vmem>> -> memref<40x128xf32, #tpu.memory_space<vmem>>
      tpu.wait_dma2 semaphore(%run_scoped3A : memref<!tpu.dma_semaphore, #tpu.memory_space<semaphore_mem>>) src(%dma_wait3A_208 : memref<40x128xf32, #tpu.memory_space<vmem>>) dst(%dma_wait3A_205 : memref<40x128xf32, #tpu.memory_space<vmem_shared>>)
      tpu.yield
    }) : () -> ()
    %add3A_48 = arith.constant 560 : i32
    %add3A_49 = arith.addi %mul3A_19, %add3A_48 : i32
    "tpu.region"() ({
      %run_scoped3A = tpu.sem_alloc : memref<!tpu.dma_semaphore, #tpu.memory_space<semaphore_mem>>
      %dma_start3A_189 = arith.constant 0 : i32
      %dma_start3A_190 = arith.constant 0 : i32
      %dma_start3A_191 = tpu.memref_slice %arg8[%dma_start3A_189, %dma_start3A_190] : memref<48x128xf32, #tpu.memory_space<vmem>> -> memref<40x128xf32, #tpu.memory_space<vmem>>
      %dma_start3A_192 = arith.constant 0 : i32
      %dma_start3A_193 = tpu.memref_slice %arg12[%add3A_49, %dma_start3A_192] : memref<10240x128xf32, #tpu.memory_space<vmem_shared>> -> memref<40x128xf32, #tpu.memory_space<vmem_shared>>
      %dma_start3A_194 = arith.constant 0 : i32
      %dma_start3A_195 = tpu.memref_slice %arg12[%add3A_49, %dma_start3A_194] : memref<10240x128xf32, #tpu.memory_space<vmem_shared>> -> memref<40x128xf32, #tpu.memory_space<vmem_shared>>
      %dma_start3A_196 = arith.constant 0 : i32
      %dma_start3A_197 = arith.constant 0 : i32
      %dma_start3A_198 = tpu.memref_slice %arg8[%dma_start3A_196, %dma_start3A_197] : memref<48x128xf32, #tpu.memory_space<vmem>> -> memref<40x128xf32, #tpu.memory_space<vmem>>
      tpu.enqueue_dma source(%dma_start3A_198 : memref<40x128xf32, #tpu.memory_space<vmem>>) target(%dma_start3A_195 : memref<40x128xf32, #tpu.memory_space<vmem_shared>>) target_semaphore(%run_scoped3A : memref<!tpu.dma_semaphore, #tpu.memory_space<semaphore_mem>>)
      %dma_wait3A_199 = arith.constant 0 : i32
      %dma_wait3A_200 = arith.constant 0 : i32
      %dma_wait3A_201 = tpu.memref_slice %arg8[%dma_wait3A_199, %dma_wait3A_200] : memref<48x128xf32, #tpu.memory_space<vmem>> -> memref<40x128xf32, #tpu.memory_space<vmem>>
      %dma_wait3A_202 = arith.constant 0 : i32
      %dma_wait3A_203 = tpu.memref_slice %arg12[%add3A_49, %dma_wait3A_202] : memref<10240x128xf32, #tpu.memory_space<vmem_shared>> -> memref<40x128xf32, #tpu.memory_space<vmem_shared>>
      %dma_wait3A_204 = arith.constant 0 : i32
      %dma_wait3A_205 = tpu.memref_slice %arg12[%add3A_49, %dma_wait3A_204] : memref<10240x128xf32, #tpu.memory_space<vmem_shared>> -> memref<40x128xf32, #tpu.memory_space<vmem_shared>>
      %dma_wait3A_206 = arith.constant 0 : i32
      %dma_wait3A_207 = arith.constant 0 : i32
      %dma_wait3A_208 = tpu.memref_slice %arg8[%dma_wait3A_206, %dma_wait3A_207] : memref<48x128xf32, #tpu.memory_space<vmem>> -> memref<40x128xf32, #tpu.memory_space<vmem>>
      tpu.wait_dma2 semaphore(%run_scoped3A : memref<!tpu.dma_semaphore, #tpu.memory_space<semaphore_mem>>) src(%dma_wait3A_208 : memref<40x128xf32, #tpu.memory_space<vmem>>) dst(%dma_wait3A_205 : memref<40x128xf32, #tpu.memory_space<vmem_shared>>)
      tpu.yield
    }) : () -> ()
    %add3A_50 = arith.constant 600 : i32
    %add3A_51 = arith.addi %mul3A_19, %add3A_50 : i32
    "tpu.region"() ({
      %run_scoped3A = tpu.sem_alloc : memref<!tpu.dma_semaphore, #tpu.memory_space<semaphore_mem>>
      %dma_start3A_189 = arith.constant 0 : i32
      %dma_start3A_190 = arith.constant 0 : i32
      %dma_start3A_191 = tpu.memref_slice %arg8[%dma_start3A_189, %dma_start3A_190] : memref<48x128xf32, #tpu.memory_space<vmem>> -> memref<40x128xf32, #tpu.memory_space<vmem>>
      %dma_start3A_192 = arith.constant 0 : i32
      %dma_start3A_193 = tpu.memref_slice %arg12[%add3A_51, %dma_start3A_192] : memref<10240x128xf32, #tpu.memory_space<vmem_shared>> -> memref<40x128xf32, #tpu.memory_space<vmem_shared>>
      %dma_start3A_194 = arith.constant 0 : i32
      %dma_start3A_195 = tpu.memref_slice %arg12[%add3A_51, %dma_start3A_194] : memref<10240x128xf32, #tpu.memory_space<vmem_shared>> -> memref<40x128xf32, #tpu.memory_space<vmem_shared>>
      %dma_start3A_196 = arith.constant 0 : i32
      %dma_start3A_197 = arith.constant 0 : i32
      %dma_start3A_198 = tpu.memref_slice %arg8[%dma_start3A_196, %dma_start3A_197] : memref<48x128xf32, #tpu.memory_space<vmem>> -> memref<40x128xf32, #tpu.memory_space<vmem>>
      tpu.enqueue_dma source(%dma_start3A_198 : memref<40x128xf32, #tpu.memory_space<vmem>>) target(%dma_start3A_195 : memref<40x128xf32, #tpu.memory_space<vmem_shared>>) target_semaphore(%run_scoped3A : memref<!tpu.dma_semaphore, #tpu.memory_space<semaphore_mem>>)
      %dma_wait3A_199 = arith.constant 0 : i32
      %dma_wait3A_200 = arith.constant 0 : i32
      %dma_wait3A_201 = tpu.memref_slice %arg8[%dma_wait3A_199, %dma_wait3A_200] : memref<48x128xf32, #tpu.memory_space<vmem>> -> memref<40x128xf32, #tpu.memory_space<vmem>>
      %dma_wait3A_202 = arith.constant 0 : i32
      %dma_wait3A_203 = tpu.memref_slice %arg12[%add3A_51, %dma_wait3A_202] : memref<10240x128xf32, #tpu.memory_space<vmem_shared>> -> memref<40x128xf32, #tpu.memory_space<vmem_shared>>
      %dma_wait3A_204 = arith.constant 0 : i32
      %dma_wait3A_205 = tpu.memref_slice %arg12[%add3A_51, %dma_wait3A_204] : memref<10240x128xf32, #tpu.memory_space<vmem_shared>> -> memref<40x128xf32, #tpu.memory_space<vmem_shared>>
      %dma_wait3A_206 = arith.constant 0 : i32
      %dma_wait3A_207 = arith.constant 0 : i32
      %dma_wait3A_208 = tpu.memref_slice %arg8[%dma_wait3A_206, %dma_wait3A_207] : memref<48x128xf32, #tpu.memory_space<vmem>> -> memref<40x128xf32, #tpu.memory_space<vmem>>
      tpu.wait_dma2 semaphore(%run_scoped3A : memref<!tpu.dma_semaphore, #tpu.memory_space<semaphore_mem>>) src(%dma_wait3A_208 : memref<40x128xf32, #tpu.memory_space<vmem>>) dst(%dma_wait3A_205 : memref<40x128xf32, #tpu.memory_space<vmem_shared>>)
      tpu.yield
    }) : () -> ()
    %dma_wait3A = arith.constant 0 : i32
    %dma_wait3A_52 = tpu.memref_slice %arg3[%add3A, %dma_wait3A] : memref<32x10032xi32, #tpu.memory_space<hbm>> -> memref<1x10032xi32, #tpu.memory_space<hbm>>
    %dma_wait3A_53 = tpu.memref_squeeze %dma_wait3A_52 : memref<1x10032xi32, #tpu.memory_space<hbm>> -> memref<10032xi32, #tpu.memory_space<hbm>>
    %dma_wait3A_54 = arith.constant 0 : i32
    %dma_wait3A_55 = tpu.memref_slice %arg3[%add3A, %dma_wait3A_54] : memref<32x10032xi32, #tpu.memory_space<hbm>> -> memref<1x10032xi32, #tpu.memory_space<hbm>>
    %dma_wait3A_56 = tpu.memref_squeeze %dma_wait3A_55 : memref<1x10032xi32, #tpu.memory_space<hbm>> -> memref<10032xi32, #tpu.memory_space<hbm>>
    tpu.wait_dma2 semaphore(%arg13 : memref<!tpu.dma_semaphore, #tpu.memory_space<semaphore_mem>>) src(%dma_wait3A_56 : memref<10032xi32, #tpu.memory_space<hbm>>) dst(%arg6 : memref<10032xi32, #tpu.memory_space<vmem>>)
    %dma_wait3A_57 = arith.constant 0 : i32
    %dma_wait3A_58 = tpu.memref_slice %arg4[%add3A, %dma_wait3A_57] : memref<32x10032xi32, #tpu.memory_space<hbm>> -> memref<1x10032xi32, #tpu.memory_space<hbm>>
    %dma_wait3A_59 = tpu.memref_squeeze %dma_wait3A_58 : memref<1x10032xi32, #tpu.memory_space<hbm>> -> memref<10032xi32, #tpu.memory_space<hbm>>
    %dma_wait3A_60 = arith.constant 0 : i32
    %dma_wait3A_61 = tpu.memref_slice %arg4[%add3A, %dma_wait3A_60] : memref<32x10032xi32, #tpu.memory_space<hbm>> -> memref<1x10032xi32, #tpu.memory_space<hbm>>
    %dma_wait3A_62 = tpu.memref_squeeze %dma_wait3A_61 : memref<1x10032xi32, #tpu.memory_space<hbm>> -> memref<10032xi32, #tpu.memory_space<hbm>>
    tpu.wait_dma2 semaphore(%arg13 : memref<!tpu.dma_semaphore, #tpu.memory_space<semaphore_mem>>) src(%dma_wait3A_62 : memref<10032xi32, #tpu.memory_space<hbm>>) dst(%arg7 : memref<10032xi32, #tpu.memory_space<vmem>>)
    %barrier3A = arith.constant 0 : index
    tpu.barrier barrier_id(%barrier3A)
    %multiple_of3A = arith.constant 0 : i32
    %multiple_of3A_63 = tpu.assume_multiple %multiple_of3A, 8 : i32
    %dma_start3A_64 = tpu.memref_slice %arg6[%multiple_of3A_63] : memref<10032xi32, #tpu.memory_space<vmem>> -> memref<48xi32, #tpu.memory_space<vmem>>
    %dma_start3A_65 = arith.constant 0 : i32
    %dma_start3A_66 = arith.constant 0 : i32
    %dma_start3A_67 = tpu.memref_slice %arg2[%dma_start3A_65, %dma_start3A_66] : memref<10000x128xf32, #tpu.memory_space<hbm>> -> memref<10000x128xf32, #tpu.memory_space<hbm>>
    tpu.enqueue_indirect_dma source(%dma_start3A_67 : memref<10000x128xf32, #tpu.memory_space<hbm>>) target(%arg8 : memref<48x128xf32, #tpu.memory_space<vmem>>) offsets(%dma_start3A_64 : memref<48xi32, #tpu.memory_space<vmem>>) semaphore(%arg14 : memref<!tpu.dma_semaphore, #tpu.memory_space<semaphore_mem>>)
    %multiple_of3A_68 = arith.constant 48 : i32
    %multiple_of3A_69 = tpu.assume_multiple %multiple_of3A_68, 8 : i32
    %dma_start3A_70 = tpu.memref_slice %arg6[%multiple_of3A_69] : memref<10032xi32, #tpu.memory_space<vmem>> -> memref<48xi32, #tpu.memory_space<vmem>>
    %dma_start3A_71 = arith.constant 0 : i32
    %dma_start3A_72 = arith.constant 0 : i32
    %dma_start3A_73 = tpu.memref_slice %arg2[%dma_start3A_71, %dma_start3A_72] : memref<10000x128xf32, #tpu.memory_space<hbm>> -> memref<10000x128xf32, #tpu.memory_space<hbm>>
    tpu.enqueue_indirect_dma source(%dma_start3A_73 : memref<10000x128xf32, #tpu.memory_space<hbm>>) target(%arg9 : memref<48x128xf32, #tpu.memory_space<vmem>>) offsets(%dma_start3A_70 : memref<48xi32, #tpu.memory_space<vmem>>) semaphore(%arg14 : memref<!tpu.dma_semaphore, #tpu.memory_space<semaphore_mem>>)
    %multiple_of3A_74 = arith.constant 96 : i32
    %multiple_of3A_75 = tpu.assume_multiple %multiple_of3A_74, 8 : i32
    %dma_start3A_76 = tpu.memref_slice %arg6[%multiple_of3A_75] : memref<10032xi32, #tpu.memory_space<vmem>> -> memref<48xi32, #tpu.memory_space<vmem>>
    %dma_start3A_77 = arith.constant 0 : i32
    %dma_start3A_78 = arith.constant 0 : i32
    %dma_start3A_79 = tpu.memref_slice %arg2[%dma_start3A_77, %dma_start3A_78] : memref<10000x128xf32, #tpu.memory_space<hbm>> -> memref<10000x128xf32, #tpu.memory_space<hbm>>
    tpu.enqueue_indirect_dma source(%dma_start3A_79 : memref<10000x128xf32, #tpu.memory_space<hbm>>) target(%arg10 : memref<48x128xf32, #tpu.memory_space<vmem>>) offsets(%dma_start3A_76 : memref<48xi32, #tpu.memory_space<vmem>>) semaphore(%arg14 : memref<!tpu.dma_semaphore, #tpu.memory_space<semaphore_mem>>)
    %dma_wait3A_80 = arith.constant 0 : i32
    %dma_wait3A_81 = arith.constant 0 : i32
    %dma_wait3A_82 = tpu.memref_slice %arg2[%dma_wait3A_80, %dma_wait3A_81] : memref<10000x128xf32, #tpu.memory_space<hbm>> -> memref<48x128xf32, #tpu.memory_space<hbm>>
    %dma_wait3A_83 = arith.constant 0 : i32
    %dma_wait3A_84 = arith.constant 0 : i32
    %dma_wait3A_85 = tpu.memref_slice %arg2[%dma_wait3A_83, %dma_wait3A_84] : memref<10000x128xf32, #tpu.memory_space<hbm>> -> memref<48x128xf32, #tpu.memory_space<hbm>>
    tpu.wait_dma2 semaphore(%arg14 : memref<!tpu.dma_semaphore, #tpu.memory_space<semaphore_mem>>) src(%dma_wait3A_85 : memref<48x128xf32, #tpu.memory_space<hbm>>) dst(%arg8 : memref<48x128xf32, #tpu.memory_space<vmem>>)
    %multiple_of3A_86 = arith.constant 0 : i32
    %multiple_of3A_87 = tpu.assume_multiple %multiple_of3A_86, 8 : i32
    %dma_start3A_88 = tpu.memref_slice %arg7[%multiple_of3A_87] : memref<10032xi32, #tpu.memory_space<vmem>> -> memref<48xi32, #tpu.memory_space<vmem>>
    %dma_start3A_89 = arith.constant 0 : i32
    %dma_start3A_90 = arith.constant 0 : i32
    %dma_start3A_91 = tpu.memref_slice %arg12[%dma_start3A_89, %dma_start3A_90] : memref<10240x128xf32, #tpu.memory_space<vmem_shared>> -> memref<10240x128xf32, #tpu.memory_space<vmem_shared>>
    tpu.enqueue_indirect_dma source(%arg8 : memref<48x128xf32, #tpu.memory_space<vmem>>) target(%dma_start3A_91 : memref<10240x128xf32, #tpu.memory_space<vmem_shared>>) offsets(%dma_start3A_88 : memref<48xi32, #tpu.memory_space<vmem>>) semaphore(%arg15 : memref<!tpu.dma_semaphore, #tpu.memory_space<semaphore_mem>>) {add = true}
    %multiple_of3A_92 = arith.constant 144 : i32
    %multiple_of3A_93 = tpu.assume_multiple %multiple_of3A_92, 8 : i32
    %dma_start3A_94 = tpu.memref_slice %arg6[%multiple_of3A_93] : memref<10032xi32, #tpu.memory_space<vmem>> -> memref<48xi32, #tpu.memory_space<vmem>>
    %dma_start3A_95 = arith.constant 0 : i32
    %dma_start3A_96 = arith.constant 0 : i32
    %dma_start3A_97 = tpu.memref_slice %arg2[%dma_start3A_95, %dma_start3A_96] : memref<10000x128xf32, #tpu.memory_space<hbm>> -> memref<10000x128xf32, #tpu.memory_space<hbm>>
    tpu.enqueue_indirect_dma source(%dma_start3A_97 : memref<10000x128xf32, #tpu.memory_space<hbm>>) target(%arg11 : memref<48x128xf32, #tpu.memory_space<vmem>>) offsets(%dma_start3A_94 : memref<48xi32, #tpu.memory_space<vmem>>) semaphore(%arg14 : memref<!tpu.dma_semaphore, #tpu.memory_space<semaphore_mem>>)
    %scan3A_98 = arith.constant 0 : i32
    %scan3A_99 = arith.constant 0 : i32
    %scan3A_100 = arith.constant 51 : i32
    %scan3A_101 = arith.addi %scan3A_99, %scan3A_100 : i32
    %scan3A_102 = arith.constant 1 : i32
    scf.for %scan3A_189 = %scan3A_99 to %scan3A_101 step %scan3A_102  : i32 {
      %mul3A_190 = arith.constant 4 : i32
      %mul3A_191 = arith.muli %scan3A_189, %mul3A_190 : i32
      %add3A_192 = arith.constant 1 : i32
      %add3A_193 = arith.addi %mul3A_191, %add3A_192 : i32
      %dma_wait3A_194 = arith.constant 0 : i32
      %dma_wait3A_195 = arith.constant 0 : i32
      %dma_wait3A_196 = tpu.memref_slice %arg2[%dma_wait3A_194, %dma_wait3A_195] : memref<10000x128xf32, #tpu.memory_space<hbm>> -> memref<48x128xf32, #tpu.memory_space<hbm>>
      %dma_wait3A_197 = arith.constant 0 : i32
      %dma_wait3A_198 = arith.constant 0 : i32
      %dma_wait3A_199 = tpu.memref_slice %arg2[%dma_wait3A_197, %dma_wait3A_198] : memref<10000x128xf32, #tpu.memory_space<hbm>> -> memref<48x128xf32, #tpu.memory_space<hbm>>
      tpu.wait_dma2 semaphore(%arg14 : memref<!tpu.dma_semaphore, #tpu.memory_space<semaphore_mem>>) src(%dma_wait3A_199 : memref<48x128xf32, #tpu.memory_space<hbm>>) dst(%arg9 : memref<48x128xf32, #tpu.memory_space<vmem>>)
      %add3A_200 = arith.constant 0 : i32
      %add3A_201 = arith.addi %add3A_193, %add3A_200 : i32
      %mul3A_202 = arith.constant 48 : i32
      %mul3A_203 = arith.muli %add3A_201, %mul3A_202 : i32
      %multiple_of3A_204 = tpu.assume_multiple %mul3A_203, 8 : i32
      %dma_start3A_205 = tpu.memref_slice %arg7[%multiple_of3A_204] : memref<10032xi32, #tpu.memory_space<vmem>> -> memref<48xi32, #tpu.memory_space<vmem>>
      %dma_start3A_206 = arith.constant 0 : i32
      %dma_start3A_207 = arith.constant 0 : i32
      %dma_start3A_208 = tpu.memref_slice %arg12[%dma_start3A_206, %dma_start3A_207] : memref<10240x128xf32, #tpu.memory_space<vmem_shared>> -> memref<10240x128xf32, #tpu.memory_space<vmem_shared>>
      tpu.enqueue_indirect_dma source(%arg9 : memref<48x128xf32, #tpu.memory_space<vmem>>) target(%dma_start3A_208 : memref<10240x128xf32, #tpu.memory_space<vmem_shared>>) offsets(%dma_start3A_205 : memref<48xi32, #tpu.memory_space<vmem>>) semaphore(%arg15 : memref<!tpu.dma_semaphore, #tpu.memory_space<semaphore_mem>>) {add = true}
      %dma_wait3A_209 = arith.constant 0 : i32
      %dma_wait3A_210 = arith.constant 0 : i32
      %dma_wait3A_211 = tpu.memref_slice %arg2[%dma_wait3A_209, %dma_wait3A_210] : memref<10000x128xf32, #tpu.memory_space<hbm>> -> memref<48x128xf32, #tpu.memory_space<hbm>>
      %dma_wait3A_212 = arith.constant 0 : i32
      %dma_wait3A_213 = arith.constant 0 : i32
      %dma_wait3A_214 = tpu.memref_slice %arg2[%dma_wait3A_212, %dma_wait3A_213] : memref<10000x128xf32, #tpu.memory_space<hbm>> -> memref<48x128xf32, #tpu.memory_space<hbm>>
      tpu.wait_dma2 semaphore(%arg15 : memref<!tpu.dma_semaphore, #tpu.memory_space<semaphore_mem>>) src(%dma_wait3A_214 : memref<48x128xf32, #tpu.memory_space<hbm>>) dst(%arg8 : memref<48x128xf32, #tpu.memory_space<vmem>>)
      %add3A_215 = arith.constant 0 : i32
      %add3A_216 = arith.addi %add3A_193, %add3A_215 : i32
      %add3A_217 = arith.constant 3 : i32
      %add3A_218 = arith.addi %add3A_216, %add3A_217 : i32
      %mul3A_219 = arith.constant 48 : i32
      %mul3A_220 = arith.muli %add3A_218, %mul3A_219 : i32
      %multiple_of3A_221 = tpu.assume_multiple %mul3A_220, 8 : i32
      %dma_start3A_222 = tpu.memref_slice %arg6[%multiple_of3A_221] : memref<10032xi32, #tpu.memory_space<vmem>> -> memref<48xi32, #tpu.memory_space<vmem>>
      %dma_start3A_223 = arith.constant 0 : i32
      %dma_start3A_224 = arith.constant 0 : i32
      %dma_start3A_225 = tpu.memref_slice %arg2[%dma_start3A_223, %dma_start3A_224] : memref<10000x128xf32, #tpu.memory_space<hbm>> -> memref<10000x128xf32, #tpu.memory_space<hbm>>
      tpu.enqueue_indirect_dma source(%dma_start3A_225 : memref<10000x128xf32, #tpu.memory_space<hbm>>) target(%arg8 : memref<48x128xf32, #tpu.memory_space<vmem>>) offsets(%dma_start3A_222 : memref<48xi32, #tpu.memory_space<vmem>>) semaphore(%arg14 : memref<!tpu.dma_semaphore, #tpu.memory_space<semaphore_mem>>)
      %dma_wait3A_226 = arith.constant 0 : i32
      %dma_wait3A_227 = arith.constant 0 : i32
      %dma_wait3A_228 = tpu.memref_slice %arg2[%dma_wait3A_226, %dma_wait3A_227] : memref<10000x128xf32, #tpu.memory_space<hbm>> -> memref<48x128xf32, #tpu.memory_space<hbm>>
      %dma_wait3A_229 = arith.constant 0 : i32
      %dma_wait3A_230 = arith.constant 0 : i32
      %dma_wait3A_231 = tpu.memref_slice %arg2[%dma_wait3A_229, %dma_wait3A_230] : memref<10000x128xf32, #tpu.memory_space<hbm>> -> memref<48x128xf32, #tpu.memory_space<hbm>>
      tpu.wait_dma2 semaphore(%arg14 : memref<!tpu.dma_semaphore, #tpu.memory_space<semaphore_mem>>) src(%dma_wait3A_231 : memref<48x128xf32, #tpu.memory_space<hbm>>) dst(%arg10 : memref<48x128xf32, #tpu.memory_space<vmem>>)
      %add3A_232 = arith.constant 1 : i32
      %add3A_233 = arith.addi %add3A_193, %add3A_232 : i32
      %mul3A_234 = arith.constant 48 : i32
      %mul3A_235 = arith.muli %add3A_233, %mul3A_234 : i32
      %multiple_of3A_236 = tpu.assume_multiple %mul3A_235, 8 : i32
      %dma_start3A_237 = tpu.memref_slice %arg7[%multiple_of3A_236] : memref<10032xi32, #tpu.memory_space<vmem>> -> memref<48xi32, #tpu.memory_space<vmem>>
      %dma_start3A_238 = arith.constant 0 : i32
      %dma_start3A_239 = arith.constant 0 : i32
      %dma_start3A_240 = tpu.memref_slice %arg12[%dma_start3A_238, %dma_start3A_239] : memref<10240x128xf32, #tpu.memory_space<vmem_shared>> -> memref<10240x128xf32, #tpu.memory_space<vmem_shared>>
      tpu.enqueue_indirect_dma source(%arg10 : memref<48x128xf32, #tpu.memory_space<vmem>>) target(%dma_start3A_240 : memref<10240x128xf32, #tpu.memory_space<vmem_shared>>) offsets(%dma_start3A_237 : memref<48xi32, #tpu.memory_space<vmem>>) semaphore(%arg15 : memref<!tpu.dma_semaphore, #tpu.memory_space<semaphore_mem>>) {add = true}
      %dma_wait3A_241 = arith.constant 0 : i32
      %dma_wait3A_242 = arith.constant 0 : i32
      %dma_wait3A_243 = tpu.memref_slice %arg2[%dma_wait3A_241, %dma_wait3A_242] : memref<10000x128xf32, #tpu.memory_space<hbm>> -> memref<48x128xf32, #tpu.memory_space<hbm>>
      %dma_wait3A_244 = arith.constant 0 : i32
      %dma_wait3A_245 = arith.constant 0 : i32
      %dma_wait3A_246 = tpu.memref_slice %arg2[%dma_wait3A_244, %dma_wait3A_245] : memref<10000x128xf32, #tpu.memory_space<hbm>> -> memref<48x128xf32, #tpu.memory_space<hbm>>
      tpu.wait_dma2 semaphore(%arg15 : memref<!tpu.dma_semaphore, #tpu.memory_space<semaphore_mem>>) src(%dma_wait3A_246 : memref<48x128xf32, #tpu.memory_space<hbm>>) dst(%arg9 : memref<48x128xf32, #tpu.memory_space<vmem>>)
      %add3A_247 = arith.constant 1 : i32
      %add3A_248 = arith.addi %add3A_193, %add3A_247 : i32
      %add3A_249 = arith.constant 3 : i32
      %add3A_250 = arith.addi %add3A_248, %add3A_249 : i32
      %mul3A_251 = arith.constant 48 : i32
      %mul3A_252 = arith.muli %add3A_250, %mul3A_251 : i32
      %multiple_of3A_253 = tpu.assume_multiple %mul3A_252, 8 : i32
      %dma_start3A_254 = tpu.memref_slice %arg6[%multiple_of3A_253] : memref<10032xi32, #tpu.memory_space<vmem>> -> memref<48xi32, #tpu.memory_space<vmem>>
      %dma_start3A_255 = arith.constant 0 : i32
      %dma_start3A_256 = arith.constant 0 : i32
      %dma_start3A_257 = tpu.memref_slice %arg2[%dma_start3A_255, %dma_start3A_256] : memref<10000x128xf32, #tpu.memory_space<hbm>> -> memref<10000x128xf32, #tpu.memory_space<hbm>>
      tpu.enqueue_indirect_dma source(%dma_start3A_257 : memref<10000x128xf32, #tpu.memory_space<hbm>>) target(%arg9 : memref<48x128xf32, #tpu.memory_space<vmem>>) offsets(%dma_start3A_254 : memref<48xi32, #tpu.memory_space<vmem>>) semaphore(%arg14 : memref<!tpu.dma_semaphore, #tpu.memory_space<semaphore_mem>>)
      %dma_wait3A_258 = arith.constant 0 : i32
      %dma_wait3A_259 = arith.constant 0 : i32
      %dma_wait3A_260 = tpu.memref_slice %arg2[%dma_wait3A_258, %dma_wait3A_259] : memref<10000x128xf32, #tpu.memory_space<hbm>> -> memref<48x128xf32, #tpu.memory_space<hbm>>
      %dma_wait3A_261 = arith.constant 0 : i32
      %dma_wait3A_262 = arith.constant 0 : i32
      %dma_wait3A_263 = tpu.memref_slice %arg2[%dma_wait3A_261, %dma_wait3A_262] : memref<10000x128xf32, #tpu.memory_space<hbm>> -> memref<48x128xf32, #tpu.memory_space<hbm>>
      tpu.wait_dma2 semaphore(%arg14 : memref<!tpu.dma_semaphore, #tpu.memory_space<semaphore_mem>>) src(%dma_wait3A_263 : memref<48x128xf32, #tpu.memory_space<hbm>>) dst(%arg11 : memref<48x128xf32, #tpu.memory_space<vmem>>)
      %add3A_264 = arith.constant 2 : i32
      %add3A_265 = arith.addi %add3A_193, %add3A_264 : i32
      %mul3A_266 = arith.constant 48 : i32
      %mul3A_267 = arith.muli %add3A_265, %mul3A_266 : i32
      %multiple_of3A_268 = tpu.assume_multiple %mul3A_267, 8 : i32
      %dma_start3A_269 = tpu.memref_slice %arg7[%multiple_of3A_268] : memref<10032xi32, #tpu.memory_space<vmem>> -> memref<48xi32, #tpu.memory_space<vmem>>
      %dma_start3A_270 = arith.constant 0 : i32
      %dma_start3A_271 = arith.constant 0 : i32
      %dma_start3A_272 = tpu.memref_slice %arg12[%dma_start3A_270, %dma_start3A_271] : memref<10240x128xf32, #tpu.memory_space<vmem_shared>> -> memref<10240x128xf32, #tpu.memory_space<vmem_shared>>
      tpu.enqueue_indirect_dma source(%arg11 : memref<48x128xf32, #tpu.memory_space<vmem>>) target(%dma_start3A_272 : memref<10240x128xf32, #tpu.memory_space<vmem_shared>>) offsets(%dma_start3A_269 : memref<48xi32, #tpu.memory_space<vmem>>) semaphore(%arg15 : memref<!tpu.dma_semaphore, #tpu.memory_space<semaphore_mem>>) {add = true}
      %dma_wait3A_273 = arith.constant 0 : i32
      %dma_wait3A_274 = arith.constant 0 : i32
      %dma_wait3A_275 = tpu.memref_slice %arg2[%dma_wait3A_273, %dma_wait3A_274] : memref<10000x128xf32, #tpu.memory_space<hbm>> -> memref<48x128xf32, #tpu.memory_space<hbm>>
      %dma_wait3A_276 = arith.constant 0 : i32
      %dma_wait3A_277 = arith.constant 0 : i32
      %dma_wait3A_278 = tpu.memref_slice %arg2[%dma_wait3A_276, %dma_wait3A_277] : memref<10000x128xf32, #tpu.memory_space<hbm>> -> memref<48x128xf32, #tpu.memory_space<hbm>>
      tpu.wait_dma2 semaphore(%arg15 : memref<!tpu.dma_semaphore, #tpu.memory_space<semaphore_mem>>) src(%dma_wait3A_278 : memref<48x128xf32, #tpu.memory_space<hbm>>) dst(%arg10 : memref<48x128xf32, #tpu.memory_space<vmem>>)
      %add3A_279 = arith.constant 2 : i32
      %add3A_280 = arith.addi %add3A_193, %add3A_279 : i32
      %add3A_281 = arith.constant 3 : i32
      %add3A_282 = arith.addi %add3A_280, %add3A_281 : i32
      %mul3A_283 = arith.constant 48 : i32
      %mul3A_284 = arith.muli %add3A_282, %mul3A_283 : i32
      %multiple_of3A_285 = tpu.assume_multiple %mul3A_284, 8 : i32
      %dma_start3A_286 = tpu.memref_slice %arg6[%multiple_of3A_285] : memref<10032xi32, #tpu.memory_space<vmem>> -> memref<48xi32, #tpu.memory_space<vmem>>
      %dma_start3A_287 = arith.constant 0 : i32
      %dma_start3A_288 = arith.constant 0 : i32
      %dma_start3A_289 = tpu.memref_slice %arg2[%dma_start3A_287, %dma_start3A_288] : memref<10000x128xf32, #tpu.memory_space<hbm>> -> memref<10000x128xf32, #tpu.memory_space<hbm>>
      tpu.enqueue_indirect_dma source(%dma_start3A_289 : memref<10000x128xf32, #tpu.memory_space<hbm>>) target(%arg10 : memref<48x128xf32, #tpu.memory_space<vmem>>) offsets(%dma_start3A_286 : memref<48xi32, #tpu.memory_space<vmem>>) semaphore(%arg14 : memref<!tpu.dma_semaphore, #tpu.memory_space<semaphore_mem>>)
      %dma_wait3A_290 = arith.constant 0 : i32
      %dma_wait3A_291 = arith.constant 0 : i32
      %dma_wait3A_292 = tpu.memref_slice %arg2[%dma_wait3A_290, %dma_wait3A_291] : memref<10000x128xf32, #tpu.memory_space<hbm>> -> memref<48x128xf32, #tpu.memory_space<hbm>>
      %dma_wait3A_293 = arith.constant 0 : i32
      %dma_wait3A_294 = arith.constant 0 : i32
      %dma_wait3A_295 = tpu.memref_slice %arg2[%dma_wait3A_293, %dma_wait3A_294] : memref<10000x128xf32, #tpu.memory_space<hbm>> -> memref<48x128xf32, #tpu.memory_space<hbm>>
      tpu.wait_dma2 semaphore(%arg14 : memref<!tpu.dma_semaphore, #tpu.memory_space<semaphore_mem>>) src(%dma_wait3A_295 : memref<48x128xf32, #tpu.memory_space<hbm>>) dst(%arg8 : memref<48x128xf32, #tpu.memory_space<vmem>>)
      %add3A_296 = arith.constant 3 : i32
      %add3A_297 = arith.addi %add3A_193, %add3A_296 : i32
      %mul3A_298 = arith.constant 48 : i32
      %mul3A_299 = arith.muli %add3A_297, %mul3A_298 : i32
      %multiple_of3A_300 = tpu.assume_multiple %mul3A_299, 8 : i32
      %dma_start3A_301 = tpu.memref_slice %arg7[%multiple_of3A_300] : memref<10032xi32, #tpu.memory_space<vmem>> -> memref<48xi32, #tpu.memory_space<vmem>>
      %dma_start3A_302 = arith.constant 0 : i32
      %dma_start3A_303 = arith.constant 0 : i32
      %dma_start3A_304 = tpu.memref_slice %arg12[%dma_start3A_302, %dma_start3A_303] : memref<10240x128xf32, #tpu.memory_space<vmem_shared>> -> memref<10240x128xf32, #tpu.memory_space<vmem_shared>>
      tpu.enqueue_indirect_dma source(%arg8 : memref<48x128xf32, #tpu.memory_space<vmem>>) target(%dma_start3A_304 : memref<10240x128xf32, #tpu.memory_space<vmem_shared>>) offsets(%dma_start3A_301 : memref<48xi32, #tpu.memory_space<vmem>>) semaphore(%arg15 : memref<!tpu.dma_semaphore, #tpu.memory_space<semaphore_mem>>) {add = true}
      %dma_wait3A_305 = arith.constant 0 : i32
      %dma_wait3A_306 = arith.constant 0 : i32
      %dma_wait3A_307 = tpu.memref_slice %arg2[%dma_wait3A_305, %dma_wait3A_306] : memref<10000x128xf32, #tpu.memory_space<hbm>> -> memref<48x128xf32, #tpu.memory_space<hbm>>
      %dma_wait3A_308 = arith.constant 0 : i32
      %dma_wait3A_309 = arith.constant 0 : i32
      %dma_wait3A_310 = tpu.memref_slice %arg2[%dma_wait3A_308, %dma_wait3A_309] : memref<10000x128xf32, #tpu.memory_space<hbm>> -> memref<48x128xf32, #tpu.memory_space<hbm>>
      tpu.wait_dma2 semaphore(%arg15 : memref<!tpu.dma_semaphore, #tpu.memory_space<semaphore_mem>>) src(%dma_wait3A_310 : memref<48x128xf32, #tpu.memory_space<hbm>>) dst(%arg11 : memref<48x128xf32, #tpu.memory_space<vmem>>)
      %add3A_311 = arith.constant 3 : i32
      %add3A_312 = arith.addi %add3A_193, %add3A_311 : i32
      %add3A_313 = arith.constant 3 : i32
      %add3A_314 = arith.addi %add3A_312, %add3A_313 : i32
      %mul3A_315 = arith.constant 48 : i32
      %mul3A_316 = arith.muli %add3A_314, %mul3A_315 : i32
      %multiple_of3A_317 = tpu.assume_multiple %mul3A_316, 8 : i32
      %dma_start3A_318 = tpu.memref_slice %arg6[%multiple_of3A_317] : memref<10032xi32, #tpu.memory_space<vmem>> -> memref<48xi32, #tpu.memory_space<vmem>>
      %dma_start3A_319 = arith.constant 0 : i32
      %dma_start3A_320 = arith.constant 0 : i32
      %dma_start3A_321 = tpu.memref_slice %arg2[%dma_start3A_319, %dma_start3A_320] : memref<10000x128xf32, #tpu.memory_space<hbm>> -> memref<10000x128xf32, #tpu.memory_space<hbm>>
      tpu.enqueue_indirect_dma source(%dma_start3A_321 : memref<10000x128xf32, #tpu.memory_space<hbm>>) target(%arg11 : memref<48x128xf32, #tpu.memory_space<vmem>>) offsets(%dma_start3A_318 : memref<48xi32, #tpu.memory_space<vmem>>) semaphore(%arg14 : memref<!tpu.dma_semaphore, #tpu.memory_space<semaphore_mem>>)
    }
    %scan3A_103 = arith.constant 51 : i32
    %dma_wait3A_104 = arith.constant 0 : i32
    %dma_wait3A_105 = arith.constant 0 : i32
    %dma_wait3A_106 = tpu.memref_slice %arg2[%dma_wait3A_104, %dma_wait3A_105] : memref<10000x128xf32, #tpu.memory_space<hbm>> -> memref<48x128xf32, #tpu.memory_space<hbm>>
    %dma_wait3A_107 = arith.constant 0 : i32
    %dma_wait3A_108 = arith.constant 0 : i32
    %dma_wait3A_109 = tpu.memref_slice %arg2[%dma_wait3A_107, %dma_wait3A_108] : memref<10000x128xf32, #tpu.memory_space<hbm>> -> memref<48x128xf32, #tpu.memory_space<hbm>>
    tpu.wait_dma2 semaphore(%arg14 : memref<!tpu.dma_semaphore, #tpu.memory_space<semaphore_mem>>) src(%dma_wait3A_109 : memref<48x128xf32, #tpu.memory_space<hbm>>) dst(%arg9 : memref<48x128xf32, #tpu.memory_space<vmem>>)
    %multiple_of3A_110 = arith.constant 9840 : i32
    %multiple_of3A_111 = tpu.assume_multiple %multiple_of3A_110, 8 : i32
    %dma_start3A_112 = tpu.memref_slice %arg7[%multiple_of3A_111] : memref<10032xi32, #tpu.memory_space<vmem>> -> memref<48xi32, #tpu.memory_space<vmem>>
    %dma_start3A_113 = arith.constant 0 : i32
    %dma_start3A_114 = arith.constant 0 : i32
    %dma_start3A_115 = tpu.memref_slice %arg12[%dma_start3A_113, %dma_start3A_114] : memref<10240x128xf32, #tpu.memory_space<vmem_shared>> -> memref<10240x128xf32, #tpu.memory_space<vmem_shared>>
    tpu.enqueue_indirect_dma source(%arg9 : memref<48x128xf32, #tpu.memory_space<vmem>>) target(%dma_start3A_115 : memref<10240x128xf32, #tpu.memory_space<vmem_shared>>) offsets(%dma_start3A_112 : memref<48xi32, #tpu.memory_space<vmem>>) semaphore(%arg15 : memref<!tpu.dma_semaphore, #tpu.memory_space<semaphore_mem>>) {add = true}
    %dma_wait3A_116 = arith.constant 0 : i32
    %dma_wait3A_117 = arith.constant 0 : i32
    %dma_wait3A_118 = tpu.memref_slice %arg2[%dma_wait3A_116, %dma_wait3A_117] : memref<10000x128xf32, #tpu.memory_space<hbm>> -> memref<48x128xf32, #tpu.memory_space<hbm>>
    %dma_wait3A_119 = arith.constant 0 : i32
    %dma_wait3A_120 = arith.constant 0 : i32
    %dma_wait3A_121 = tpu.memref_slice %arg2[%dma_wait3A_119, %dma_wait3A_120] : memref<10000x128xf32, #tpu.memory_space<hbm>> -> memref<48x128xf32, #tpu.memory_space<hbm>>
    tpu.wait_dma2 semaphore(%arg15 : memref<!tpu.dma_semaphore, #tpu.memory_space<semaphore_mem>>) src(%dma_wait3A_121 : memref<48x128xf32, #tpu.memory_space<hbm>>) dst(%arg8 : memref<48x128xf32, #tpu.memory_space<vmem>>)
    %multiple_of3A_122 = arith.constant 9984 : i32
    %multiple_of3A_123 = tpu.assume_multiple %multiple_of3A_122, 8 : i32
    %dma_start3A_124 = tpu.memref_slice %arg6[%multiple_of3A_123] : memref<10032xi32, #tpu.memory_space<vmem>> -> memref<48xi32, #tpu.memory_space<vmem>>
    %dma_start3A_125 = arith.constant 0 : i32
    %dma_start3A_126 = arith.constant 0 : i32
    %dma_start3A_127 = tpu.memref_slice %arg2[%dma_start3A_125, %dma_start3A_126] : memref<10000x128xf32, #tpu.memory_space<hbm>> -> memref<10000x128xf32, #tpu.memory_space<hbm>>
    tpu.enqueue_indirect_dma source(%dma_start3A_127 : memref<10000x128xf32, #tpu.memory_space<hbm>>) target(%arg8 : memref<48x128xf32, #tpu.memory_space<vmem>>) offsets(%dma_start3A_124 : memref<48xi32, #tpu.memory_space<vmem>>) semaphore(%arg14 : memref<!tpu.dma_semaphore, #tpu.memory_space<semaphore_mem>>)
    %dma_wait3A_128 = arith.constant 0 : i32
    %dma_wait3A_129 = arith.constant 0 : i32
    %dma_wait3A_130 = tpu.memref_slice %arg2[%dma_wait3A_128, %dma_wait3A_129] : memref<10000x128xf32, #tpu.memory_space<hbm>> -> memref<48x128xf32, #tpu.memory_space<hbm>>
    %dma_wait3A_131 = arith.constant 0 : i32
    %dma_wait3A_132 = arith.constant 0 : i32
    %dma_wait3A_133 = tpu.memref_slice %arg2[%dma_wait3A_131, %dma_wait3A_132] : memref<10000x128xf32, #tpu.memory_space<hbm>> -> memref<48x128xf32, #tpu.memory_space<hbm>>
    tpu.wait_dma2 semaphore(%arg14 : memref<!tpu.dma_semaphore, #tpu.memory_space<semaphore_mem>>) src(%dma_wait3A_133 : memref<48x128xf32, #tpu.memory_space<hbm>>) dst(%arg10 : memref<48x128xf32, #tpu.memory_space<vmem>>)
    %multiple_of3A_134 = arith.constant 9888 : i32
    %multiple_of3A_135 = tpu.assume_multiple %multiple_of3A_134, 8 : i32
    %dma_start3A_136 = tpu.memref_slice %arg7[%multiple_of3A_135] : memref<10032xi32, #tpu.memory_space<vmem>> -> memref<48xi32, #tpu.memory_space<vmem>>
    %dma_start3A_137 = arith.constant 0 : i32
    %dma_start3A_138 = arith.constant 0 : i32
    %dma_start3A_139 = tpu.memref_slice %arg12[%dma_start3A_137, %dma_start3A_138] : memref<10240x128xf32, #tpu.memory_space<vmem_shared>> -> memref<10240x128xf32, #tpu.memory_space<vmem_shared>>
    tpu.enqueue_indirect_dma source(%arg10 : memref<48x128xf32, #tpu.memory_space<vmem>>) target(%dma_start3A_139 : memref<10240x128xf32, #tpu.memory_space<vmem_shared>>) offsets(%dma_start3A_136 : memref<48xi32, #tpu.memory_space<vmem>>) semaphore(%arg15 : memref<!tpu.dma_semaphore, #tpu.memory_space<semaphore_mem>>) {add = true}
    %dma_wait3A_140 = arith.constant 0 : i32
    %dma_wait3A_141 = arith.constant 0 : i32
    %dma_wait3A_142 = tpu.memref_slice %arg2[%dma_wait3A_140, %dma_wait3A_141] : memref<10000x128xf32, #tpu.memory_space<hbm>> -> memref<48x128xf32, #tpu.memory_space<hbm>>
    %dma_wait3A_143 = arith.constant 0 : i32
    %dma_wait3A_144 = arith.constant 0 : i32
    %dma_wait3A_145 = tpu.memref_slice %arg2[%dma_wait3A_143, %dma_wait3A_144] : memref<10000x128xf32, #tpu.memory_space<hbm>> -> memref<48x128xf32, #tpu.memory_space<hbm>>
    tpu.wait_dma2 semaphore(%arg15 : memref<!tpu.dma_semaphore, #tpu.memory_space<semaphore_mem>>) src(%dma_wait3A_145 : memref<48x128xf32, #tpu.memory_space<hbm>>) dst(%arg9 : memref<48x128xf32, #tpu.memory_space<vmem>>)
    %dma_wait3A_146 = arith.constant 0 : i32
    %dma_wait3A_147 = arith.constant 0 : i32
    %dma_wait3A_148 = tpu.memref_slice %arg2[%dma_wait3A_146, %dma_wait3A_147] : memref<10000x128xf32, #tpu.memory_space<hbm>> -> memref<48x128xf32, #tpu.memory_space<hbm>>
    %dma_wait3A_149 = arith.constant 0 : i32
    %dma_wait3A_150 = arith.constant 0 : i32
    %dma_wait3A_151 = tpu.memref_slice %arg2[%dma_wait3A_149, %dma_wait3A_150] : memref<10000x128xf32, #tpu.memory_space<hbm>> -> memref<48x128xf32, #tpu.memory_space<hbm>>
    tpu.wait_dma2 semaphore(%arg14 : memref<!tpu.dma_semaphore, #tpu.memory_space<semaphore_mem>>) src(%dma_wait3A_151 : memref<48x128xf32, #tpu.memory_space<hbm>>) dst(%arg11 : memref<48x128xf32, #tpu.memory_space<vmem>>)
    %multiple_of3A_152 = arith.constant 9936 : i32
    %multiple_of3A_153 = tpu.assume_multiple %multiple_of3A_152, 8 : i32
    %dma_start3A_154 = tpu.memref_slice %arg7[%multiple_of3A_153] : memref<10032xi32, #tpu.memory_space<vmem>> -> memref<48xi32, #tpu.memory_space<vmem>>
    %dma_start3A_155 = arith.constant 0 : i32
    %dma_start3A_156 = arith.constant 0 : i32
    %dma_start3A_157 = tpu.memref_slice %arg12[%dma_start3A_155, %dma_start3A_156] : memref<10240x128xf32, #tpu.memory_space<vmem_shared>> -> memref<10240x128xf32, #tpu.memory_space<vmem_shared>>
    tpu.enqueue_indirect_dma source(%arg11 : memref<48x128xf32, #tpu.memory_space<vmem>>) target(%dma_start3A_157 : memref<10240x128xf32, #tpu.memory_space<vmem_shared>>) offsets(%dma_start3A_154 : memref<48xi32, #tpu.memory_space<vmem>>) semaphore(%arg15 : memref<!tpu.dma_semaphore, #tpu.memory_space<semaphore_mem>>) {add = true}
    %dma_wait3A_158 = arith.constant 0 : i32
    %dma_wait3A_159 = arith.constant 0 : i32
    %dma_wait3A_160 = tpu.memref_slice %arg2[%dma_wait3A_158, %dma_wait3A_159] : memref<10000x128xf32, #tpu.memory_space<hbm>> -> memref<48x128xf32, #tpu.memory_space<hbm>>
    %dma_wait3A_161 = arith.constant 0 : i32
    %dma_wait3A_162 = arith.constant 0 : i32
    %dma_wait3A_163 = tpu.memref_slice %arg2[%dma_wait3A_161, %dma_wait3A_162] : memref<10000x128xf32, #tpu.memory_space<hbm>> -> memref<48x128xf32, #tpu.memory_space<hbm>>
    tpu.wait_dma2 semaphore(%arg15 : memref<!tpu.dma_semaphore, #tpu.memory_space<semaphore_mem>>) src(%dma_wait3A_163 : memref<48x128xf32, #tpu.memory_space<hbm>>) dst(%arg10 : memref<48x128xf32, #tpu.memory_space<vmem>>)
    %dma_wait3A_164 = arith.constant 0 : i32
    %dma_wait3A_165 = arith.constant 0 : i32
    %dma_wait3A_166 = tpu.memref_slice %arg2[%dma_wait3A_164, %dma_wait3A_165] : memref<10000x128xf32, #tpu.memory_space<hbm>> -> memref<48x128xf32, #tpu.memory_space<hbm>>
    %dma_wait3A_167 = arith.constant 0 : i32
    %dma_wait3A_168 = arith.constant 0 : i32
    %dma_wait3A_169 = tpu.memref_slice %arg2[%dma_wait3A_167, %dma_wait3A_168] : memref<10000x128xf32, #tpu.memory_space<hbm>> -> memref<48x128xf32, #tpu.memory_space<hbm>>
    tpu.wait_dma2 semaphore(%arg14 : memref<!tpu.dma_semaphore, #tpu.memory_space<semaphore_mem>>) src(%dma_wait3A_169 : memref<48x128xf32, #tpu.memory_space<hbm>>) dst(%arg8 : memref<48x128xf32, #tpu.memory_space<vmem>>)
    %multiple_of3A_170 = arith.constant 9984 : i32
    %multiple_of3A_171 = tpu.assume_multiple %multiple_of3A_170, 8 : i32
    %dma_start3A_172 = tpu.memref_slice %arg7[%multiple_of3A_171] : memref<10032xi32, #tpu.memory_space<vmem>> -> memref<48xi32, #tpu.memory_space<vmem>>
    %dma_start3A_173 = arith.constant 0 : i32
    %dma_start3A_174 = arith.constant 0 : i32
    %dma_start3A_175 = tpu.memref_slice %arg12[%dma_start3A_173, %dma_start3A_174] : memref<10240x128xf32, #tpu.memory_space<vmem_shared>> -> memref<10240x128xf32, #tpu.memory_space<vmem_shared>>
    tpu.enqueue_indirect_dma source(%arg8 : memref<48x128xf32, #tpu.memory_space<vmem>>) target(%dma_start3A_175 : memref<10240x128xf32, #tpu.memory_space<vmem_shared>>) offsets(%dma_start3A_172 : memref<48xi32, #tpu.memory_space<vmem>>) semaphore(%arg15 : memref<!tpu.dma_semaphore, #tpu.memory_space<semaphore_mem>>) {add = true}
    %dma_wait3A_176 = arith.constant 0 : i32
    %dma_wait3A_177 = arith.constant 0 : i32
    %dma_wait3A_178 = tpu.memref_slice %arg2[%dma_wait3A_176, %dma_wait3A_177] : memref<10000x128xf32, #tpu.memory_space<hbm>> -> memref<48x128xf32, #tpu.memory_space<hbm>>
    %dma_wait3A_179 = arith.constant 0 : i32
    %dma_wait3A_180 = arith.constant 0 : i32
    %dma_wait3A_181 = tpu.memref_slice %arg2[%dma_wait3A_179, %dma_wait3A_180] : memref<10000x128xf32, #tpu.memory_space<hbm>> -> memref<48x128xf32, #tpu.memory_space<hbm>>
    tpu.wait_dma2 semaphore(%arg15 : memref<!tpu.dma_semaphore, #tpu.memory_space<semaphore_mem>>) src(%dma_wait3A_181 : memref<48x128xf32, #tpu.memory_space<hbm>>) dst(%arg11 : memref<48x128xf32, #tpu.memory_space<vmem>>)
    %dma_wait3A_182 = arith.constant 0 : i32
    %dma_wait3A_183 = arith.constant 0 : i32
    %dma_wait3A_184 = tpu.memref_slice %arg2[%dma_wait3A_182, %dma_wait3A_183] : memref<10000x128xf32, #tpu.memory_space<hbm>> -> memref<48x128xf32, #tpu.memory_space<hbm>>
    %dma_wait3A_185 = arith.constant 0 : i32
    %dma_wait3A_186 = arith.constant 0 : i32
    %dma_wait3A_187 = tpu.memref_slice %arg2[%dma_wait3A_185, %dma_wait3A_186] : memref<10000x128xf32, #tpu.memory_space<hbm>> -> memref<48x128xf32, #tpu.memory_space<hbm>>
    tpu.wait_dma2 semaphore(%arg15 : memref<!tpu.dma_semaphore, #tpu.memory_space<semaphore_mem>>) src(%dma_wait3A_187 : memref<48x128xf32, #tpu.memory_space<hbm>>) dst(%arg8 : memref<48x128xf32, #tpu.memory_space<vmem>>)
    %barrier3A_188 = arith.constant 0 : index
    tpu.barrier barrier_id(%barrier3A_188)
    "tpu.region"() ({
      %run_scoped3A = tpu.sem_alloc : memref<!tpu.dma_semaphore, #tpu.memory_space<semaphore_mem>>
      %dma_start3A_189 = arith.constant 0 : i32
      %dma_start3A_190 = arith.constant 0 : i32
      %dma_start3A_191 = tpu.memref_slice %arg5[%arg0, %dma_start3A_189, %dma_start3A_190] : memref<2x10240x128xf32, #tpu.memory_space<hbm>> -> memref<1x10240x128xf32, #tpu.memory_space<hbm>>
      %dma_start3A_192 = tpu.memref_squeeze %dma_start3A_191 : memref<1x10240x128xf32, #tpu.memory_space<hbm>> -> memref<10240x128xf32, #tpu.memory_space<hbm>>
      %dma_start3A_193 = arith.constant 0 : i32
      %dma_start3A_194 = tpu.memref_slice %dma_start3A_192[%mul3A_19, %dma_start3A_193] : memref<10240x128xf32, #tpu.memory_space<hbm>> -> memref<640x128xf32, #tpu.memory_space<hbm>>
      %dma_start3A_195 = arith.constant 0 : i32
      %dma_start3A_196 = tpu.memref_slice %arg12[%mul3A_19, %dma_start3A_195] : memref<10240x128xf32, #tpu.memory_space<vmem_shared>> -> memref<640x128xf32, #tpu.memory_space<vmem_shared>>
      tpu.enqueue_dma source(%dma_start3A_196 : memref<640x128xf32, #tpu.memory_space<vmem_shared>>) target(%dma_start3A_194 : memref<640x128xf32, #tpu.memory_space<hbm>>) target_semaphore(%run_scoped3A : memref<!tpu.dma_semaphore, #tpu.memory_space<semaphore_mem>>)
      %dma_wait3A_197 = arith.constant 0 : i32
      %dma_wait3A_198 = arith.constant 0 : i32
      %dma_wait3A_199 = tpu.memref_slice %arg5[%arg0, %dma_wait3A_197, %dma_wait3A_198] : memref<2x10240x128xf32, #tpu.memory_space<hbm>> -> memref<1x10240x128xf32, #tpu.memory_space<hbm>>
      %dma_wait3A_200 = tpu.memref_squeeze %dma_wait3A_199 : memref<1x10240x128xf32, #tpu.memory_space<hbm>> -> memref<10240x128xf32, #tpu.memory_space<hbm>>
      %dma_wait3A_201 = arith.constant 0 : i32
      %dma_wait3A_202 = tpu.memref_slice %dma_wait3A_200[%mul3A_19, %dma_wait3A_201] : memref<10240x128xf32, #tpu.memory_space<hbm>> -> memref<640x128xf32, #tpu.memory_space<hbm>>
      %dma_wait3A_203 = arith.constant 0 : i32
      %dma_wait3A_204 = tpu.memref_slice %arg12[%mul3A_19, %dma_wait3A_203] : memref<10240x128xf32, #tpu.memory_space<vmem_shared>> -> memref<640x128xf32, #tpu.memory_space<vmem_shared>>
      tpu.wait_dma2 semaphore(%run_scoped3A : memref<!tpu.dma_semaphore, #tpu.memory_space<semaphore_mem>>) src(%dma_wait3A_204 : memref<640x128xf32, #tpu.memory_space<vmem_shared>>) dst(%dma_wait3A_202 : memref<640x128xf32, #tpu.memory_space<hbm>>)
      tpu.yield
    }) : () -> ()
    return
  }
}

#map = affine_map<(d0, d1) -> (0, 0)>
#map1 = affine_map<(d0, d1) -> (0, 0, 0)>
module attributes {stable_mosaic.version = 14 : i64} {
  func.func @k(%arg0: i32, %arg1: i32, %arg2: memref<10000x128xf32, #tpu.memory_space<hbm>>, %arg3: memref<32x10032xi32, #tpu.memory_space<hbm>>, %arg4: memref<32x10032xi32, #tpu.memory_space<hbm>>, %arg5: memref<2x10240x128xf32, #tpu.memory_space<hbm>>, %arg6: memref<10032xi32, #tpu.memory_space<vmem>>, %arg7: memref<10032xi32, #tpu.memory_space<vmem>>, %arg8: memref<48x128xf32, #tpu.memory_space<vmem>>, %arg9: memref<48x128xf32, #tpu.memory_space<vmem>>, %arg10: memref<48x128xf32, #tpu.memory_space<vmem>>, %arg11: memref<48x128xf32, #tpu.memory_space<vmem>>, %arg12: memref<10240x128xf32, #tpu.memory_space<vmem_shared>>, %arg13: memref<!tpu.dma_semaphore, #tpu.memory_space<semaphore_mem>>, %arg14: memref<!tpu.dma_semaphore, #tpu.memory_space<semaphore_mem>>, %arg15: memref<!tpu.dma_semaphore, #tpu.memory_space<semaphore_mem>>) attributes {dimension_semantics = [#tpu.dimension_semantics<core_parallel>, #tpu.dimension_semantics<subcore_parallel>], iteration_bounds = array<i64: 2, 16>, scalar_prefetch = 0 : i64, scratch_operands = 10 : i64, tpu.core_type = #tpu.core_type<sc_vector_subcore>, window_params = [{transform_indices = #map}, {transform_indices = #map}, {transform_indices = #map}, {transform_indices = #map1}]} {
    %mul3A = arith.constant 16 : i32
    %mul3A_0 = arith.muli %arg0, %mul3A : i32
    %add3A = arith.addi %mul3A_0, %arg1 : i32
    %dma_start3A = arith.constant 0 : i32
    %dma_start3A_1 = tpu.memref_slice %arg3[%add3A, %dma_start3A] : memref<32x10032xi32, #tpu.memory_space<hbm>> -> memref<1x10032xi32, #tpu.memory_space<hbm>>
    %dma_start3A_2 = tpu.memref_squeeze %dma_start3A_1 : memref<1x10032xi32, #tpu.memory_space<hbm>> -> memref<10032xi32, #tpu.memory_space<hbm>>
    %dma_start3A_3 = arith.constant 0 : i32
    %dma_start3A_4 = tpu.memref_slice %arg3[%add3A, %dma_start3A_3] : memref<32x10032xi32, #tpu.memory_space<hbm>> -> memref<1x10032xi32, #tpu.memory_space<hbm>>
    %dma_start3A_5 = tpu.memref_squeeze %dma_start3A_4 : memref<1x10032xi32, #tpu.memory_space<hbm>> -> memref<10032xi32, #tpu.memory_space<hbm>>
    tpu.enqueue_dma source(%dma_start3A_5 : memref<10032xi32, #tpu.memory_space<hbm>>) target(%arg6 : memref<10032xi32, #tpu.memory_space<vmem>>) target_semaphore(%arg13 : memref<!tpu.dma_semaphore, #tpu.memory_space<semaphore_mem>>)
    %dma_start3A_6 = arith.constant 0 : i32
    %dma_start3A_7 = tpu.memref_slice %arg4[%add3A, %dma_start3A_6] : memref<32x10032xi32, #tpu.memory_space<hbm>> -> memref<1x10032xi32, #tpu.memory_space<hbm>>
    %dma_start3A_8 = tpu.memref_squeeze %dma_start3A_7 : memref<1x10032xi32, #tpu.memory_space<hbm>> -> memref<10032xi32, #tpu.memory_space<hbm>>
    %dma_start3A_9 = arith.constant 0 : i32
    %dma_start3A_10 = tpu.memref_slice %arg4[%add3A, %dma_start3A_9] : memref<32x10032xi32, #tpu.memory_space<hbm>> -> memref<1x10032xi32, #tpu.memory_space<hbm>>
    %dma_start3A_11 = tpu.memref_squeeze %dma_start3A_10 : memref<1x10032xi32, #tpu.memory_space<hbm>> -> memref<10032xi32, #tpu.memory_space<hbm>>
    tpu.enqueue_dma source(%dma_start3A_11 : memref<10032xi32, #tpu.memory_space<hbm>>) target(%arg7 : memref<10032xi32, #tpu.memory_space<vmem>>) target_semaphore(%arg13 : memref<!tpu.dma_semaphore, #tpu.memory_space<semaphore_mem>>)
    %broadcast_in_dim3A = arith.constant 0.000000e+00 : f32
    %broadcast_in_dim3A_12 = vector.broadcast %broadcast_in_dim3A : f32 to vector<16xf32>
    %scan3A = arith.constant 0 : i32
    %scan3A_13 = arith.constant 0 : i32
    %scan3A_14 = arith.constant 40 : i32
    %scan3A_15 = arith.addi %scan3A_13, %scan3A_14 : i32
    %scan3A_16 = arith.constant 1 : i32
    scf.for %scan3A_189 = %scan3A_13 to %scan3A_15 step %scan3A_16  : i32 {
      %swap3A = arith.index_cast %scan3A_189 : i32 to index
      %swap3A_190 = arith.constant 0 : index
      %swap3A_191 = tpu.vector_load %arg8[%swap3A, %swap3A_190] {strides = array<i32>} : memref<48x128xf32, #tpu.memory_space<vmem>>, vector<1x16xf32>,
      %swap3A_192 = vector.shape_cast %swap3A_191 : vector<1x16xf32> to vector<16xf32>
      %swap3A_193 = vector.shape_cast %broadcast_in_dim3A_12 : vector<16xf32> to vector<1x16xf32>
      tpu.vector_store %arg8[%swap3A, %swap3A_190], %swap3A_193 {strides = array<i32>} : memref<48x128xf32, #tpu.memory_space<vmem>>, vector<1x16xf32>,
      %swap3A_194 = arith.index_cast %scan3A_189 : i32 to index
      %swap3A_195 = arith.constant 16 : index
      %swap3A_196 = tpu.vector_load %arg8[%swap3A_194, %swap3A_195] {strides = array<i32>} : memref<48x128xf32, #tpu.memory_space<vmem>>, vector<1x16xf32>,
      %swap3A_197 = vector.shape_cast %swap3A_196 : vector<1x16xf32> to vector<16xf32>
      %swap3A_198 = vector.shape_cast %broadcast_in_dim3A_12 : vector<16xf32> to vector<1x16xf32>
      tpu.vector_store %arg8[%swap3A_194, %swap3A_195], %swap3A_198 {strides = array<i32>} : memref<48x128xf32, #tpu.memory_space<vmem>>, vector<1x16xf32>,
      %swap3A_199 = arith.index_cast %scan3A_189 : i32 to index
      %swap3A_200 = arith.constant 32 : index
      %swap3A_201 = tpu.vector_load %arg8[%swap3A_199, %swap3A_200] {strides = array<i32>} : memref<48x128xf32, #tpu.memory_space<vmem>>, vector<1x16xf32>,
      %swap3A_202 = vector.shape_cast %swap3A_201 : vector<1x16xf32> to vector<16xf32>
      %swap3A_203 = vector.shape_cast %broadcast_in_dim3A_12 : vector<16xf32> to vector<1x16xf32>
      tpu.vector_store %arg8[%swap3A_199, %swap3A_200], %swap3A_203 {strides = array<i32>} : memref<48x128xf32, #tpu.memory_space<vmem>>, vector<1x16xf32>,
      %swap3A_204 = arith.index_cast %scan3A_189 : i32 to index
      %swap3A_205 = arith.constant 48 : index
      %swap3A_206 = tpu.vector_load %arg8[%swap3A_204, %swap3A_205] {strides = array<i32>} : memref<48x128xf32, #tpu.memory_space<vmem>>, vector<1x16xf32>,
      %swap3A_207 = vector.shape_cast %swap3A_206 : vector<1x16xf32> to vector<16xf32>
      %swap3A_208 = vector.shape_cast %broadcast_in_dim3A_12 : vector<16xf32> to vector<1x16xf32>
      tpu.vector_store %arg8[%swap3A_204, %swap3A_205], %swap3A_208 {strides = array<i32>} : memref<48x128xf32, #tpu.memory_space<vmem>>, vector<1x16xf32>,
      %swap3A_209 = arith.index_cast %scan3A_189 : i32 to index
      %swap3A_210 = arith.constant 64 : index
      %swap3A_211 = tpu.vector_load %arg8[%swap3A_209, %swap3A_210] {strides = array<i32>} : memref<48x128xf32, #tpu.memory_space<vmem>>, vector<1x16xf32>,
      %swap3A_212 = vector.shape_cast %swap3A_211 : vector<1x16xf32> to vector<16xf32>
      %swap3A_213 = vector.shape_cast %broadcast_in_dim3A_12 : vector<16xf32> to vector<1x16xf32>
      tpu.vector_store %arg8[%swap3A_209, %swap3A_210], %swap3A_213 {strides = array<i32>} : memref<48x128xf32, #tpu.memory_space<vmem>>, vector<1x16xf32>,
      %swap3A_214 = arith.index_cast %scan3A_189 : i32 to index
      %swap3A_215 = arith.constant 80 : index
      %swap3A_216 = tpu.vector_load %arg8[%swap3A_214, %swap3A_215] {strides = array<i32>} : memref<48x128xf32, #tpu.memory_space<vmem>>, vector<1x16xf32>,
      %swap3A_217 = vector.shape_cast %swap3A_216 : vector<1x16xf32> to vector<16xf32>
      %swap3A_218 = vector.shape_cast %broadcast_in_dim3A_12 : vector<16xf32> to vector<1x16xf32>
      tpu.vector_store %arg8[%swap3A_214, %swap3A_215], %swap3A_218 {strides = array<i32>} : memref<48x128xf32, #tpu.memory_space<vmem>>, vector<1x16xf32>,
      %swap3A_219 = arith.index_cast %scan3A_189 : i32 to index
      %swap3A_220 = arith.constant 96 : index
      %swap3A_221 = tpu.vector_load %arg8[%swap3A_219, %swap3A_220] {strides = array<i32>} : memref<48x128xf32, #tpu.memory_space<vmem>>, vector<1x16xf32>,
      %swap3A_222 = vector.shape_cast %swap3A_221 : vector<1x16xf32> to vector<16xf32>
      %swap3A_223 = vector.shape_cast %broadcast_in_dim3A_12 : vector<16xf32> to vector<1x16xf32>
      tpu.vector_store %arg8[%swap3A_219, %swap3A_220], %swap3A_223 {strides = array<i32>} : memref<48x128xf32, #tpu.memory_space<vmem>>, vector<1x16xf32>,
      %swap3A_224 = arith.index_cast %scan3A_189 : i32 to index
      %swap3A_225 = arith.constant 112 : index
      %swap3A_226 = tpu.vector_load %arg8[%swap3A_224, %swap3A_225] {strides = array<i32>} : memref<48x128xf32, #tpu.memory_space<vmem>>, vector<1x16xf32>,
      %swap3A_227 = vector.shape_cast %swap3A_226 : vector<1x16xf32> to vector<16xf32>
      %swap3A_228 = vector.shape_cast %broadcast_in_dim3A_12 : vector<16xf32> to vector<1x16xf32>
      tpu.vector_store %arg8[%swap3A_224, %swap3A_225], %swap3A_228 {strides = array<i32>} : memref<48x128xf32, #tpu.memory_space<vmem>>, vector<1x16xf32>,
    }
    %scan3A_17 = arith.constant 40 : i32
    %mul3A_18 = arith.constant 640 : i32
    %mul3A_19 = arith.muli %arg1, %mul3A_18 : i32
    %add3A_20 = arith.constant 0 : i32
    %add3A_21 = arith.addi %mul3A_19, %add3A_20 : i32
    "tpu.region"() ({
      %run_scoped3A = tpu.sem_alloc : memref<!tpu.dma_semaphore, #tpu.memory_space<semaphore_mem>>
      %dma_start3A_189 = arith.constant 0 : i32
      %dma_start3A_190 = arith.constant 0 : i32
      %dma_start3A_191 = tpu.memref_slice %arg8[%dma_start3A_189, %dma_start3A_190] : memref<48x128xf32, #tpu.memory_space<vmem>> -> memref<40x128xf32, #tpu.memory_space<vmem>>
      %dma_start3A_192 = arith.constant 0 : i32
      %dma_start3A_193 = tpu.memref_slice %arg12[%add3A_21, %dma_start3A_192] : memref<10240x128xf32, #tpu.memory_space<vmem_shared>> -> memref<40x128xf32, #tpu.memory_space<vmem_shared>>
      %dma_start3A_194 = arith.constant 0 : i32
      %dma_start3A_195 = tpu.memref_slice %arg12[%add3A_21, %dma_start3A_194] : memref<10240x128xf32, #tpu.memory_space<vmem_shared>> -> memref<40x128xf32, #tpu.memory_space<vmem_shared>>
      %dma_start3A_196 = arith.constant 0 : i32
      %dma_start3A_197 = arith.constant 0 : i32
      %dma_start3A_198 = tpu.memref_slice %arg8[%dma_start3A_196, %dma_start3A_197] : memref<48x128xf32, #tpu.memory_space<vmem>> -> memref<40x128xf32, #tpu.memory_space<vmem>>
      tpu.enqueue_dma source(%dma_start3A_198 : memref<40x128xf32, #tpu.memory_space<vmem>>) target(%dma_start3A_195 : memref<40x128xf32, #tpu.memory_space<vmem_shared>>) target_semaphore(%run_scoped3A : memref<!tpu.dma_semaphore, #tpu.memory_space<semaphore_mem>>)
      %dma_wait3A_199 = arith.constant 0 : i32
      %dma_wait3A_200 = arith.constant 0 : i32
      %dma_wait3A_201 = tpu.memref_slice %arg8[%dma_wait3A_199, %dma_wait3A_200] : memref<48x128xf32, #tpu.memory_space<vmem>> -> memref<40x128xf32, #tpu.memory_space<vmem>>
      %dma_wait3A_202 = arith.constant 0 : i32
      %dma_wait3A_203 = tpu.memref_slice %arg12[%add3A_21, %dma_wait3A_202] : memref<10240x128xf32, #tpu.memory_space<vmem_shared>> -> memref<40x128xf32, #tpu.memory_space<vmem_shared>>
      %dma_wait3A_204 = arith.constant 0 : i32
      %dma_wait3A_205 = tpu.memref_slice %arg12[%add3A_21, %dma_wait3A_204] : memref<10240x128xf32, #tpu.memory_space<vmem_shared>> -> memref<40x128xf32, #tpu.memory_space<vmem_shared>>
      %dma_wait3A_206 = arith.constant 0 : i32
      %dma_wait3A_207 = arith.constant 0 : i32
      %dma_wait3A_208 = tpu.memref_slice %arg8[%dma_wait3A_206, %dma_wait3A_207] : memref<48x128xf32, #tpu.memory_space<vmem>> -> memref<40x128xf32, #tpu.memory_space<vmem>>
      tpu.wait_dma2 semaphore(%run_scoped3A : memref<!tpu.dma_semaphore, #tpu.memory_space<semaphore_mem>>) src(%dma_wait3A_208 : memref<40x128xf32, #tpu.memory_space<vmem>>) dst(%dma_wait3A_205 : memref<40x128xf32, #tpu.memory_space<vmem_shared>>)
      tpu.yield
    }) : () -> ()
    %add3A_22 = arith.constant 40 : i32
    %add3A_23 = arith.addi %mul3A_19, %add3A_22 : i32
    "tpu.region"() ({
      %run_scoped3A = tpu.sem_alloc : memref<!tpu.dma_semaphore, #tpu.memory_space<semaphore_mem>>
      %dma_start3A_189 = arith.constant 0 : i32
      %dma_start3A_190 = arith.constant 0 : i32
      %dma_start3A_191 = tpu.memref_slice %arg8[%dma_start3A_189, %dma_start3A_190] : memref<48x128xf32, #tpu.memory_space<vmem>> -> memref<40x128xf32, #tpu.memory_space<vmem>>
      %dma_start3A_192 = arith.constant 0 : i32
      %dma_start3A_193 = tpu.memref_slice %arg12[%add3A_23, %dma_start3A_192] : memref<10240x128xf32, #tpu.memory_space<vmem_shared>> -> memref<40x128xf32, #tpu.memory_space<vmem_shared>>
      %dma_start3A_194 = arith.constant 0 : i32
      %dma_start3A_195 = tpu.memref_slice %arg12[%add3A_23, %dma_start3A_194] : memref<10240x128xf32, #tpu.memory_space<vmem_shared>> -> memref<40x128xf32, #tpu.memory_space<vmem_shared>>
      %dma_start3A_196 = arith.constant 0 : i32
      %dma_start3A_197 = arith.constant 0 : i32
      %dma_start3A_198 = tpu.memref_slice %arg8[%dma_start3A_196, %dma_start3A_197] : memref<48x128xf32, #tpu.memory_space<vmem>> -> memref<40x128xf32, #tpu.memory_space<vmem>>
      tpu.enqueue_dma source(%dma_start3A_198 : memref<40x128xf32, #tpu.memory_space<vmem>>) target(%dma_start3A_195 : memref<40x128xf32, #tpu.memory_space<vmem_shared>>) target_semaphore(%run_scoped3A : memref<!tpu.dma_semaphore, #tpu.memory_space<semaphore_mem>>)
      %dma_wait3A_199 = arith.constant 0 : i32
      %dma_wait3A_200 = arith.constant 0 : i32
      %dma_wait3A_201 = tpu.memref_slice %arg8[%dma_wait3A_199, %dma_wait3A_200] : memref<48x128xf32, #tpu.memory_space<vmem>> -> memref<40x128xf32, #tpu.memory_space<vmem>>
      %dma_wait3A_202 = arith.constant 0 : i32
      %dma_wait3A_203 = tpu.memref_slice %arg12[%add3A_23, %dma_wait3A_202] : memref<10240x128xf32, #tpu.memory_space<vmem_shared>> -> memref<40x128xf32, #tpu.memory_space<vmem_shared>>
      %dma_wait3A_204 = arith.constant 0 : i32
      %dma_wait3A_205 = tpu.memref_slice %arg12[%add3A_23, %dma_wait3A_204] : memref<10240x128xf32, #tpu.memory_space<vmem_shared>> -> memref<40x128xf32, #tpu.memory_space<vmem_shared>>
      %dma_wait3A_206 = arith.constant 0 : i32
      %dma_wait3A_207 = arith.constant 0 : i32
      %dma_wait3A_208 = tpu.memref_slice %arg8[%dma_wait3A_206, %dma_wait3A_207] : memref<48x128xf32, #tpu.memory_space<vmem>> -> memref<40x128xf32, #tpu.memory_space<vmem>>
      tpu.wait_dma2 semaphore(%run_scoped3A : memref<!tpu.dma_semaphore, #tpu.memory_space<semaphore_mem>>) src(%dma_wait3A_208 : memref<40x128xf32, #tpu.memory_space<vmem>>) dst(%dma_wait3A_205 : memref<40x128xf32, #tpu.memory_space<vmem_shared>>)
      tpu.yield
    }) : () -> ()
    %add3A_24 = arith.constant 80 : i32
    %add3A_25 = arith.addi %mul3A_19, %add3A_24 : i32
    "tpu.region"() ({
      %run_scoped3A = tpu.sem_alloc : memref<!tpu.dma_semaphore, #tpu.memory_space<semaphore_mem>>
      %dma_start3A_189 = arith.constant 0 : i32
      %dma_start3A_190 = arith.constant 0 : i32
      %dma_start3A_191 = tpu.memref_slice %arg8[%dma_start3A_189, %dma_start3A_190] : memref<48x128xf32, #tpu.memory_space<vmem>> -> memref<40x128xf32, #tpu.memory_space<vmem>>
      %dma_start3A_192 = arith.constant 0 : i32
      %dma_start3A_193 = tpu.memref_slice %arg12[%add3A_25, %dma_start3A_192] : memref<10240x128xf32, #tpu.memory_space<vmem_shared>> -> memref<40x128xf32, #tpu.memory_space<vmem_shared>>
      %dma_start3A_194 = arith.constant 0 : i32
      %dma_start3A_195 = tpu.memref_slice %arg12[%add3A_25, %dma_start3A_194] : memref<10240x128xf32, #tpu.memory_space<vmem_shared>> -> memref<40x128xf32, #tpu.memory_space<vmem_shared>>
      %dma_start3A_196 = arith.constant 0 : i32
      %dma_start3A_197 = arith.constant 0 : i32
      %dma_start3A_198 = tpu.memref_slice %arg8[%dma_start3A_196, %dma_start3A_197] : memref<48x128xf32, #tpu.memory_space<vmem>> -> memref<40x128xf32, #tpu.memory_space<vmem>>
      tpu.enqueue_dma source(%dma_start3A_198 : memref<40x128xf32, #tpu.memory_space<vmem>>) target(%dma_start3A_195 : memref<40x128xf32, #tpu.memory_space<vmem_shared>>) target_semaphore(%run_scoped3A : memref<!tpu.dma_semaphore, #tpu.memory_space<semaphore_mem>>)
      %dma_wait3A_199 = arith.constant 0 : i32
      %dma_wait3A_200 = arith.constant 0 : i32
      %dma_wait3A_201 = tpu.memref_slice %arg8[%dma_wait3A_199, %dma_wait3A_200] : memref<48x128xf32, #tpu.memory_space<vmem>> -> memref<40x128xf32, #tpu.memory_space<vmem>>
      %dma_wait3A_202 = arith.constant 0 : i32
      %dma_wait3A_203 = tpu.memref_slice %arg12[%add3A_25, %dma_wait3A_202] : memref<10240x128xf32, #tpu.memory_space<vmem_shared>> -> memref<40x128xf32, #tpu.memory_space<vmem_shared>>
      %dma_wait3A_204 = arith.constant 0 : i32
      %dma_wait3A_205 = tpu.memref_slice %arg12[%add3A_25, %dma_wait3A_204] : memref<10240x128xf32, #tpu.memory_space<vmem_shared>> -> memref<40x128xf32, #tpu.memory_space<vmem_shared>>
      %dma_wait3A_206 = arith.constant 0 : i32
      %dma_wait3A_207 = arith.constant 0 : i32
      %dma_wait3A_208 = tpu.memref_slice %arg8[%dma_wait3A_206, %dma_wait3A_207] : memref<48x128xf32, #tpu.memory_space<vmem>> -> memref<40x128xf32, #tpu.memory_space<vmem>>
      tpu.wait_dma2 semaphore(%run_scoped3A : memref<!tpu.dma_semaphore, #tpu.memory_space<semaphore_mem>>) src(%dma_wait3A_208 : memref<40x128xf32, #tpu.memory_space<vmem>>) dst(%dma_wait3A_205 : memref<40x128xf32, #tpu.memory_space<vmem_shared>>)
      tpu.yield
    }) : () -> ()
    %add3A_26 = arith.constant 120 : i32
    %add3A_27 = arith.addi %mul3A_19, %add3A_26 : i32
    "tpu.region"() ({
      %run_scoped3A = tpu.sem_alloc : memref<!tpu.dma_semaphore, #tpu.memory_space<semaphore_mem>>
      %dma_start3A_189 = arith.constant 0 : i32
      %dma_start3A_190 = arith.constant 0 : i32
      %dma_start3A_191 = tpu.memref_slice %arg8[%dma_start3A_189, %dma_start3A_190] : memref<48x128xf32, #tpu.memory_space<vmem>> -> memref<40x128xf32, #tpu.memory_space<vmem>>
      %dma_start3A_192 = arith.constant 0 : i32
      %dma_start3A_193 = tpu.memref_slice %arg12[%add3A_27, %dma_start3A_192] : memref<10240x128xf32, #tpu.memory_space<vmem_shared>> -> memref<40x128xf32, #tpu.memory_space<vmem_shared>>
      %dma_start3A_194 = arith.constant 0 : i32
      %dma_start3A_195 = tpu.memref_slice %arg12[%add3A_27, %dma_start3A_194] : memref<10240x128xf32, #tpu.memory_space<vmem_shared>> -> memref<40x128xf32, #tpu.memory_space<vmem_shared>>
      %dma_start3A_196 = arith.constant 0 : i32
      %dma_start3A_197 = arith.constant 0 : i32
      %dma_start3A_198 = tpu.memref_slice %arg8[%dma_start3A_196, %dma_start3A_197] : memref<48x128xf32, #tpu.memory_space<vmem>> -> memref<40x128xf32, #tpu.memory_space<vmem>>
      tpu.enqueue_dma source(%dma_start3A_198 : memref<40x128xf32, #tpu.memory_space<vmem>>) target(%dma_start3A_195 : memref<40x128xf32, #tpu.memory_space<vmem_shared>>) target_semaphore(%run_scoped3A : memref<!tpu.dma_semaphore, #tpu.memory_space<semaphore_mem>>)
      %dma_wait3A_199 = arith.constant 0 : i32
      %dma_wait3A_200 = arith.constant 0 : i32
      %dma_wait3A_201 = tpu.memref_slice %arg8[%dma_wait3A_199, %dma_wait3A_200] : memref<48x128xf32, #tpu.memory_space<vmem>> -> memref<40x128xf32, #tpu.memory_space<vmem>>
      %dma_wait3A_202 = arith.constant 0 : i32
      %dma_wait3A_203 = tpu.memref_slice %arg12[%add3A_27, %dma_wait3A_202] : memref<10240x128xf32, #tpu.memory_space<vmem_shared>> -> memref<40x128xf32, #tpu.memory_space<vmem_shared>>
      %dma_wait3A_204 = arith.constant 0 : i32
      %dma_wait3A_205 = tpu.memref_slice %arg12[%add3A_27, %dma_wait3A_204] : memref<10240x128xf32, #tpu.memory_space<vmem_shared>> -> memref<40x128xf32, #tpu.memory_space<vmem_shared>>
      %dma_wait3A_206 = arith.constant 0 : i32
      %dma_wait3A_207 = arith.constant 0 : i32
      %dma_wait3A_208 = tpu.memref_slice %arg8[%dma_wait3A_206, %dma_wait3A_207] : memref<48x128xf32, #tpu.memory_space<vmem>> -> memref<40x128xf32, #tpu.memory_space<vmem>>
      tpu.wait_dma2 semaphore(%run_scoped3A : memref<!tpu.dma_semaphore, #tpu.memory_space<semaphore_mem>>) src(%dma_wait3A_208 : memref<40x128xf32, #tpu.memory_space<vmem>>) dst(%dma_wait3A_205 : memref<40x128xf32, #tpu.memory_space<vmem_shared>>)
      tpu.yield
    }) : () -> ()
    %add3A_28 = arith.constant 160 : i32
    %add3A_29 = arith.addi %mul3A_19, %add3A_28 : i32
    "tpu.region"() ({
      %run_scoped3A = tpu.sem_alloc : memref<!tpu.dma_semaphore, #tpu.memory_space<semaphore_mem>>
      %dma_start3A_189 = arith.constant 0 : i32
      %dma_start3A_190 = arith.constant 0 : i32
      %dma_start3A_191 = tpu.memref_slice %arg8[%dma_start3A_189, %dma_start3A_190] : memref<48x128xf32, #tpu.memory_space<vmem>> -> memref<40x128xf32, #tpu.memory_space<vmem>>
      %dma_start3A_192 = arith.constant 0 : i32
      %dma_start3A_193 = tpu.memref_slice %arg12[%add3A_29, %dma_start3A_192] : memref<10240x128xf32, #tpu.memory_space<vmem_shared>> -> memref<40x128xf32, #tpu.memory_space<vmem_shared>>
      %dma_start3A_194 = arith.constant 0 : i32
      %dma_start3A_195 = tpu.memref_slice %arg12[%add3A_29, %dma_start3A_194] : memref<10240x128xf32, #tpu.memory_space<vmem_shared>> -> memref<40x128xf32, #tpu.memory_space<vmem_shared>>
      %dma_start3A_196 = arith.constant 0 : i32
      %dma_start3A_197 = arith.constant 0 : i32
      %dma_start3A_198 = tpu.memref_slice %arg8[%dma_start3A_196, %dma_start3A_197] : memref<48x128xf32, #tpu.memory_space<vmem>> -> memref<40x128xf32, #tpu.memory_space<vmem>>
      tpu.enqueue_dma source(%dma_start3A_198 : memref<40x128xf32, #tpu.memory_space<vmem>>) target(%dma_start3A_195 : memref<40x128xf32, #tpu.memory_space<vmem_shared>>) target_semaphore(%run_scoped3A : memref<!tpu.dma_semaphore, #tpu.memory_space<semaphore_mem>>)
      %dma_wait3A_199 = arith.constant 0 : i32
      %dma_wait3A_200 = arith.constant 0 : i32
      %dma_wait3A_201 = tpu.memref_slice %arg8[%dma_wait3A_199, %dma_wait3A_200] : memref<48x128xf32, #tpu.memory_space<vmem>> -> memref<40x128xf32, #tpu.memory_space<vmem>>
      %dma_wait3A_202 = arith.constant 0 : i32
      %dma_wait3A_203 = tpu.memref_slice %arg12[%add3A_29, %dma_wait3A_202] : memref<10240x128xf32, #tpu.memory_space<vmem_shared>> -> memref<40x128xf32, #tpu.memory_space<vmem_shared>>
      %dma_wait3A_204 = arith.constant 0 : i32
      %dma_wait3A_205 = tpu.memref_slice %arg12[%add3A_29, %dma_wait3A_204] : memref<10240x128xf32, #tpu.memory_space<vmem_shared>> -> memref<40x128xf32, #tpu.memory_space<vmem_shared>>
      %dma_wait3A_206 = arith.constant 0 : i32
      %dma_wait3A_207 = arith.constant 0 : i32
      %dma_wait3A_208 = tpu.memref_slice %arg8[%dma_wait3A_206, %dma_wait3A_207] : memref<48x128xf32, #tpu.memory_space<vmem>> -> memref<40x128xf32, #tpu.memory_space<vmem>>
      tpu.wait_dma2 semaphore(%run_scoped3A : memref<!tpu.dma_semaphore, #tpu.memory_space<semaphore_mem>>) src(%dma_wait3A_208 : memref<40x128xf32, #tpu.memory_space<vmem>>) dst(%dma_wait3A_205 : memref<40x128xf32, #tpu.memory_space<vmem_shared>>)
      tpu.yield
    }) : () -> ()
    %add3A_30 = arith.constant 200 : i32
    %add3A_31 = arith.addi %mul3A_19, %add3A_30 : i32
    "tpu.region"() ({
      %run_scoped3A = tpu.sem_alloc : memref<!tpu.dma_semaphore, #tpu.memory_space<semaphore_mem>>
      %dma_start3A_189 = arith.constant 0 : i32
      %dma_start3A_190 = arith.constant 0 : i32
      %dma_start3A_191 = tpu.memref_slice %arg8[%dma_start3A_189, %dma_start3A_190] : memref<48x128xf32, #tpu.memory_space<vmem>> -> memref<40x128xf32, #tpu.memory_space<vmem>>
      %dma_start3A_192 = arith.constant 0 : i32
      %dma_start3A_193 = tpu.memref_slice %arg12[%add3A_31, %dma_start3A_192] : memref<10240x128xf32, #tpu.memory_space<vmem_shared>> -> memref<40x128xf32, #tpu.memory_space<vmem_shared>>
      %dma_start3A_194 = arith.constant 0 : i32
      %dma_start3A_195 = tpu.memref_slice %arg12[%add3A_31, %dma_start3A_194] : memref<10240x128xf32, #tpu.memory_space<vmem_shared>> -> memref<40x128xf32, #tpu.memory_space<vmem_shared>>
      %dma_start3A_196 = arith.constant 0 : i32
      %dma_start3A_197 = arith.constant 0 : i32
      %dma_start3A_198 = tpu.memref_slice %arg8[%dma_start3A_196, %dma_start3A_197] : memref<48x128xf32, #tpu.memory_space<vmem>> -> memref<40x128xf32, #tpu.memory_space<vmem>>
      tpu.enqueue_dma source(%dma_start3A_198 : memref<40x128xf32, #tpu.memory_space<vmem>>) target(%dma_start3A_195 : memref<40x128xf32, #tpu.memory_space<vmem_shared>>) target_semaphore(%run_scoped3A : memref<!tpu.dma_semaphore, #tpu.memory_space<semaphore_mem>>)
      %dma_wait3A_199 = arith.constant 0 : i32
      %dma_wait3A_200 = arith.constant 0 : i32
      %dma_wait3A_201 = tpu.memref_slice %arg8[%dma_wait3A_199, %dma_wait3A_200] : memref<48x128xf32, #tpu.memory_space<vmem>> -> memref<40x128xf32, #tpu.memory_space<vmem>>
      %dma_wait3A_202 = arith.constant 0 : i32
      %dma_wait3A_203 = tpu.memref_slice %arg12[%add3A_31, %dma_wait3A_202] : memref<10240x128xf32, #tpu.memory_space<vmem_shared>> -> memref<40x128xf32, #tpu.memory_space<vmem_shared>>
      %dma_wait3A_204 = arith.constant 0 : i32
      %dma_wait3A_205 = tpu.memref_slice %arg12[%add3A_31, %dma_wait3A_204] : memref<10240x128xf32, #tpu.memory_space<vmem_shared>> -> memref<40x128xf32, #tpu.memory_space<vmem_shared>>
      %dma_wait3A_206 = arith.constant 0 : i32
      %dma_wait3A_207 = arith.constant 0 : i32
      %dma_wait3A_208 = tpu.memref_slice %arg8[%dma_wait3A_206, %dma_wait3A_207] : memref<48x128xf32, #tpu.memory_space<vmem>> -> memref<40x128xf32, #tpu.memory_space<vmem>>
      tpu.wait_dma2 semaphore(%run_scoped3A : memref<!tpu.dma_semaphore, #tpu.memory_space<semaphore_mem>>) src(%dma_wait3A_208 : memref<40x128xf32, #tpu.memory_space<vmem>>) dst(%dma_wait3A_205 : memref<40x128xf32, #tpu.memory_space<vmem_shared>>)
      tpu.yield
    }) : () -> ()
    %add3A_32 = arith.constant 240 : i32
    %add3A_33 = arith.addi %mul3A_19, %add3A_32 : i32
    "tpu.region"() ({
      %run_scoped3A = tpu.sem_alloc : memref<!tpu.dma_semaphore, #tpu.memory_space<semaphore_mem>>
      %dma_start3A_189 = arith.constant 0 : i32
      %dma_start3A_190 = arith.constant 0 : i32
      %dma_start3A_191 = tpu.memref_slice %arg8[%dma_start3A_189, %dma_start3A_190] : memref<48x128xf32, #tpu.memory_space<vmem>> -> memref<40x128xf32, #tpu.memory_space<vmem>>
      %dma_start3A_192 = arith.constant 0 : i32
      %dma_start3A_193 = tpu.memref_slice %arg12[%add3A_33, %dma_start3A_192] : memref<10240x128xf32, #tpu.memory_space<vmem_shared>> -> memref<40x128xf32, #tpu.memory_space<vmem_shared>>
      %dma_start3A_194 = arith.constant 0 : i32
      %dma_start3A_195 = tpu.memref_slice %arg12[%add3A_33, %dma_start3A_194] : memref<10240x128xf32, #tpu.memory_space<vmem_shared>> -> memref<40x128xf32, #tpu.memory_space<vmem_shared>>
      %dma_start3A_196 = arith.constant 0 : i32
      %dma_start3A_197 = arith.constant 0 : i32
      %dma_start3A_198 = tpu.memref_slice %arg8[%dma_start3A_196, %dma_start3A_197] : memref<48x128xf32, #tpu.memory_space<vmem>> -> memref<40x128xf32, #tpu.memory_space<vmem>>
      tpu.enqueue_dma source(%dma_start3A_198 : memref<40x128xf32, #tpu.memory_space<vmem>>) target(%dma_start3A_195 : memref<40x128xf32, #tpu.memory_space<vmem_shared>>) target_semaphore(%run_scoped3A : memref<!tpu.dma_semaphore, #tpu.memory_space<semaphore_mem>>)
      %dma_wait3A_199 = arith.constant 0 : i32
      %dma_wait3A_200 = arith.constant 0 : i32
      %dma_wait3A_201 = tpu.memref_slice %arg8[%dma_wait3A_199, %dma_wait3A_200] : memref<48x128xf32, #tpu.memory_space<vmem>> -> memref<40x128xf32, #tpu.memory_space<vmem>>
      %dma_wait3A_202 = arith.constant 0 : i32
      %dma_wait3A_203 = tpu.memref_slice %arg12[%add3A_33, %dma_wait3A_202] : memref<10240x128xf32, #tpu.memory_space<vmem_shared>> -> memref<40x128xf32, #tpu.memory_space<vmem_shared>>
      %dma_wait3A_204 = arith.constant 0 : i32
      %dma_wait3A_205 = tpu.memref_slice %arg12[%add3A_33, %dma_wait3A_204] : memref<10240x128xf32, #tpu.memory_space<vmem_shared>> -> memref<40x128xf32, #tpu.memory_space<vmem_shared>>
      %dma_wait3A_206 = arith.constant 0 : i32
      %dma_wait3A_207 = arith.constant 0 : i32
      %dma_wait3A_208 = tpu.memref_slice %arg8[%dma_wait3A_206, %dma_wait3A_207] : memref<48x128xf32, #tpu.memory_space<vmem>> -> memref<40x128xf32, #tpu.memory_space<vmem>>
      tpu.wait_dma2 semaphore(%run_scoped3A : memref<!tpu.dma_semaphore, #tpu.memory_space<semaphore_mem>>) src(%dma_wait3A_208 : memref<40x128xf32, #tpu.memory_space<vmem>>) dst(%dma_wait3A_205 : memref<40x128xf32, #tpu.memory_space<vmem_shared>>)
      tpu.yield
    }) : () -> ()
    %add3A_34 = arith.constant 280 : i32
    %add3A_35 = arith.addi %mul3A_19, %add3A_34 : i32
    "tpu.region"() ({
      %run_scoped3A = tpu.sem_alloc : memref<!tpu.dma_semaphore, #tpu.memory_space<semaphore_mem>>
      %dma_start3A_189 = arith.constant 0 : i32
      %dma_start3A_190 = arith.constant 0 : i32
      %dma_start3A_191 = tpu.memref_slice %arg8[%dma_start3A_189, %dma_start3A_190] : memref<48x128xf32, #tpu.memory_space<vmem>> -> memref<40x128xf32, #tpu.memory_space<vmem>>
      %dma_start3A_192 = arith.constant 0 : i32
      %dma_start3A_193 = tpu.memref_slice %arg12[%add3A_35, %dma_start3A_192] : memref<10240x128xf32, #tpu.memory_space<vmem_shared>> -> memref<40x128xf32, #tpu.memory_space<vmem_shared>>
      %dma_start3A_194 = arith.constant 0 : i32
      %dma_start3A_195 = tpu.memref_slice %arg12[%add3A_35, %dma_start3A_194] : memref<10240x128xf32, #tpu.memory_space<vmem_shared>> -> memref<40x128xf32, #tpu.memory_space<vmem_shared>>
      %dma_start3A_196 = arith.constant 0 : i32
      %dma_start3A_197 = arith.constant 0 : i32
      %dma_start3A_198 = tpu.memref_slice %arg8[%dma_start3A_196, %dma_start3A_197] : memref<48x128xf32, #tpu.memory_space<vmem>> -> memref<40x128xf32, #tpu.memory_space<vmem>>
      tpu.enqueue_dma source(%dma_start3A_198 : memref<40x128xf32, #tpu.memory_space<vmem>>) target(%dma_start3A_195 : memref<40x128xf32, #tpu.memory_space<vmem_shared>>) target_semaphore(%run_scoped3A : memref<!tpu.dma_semaphore, #tpu.memory_space<semaphore_mem>>)
      %dma_wait3A_199 = arith.constant 0 : i32
      %dma_wait3A_200 = arith.constant 0 : i32
      %dma_wait3A_201 = tpu.memref_slice %arg8[%dma_wait3A_199, %dma_wait3A_200] : memref<48x128xf32, #tpu.memory_space<vmem>> -> memref<40x128xf32, #tpu.memory_space<vmem>>
      %dma_wait3A_202 = arith.constant 0 : i32
      %dma_wait3A_203 = tpu.memref_slice %arg12[%add3A_35, %dma_wait3A_202] : memref<10240x128xf32, #tpu.memory_space<vmem_shared>> -> memref<40x128xf32, #tpu.memory_space<vmem_shared>>
      %dma_wait3A_204 = arith.constant 0 : i32
      %dma_wait3A_205 = tpu.memref_slice %arg12[%add3A_35, %dma_wait3A_204] : memref<10240x128xf32, #tpu.memory_space<vmem_shared>> -> memref<40x128xf32, #tpu.memory_space<vmem_shared>>
      %dma_wait3A_206 = arith.constant 0 : i32
      %dma_wait3A_207 = arith.constant 0 : i32
      %dma_wait3A_208 = tpu.memref_slice %arg8[%dma_wait3A_206, %dma_wait3A_207] : memref<48x128xf32, #tpu.memory_space<vmem>> -> memref<40x128xf32, #tpu.memory_space<vmem>>
      tpu.wait_dma2 semaphore(%run_scoped3A : memref<!tpu.dma_semaphore, #tpu.memory_space<semaphore_mem>>) src(%dma_wait3A_208 : memref<40x128xf32, #tpu.memory_space<vmem>>) dst(%dma_wait3A_205 : memref<40x128xf32, #tpu.memory_space<vmem_shared>>)
      tpu.yield
    }) : () -> ()
    %add3A_36 = arith.constant 320 : i32
    %add3A_37 = arith.addi %mul3A_19, %add3A_36 : i32
    "tpu.region"() ({
      %run_scoped3A = tpu.sem_alloc : memref<!tpu.dma_semaphore, #tpu.memory_space<semaphore_mem>>
      %dma_start3A_189 = arith.constant 0 : i32
      %dma_start3A_190 = arith.constant 0 : i32
      %dma_start3A_191 = tpu.memref_slice %arg8[%dma_start3A_189, %dma_start3A_190] : memref<48x128xf32, #tpu.memory_space<vmem>> -> memref<40x128xf32, #tpu.memory_space<vmem>>
      %dma_start3A_192 = arith.constant 0 : i32
      %dma_start3A_193 = tpu.memref_slice %arg12[%add3A_37, %dma_start3A_192] : memref<10240x128xf32, #tpu.memory_space<vmem_shared>> -> memref<40x128xf32, #tpu.memory_space<vmem_shared>>
      %dma_start3A_194 = arith.constant 0 : i32
      %dma_start3A_195 = tpu.memref_slice %arg12[%add3A_37, %dma_start3A_194] : memref<10240x128xf32, #tpu.memory_space<vmem_shared>> -> memref<40x128xf32, #tpu.memory_space<vmem_shared>>
      %dma_start3A_196 = arith.constant 0 : i32
      %dma_start3A_197 = arith.constant 0 : i32
      %dma_start3A_198 = tpu.memref_slice %arg8[%dma_start3A_196, %dma_start3A_197] : memref<48x128xf32, #tpu.memory_space<vmem>> -> memref<40x128xf32, #tpu.memory_space<vmem>>
      tpu.enqueue_dma source(%dma_start3A_198 : memref<40x128xf32, #tpu.memory_space<vmem>>) target(%dma_start3A_195 : memref<40x128xf32, #tpu.memory_space<vmem_shared>>) target_semaphore(%run_scoped3A : memref<!tpu.dma_semaphore, #tpu.memory_space<semaphore_mem>>)
      %dma_wait3A_199 = arith.constant 0 : i32
      %dma_wait3A_200 = arith.constant 0 : i32
      %dma_wait3A_201 = tpu.memref_slice %arg8[%dma_wait3A_199, %dma_wait3A_200] : memref<48x128xf32, #tpu.memory_space<vmem>> -> memref<40x128xf32, #tpu.memory_space<vmem>>
      %dma_wait3A_202 = arith.constant 0 : i32
      %dma_wait3A_203 = tpu.memref_slice %arg12[%add3A_37, %dma_wait3A_202] : memref<10240x128xf32, #tpu.memory_space<vmem_shared>> -> memref<40x128xf32, #tpu.memory_space<vmem_shared>>
      %dma_wait3A_204 = arith.constant 0 : i32
      %dma_wait3A_205 = tpu.memref_slice %arg12[%add3A_37, %dma_wait3A_204] : memref<10240x128xf32, #tpu.memory_space<vmem_shared>> -> memref<40x128xf32, #tpu.memory_space<vmem_shared>>
      %dma_wait3A_206 = arith.constant 0 : i32
      %dma_wait3A_207 = arith.constant 0 : i32
      %dma_wait3A_208 = tpu.memref_slice %arg8[%dma_wait3A_206, %dma_wait3A_207] : memref<48x128xf32, #tpu.memory_space<vmem>> -> memref<40x128xf32, #tpu.memory_space<vmem>>
      tpu.wait_dma2 semaphore(%run_scoped3A : memref<!tpu.dma_semaphore, #tpu.memory_space<semaphore_mem>>) src(%dma_wait3A_208 : memref<40x128xf32, #tpu.memory_space<vmem>>) dst(%dma_wait3A_205 : memref<40x128xf32, #tpu.memory_space<vmem_shared>>)
      tpu.yield
    }) : () -> ()
    %add3A_38 = arith.constant 360 : i32
    %add3A_39 = arith.addi %mul3A_19, %add3A_38 : i32
    "tpu.region"() ({
      %run_scoped3A = tpu.sem_alloc : memref<!tpu.dma_semaphore, #tpu.memory_space<semaphore_mem>>
      %dma_start3A_189 = arith.constant 0 : i32
      %dma_start3A_190 = arith.constant 0 : i32
      %dma_start3A_191 = tpu.memref_slice %arg8[%dma_start3A_189, %dma_start3A_190] : memref<48x128xf32, #tpu.memory_space<vmem>> -> memref<40x128xf32, #tpu.memory_space<vmem>>
      %dma_start3A_192 = arith.constant 0 : i32
      %dma_start3A_193 = tpu.memref_slice %arg12[%add3A_39, %dma_start3A_192] : memref<10240x128xf32, #tpu.memory_space<vmem_shared>> -> memref<40x128xf32, #tpu.memory_space<vmem_shared>>
      %dma_start3A_194 = arith.constant 0 : i32
      %dma_start3A_195 = tpu.memref_slice %arg12[%add3A_39, %dma_start3A_194] : memref<10240x128xf32, #tpu.memory_space<vmem_shared>> -> memref<40x128xf32, #tpu.memory_space<vmem_shared>>
      %dma_start3A_196 = arith.constant 0 : i32
      %dma_start3A_197 = arith.constant 0 : i32
      %dma_start3A_198 = tpu.memref_slice %arg8[%dma_start3A_196, %dma_start3A_197] : memref<48x128xf32, #tpu.memory_space<vmem>> -> memref<40x128xf32, #tpu.memory_space<vmem>>
      tpu.enqueue_dma source(%dma_start3A_198 : memref<40x128xf32, #tpu.memory_space<vmem>>) target(%dma_start3A_195 : memref<40x128xf32, #tpu.memory_space<vmem_shared>>) target_semaphore(%run_scoped3A : memref<!tpu.dma_semaphore, #tpu.memory_space<semaphore_mem>>)
      %dma_wait3A_199 = arith.constant 0 : i32
      %dma_wait3A_200 = arith.constant 0 : i32
      %dma_wait3A_201 = tpu.memref_slice %arg8[%dma_wait3A_199, %dma_wait3A_200] : memref<48x128xf32, #tpu.memory_space<vmem>> -> memref<40x128xf32, #tpu.memory_space<vmem>>
      %dma_wait3A_202 = arith.constant 0 : i32
      %dma_wait3A_203 = tpu.memref_slice %arg12[%add3A_39, %dma_wait3A_202] : memref<10240x128xf32, #tpu.memory_space<vmem_shared>> -> memref<40x128xf32, #tpu.memory_space<vmem_shared>>
      %dma_wait3A_204 = arith.constant 0 : i32
      %dma_wait3A_205 = tpu.memref_slice %arg12[%add3A_39, %dma_wait3A_204] : memref<10240x128xf32, #tpu.memory_space<vmem_shared>> -> memref<40x128xf32, #tpu.memory_space<vmem_shared>>
      %dma_wait3A_206 = arith.constant 0 : i32
      %dma_wait3A_207 = arith.constant 0 : i32
      %dma_wait3A_208 = tpu.memref_slice %arg8[%dma_wait3A_206, %dma_wait3A_207] : memref<48x128xf32, #tpu.memory_space<vmem>> -> memref<40x128xf32, #tpu.memory_space<vmem>>
      tpu.wait_dma2 semaphore(%run_scoped3A : memref<!tpu.dma_semaphore, #tpu.memory_space<semaphore_mem>>) src(%dma_wait3A_208 : memref<40x128xf32, #tpu.memory_space<vmem>>) dst(%dma_wait3A_205 : memref<40x128xf32, #tpu.memory_space<vmem_shared>>)
      tpu.yield
    }) : () -> ()
    %add3A_40 = arith.constant 400 : i32
    %add3A_41 = arith.addi %mul3A_19, %add3A_40 : i32
    "tpu.region"() ({
      %run_scoped3A = tpu.sem_alloc : memref<!tpu.dma_semaphore, #tpu.memory_space<semaphore_mem>>
      %dma_start3A_189 = arith.constant 0 : i32
      %dma_start3A_190 = arith.constant 0 : i32
      %dma_start3A_191 = tpu.memref_slice %arg8[%dma_start3A_189, %dma_start3A_190] : memref<48x128xf32, #tpu.memory_space<vmem>> -> memref<40x128xf32, #tpu.memory_space<vmem>>
      %dma_start3A_192 = arith.constant 0 : i32
      %dma_start3A_193 = tpu.memref_slice %arg12[%add3A_41, %dma_start3A_192] : memref<10240x128xf32, #tpu.memory_space<vmem_shared>> -> memref<40x128xf32, #tpu.memory_space<vmem_shared>>
      %dma_start3A_194 = arith.constant 0 : i32
      %dma_start3A_195 = tpu.memref_slice %arg12[%add3A_41, %dma_start3A_194] : memref<10240x128xf32, #tpu.memory_space<vmem_shared>> -> memref<40x128xf32, #tpu.memory_space<vmem_shared>>
      %dma_start3A_196 = arith.constant 0 : i32
      %dma_start3A_197 = arith.constant 0 : i32
      %dma_start3A_198 = tpu.memref_slice %arg8[%dma_start3A_196, %dma_start3A_197] : memref<48x128xf32, #tpu.memory_space<vmem>> -> memref<40x128xf32, #tpu.memory_space<vmem>>
      tpu.enqueue_dma source(%dma_start3A_198 : memref<40x128xf32, #tpu.memory_space<vmem>>) target(%dma_start3A_195 : memref<40x128xf32, #tpu.memory_space<vmem_shared>>) target_semaphore(%run_scoped3A : memref<!tpu.dma_semaphore, #tpu.memory_space<semaphore_mem>>)
      %dma_wait3A_199 = arith.constant 0 : i32
      %dma_wait3A_200 = arith.constant 0 : i32
      %dma_wait3A_201 = tpu.memref_slice %arg8[%dma_wait3A_199, %dma_wait3A_200] : memref<48x128xf32, #tpu.memory_space<vmem>> -> memref<40x128xf32, #tpu.memory_space<vmem>>
      %dma_wait3A_202 = arith.constant 0 : i32
      %dma_wait3A_203 = tpu.memref_slice %arg12[%add3A_41, %dma_wait3A_202] : memref<10240x128xf32, #tpu.memory_space<vmem_shared>> -> memref<40x128xf32, #tpu.memory_space<vmem_shared>>
      %dma_wait3A_204 = arith.constant 0 : i32
      %dma_wait3A_205 = tpu.memref_slice %arg12[%add3A_41, %dma_wait3A_204] : memref<10240x128xf32, #tpu.memory_space<vmem_shared>> -> memref<40x128xf32, #tpu.memory_space<vmem_shared>>
      %dma_wait3A_206 = arith.constant 0 : i32
      %dma_wait3A_207 = arith.constant 0 : i32
      %dma_wait3A_208 = tpu.memref_slice %arg8[%dma_wait3A_206, %dma_wait3A_207] : memref<48x128xf32, #tpu.memory_space<vmem>> -> memref<40x128xf32, #tpu.memory_space<vmem>>
      tpu.wait_dma2 semaphore(%run_scoped3A : memref<!tpu.dma_semaphore, #tpu.memory_space<semaphore_mem>>) src(%dma_wait3A_208 : memref<40x128xf32, #tpu.memory_space<vmem>>) dst(%dma_wait3A_205 : memref<40x128xf32, #tpu.memory_space<vmem_shared>>)
      tpu.yield
    }) : () -> ()
    %add3A_42 = arith.constant 440 : i32
    %add3A_43 = arith.addi %mul3A_19, %add3A_42 : i32
    "tpu.region"() ({
      %run_scoped3A = tpu.sem_alloc : memref<!tpu.dma_semaphore, #tpu.memory_space<semaphore_mem>>
      %dma_start3A_189 = arith.constant 0 : i32
      %dma_start3A_190 = arith.constant 0 : i32
      %dma_start3A_191 = tpu.memref_slice %arg8[%dma_start3A_189, %dma_start3A_190] : memref<48x128xf32, #tpu.memory_space<vmem>> -> memref<40x128xf32, #tpu.memory_space<vmem>>
      %dma_start3A_192 = arith.constant 0 : i32
      %dma_start3A_193 = tpu.memref_slice %arg12[%add3A_43, %dma_start3A_192] : memref<10240x128xf32, #tpu.memory_space<vmem_shared>> -> memref<40x128xf32, #tpu.memory_space<vmem_shared>>
      %dma_start3A_194 = arith.constant 0 : i32
      %dma_start3A_195 = tpu.memref_slice %arg12[%add3A_43, %dma_start3A_194] : memref<10240x128xf32, #tpu.memory_space<vmem_shared>> -> memref<40x128xf32, #tpu.memory_space<vmem_shared>>
      %dma_start3A_196 = arith.constant 0 : i32
      %dma_start3A_197 = arith.constant 0 : i32
      %dma_start3A_198 = tpu.memref_slice %arg8[%dma_start3A_196, %dma_start3A_197] : memref<48x128xf32, #tpu.memory_space<vmem>> -> memref<40x128xf32, #tpu.memory_space<vmem>>
      tpu.enqueue_dma source(%dma_start3A_198 : memref<40x128xf32, #tpu.memory_space<vmem>>) target(%dma_start3A_195 : memref<40x128xf32, #tpu.memory_space<vmem_shared>>) target_semaphore(%run_scoped3A : memref<!tpu.dma_semaphore, #tpu.memory_space<semaphore_mem>>)
      %dma_wait3A_199 = arith.constant 0 : i32
      %dma_wait3A_200 = arith.constant 0 : i32
      %dma_wait3A_201 = tpu.memref_slice %arg8[%dma_wait3A_199, %dma_wait3A_200] : memref<48x128xf32, #tpu.memory_space<vmem>> -> memref<40x128xf32, #tpu.memory_space<vmem>>
      %dma_wait3A_202 = arith.constant 0 : i32
      %dma_wait3A_203 = tpu.memref_slice %arg12[%add3A_43, %dma_wait3A_202] : memref<10240x128xf32, #tpu.memory_space<vmem_shared>> -> memref<40x128xf32, #tpu.memory_space<vmem_shared>>
      %dma_wait3A_204 = arith.constant 0 : i32
      %dma_wait3A_205 = tpu.memref_slice %arg12[%add3A_43, %dma_wait3A_204] : memref<10240x128xf32, #tpu.memory_space<vmem_shared>> -> memref<40x128xf32, #tpu.memory_space<vmem_shared>>
      %dma_wait3A_206 = arith.constant 0 : i32
      %dma_wait3A_207 = arith.constant 0 : i32
      %dma_wait3A_208 = tpu.memref_slice %arg8[%dma_wait3A_206, %dma_wait3A_207] : memref<48x128xf32, #tpu.memory_space<vmem>> -> memref<40x128xf32, #tpu.memory_space<vmem>>
      tpu.wait_dma2 semaphore(%run_scoped3A : memref<!tpu.dma_semaphore, #tpu.memory_space<semaphore_mem>>) src(%dma_wait3A_208 : memref<40x128xf32, #tpu.memory_space<vmem>>) dst(%dma_wait3A_205 : memref<40x128xf32, #tpu.memory_space<vmem_shared>>)
      tpu.yield
    }) : () -> ()
    %add3A_44 = arith.constant 480 : i32
    %add3A_45 = arith.addi %mul3A_19, %add3A_44 : i32
    "tpu.region"() ({
      %run_scoped3A = tpu.sem_alloc : memref<!tpu.dma_semaphore, #tpu.memory_space<semaphore_mem>>
      %dma_start3A_189 = arith.constant 0 : i32
      %dma_start3A_190 = arith.constant 0 : i32
      %dma_start3A_191 = tpu.memref_slice %arg8[%dma_start3A_189, %dma_start3A_190] : memref<48x128xf32, #tpu.memory_space<vmem>> -> memref<40x128xf32, #tpu.memory_space<vmem>>
      %dma_start3A_192 = arith.constant 0 : i32
      %dma_start3A_193 = tpu.memref_slice %arg12[%add3A_45, %dma_start3A_192] : memref<10240x128xf32, #tpu.memory_space<vmem_shared>> -> memref<40x128xf32, #tpu.memory_space<vmem_shared>>
      %dma_start3A_194 = arith.constant 0 : i32
      %dma_start3A_195 = tpu.memref_slice %arg12[%add3A_45, %dma_start3A_194] : memref<10240x128xf32, #tpu.memory_space<vmem_shared>> -> memref<40x128xf32, #tpu.memory_space<vmem_shared>>
      %dma_start3A_196 = arith.constant 0 : i32
      %dma_start3A_197 = arith.constant 0 : i32
      %dma_start3A_198 = tpu.memref_slice %arg8[%dma_start3A_196, %dma_start3A_197] : memref<48x128xf32, #tpu.memory_space<vmem>> -> memref<40x128xf32, #tpu.memory_space<vmem>>
      tpu.enqueue_dma source(%dma_start3A_198 : memref<40x128xf32, #tpu.memory_space<vmem>>) target(%dma_start3A_195 : memref<40x128xf32, #tpu.memory_space<vmem_shared>>) target_semaphore(%run_scoped3A : memref<!tpu.dma_semaphore, #tpu.memory_space<semaphore_mem>>)
      %dma_wait3A_199 = arith.constant 0 : i32
      %dma_wait3A_200 = arith.constant 0 : i32
      %dma_wait3A_201 = tpu.memref_slice %arg8[%dma_wait3A_199, %dma_wait3A_200] : memref<48x128xf32, #tpu.memory_space<vmem>> -> memref<40x128xf32, #tpu.memory_space<vmem>>
      %dma_wait3A_202 = arith.constant 0 : i32
      %dma_wait3A_203 = tpu.memref_slice %arg12[%add3A_45, %dma_wait3A_202] : memref<10240x128xf32, #tpu.memory_space<vmem_shared>> -> memref<40x128xf32, #tpu.memory_space<vmem_shared>>
      %dma_wait3A_204 = arith.constant 0 : i32
      %dma_wait3A_205 = tpu.memref_slice %arg12[%add3A_45, %dma_wait3A_204] : memref<10240x128xf32, #tpu.memory_space<vmem_shared>> -> memref<40x128xf32, #tpu.memory_space<vmem_shared>>
      %dma_wait3A_206 = arith.constant 0 : i32
      %dma_wait3A_207 = arith.constant 0 : i32
      %dma_wait3A_208 = tpu.memref_slice %arg8[%dma_wait3A_206, %dma_wait3A_207] : memref<48x128xf32, #tpu.memory_space<vmem>> -> memref<40x128xf32, #tpu.memory_space<vmem>>
      tpu.wait_dma2 semaphore(%run_scoped3A : memref<!tpu.dma_semaphore, #tpu.memory_space<semaphore_mem>>) src(%dma_wait3A_208 : memref<40x128xf32, #tpu.memory_space<vmem>>) dst(%dma_wait3A_205 : memref<40x128xf32, #tpu.memory_space<vmem_shared>>)
      tpu.yield
    }) : () -> ()
    %add3A_46 = arith.constant 520 : i32
    %add3A_47 = arith.addi %mul3A_19, %add3A_46 : i32
    "tpu.region"() ({
      %run_scoped3A = tpu.sem_alloc : memref<!tpu.dma_semaphore, #tpu.memory_space<semaphore_mem>>
      %dma_start3A_189 = arith.constant 0 : i32
      %dma_start3A_190 = arith.constant 0 : i32
      %dma_start3A_191 = tpu.memref_slice %arg8[%dma_start3A_189, %dma_start3A_190] : memref<48x128xf32, #tpu.memory_space<vmem>> -> memref<40x128xf32, #tpu.memory_space<vmem>>
      %dma_start3A_192 = arith.constant 0 : i32
      %dma_start3A_193 = tpu.memref_slice %arg12[%add3A_47, %dma_start3A_192] : memref<10240x128xf32, #tpu.memory_space<vmem_shared>> -> memref<40x128xf32, #tpu.memory_space<vmem_shared>>
      %dma_start3A_194 = arith.constant 0 : i32
      %dma_start3A_195 = tpu.memref_slice %arg12[%add3A_47, %dma_start3A_194] : memref<10240x128xf32, #tpu.memory_space<vmem_shared>> -> memref<40x128xf32, #tpu.memory_space<vmem_shared>>
      %dma_start3A_196 = arith.constant 0 : i32
      %dma_start3A_197 = arith.constant 0 : i32
      %dma_start3A_198 = tpu.memref_slice %arg8[%dma_start3A_196, %dma_start3A_197] : memref<48x128xf32, #tpu.memory_space<vmem>> -> memref<40x128xf32, #tpu.memory_space<vmem>>
      tpu.enqueue_dma source(%dma_start3A_198 : memref<40x128xf32, #tpu.memory_space<vmem>>) target(%dma_start3A_195 : memref<40x128xf32, #tpu.memory_space<vmem_shared>>) target_semaphore(%run_scoped3A : memref<!tpu.dma_semaphore, #tpu.memory_space<semaphore_mem>>)
      %dma_wait3A_199 = arith.constant 0 : i32
      %dma_wait3A_200 = arith.constant 0 : i32
      %dma_wait3A_201 = tpu.memref_slice %arg8[%dma_wait3A_199, %dma_wait3A_200] : memref<48x128xf32, #tpu.memory_space<vmem>> -> memref<40x128xf32, #tpu.memory_space<vmem>>
      %dma_wait3A_202 = arith.constant 0 : i32
      %dma_wait3A_203 = tpu.memref_slice %arg12[%add3A_47, %dma_wait3A_202] : memref<10240x128xf32, #tpu.memory_space<vmem_shared>> -> memref<40x128xf32, #tpu.memory_space<vmem_shared>>
      %dma_wait3A_204 = arith.constant 0 : i32
      %dma_wait3A_205 = tpu.memref_slice %arg12[%add3A_47, %dma_wait3A_204] : memref<10240x128xf32, #tpu.memory_space<vmem_shared>> -> memref<40x128xf32, #tpu.memory_space<vmem_shared>>
      %dma_wait3A_206 = arith.constant 0 : i32
      %dma_wait3A_207 = arith.constant 0 : i32
      %dma_wait3A_208 = tpu.memref_slice %arg8[%dma_wait3A_206, %dma_wait3A_207] : memref<48x128xf32, #tpu.memory_space<vmem>> -> memref<40x128xf32, #tpu.memory_space<vmem>>
      tpu.wait_dma2 semaphore(%run_scoped3A : memref<!tpu.dma_semaphore, #tpu.memory_space<semaphore_mem>>) src(%dma_wait3A_208 : memref<40x128xf32, #tpu.memory_space<vmem>>) dst(%dma_wait3A_205 : memref<40x128xf32, #tpu.memory_space<vmem_shared>>)
      tpu.yield
    }) : () -> ()
    %add3A_48 = arith.constant 560 : i32
    %add3A_49 = arith.addi %mul3A_19, %add3A_48 : i32
    "tpu.region"() ({
      %run_scoped3A = tpu.sem_alloc : memref<!tpu.dma_semaphore, #tpu.memory_space<semaphore_mem>>
      %dma_start3A_189 = arith.constant 0 : i32
      %dma_start3A_190 = arith.constant 0 : i32
      %dma_start3A_191 = tpu.memref_slice %arg8[%dma_start3A_189, %dma_start3A_190] : memref<48x128xf32, #tpu.memory_space<vmem>> -> memref<40x128xf32, #tpu.memory_space<vmem>>
      %dma_start3A_192 = arith.constant 0 : i32
      %dma_start3A_193 = tpu.memref_slice %arg12[%add3A_49, %dma_start3A_192] : memref<10240x128xf32, #tpu.memory_space<vmem_shared>> -> memref<40x128xf32, #tpu.memory_space<vmem_shared>>
      %dma_start3A_194 = arith.constant 0 : i32
      %dma_start3A_195 = tpu.memref_slice %arg12[%add3A_49, %dma_start3A_194] : memref<10240x128xf32, #tpu.memory_space<vmem_shared>> -> memref<40x128xf32, #tpu.memory_space<vmem_shared>>
      %dma_start3A_196 = arith.constant 0 : i32
      %dma_start3A_197 = arith.constant 0 : i32
      %dma_start3A_198 = tpu.memref_slice %arg8[%dma_start3A_196, %dma_start3A_197] : memref<48x128xf32, #tpu.memory_space<vmem>> -> memref<40x128xf32, #tpu.memory_space<vmem>>
      tpu.enqueue_dma source(%dma_start3A_198 : memref<40x128xf32, #tpu.memory_space<vmem>>) target(%dma_start3A_195 : memref<40x128xf32, #tpu.memory_space<vmem_shared>>) target_semaphore(%run_scoped3A : memref<!tpu.dma_semaphore, #tpu.memory_space<semaphore_mem>>)
      %dma_wait3A_199 = arith.constant 0 : i32
      %dma_wait3A_200 = arith.constant 0 : i32
      %dma_wait3A_201 = tpu.memref_slice %arg8[%dma_wait3A_199, %dma_wait3A_200] : memref<48x128xf32, #tpu.memory_space<vmem>> -> memref<40x128xf32, #tpu.memory_space<vmem>>
      %dma_wait3A_202 = arith.constant 0 : i32
      %dma_wait3A_203 = tpu.memref_slice %arg12[%add3A_49, %dma_wait3A_202] : memref<10240x128xf32, #tpu.memory_space<vmem_shared>> -> memref<40x128xf32, #tpu.memory_space<vmem_shared>>
      %dma_wait3A_204 = arith.constant 0 : i32
      %dma_wait3A_205 = tpu.memref_slice %arg12[%add3A_49, %dma_wait3A_204] : memref<10240x128xf32, #tpu.memory_space<vmem_shared>> -> memref<40x128xf32, #tpu.memory_space<vmem_shared>>
      %dma_wait3A_206 = arith.constant 0 : i32
      %dma_wait3A_207 = arith.constant 0 : i32
      %dma_wait3A_208 = tpu.memref_slice %arg8[%dma_wait3A_206, %dma_wait3A_207] : memref<48x128xf32, #tpu.memory_space<vmem>> -> memref<40x128xf32, #tpu.memory_space<vmem>>
      tpu.wait_dma2 semaphore(%run_scoped3A : memref<!tpu.dma_semaphore, #tpu.memory_space<semaphore_mem>>) src(%dma_wait3A_208 : memref<40x128xf32, #tpu.memory_space<vmem>>) dst(%dma_wait3A_205 : memref<40x128xf32, #tpu.memory_space<vmem_shared>>)
      tpu.yield
    }) : () -> ()
    %add3A_50 = arith.constant 600 : i32
    %add3A_51 = arith.addi %mul3A_19, %add3A_50 : i32
    "tpu.region"() ({
      %run_scoped3A = tpu.sem_alloc : memref<!tpu.dma_semaphore, #tpu.memory_space<semaphore_mem>>
      %dma_start3A_189 = arith.constant 0 : i32
      %dma_start3A_190 = arith.constant 0 : i32
      %dma_start3A_191 = tpu.memref_slice %arg8[%dma_start3A_189, %dma_start3A_190] : memref<48x128xf32, #tpu.memory_space<vmem>> -> memref<40x128xf32, #tpu.memory_space<vmem>>
      %dma_start3A_192 = arith.constant 0 : i32
      %dma_start3A_193 = tpu.memref_slice %arg12[%add3A_51, %dma_start3A_192] : memref<10240x128xf32, #tpu.memory_space<vmem_shared>> -> memref<40x128xf32, #tpu.memory_space<vmem_shared>>
      %dma_start3A_194 = arith.constant 0 : i32
      %dma_start3A_195 = tpu.memref_slice %arg12[%add3A_51, %dma_start3A_194] : memref<10240x128xf32, #tpu.memory_space<vmem_shared>> -> memref<40x128xf32, #tpu.memory_space<vmem_shared>>
      %dma_start3A_196 = arith.constant 0 : i32
      %dma_start3A_197 = arith.constant 0 : i32
      %dma_start3A_198 = tpu.memref_slice %arg8[%dma_start3A_196, %dma_start3A_197] : memref<48x128xf32, #tpu.memory_space<vmem>> -> memref<40x128xf32, #tpu.memory_space<vmem>>
      tpu.enqueue_dma source(%dma_start3A_198 : memref<40x128xf32, #tpu.memory_space<vmem>>) target(%dma_start3A_195 : memref<40x128xf32, #tpu.memory_space<vmem_shared>>) target_semaphore(%run_scoped3A : memref<!tpu.dma_semaphore, #tpu.memory_space<semaphore_mem>>)
      %dma_wait3A_199 = arith.constant 0 : i32
      %dma_wait3A_200 = arith.constant 0 : i32
      %dma_wait3A_201 = tpu.memref_slice %arg8[%dma_wait3A_199, %dma_wait3A_200] : memref<48x128xf32, #tpu.memory_space<vmem>> -> memref<40x128xf32, #tpu.memory_space<vmem>>
      %dma_wait3A_202 = arith.constant 0 : i32
      %dma_wait3A_203 = tpu.memref_slice %arg12[%add3A_51, %dma_wait3A_202] : memref<10240x128xf32, #tpu.memory_space<vmem_shared>> -> memref<40x128xf32, #tpu.memory_space<vmem_shared>>
      %dma_wait3A_204 = arith.constant 0 : i32
      %dma_wait3A_205 = tpu.memref_slice %arg12[%add3A_51, %dma_wait3A_204] : memref<10240x128xf32, #tpu.memory_space<vmem_shared>> -> memref<40x128xf32, #tpu.memory_space<vmem_shared>>
      %dma_wait3A_206 = arith.constant 0 : i32
      %dma_wait3A_207 = arith.constant 0 : i32
      %dma_wait3A_208 = tpu.memref_slice %arg8[%dma_wait3A_206, %dma_wait3A_207] : memref<48x128xf32, #tpu.memory_space<vmem>> -> memref<40x128xf32, #tpu.memory_space<vmem>>
      tpu.wait_dma2 semaphore(%run_scoped3A : memref<!tpu.dma_semaphore, #tpu.memory_space<semaphore_mem>>) src(%dma_wait3A_208 : memref<40x128xf32, #tpu.memory_space<vmem>>) dst(%dma_wait3A_205 : memref<40x128xf32, #tpu.memory_space<vmem_shared>>)
      tpu.yield
    }) : () -> ()
    %dma_wait3A = arith.constant 0 : i32
    %dma_wait3A_52 = tpu.memref_slice %arg3[%add3A, %dma_wait3A] : memref<32x10032xi32, #tpu.memory_space<hbm>> -> memref<1x10032xi32, #tpu.memory_space<hbm>>
    %dma_wait3A_53 = tpu.memref_squeeze %dma_wait3A_52 : memref<1x10032xi32, #tpu.memory_space<hbm>> -> memref<10032xi32, #tpu.memory_space<hbm>>
    %dma_wait3A_54 = arith.constant 0 : i32
    %dma_wait3A_55 = tpu.memref_slice %arg3[%add3A, %dma_wait3A_54] : memref<32x10032xi32, #tpu.memory_space<hbm>> -> memref<1x10032xi32, #tpu.memory_space<hbm>>
    %dma_wait3A_56 = tpu.memref_squeeze %dma_wait3A_55 : memref<1x10032xi32, #tpu.memory_space<hbm>> -> memref<10032xi32, #tpu.memory_space<hbm>>
    tpu.wait_dma2 semaphore(%arg13 : memref<!tpu.dma_semaphore, #tpu.memory_space<semaphore_mem>>) src(%dma_wait3A_56 : memref<10032xi32, #tpu.memory_space<hbm>>) dst(%arg6 : memref<10032xi32, #tpu.memory_space<vmem>>)
    %dma_wait3A_57 = arith.constant 0 : i32
    %dma_wait3A_58 = tpu.memref_slice %arg4[%add3A, %dma_wait3A_57] : memref<32x10032xi32, #tpu.memory_space<hbm>> -> memref<1x10032xi32, #tpu.memory_space<hbm>>
    %dma_wait3A_59 = tpu.memref_squeeze %dma_wait3A_58 : memref<1x10032xi32, #tpu.memory_space<hbm>> -> memref<10032xi32, #tpu.memory_space<hbm>>
    %dma_wait3A_60 = arith.constant 0 : i32
    %dma_wait3A_61 = tpu.memref_slice %arg4[%add3A, %dma_wait3A_60] : memref<32x10032xi32, #tpu.memory_space<hbm>> -> memref<1x10032xi32, #tpu.memory_space<hbm>>
    %dma_wait3A_62 = tpu.memref_squeeze %dma_wait3A_61 : memref<1x10032xi32, #tpu.memory_space<hbm>> -> memref<10032xi32, #tpu.memory_space<hbm>>
    tpu.wait_dma2 semaphore(%arg13 : memref<!tpu.dma_semaphore, #tpu.memory_space<semaphore_mem>>) src(%dma_wait3A_62 : memref<10032xi32, #tpu.memory_space<hbm>>) dst(%arg7 : memref<10032xi32, #tpu.memory_space<vmem>>)
    %barrier3A = arith.constant 0 : index
    tpu.barrier barrier_id(%barrier3A)
    %multiple_of3A = arith.constant 0 : i32
    %multiple_of3A_63 = tpu.assume_multiple %multiple_of3A, 8 : i32
    %dma_start3A_64 = tpu.memref_slice %arg6[%multiple_of3A_63] : memref<10032xi32, #tpu.memory_space<vmem>> -> memref<48xi32, #tpu.memory_space<vmem>>
    %dma_start3A_65 = arith.constant 0 : i32
    %dma_start3A_66 = arith.constant 0 : i32
    %dma_start3A_67 = tpu.memref_slice %arg2[%dma_start3A_65, %dma_start3A_66] : memref<10000x128xf32, #tpu.memory_space<hbm>> -> memref<10000x128xf32, #tpu.memory_space<hbm>>
    tpu.enqueue_indirect_dma source(%dma_start3A_67 : memref<10000x128xf32, #tpu.memory_space<hbm>>) target(%arg8 : memref<48x128xf32, #tpu.memory_space<vmem>>) offsets(%dma_start3A_64 : memref<48xi32, #tpu.memory_space<vmem>>) semaphore(%arg14 : memref<!tpu.dma_semaphore, #tpu.memory_space<semaphore_mem>>)
    %multiple_of3A_68 = arith.constant 48 : i32
    %multiple_of3A_69 = tpu.assume_multiple %multiple_of3A_68, 8 : i32
    %dma_start3A_70 = tpu.memref_slice %arg6[%multiple_of3A_69] : memref<10032xi32, #tpu.memory_space<vmem>> -> memref<48xi32, #tpu.memory_space<vmem>>
    %dma_start3A_71 = arith.constant 0 : i32
    %dma_start3A_72 = arith.constant 0 : i32
    %dma_start3A_73 = tpu.memref_slice %arg2[%dma_start3A_71, %dma_start3A_72] : memref<10000x128xf32, #tpu.memory_space<hbm>> -> memref<10000x128xf32, #tpu.memory_space<hbm>>
    tpu.enqueue_indirect_dma source(%dma_start3A_73 : memref<10000x128xf32, #tpu.memory_space<hbm>>) target(%arg9 : memref<48x128xf32, #tpu.memory_space<vmem>>) offsets(%dma_start3A_70 : memref<48xi32, #tpu.memory_space<vmem>>) semaphore(%arg14 : memref<!tpu.dma_semaphore, #tpu.memory_space<semaphore_mem>>)
    %multiple_of3A_74 = arith.constant 96 : i32
    %multiple_of3A_75 = tpu.assume_multiple %multiple_of3A_74, 8 : i32
    %dma_start3A_76 = tpu.memref_slice %arg6[%multiple_of3A_75] : memref<10032xi32, #tpu.memory_space<vmem>> -> memref<48xi32, #tpu.memory_space<vmem>>
    %dma_start3A_77 = arith.constant 0 : i32
    %dma_start3A_78 = arith.constant 0 : i32
    %dma_start3A_79 = tpu.memref_slice %arg2[%dma_start3A_77, %dma_start3A_78] : memref<10000x128xf32, #tpu.memory_space<hbm>> -> memref<10000x128xf32, #tpu.memory_space<hbm>>
    tpu.enqueue_indirect_dma source(%dma_start3A_79 : memref<10000x128xf32, #tpu.memory_space<hbm>>) target(%arg10 : memref<48x128xf32, #tpu.memory_space<vmem>>) offsets(%dma_start3A_76 : memref<48xi32, #tpu.memory_space<vmem>>) semaphore(%arg14 : memref<!tpu.dma_semaphore, #tpu.memory_space<semaphore_mem>>)
    %dma_wait3A_80 = arith.constant 0 : i32
    %dma_wait3A_81 = arith.constant 0 : i32
    %dma_wait3A_82 = tpu.memref_slice %arg2[%dma_wait3A_80, %dma_wait3A_81] : memref<10000x128xf32, #tpu.memory_space<hbm>> -> memref<48x128xf32, #tpu.memory_space<hbm>>
    %dma_wait3A_83 = arith.constant 0 : i32
    %dma_wait3A_84 = arith.constant 0 : i32
    %dma_wait3A_85 = tpu.memref_slice %arg2[%dma_wait3A_83, %dma_wait3A_84] : memref<10000x128xf32, #tpu.memory_space<hbm>> -> memref<48x128xf32, #tpu.memory_space<hbm>>
    tpu.wait_dma2 semaphore(%arg14 : memref<!tpu.dma_semaphore, #tpu.memory_space<semaphore_mem>>) src(%dma_wait3A_85 : memref<48x128xf32, #tpu.memory_space<hbm>>) dst(%arg8 : memref<48x128xf32, #tpu.memory_space<vmem>>)
    %multiple_of3A_86 = arith.constant 0 : i32
    %multiple_of3A_87 = tpu.assume_multiple %multiple_of3A_86, 8 : i32
    %dma_start3A_88 = tpu.memref_slice %arg7[%multiple_of3A_87] : memref<10032xi32, #tpu.memory_space<vmem>> -> memref<48xi32, #tpu.memory_space<vmem>>
    %dma_start3A_89 = arith.constant 0 : i32
    %dma_start3A_90 = arith.constant 0 : i32
    %dma_start3A_91 = tpu.memref_slice %arg12[%dma_start3A_89, %dma_start3A_90] : memref<10240x128xf32, #tpu.memory_space<vmem_shared>> -> memref<10240x128xf32, #tpu.memory_space<vmem_shared>>
    tpu.enqueue_indirect_dma source(%arg8 : memref<48x128xf32, #tpu.memory_space<vmem>>) target(%dma_start3A_91 : memref<10240x128xf32, #tpu.memory_space<vmem_shared>>) offsets(%dma_start3A_88 : memref<48xi32, #tpu.memory_space<vmem>>) semaphore(%arg15 : memref<!tpu.dma_semaphore, #tpu.memory_space<semaphore_mem>>) {add = true}
    %multiple_of3A_92 = arith.constant 144 : i32
    %multiple_of3A_93 = tpu.assume_multiple %multiple_of3A_92, 8 : i32
    %dma_start3A_94 = tpu.memref_slice %arg6[%multiple_of3A_93] : memref<10032xi32, #tpu.memory_space<vmem>> -> memref<48xi32, #tpu.memory_space<vmem>>
    %dma_start3A_95 = arith.constant 0 : i32
    %dma_start3A_96 = arith.constant 0 : i32
    %dma_start3A_97 = tpu.memref_slice %arg2[%dma_start3A_95, %dma_start3A_96] : memref<10000x128xf32, #tpu.memory_space<hbm>> -> memref<10000x128xf32, #tpu.memory_space<hbm>>
    tpu.enqueue_indirect_dma source(%dma_start3A_97 : memref<10000x128xf32, #tpu.memory_space<hbm>>) target(%arg11 : memref<48x128xf32, #tpu.memory_space<vmem>>) offsets(%dma_start3A_94 : memref<48xi32, #tpu.memory_space<vmem>>) semaphore(%arg14 : memref<!tpu.dma_semaphore, #tpu.memory_space<semaphore_mem>>)
    %scan3A_98 = arith.constant 0 : i32
    %scan3A_99 = arith.constant 0 : i32
    %scan3A_100 = arith.constant 51 : i32
    %scan3A_101 = arith.addi %scan3A_99, %scan3A_100 : i32
    %scan3A_102 = arith.constant 1 : i32
    scf.for %scan3A_189 = %scan3A_99 to %scan3A_101 step %scan3A_102  : i32 {
      %mul3A_190 = arith.constant 4 : i32
      %mul3A_191 = arith.muli %scan3A_189, %mul3A_190 : i32
      %add3A_192 = arith.constant 1 : i32
      %add3A_193 = arith.addi %mul3A_191, %add3A_192 : i32
      %dma_wait3A_194 = arith.constant 0 : i32
      %dma_wait3A_195 = arith.constant 0 : i32
      %dma_wait3A_196 = tpu.memref_slice %arg2[%dma_wait3A_194, %dma_wait3A_195] : memref<10000x128xf32, #tpu.memory_space<hbm>> -> memref<48x128xf32, #tpu.memory_space<hbm>>
      %dma_wait3A_197 = arith.constant 0 : i32
      %dma_wait3A_198 = arith.constant 0 : i32
      %dma_wait3A_199 = tpu.memref_slice %arg2[%dma_wait3A_197, %dma_wait3A_198] : memref<10000x128xf32, #tpu.memory_space<hbm>> -> memref<48x128xf32, #tpu.memory_space<hbm>>
      tpu.wait_dma2 semaphore(%arg14 : memref<!tpu.dma_semaphore, #tpu.memory_space<semaphore_mem>>) src(%dma_wait3A_199 : memref<48x128xf32, #tpu.memory_space<hbm>>) dst(%arg9 : memref<48x128xf32, #tpu.memory_space<vmem>>)
      %add3A_200 = arith.constant 0 : i32
      %add3A_201 = arith.addi %add3A_193, %add3A_200 : i32
      %mul3A_202 = arith.constant 48 : i32
      %mul3A_203 = arith.muli %add3A_201, %mul3A_202 : i32
      %multiple_of3A_204 = tpu.assume_multiple %mul3A_203, 8 : i32
      %dma_start3A_205 = tpu.memref_slice %arg7[%multiple_of3A_204] : memref<10032xi32, #tpu.memory_space<vmem>> -> memref<48xi32, #tpu.memory_space<vmem>>
      %dma_start3A_206 = arith.constant 0 : i32
      %dma_start3A_207 = arith.constant 0 : i32
      %dma_start3A_208 = tpu.memref_slice %arg12[%dma_start3A_206, %dma_start3A_207] : memref<10240x128xf32, #tpu.memory_space<vmem_shared>> -> memref<10240x128xf32, #tpu.memory_space<vmem_shared>>
      tpu.enqueue_indirect_dma source(%arg9 : memref<48x128xf32, #tpu.memory_space<vmem>>) target(%dma_start3A_208 : memref<10240x128xf32, #tpu.memory_space<vmem_shared>>) offsets(%dma_start3A_205 : memref<48xi32, #tpu.memory_space<vmem>>) semaphore(%arg15 : memref<!tpu.dma_semaphore, #tpu.memory_space<semaphore_mem>>) {add = true}
      %dma_wait3A_209 = arith.constant 0 : i32
      %dma_wait3A_210 = arith.constant 0 : i32
      %dma_wait3A_211 = tpu.memref_slice %arg2[%dma_wait3A_209, %dma_wait3A_210] : memref<10000x128xf32, #tpu.memory_space<hbm>> -> memref<48x128xf32, #tpu.memory_space<hbm>>
      %dma_wait3A_212 = arith.constant 0 : i32
      %dma_wait3A_213 = arith.constant 0 : i32
      %dma_wait3A_214 = tpu.memref_slice %arg2[%dma_wait3A_212, %dma_wait3A_213] : memref<10000x128xf32, #tpu.memory_space<hbm>> -> memref<48x128xf32, #tpu.memory_space<hbm>>
      tpu.wait_dma2 semaphore(%arg15 : memref<!tpu.dma_semaphore, #tpu.memory_space<semaphore_mem>>) src(%dma_wait3A_214 : memref<48x128xf32, #tpu.memory_space<hbm>>) dst(%arg8 : memref<48x128xf32, #tpu.memory_space<vmem>>)
      %add3A_215 = arith.constant 0 : i32
      %add3A_216 = arith.addi %add3A_193, %add3A_215 : i32
      %add3A_217 = arith.constant 3 : i32
      %add3A_218 = arith.addi %add3A_216, %add3A_217 : i32
      %mul3A_219 = arith.constant 48 : i32
      %mul3A_220 = arith.muli %add3A_218, %mul3A_219 : i32
      %multiple_of3A_221 = tpu.assume_multiple %mul3A_220, 8 : i32
      %dma_start3A_222 = tpu.memref_slice %arg6[%multiple_of3A_221] : memref<10032xi32, #tpu.memory_space<vmem>> -> memref<48xi32, #tpu.memory_space<vmem>>
      %dma_start3A_223 = arith.constant 0 : i32
      %dma_start3A_224 = arith.constant 0 : i32
      %dma_start3A_225 = tpu.memref_slice %arg2[%dma_start3A_223, %dma_start3A_224] : memref<10000x128xf32, #tpu.memory_space<hbm>> -> memref<10000x128xf32, #tpu.memory_space<hbm>>
      tpu.enqueue_indirect_dma source(%dma_start3A_225 : memref<10000x128xf32, #tpu.memory_space<hbm>>) target(%arg8 : memref<48x128xf32, #tpu.memory_space<vmem>>) offsets(%dma_start3A_222 : memref<48xi32, #tpu.memory_space<vmem>>) semaphore(%arg14 : memref<!tpu.dma_semaphore, #tpu.memory_space<semaphore_mem>>)
      %dma_wait3A_226 = arith.constant 0 : i32
      %dma_wait3A_227 = arith.constant 0 : i32
      %dma_wait3A_228 = tpu.memref_slice %arg2[%dma_wait3A_226, %dma_wait3A_227] : memref<10000x128xf32, #tpu.memory_space<hbm>> -> memref<48x128xf32, #tpu.memory_space<hbm>>
      %dma_wait3A_229 = arith.constant 0 : i32
      %dma_wait3A_230 = arith.constant 0 : i32
      %dma_wait3A_231 = tpu.memref_slice %arg2[%dma_wait3A_229, %dma_wait3A_230] : memref<10000x128xf32, #tpu.memory_space<hbm>> -> memref<48x128xf32, #tpu.memory_space<hbm>>
      tpu.wait_dma2 semaphore(%arg14 : memref<!tpu.dma_semaphore, #tpu.memory_space<semaphore_mem>>) src(%dma_wait3A_231 : memref<48x128xf32, #tpu.memory_space<hbm>>) dst(%arg10 : memref<48x128xf32, #tpu.memory_space<vmem>>)
      %add3A_232 = arith.constant 1 : i32
      %add3A_233 = arith.addi %add3A_193, %add3A_232 : i32
      %mul3A_234 = arith.constant 48 : i32
      %mul3A_235 = arith.muli %add3A_233, %mul3A_234 : i32
      %multiple_of3A_236 = tpu.assume_multiple %mul3A_235, 8 : i32
      %dma_start3A_237 = tpu.memref_slice %arg7[%multiple_of3A_236] : memref<10032xi32, #tpu.memory_space<vmem>> -> memref<48xi32, #tpu.memory_space<vmem>>
      %dma_start3A_238 = arith.constant 0 : i32
      %dma_start3A_239 = arith.constant 0 : i32
      %dma_start3A_240 = tpu.memref_slice %arg12[%dma_start3A_238, %dma_start3A_239] : memref<10240x128xf32, #tpu.memory_space<vmem_shared>> -> memref<10240x128xf32, #tpu.memory_space<vmem_shared>>
      tpu.enqueue_indirect_dma source(%arg10 : memref<48x128xf32, #tpu.memory_space<vmem>>) target(%dma_start3A_240 : memref<10240x128xf32, #tpu.memory_space<vmem_shared>>) offsets(%dma_start3A_237 : memref<48xi32, #tpu.memory_space<vmem>>) semaphore(%arg15 : memref<!tpu.dma_semaphore, #tpu.memory_space<semaphore_mem>>) {add = true}
      %dma_wait3A_241 = arith.constant 0 : i32
      %dma_wait3A_242 = arith.constant 0 : i32
      %dma_wait3A_243 = tpu.memref_slice %arg2[%dma_wait3A_241, %dma_wait3A_242] : memref<10000x128xf32, #tpu.memory_space<hbm>> -> memref<48x128xf32, #tpu.memory_space<hbm>>
      %dma_wait3A_244 = arith.constant 0 : i32
      %dma_wait3A_245 = arith.constant 0 : i32
      %dma_wait3A_246 = tpu.memref_slice %arg2[%dma_wait3A_244, %dma_wait3A_245] : memref<10000x128xf32, #tpu.memory_space<hbm>> -> memref<48x128xf32, #tpu.memory_space<hbm>>
      tpu.wait_dma2 semaphore(%arg15 : memref<!tpu.dma_semaphore, #tpu.memory_space<semaphore_mem>>) src(%dma_wait3A_246 : memref<48x128xf32, #tpu.memory_space<hbm>>) dst(%arg9 : memref<48x128xf32, #tpu.memory_space<vmem>>)
      %add3A_247 = arith.constant 1 : i32
      %add3A_248 = arith.addi %add3A_193, %add3A_247 : i32
      %add3A_249 = arith.constant 3 : i32
      %add3A_250 = arith.addi %add3A_248, %add3A_249 : i32
      %mul3A_251 = arith.constant 48 : i32
      %mul3A_252 = arith.muli %add3A_250, %mul3A_251 : i32
      %multiple_of3A_253 = tpu.assume_multiple %mul3A_252, 8 : i32
      %dma_start3A_254 = tpu.memref_slice %arg6[%multiple_of3A_253] : memref<10032xi32, #tpu.memory_space<vmem>> -> memref<48xi32, #tpu.memory_space<vmem>>
      %dma_start3A_255 = arith.constant 0 : i32
      %dma_start3A_256 = arith.constant 0 : i32
      %dma_start3A_257 = tpu.memref_slice %arg2[%dma_start3A_255, %dma_start3A_256] : memref<10000x128xf32, #tpu.memory_space<hbm>> -> memref<10000x128xf32, #tpu.memory_space<hbm>>
      tpu.enqueue_indirect_dma source(%dma_start3A_257 : memref<10000x128xf32, #tpu.memory_space<hbm>>) target(%arg9 : memref<48x128xf32, #tpu.memory_space<vmem>>) offsets(%dma_start3A_254 : memref<48xi32, #tpu.memory_space<vmem>>) semaphore(%arg14 : memref<!tpu.dma_semaphore, #tpu.memory_space<semaphore_mem>>)
      %dma_wait3A_258 = arith.constant 0 : i32
      %dma_wait3A_259 = arith.constant 0 : i32
      %dma_wait3A_260 = tpu.memref_slice %arg2[%dma_wait3A_258, %dma_wait3A_259] : memref<10000x128xf32, #tpu.memory_space<hbm>> -> memref<48x128xf32, #tpu.memory_space<hbm>>
      %dma_wait3A_261 = arith.constant 0 : i32
      %dma_wait3A_262 = arith.constant 0 : i32
      %dma_wait3A_263 = tpu.memref_slice %arg2[%dma_wait3A_261, %dma_wait3A_262] : memref<10000x128xf32, #tpu.memory_space<hbm>> -> memref<48x128xf32, #tpu.memory_space<hbm>>
      tpu.wait_dma2 semaphore(%arg14 : memref<!tpu.dma_semaphore, #tpu.memory_space<semaphore_mem>>) src(%dma_wait3A_263 : memref<48x128xf32, #tpu.memory_space<hbm>>) dst(%arg11 : memref<48x128xf32, #tpu.memory_space<vmem>>)
      %add3A_264 = arith.constant 2 : i32
      %add3A_265 = arith.addi %add3A_193, %add3A_264 : i32
      %mul3A_266 = arith.constant 48 : i32
      %mul3A_267 = arith.muli %add3A_265, %mul3A_266 : i32
      %multiple_of3A_268 = tpu.assume_multiple %mul3A_267, 8 : i32
      %dma_start3A_269 = tpu.memref_slice %arg7[%multiple_of3A_268] : memref<10032xi32, #tpu.memory_space<vmem>> -> memref<48xi32, #tpu.memory_space<vmem>>
      %dma_start3A_270 = arith.constant 0 : i32
      %dma_start3A_271 = arith.constant 0 : i32
      %dma_start3A_272 = tpu.memref_slice %arg12[%dma_start3A_270, %dma_start3A_271] : memref<10240x128xf32, #tpu.memory_space<vmem_shared>> -> memref<10240x128xf32, #tpu.memory_space<vmem_shared>>
      tpu.enqueue_indirect_dma source(%arg11 : memref<48x128xf32, #tpu.memory_space<vmem>>) target(%dma_start3A_272 : memref<10240x128xf32, #tpu.memory_space<vmem_shared>>) offsets(%dma_start3A_269 : memref<48xi32, #tpu.memory_space<vmem>>) semaphore(%arg15 : memref<!tpu.dma_semaphore, #tpu.memory_space<semaphore_mem>>) {add = true}
      %dma_wait3A_273 = arith.constant 0 : i32
      %dma_wait3A_274 = arith.constant 0 : i32
      %dma_wait3A_275 = tpu.memref_slice %arg2[%dma_wait3A_273, %dma_wait3A_274] : memref<10000x128xf32, #tpu.memory_space<hbm>> -> memref<48x128xf32, #tpu.memory_space<hbm>>
      %dma_wait3A_276 = arith.constant 0 : i32
      %dma_wait3A_277 = arith.constant 0 : i32
      %dma_wait3A_278 = tpu.memref_slice %arg2[%dma_wait3A_276, %dma_wait3A_277] : memref<10000x128xf32, #tpu.memory_space<hbm>> -> memref<48x128xf32, #tpu.memory_space<hbm>>
      tpu.wait_dma2 semaphore(%arg15 : memref<!tpu.dma_semaphore, #tpu.memory_space<semaphore_mem>>) src(%dma_wait3A_278 : memref<48x128xf32, #tpu.memory_space<hbm>>) dst(%arg10 : memref<48x128xf32, #tpu.memory_space<vmem>>)
      %add3A_279 = arith.constant 2 : i32
      %add3A_280 = arith.addi %add3A_193, %add3A_279 : i32
      %add3A_281 = arith.constant 3 : i32
      %add3A_282 = arith.addi %add3A_280, %add3A_281 : i32
      %mul3A_283 = arith.constant 48 : i32
      %mul3A_284 = arith.muli %add3A_282, %mul3A_283 : i32
      %multiple_of3A_285 = tpu.assume_multiple %mul3A_284, 8 : i32
      %dma_start3A_286 = tpu.memref_slice %arg6[%multiple_of3A_285] : memref<10032xi32, #tpu.memory_space<vmem>> -> memref<48xi32, #tpu.memory_space<vmem>>
      %dma_start3A_287 = arith.constant 0 : i32
      %dma_start3A_288 = arith.constant 0 : i32
      %dma_start3A_289 = tpu.memref_slice %arg2[%dma_start3A_287, %dma_start3A_288] : memref<10000x128xf32, #tpu.memory_space<hbm>> -> memref<10000x128xf32, #tpu.memory_space<hbm>>
      tpu.enqueue_indirect_dma source(%dma_start3A_289 : memref<10000x128xf32, #tpu.memory_space<hbm>>) target(%arg10 : memref<48x128xf32, #tpu.memory_space<vmem>>) offsets(%dma_start3A_286 : memref<48xi32, #tpu.memory_space<vmem>>) semaphore(%arg14 : memref<!tpu.dma_semaphore, #tpu.memory_space<semaphore_mem>>)
      %dma_wait3A_290 = arith.constant 0 : i32
      %dma_wait3A_291 = arith.constant 0 : i32
      %dma_wait3A_292 = tpu.memref_slice %arg2[%dma_wait3A_290, %dma_wait3A_291] : memref<10000x128xf32, #tpu.memory_space<hbm>> -> memref<48x128xf32, #tpu.memory_space<hbm>>
      %dma_wait3A_293 = arith.constant 0 : i32
      %dma_wait3A_294 = arith.constant 0 : i32
      %dma_wait3A_295 = tpu.memref_slice %arg2[%dma_wait3A_293, %dma_wait3A_294] : memref<10000x128xf32, #tpu.memory_space<hbm>> -> memref<48x128xf32, #tpu.memory_space<hbm>>
      tpu.wait_dma2 semaphore(%arg14 : memref<!tpu.dma_semaphore, #tpu.memory_space<semaphore_mem>>) src(%dma_wait3A_295 : memref<48x128xf32, #tpu.memory_space<hbm>>) dst(%arg8 : memref<48x128xf32, #tpu.memory_space<vmem>>)
      %add3A_296 = arith.constant 3 : i32
      %add3A_297 = arith.addi %add3A_193, %add3A_296 : i32
      %mul3A_298 = arith.constant 48 : i32
      %mul3A_299 = arith.muli %add3A_297, %mul3A_298 : i32
      %multiple_of3A_300 = tpu.assume_multiple %mul3A_299, 8 : i32
      %dma_start3A_301 = tpu.memref_slice %arg7[%multiple_of3A_300] : memref<10032xi32, #tpu.memory_space<vmem>> -> memref<48xi32, #tpu.memory_space<vmem>>
      %dma_start3A_302 = arith.constant 0 : i32
      %dma_start3A_303 = arith.constant 0 : i32
      %dma_start3A_304 = tpu.memref_slice %arg12[%dma_start3A_302, %dma_start3A_303] : memref<10240x128xf32, #tpu.memory_space<vmem_shared>> -> memref<10240x128xf32, #tpu.memory_space<vmem_shared>>
      tpu.enqueue_indirect_dma source(%arg8 : memref<48x128xf32, #tpu.memory_space<vmem>>) target(%dma_start3A_304 : memref<10240x128xf32, #tpu.memory_space<vmem_shared>>) offsets(%dma_start3A_301 : memref<48xi32, #tpu.memory_space<vmem>>) semaphore(%arg15 : memref<!tpu.dma_semaphore, #tpu.memory_space<semaphore_mem>>) {add = true}
      %dma_wait3A_305 = arith.constant 0 : i32
      %dma_wait3A_306 = arith.constant 0 : i32
      %dma_wait3A_307 = tpu.memref_slice %arg2[%dma_wait3A_305, %dma_wait3A_306] : memref<10000x128xf32, #tpu.memory_space<hbm>> -> memref<48x128xf32, #tpu.memory_space<hbm>>
      %dma_wait3A_308 = arith.constant 0 : i32
      %dma_wait3A_309 = arith.constant 0 : i32
      %dma_wait3A_310 = tpu.memref_slice %arg2[%dma_wait3A_308, %dma_wait3A_309] : memref<10000x128xf32, #tpu.memory_space<hbm>> -> memref<48x128xf32, #tpu.memory_space<hbm>>
      tpu.wait_dma2 semaphore(%arg15 : memref<!tpu.dma_semaphore, #tpu.memory_space<semaphore_mem>>) src(%dma_wait3A_310 : memref<48x128xf32, #tpu.memory_space<hbm>>) dst(%arg11 : memref<48x128xf32, #tpu.memory_space<vmem>>)
      %add3A_311 = arith.constant 3 : i32
      %add3A_312 = arith.addi %add3A_193, %add3A_311 : i32
      %add3A_313 = arith.constant 3 : i32
      %add3A_314 = arith.addi %add3A_312, %add3A_313 : i32
      %mul3A_315 = arith.constant 48 : i32
      %mul3A_316 = arith.muli %add3A_314, %mul3A_315 : i32
      %multiple_of3A_317 = tpu.assume_multiple %mul3A_316, 8 : i32
      %dma_start3A_318 = tpu.memref_slice %arg6[%multiple_of3A_317] : memref<10032xi32, #tpu.memory_space<vmem>> -> memref<48xi32, #tpu.memory_space<vmem>>
      %dma_start3A_319 = arith.constant 0 : i32
      %dma_start3A_320 = arith.constant 0 : i32
      %dma_start3A_321 = tpu.memref_slice %arg2[%dma_start3A_319, %dma_start3A_320] : memref<10000x128xf32, #tpu.memory_space<hbm>> -> memref<10000x128xf32, #tpu.memory_space<hbm>>
      tpu.enqueue_indirect_dma source(%dma_start3A_321 : memref<10000x128xf32, #tpu.memory_space<hbm>>) target(%arg11 : memref<48x128xf32, #tpu.memory_space<vmem>>) offsets(%dma_start3A_318 : memref<48xi32, #tpu.memory_space<vmem>>) semaphore(%arg14 : memref<!tpu.dma_semaphore, #tpu.memory_space<semaphore_mem>>)
    }
    %scan3A_103 = arith.constant 51 : i32
    %dma_wait3A_104 = arith.constant 0 : i32
    %dma_wait3A_105 = arith.constant 0 : i32
    %dma_wait3A_106 = tpu.memref_slice %arg2[%dma_wait3A_104, %dma_wait3A_105] : memref<10000x128xf32, #tpu.memory_space<hbm>> -> memref<48x128xf32, #tpu.memory_space<hbm>>
    %dma_wait3A_107 = arith.constant 0 : i32
    %dma_wait3A_108 = arith.constant 0 : i32
    %dma_wait3A_109 = tpu.memref_slice %arg2[%dma_wait3A_107, %dma_wait3A_108] : memref<10000x128xf32, #tpu.memory_space<hbm>> -> memref<48x128xf32, #tpu.memory_space<hbm>>
    tpu.wait_dma2 semaphore(%arg14 : memref<!tpu.dma_semaphore, #tpu.memory_space<semaphore_mem>>) src(%dma_wait3A_109 : memref<48x128xf32, #tpu.memory_space<hbm>>) dst(%arg9 : memref<48x128xf32, #tpu.memory_space<vmem>>)
    %multiple_of3A_110 = arith.constant 9840 : i32
    %multiple_of3A_111 = tpu.assume_multiple %multiple_of3A_110, 8 : i32
    %dma_start3A_112 = tpu.memref_slice %arg7[%multiple_of3A_111] : memref<10032xi32, #tpu.memory_space<vmem>> -> memref<48xi32, #tpu.memory_space<vmem>>
    %dma_start3A_113 = arith.constant 0 : i32
    %dma_start3A_114 = arith.constant 0 : i32
    %dma_start3A_115 = tpu.memref_slice %arg12[%dma_start3A_113, %dma_start3A_114] : memref<10240x128xf32, #tpu.memory_space<vmem_shared>> -> memref<10240x128xf32, #tpu.memory_space<vmem_shared>>
    tpu.enqueue_indirect_dma source(%arg9 : memref<48x128xf32, #tpu.memory_space<vmem>>) target(%dma_start3A_115 : memref<10240x128xf32, #tpu.memory_space<vmem_shared>>) offsets(%dma_start3A_112 : memref<48xi32, #tpu.memory_space<vmem>>) semaphore(%arg15 : memref<!tpu.dma_semaphore, #tpu.memory_space<semaphore_mem>>) {add = true}
    %dma_wait3A_116 = arith.constant 0 : i32
    %dma_wait3A_117 = arith.constant 0 : i32
    %dma_wait3A_118 = tpu.memref_slice %arg2[%dma_wait3A_116, %dma_wait3A_117] : memref<10000x128xf32, #tpu.memory_space<hbm>> -> memref<48x128xf32, #tpu.memory_space<hbm>>
    %dma_wait3A_119 = arith.constant 0 : i32
    %dma_wait3A_120 = arith.constant 0 : i32
    %dma_wait3A_121 = tpu.memref_slice %arg2[%dma_wait3A_119, %dma_wait3A_120] : memref<10000x128xf32, #tpu.memory_space<hbm>> -> memref<48x128xf32, #tpu.memory_space<hbm>>
    tpu.wait_dma2 semaphore(%arg15 : memref<!tpu.dma_semaphore, #tpu.memory_space<semaphore_mem>>) src(%dma_wait3A_121 : memref<48x128xf32, #tpu.memory_space<hbm>>) dst(%arg8 : memref<48x128xf32, #tpu.memory_space<vmem>>)
    %multiple_of3A_122 = arith.constant 9984 : i32
    %multiple_of3A_123 = tpu.assume_multiple %multiple_of3A_122, 8 : i32
    %dma_start3A_124 = tpu.memref_slice %arg6[%multiple_of3A_123] : memref<10032xi32, #tpu.memory_space<vmem>> -> memref<48xi32, #tpu.memory_space<vmem>>
    %dma_start3A_125 = arith.constant 0 : i32
    %dma_start3A_126 = arith.constant 0 : i32
    %dma_start3A_127 = tpu.memref_slice %arg2[%dma_start3A_125, %dma_start3A_126] : memref<10000x128xf32, #tpu.memory_space<hbm>> -> memref<10000x128xf32, #tpu.memory_space<hbm>>
    tpu.enqueue_indirect_dma source(%dma_start3A_127 : memref<10000x128xf32, #tpu.memory_space<hbm>>) target(%arg8 : memref<48x128xf32, #tpu.memory_space<vmem>>) offsets(%dma_start3A_124 : memref<48xi32, #tpu.memory_space<vmem>>) semaphore(%arg14 : memref<!tpu.dma_semaphore, #tpu.memory_space<semaphore_mem>>)
    %dma_wait3A_128 = arith.constant 0 : i32
    %dma_wait3A_129 = arith.constant 0 : i32
    %dma_wait3A_130 = tpu.memref_slice %arg2[%dma_wait3A_128, %dma_wait3A_129] : memref<10000x128xf32, #tpu.memory_space<hbm>> -> memref<48x128xf32, #tpu.memory_space<hbm>>
    %dma_wait3A_131 = arith.constant 0 : i32
    %dma_wait3A_132 = arith.constant 0 : i32
    %dma_wait3A_133 = tpu.memref_slice %arg2[%dma_wait3A_131, %dma_wait3A_132] : memref<10000x128xf32, #tpu.memory_space<hbm>> -> memref<48x128xf32, #tpu.memory_space<hbm>>
    tpu.wait_dma2 semaphore(%arg14 : memref<!tpu.dma_semaphore, #tpu.memory_space<semaphore_mem>>) src(%dma_wait3A_133 : memref<48x128xf32, #tpu.memory_space<hbm>>) dst(%arg10 : memref<48x128xf32, #tpu.memory_space<vmem>>)
    %multiple_of3A_134 = arith.constant 9888 : i32
    %multiple_of3A_135 = tpu.assume_multiple %multiple_of3A_134, 8 : i32
    %dma_start3A_136 = tpu.memref_slice %arg7[%multiple_of3A_135] : memref<10032xi32, #tpu.memory_space<vmem>> -> memref<48xi32, #tpu.memory_space<vmem>>
    %dma_start3A_137 = arith.constant 0 : i32
    %dma_start3A_138 = arith.constant 0 : i32
    %dma_start3A_139 = tpu.memref_slice %arg12[%dma_start3A_137, %dma_start3A_138] : memref<10240x128xf32, #tpu.memory_space<vmem_shared>> -> memref<10240x128xf32, #tpu.memory_space<vmem_shared>>
    tpu.enqueue_indirect_dma source(%arg10 : memref<48x128xf32, #tpu.memory_space<vmem>>) target(%dma_start3A_139 : memref<10240x128xf32, #tpu.memory_space<vmem_shared>>) offsets(%dma_start3A_136 : memref<48xi32, #tpu.memory_space<vmem>>) semaphore(%arg15 : memref<!tpu.dma_semaphore, #tpu.memory_space<semaphore_mem>>) {add = true}
    %dma_wait3A_140 = arith.constant 0 : i32
    %dma_wait3A_141 = arith.constant 0 : i32
    %dma_wait3A_142 = tpu.memref_slice %arg2[%dma_wait3A_140, %dma_wait3A_141] : memref<10000x128xf32, #tpu.memory_space<hbm>> -> memref<48x128xf32, #tpu.memory_space<hbm>>
    %dma_wait3A_143 = arith.constant 0 : i32
    %dma_wait3A_144 = arith.constant 0 : i32
    %dma_wait3A_145 = tpu.memref_slice %arg2[%dma_wait3A_143, %dma_wait3A_144] : memref<10000x128xf32, #tpu.memory_space<hbm>> -> memref<48x128xf32, #tpu.memory_space<hbm>>
    tpu.wait_dma2 semaphore(%arg15 : memref<!tpu.dma_semaphore, #tpu.memory_space<semaphore_mem>>) src(%dma_wait3A_145 : memref<48x128xf32, #tpu.memory_space<hbm>>) dst(%arg9 : memref<48x128xf32, #tpu.memory_space<vmem>>)
    %dma_wait3A_146 = arith.constant 0 : i32
    %dma_wait3A_147 = arith.constant 0 : i32
    %dma_wait3A_148 = tpu.memref_slice %arg2[%dma_wait3A_146, %dma_wait3A_147] : memref<10000x128xf32, #tpu.memory_space<hbm>> -> memref<48x128xf32, #tpu.memory_space<hbm>>
    %dma_wait3A_149 = arith.constant 0 : i32
    %dma_wait3A_150 = arith.constant 0 : i32
    %dma_wait3A_151 = tpu.memref_slice %arg2[%dma_wait3A_149, %dma_wait3A_150] : memref<10000x128xf32, #tpu.memory_space<hbm>> -> memref<48x128xf32, #tpu.memory_space<hbm>>
    tpu.wait_dma2 semaphore(%arg14 : memref<!tpu.dma_semaphore, #tpu.memory_space<semaphore_mem>>) src(%dma_wait3A_151 : memref<48x128xf32, #tpu.memory_space<hbm>>) dst(%arg11 : memref<48x128xf32, #tpu.memory_space<vmem>>)
    %multiple_of3A_152 = arith.constant 9936 : i32
    %multiple_of3A_153 = tpu.assume_multiple %multiple_of3A_152, 8 : i32
    %dma_start3A_154 = tpu.memref_slice %arg7[%multiple_of3A_153] : memref<10032xi32, #tpu.memory_space<vmem>> -> memref<48xi32, #tpu.memory_space<vmem>>
    %dma_start3A_155 = arith.constant 0 : i32
    %dma_start3A_156 = arith.constant 0 : i32
    %dma_start3A_157 = tpu.memref_slice %arg12[%dma_start3A_155, %dma_start3A_156] : memref<10240x128xf32, #tpu.memory_space<vmem_shared>> -> memref<10240x128xf32, #tpu.memory_space<vmem_shared>>
    tpu.enqueue_indirect_dma source(%arg11 : memref<48x128xf32, #tpu.memory_space<vmem>>) target(%dma_start3A_157 : memref<10240x128xf32, #tpu.memory_space<vmem_shared>>) offsets(%dma_start3A_154 : memref<48xi32, #tpu.memory_space<vmem>>) semaphore(%arg15 : memref<!tpu.dma_semaphore, #tpu.memory_space<semaphore_mem>>) {add = true}
    %dma_wait3A_158 = arith.constant 0 : i32
    %dma_wait3A_159 = arith.constant 0 : i32
    %dma_wait3A_160 = tpu.memref_slice %arg2[%dma_wait3A_158, %dma_wait3A_159] : memref<10000x128xf32, #tpu.memory_space<hbm>> -> memref<48x128xf32, #tpu.memory_space<hbm>>
    %dma_wait3A_161 = arith.constant 0 : i32
    %dma_wait3A_162 = arith.constant 0 : i32
    %dma_wait3A_163 = tpu.memref_slice %arg2[%dma_wait3A_161, %dma_wait3A_162] : memref<10000x128xf32, #tpu.memory_space<hbm>> -> memref<48x128xf32, #tpu.memory_space<hbm>>
    tpu.wait_dma2 semaphore(%arg15 : memref<!tpu.dma_semaphore, #tpu.memory_space<semaphore_mem>>) src(%dma_wait3A_163 : memref<48x128xf32, #tpu.memory_space<hbm>>) dst(%arg10 : memref<48x128xf32, #tpu.memory_space<vmem>>)
    %dma_wait3A_164 = arith.constant 0 : i32
    %dma_wait3A_165 = arith.constant 0 : i32
    %dma_wait3A_166 = tpu.memref_slice %arg2[%dma_wait3A_164, %dma_wait3A_165] : memref<10000x128xf32, #tpu.memory_space<hbm>> -> memref<48x128xf32, #tpu.memory_space<hbm>>
    %dma_wait3A_167 = arith.constant 0 : i32
    %dma_wait3A_168 = arith.constant 0 : i32
    %dma_wait3A_169 = tpu.memref_slice %arg2[%dma_wait3A_167, %dma_wait3A_168] : memref<10000x128xf32, #tpu.memory_space<hbm>> -> memref<48x128xf32, #tpu.memory_space<hbm>>
    tpu.wait_dma2 semaphore(%arg14 : memref<!tpu.dma_semaphore, #tpu.memory_space<semaphore_mem>>) src(%dma_wait3A_169 : memref<48x128xf32, #tpu.memory_space<hbm>>) dst(%arg8 : memref<48x128xf32, #tpu.memory_space<vmem>>)
    %multiple_of3A_170 = arith.constant 9984 : i32
    %multiple_of3A_171 = tpu.assume_multiple %multiple_of3A_170, 8 : i32
    %dma_start3A_172 = tpu.memref_slice %arg7[%multiple_of3A_171] : memref<10032xi32, #tpu.memory_space<vmem>> -> memref<48xi32, #tpu.memory_space<vmem>>
    %dma_start3A_173 = arith.constant 0 : i32
    %dma_start3A_174 = arith.constant 0 : i32
    %dma_start3A_175 = tpu.memref_slice %arg12[%dma_start3A_173, %dma_start3A_174] : memref<10240x128xf32, #tpu.memory_space<vmem_shared>> -> memref<10240x128xf32, #tpu.memory_space<vmem_shared>>
    tpu.enqueue_indirect_dma source(%arg8 : memref<48x128xf32, #tpu.memory_space<vmem>>) target(%dma_start3A_175 : memref<10240x128xf32, #tpu.memory_space<vmem_shared>>) offsets(%dma_start3A_172 : memref<48xi32, #tpu.memory_space<vmem>>) semaphore(%arg15 : memref<!tpu.dma_semaphore, #tpu.memory_space<semaphore_mem>>) {add = true}
    %dma_wait3A_176 = arith.constant 0 : i32
    %dma_wait3A_177 = arith.constant 0 : i32
    %dma_wait3A_178 = tpu.memref_slice %arg2[%dma_wait3A_176, %dma_wait3A_177] : memref<10000x128xf32, #tpu.memory_space<hbm>> -> memref<48x128xf32, #tpu.memory_space<hbm>>
    %dma_wait3A_179 = arith.constant 0 : i32
    %dma_wait3A_180 = arith.constant 0 : i32
    %dma_wait3A_181 = tpu.memref_slice %arg2[%dma_wait3A_179, %dma_wait3A_180] : memref<10000x128xf32, #tpu.memory_space<hbm>> -> memref<48x128xf32, #tpu.memory_space<hbm>>
    tpu.wait_dma2 semaphore(%arg15 : memref<!tpu.dma_semaphore, #tpu.memory_space<semaphore_mem>>) src(%dma_wait3A_181 : memref<48x128xf32, #tpu.memory_space<hbm>>) dst(%arg11 : memref<48x128xf32, #tpu.memory_space<vmem>>)
    %dma_wait3A_182 = arith.constant 0 : i32
    %dma_wait3A_183 = arith.constant 0 : i32
    %dma_wait3A_184 = tpu.memref_slice %arg2[%dma_wait3A_182, %dma_wait3A_183] : memref<10000x128xf32, #tpu.memory_space<hbm>> -> memref<48x128xf32, #tpu.memory_space<hbm>>
    %dma_wait3A_185 = arith.constant 0 : i32
    %dma_wait3A_186 = arith.constant 0 : i32
    %dma_wait3A_187 = tpu.memref_slice %arg2[%dma_wait3A_185, %dma_wait3A_186] : memref<10000x128xf32, #tpu.memory_space<hbm>> -> memref<48x128xf32, #tpu.memory_space<hbm>>
    tpu.wait_dma2 semaphore(%arg15 : memref<!tpu.dma_semaphore, #tpu.memory_space<semaphore_mem>>) src(%dma_wait3A_187 : memref<48x128xf32, #tpu.memory_space<hbm>>) dst(%arg8 : memref<48x128xf32, #tpu.memory_space<vmem>>)
    %barrier3A_188 = arith.constant 0 : index
    tpu.barrier barrier_id(%barrier3A_188)
    "tpu.region"() ({
      %run_scoped3A = tpu.sem_alloc : memref<!tpu.dma_semaphore, #tpu.memory_space<semaphore_mem>>
      %dma_start3A_189 = arith.constant 0 : i32
      %dma_start3A_190 = arith.constant 0 : i32
      %dma_start3A_191 = tpu.memref_slice %arg5[%arg0, %dma_start3A_189, %dma_start3A_190] : memref<2x10240x128xf32, #tpu.memory_space<hbm>> -> memref<1x10240x128xf32, #tpu.memory_space<hbm>>
      %dma_start3A_192 = tpu.memref_squeeze %dma_start3A_191 : memref<1x10240x128xf32, #tpu.memory_space<hbm>> -> memref<10240x128xf32, #tpu.memory_space<hbm>>
      %dma_start3A_193 = arith.constant 0 : i32
      %dma_start3A_194 = tpu.memref_slice %dma_start3A_192[%mul3A_19, %dma_start3A_193] : memref<10240x128xf32, #tpu.memory_space<hbm>> -> memref<640x128xf32, #tpu.memory_space<hbm>>
      %dma_start3A_195 = arith.constant 0 : i32
      %dma_start3A_196 = tpu.memref_slice %arg12[%mul3A_19, %dma_start3A_195] : memref<10240x128xf32, #tpu.memory_space<vmem_shared>> -> memref<640x128xf32, #tpu.memory_space<vmem_shared>>
      tpu.enqueue_dma source(%dma_start3A_196 : memref<640x128xf32, #tpu.memory_space<vmem_shared>>) target(%dma_start3A_194 : memref<640x128xf32, #tpu.memory_space<hbm>>) target_semaphore(%run_scoped3A : memref<!tpu.dma_semaphore, #tpu.memory_space<semaphore_mem>>)
      %dma_wait3A_197 = arith.constant 0 : i32
      %dma_wait3A_198 = arith.constant 0 : i32
      %dma_wait3A_199 = tpu.memref_slice %arg5[%arg0, %dma_wait3A_197, %dma_wait3A_198] : memref<2x10240x128xf32, #tpu.memory_space<hbm>> -> memref<1x10240x128xf32, #tpu.memory_space<hbm>>
      %dma_wait3A_200 = tpu.memref_squeeze %dma_wait3A_199 : memref<1x10240x128xf32, #tpu.memory_space<hbm>> -> memref<10240x128xf32, #tpu.memory_space<hbm>>
      %dma_wait3A_201 = arith.constant 0 : i32
      %dma_wait3A_202 = tpu.memref_slice %dma_wait3A_200[%mul3A_19, %dma_wait3A_201] : memref<10240x128xf32, #tpu.memory_space<hbm>> -> memref<640x128xf32, #tpu.memory_space<hbm>>
      %dma_wait3A_203 = arith.constant 0 : i32
      %dma_wait3A_204 = tpu.memref_slice %arg12[%mul3A_19, %dma_wait3A_203] : memref<10240x128xf32, #tpu.memory_space<vmem_shared>> -> memref<640x128xf32, #tpu.memory_space<vmem_shared>>
      tpu.wait_dma2 semaphore(%run_scoped3A : memref<!tpu.dma_semaphore, #tpu.memory_space<semaphore_mem>>) src(%dma_wait3A_204 : memref<640x128xf32, #tpu.memory_space<vmem_shared>>) dst(%dma_wait3A_202 : memref<640x128xf32, #tpu.memory_space<hbm>>)
      tpu.yield
    }) : () -> ()
    return
  }
}

#map = affine_map<(d0, d1) -> (0, 0)>
#map1 = affine_map<(d0, d1) -> (0, 0, 0)>
module attributes {stable_mosaic.version = 14 : i64} {
  func.func @k(%arg0: i32, %arg1: i32, %arg2: memref<10000x128xf32, #tpu.memory_space<hbm>>, %arg3: memref<32x10032xi32, #tpu.memory_space<hbm>>, %arg4: memref<32x10032xi32, #tpu.memory_space<hbm>>, %arg5: memref<2x10240x128xf32, #tpu.memory_space<hbm>>, %arg6: memref<10032xi32, #tpu.memory_space<vmem>>, %arg7: memref<10032xi32, #tpu.memory_space<vmem>>, %arg8: memref<48x128xf32, #tpu.memory_space<vmem>>, %arg9: memref<48x128xf32, #tpu.memory_space<vmem>>, %arg10: memref<48x128xf32, #tpu.memory_space<vmem>>, %arg11: memref<48x128xf32, #tpu.memory_space<vmem>>, %arg12: memref<10240x128xf32, #tpu.memory_space<vmem_shared>>, %arg13: memref<!tpu.dma_semaphore, #tpu.memory_space<semaphore_mem>>, %arg14: memref<!tpu.dma_semaphore, #tpu.memory_space<semaphore_mem>>, %arg15: memref<!tpu.dma_semaphore, #tpu.memory_space<semaphore_mem>>) attributes {dimension_semantics = [#tpu.dimension_semantics<core_parallel>, #tpu.dimension_semantics<subcore_parallel>], iteration_bounds = array<i64: 2, 16>, scalar_prefetch = 0 : i64, scratch_operands = 10 : i64, tpu.core_type = #tpu.core_type<sc_vector_subcore>, window_params = [{transform_indices = #map}, {transform_indices = #map}, {transform_indices = #map}, {transform_indices = #map1}]} {
    %mul3A = arith.constant 16 : i32
    %mul3A_0 = arith.muli %arg0, %mul3A : i32
    %add3A = arith.addi %mul3A_0, %arg1 : i32
    %dma_start3A = arith.constant 0 : i32
    %dma_start3A_1 = tpu.memref_slice %arg3[%add3A, %dma_start3A] : memref<32x10032xi32, #tpu.memory_space<hbm>> -> memref<1x10032xi32, #tpu.memory_space<hbm>>
    %dma_start3A_2 = tpu.memref_squeeze %dma_start3A_1 : memref<1x10032xi32, #tpu.memory_space<hbm>> -> memref<10032xi32, #tpu.memory_space<hbm>>
    %dma_start3A_3 = arith.constant 0 : i32
    %dma_start3A_4 = tpu.memref_slice %arg3[%add3A, %dma_start3A_3] : memref<32x10032xi32, #tpu.memory_space<hbm>> -> memref<1x10032xi32, #tpu.memory_space<hbm>>
    %dma_start3A_5 = tpu.memref_squeeze %dma_start3A_4 : memref<1x10032xi32, #tpu.memory_space<hbm>> -> memref<10032xi32, #tpu.memory_space<hbm>>
    tpu.enqueue_dma source(%dma_start3A_5 : memref<10032xi32, #tpu.memory_space<hbm>>) target(%arg6 : memref<10032xi32, #tpu.memory_space<vmem>>) target_semaphore(%arg13 : memref<!tpu.dma_semaphore, #tpu.memory_space<semaphore_mem>>)
    %dma_start3A_6 = arith.constant 0 : i32
    %dma_start3A_7 = tpu.memref_slice %arg4[%add3A, %dma_start3A_6] : memref<32x10032xi32, #tpu.memory_space<hbm>> -> memref<1x10032xi32, #tpu.memory_space<hbm>>
    %dma_start3A_8 = tpu.memref_squeeze %dma_start3A_7 : memref<1x10032xi32, #tpu.memory_space<hbm>> -> memref<10032xi32, #tpu.memory_space<hbm>>
    %dma_start3A_9 = arith.constant 0 : i32
    %dma_start3A_10 = tpu.memref_slice %arg4[%add3A, %dma_start3A_9] : memref<32x10032xi32, #tpu.memory_space<hbm>> -> memref<1x10032xi32, #tpu.memory_space<hbm>>
    %dma_start3A_11 = tpu.memref_squeeze %dma_start3A_10 : memref<1x10032xi32, #tpu.memory_space<hbm>> -> memref<10032xi32, #tpu.memory_space<hbm>>
    tpu.enqueue_dma source(%dma_start3A_11 : memref<10032xi32, #tpu.memory_space<hbm>>) target(%arg7 : memref<10032xi32, #tpu.memory_space<vmem>>) target_semaphore(%arg13 : memref<!tpu.dma_semaphore, #tpu.memory_space<semaphore_mem>>)
    %broadcast_in_dim3A = arith.constant 0.000000e+00 : f32
    %broadcast_in_dim3A_12 = vector.broadcast %broadcast_in_dim3A : f32 to vector<16xf32>
    %scan3A = arith.constant 0 : i32
    %scan3A_13 = arith.constant 0 : i32
    %scan3A_14 = arith.constant 40 : i32
    %scan3A_15 = arith.addi %scan3A_13, %scan3A_14 : i32
    %scan3A_16 = arith.constant 1 : i32
    scf.for %scan3A_189 = %scan3A_13 to %scan3A_15 step %scan3A_16  : i32 {
      %swap3A = arith.index_cast %scan3A_189 : i32 to index
      %swap3A_190 = arith.constant 0 : index
      %swap3A_191 = tpu.vector_load %arg8[%swap3A, %swap3A_190] {strides = array<i32>} : memref<48x128xf32, #tpu.memory_space<vmem>>, vector<1x16xf32>,
      %swap3A_192 = vector.shape_cast %swap3A_191 : vector<1x16xf32> to vector<16xf32>
      %swap3A_193 = vector.shape_cast %broadcast_in_dim3A_12 : vector<16xf32> to vector<1x16xf32>
      tpu.vector_store %arg8[%swap3A, %swap3A_190], %swap3A_193 {strides = array<i32>} : memref<48x128xf32, #tpu.memory_space<vmem>>, vector<1x16xf32>,
      %swap3A_194 = arith.index_cast %scan3A_189 : i32 to index
      %swap3A_195 = arith.constant 16 : index
      %swap3A_196 = tpu.vector_load %arg8[%swap3A_194, %swap3A_195] {strides = array<i32>} : memref<48x128xf32, #tpu.memory_space<vmem>>, vector<1x16xf32>,
      %swap3A_197 = vector.shape_cast %swap3A_196 : vector<1x16xf32> to vector<16xf32>
      %swap3A_198 = vector.shape_cast %broadcast_in_dim3A_12 : vector<16xf32> to vector<1x16xf32>
      tpu.vector_store %arg8[%swap3A_194, %swap3A_195], %swap3A_198 {strides = array<i32>} : memref<48x128xf32, #tpu.memory_space<vmem>>, vector<1x16xf32>,
      %swap3A_199 = arith.index_cast %scan3A_189 : i32 to index
      %swap3A_200 = arith.constant 32 : index
      %swap3A_201 = tpu.vector_load %arg8[%swap3A_199, %swap3A_200] {strides = array<i32>} : memref<48x128xf32, #tpu.memory_space<vmem>>, vector<1x16xf32>,
      %swap3A_202 = vector.shape_cast %swap3A_201 : vector<1x16xf32> to vector<16xf32>
      %swap3A_203 = vector.shape_cast %broadcast_in_dim3A_12 : vector<16xf32> to vector<1x16xf32>
      tpu.vector_store %arg8[%swap3A_199, %swap3A_200], %swap3A_203 {strides = array<i32>} : memref<48x128xf32, #tpu.memory_space<vmem>>, vector<1x16xf32>,
      %swap3A_204 = arith.index_cast %scan3A_189 : i32 to index
      %swap3A_205 = arith.constant 48 : index
      %swap3A_206 = tpu.vector_load %arg8[%swap3A_204, %swap3A_205] {strides = array<i32>} : memref<48x128xf32, #tpu.memory_space<vmem>>, vector<1x16xf32>,
      %swap3A_207 = vector.shape_cast %swap3A_206 : vector<1x16xf32> to vector<16xf32>
      %swap3A_208 = vector.shape_cast %broadcast_in_dim3A_12 : vector<16xf32> to vector<1x16xf32>
      tpu.vector_store %arg8[%swap3A_204, %swap3A_205], %swap3A_208 {strides = array<i32>} : memref<48x128xf32, #tpu.memory_space<vmem>>, vector<1x16xf32>,
      %swap3A_209 = arith.index_cast %scan3A_189 : i32 to index
      %swap3A_210 = arith.constant 64 : index
      %swap3A_211 = tpu.vector_load %arg8[%swap3A_209, %swap3A_210] {strides = array<i32>} : memref<48x128xf32, #tpu.memory_space<vmem>>, vector<1x16xf32>,
      %swap3A_212 = vector.shape_cast %swap3A_211 : vector<1x16xf32> to vector<16xf32>
      %swap3A_213 = vector.shape_cast %broadcast_in_dim3A_12 : vector<16xf32> to vector<1x16xf32>
      tpu.vector_store %arg8[%swap3A_209, %swap3A_210], %swap3A_213 {strides = array<i32>} : memref<48x128xf32, #tpu.memory_space<vmem>>, vector<1x16xf32>,
      %swap3A_214 = arith.index_cast %scan3A_189 : i32 to index
      %swap3A_215 = arith.constant 80 : index
      %swap3A_216 = tpu.vector_load %arg8[%swap3A_214, %swap3A_215] {strides = array<i32>} : memref<48x128xf32, #tpu.memory_space<vmem>>, vector<1x16xf32>,
      %swap3A_217 = vector.shape_cast %swap3A_216 : vector<1x16xf32> to vector<16xf32>
      %swap3A_218 = vector.shape_cast %broadcast_in_dim3A_12 : vector<16xf32> to vector<1x16xf32>
      tpu.vector_store %arg8[%swap3A_214, %swap3A_215], %swap3A_218 {strides = array<i32>} : memref<48x128xf32, #tpu.memory_space<vmem>>, vector<1x16xf32>,
      %swap3A_219 = arith.index_cast %scan3A_189 : i32 to index
      %swap3A_220 = arith.constant 96 : index
      %swap3A_221 = tpu.vector_load %arg8[%swap3A_219, %swap3A_220] {strides = array<i32>} : memref<48x128xf32, #tpu.memory_space<vmem>>, vector<1x16xf32>,
      %swap3A_222 = vector.shape_cast %swap3A_221 : vector<1x16xf32> to vector<16xf32>
      %swap3A_223 = vector.shape_cast %broadcast_in_dim3A_12 : vector<16xf32> to vector<1x16xf32>
      tpu.vector_store %arg8[%swap3A_219, %swap3A_220], %swap3A_223 {strides = array<i32>} : memref<48x128xf32, #tpu.memory_space<vmem>>, vector<1x16xf32>,
      %swap3A_224 = arith.index_cast %scan3A_189 : i32 to index
      %swap3A_225 = arith.constant 112 : index
      %swap3A_226 = tpu.vector_load %arg8[%swap3A_224, %swap3A_225] {strides = array<i32>} : memref<48x128xf32, #tpu.memory_space<vmem>>, vector<1x16xf32>,
      %swap3A_227 = vector.shape_cast %swap3A_226 : vector<1x16xf32> to vector<16xf32>
      %swap3A_228 = vector.shape_cast %broadcast_in_dim3A_12 : vector<16xf32> to vector<1x16xf32>
      tpu.vector_store %arg8[%swap3A_224, %swap3A_225], %swap3A_228 {strides = array<i32>} : memref<48x128xf32, #tpu.memory_space<vmem>>, vector<1x16xf32>,
    }
    %scan3A_17 = arith.constant 40 : i32
    %mul3A_18 = arith.constant 640 : i32
    %mul3A_19 = arith.muli %arg1, %mul3A_18 : i32
    %add3A_20 = arith.constant 0 : i32
    %add3A_21 = arith.addi %mul3A_19, %add3A_20 : i32
    "tpu.region"() ({
      %run_scoped3A = tpu.sem_alloc : memref<!tpu.dma_semaphore, #tpu.memory_space<semaphore_mem>>
      %dma_start3A_189 = arith.constant 0 : i32
      %dma_start3A_190 = arith.constant 0 : i32
      %dma_start3A_191 = tpu.memref_slice %arg8[%dma_start3A_189, %dma_start3A_190] : memref<48x128xf32, #tpu.memory_space<vmem>> -> memref<40x128xf32, #tpu.memory_space<vmem>>
      %dma_start3A_192 = arith.constant 0 : i32
      %dma_start3A_193 = tpu.memref_slice %arg12[%add3A_21, %dma_start3A_192] : memref<10240x128xf32, #tpu.memory_space<vmem_shared>> -> memref<40x128xf32, #tpu.memory_space<vmem_shared>>
      %dma_start3A_194 = arith.constant 0 : i32
      %dma_start3A_195 = tpu.memref_slice %arg12[%add3A_21, %dma_start3A_194] : memref<10240x128xf32, #tpu.memory_space<vmem_shared>> -> memref<40x128xf32, #tpu.memory_space<vmem_shared>>
      %dma_start3A_196 = arith.constant 0 : i32
      %dma_start3A_197 = arith.constant 0 : i32
      %dma_start3A_198 = tpu.memref_slice %arg8[%dma_start3A_196, %dma_start3A_197] : memref<48x128xf32, #tpu.memory_space<vmem>> -> memref<40x128xf32, #tpu.memory_space<vmem>>
      tpu.enqueue_dma source(%dma_start3A_198 : memref<40x128xf32, #tpu.memory_space<vmem>>) target(%dma_start3A_195 : memref<40x128xf32, #tpu.memory_space<vmem_shared>>) target_semaphore(%run_scoped3A : memref<!tpu.dma_semaphore, #tpu.memory_space<semaphore_mem>>)
      %dma_wait3A_199 = arith.constant 0 : i32
      %dma_wait3A_200 = arith.constant 0 : i32
      %dma_wait3A_201 = tpu.memref_slice %arg8[%dma_wait3A_199, %dma_wait3A_200] : memref<48x128xf32, #tpu.memory_space<vmem>> -> memref<40x128xf32, #tpu.memory_space<vmem>>
      %dma_wait3A_202 = arith.constant 0 : i32
      %dma_wait3A_203 = tpu.memref_slice %arg12[%add3A_21, %dma_wait3A_202] : memref<10240x128xf32, #tpu.memory_space<vmem_shared>> -> memref<40x128xf32, #tpu.memory_space<vmem_shared>>
      %dma_wait3A_204 = arith.constant 0 : i32
      %dma_wait3A_205 = tpu.memref_slice %arg12[%add3A_21, %dma_wait3A_204] : memref<10240x128xf32, #tpu.memory_space<vmem_shared>> -> memref<40x128xf32, #tpu.memory_space<vmem_shared>>
      %dma_wait3A_206 = arith.constant 0 : i32
      %dma_wait3A_207 = arith.constant 0 : i32
      %dma_wait3A_208 = tpu.memref_slice %arg8[%dma_wait3A_206, %dma_wait3A_207] : memref<48x128xf32, #tpu.memory_space<vmem>> -> memref<40x128xf32, #tpu.memory_space<vmem>>
      tpu.wait_dma2 semaphore(%run_scoped3A : memref<!tpu.dma_semaphore, #tpu.memory_space<semaphore_mem>>) src(%dma_wait3A_208 : memref<40x128xf32, #tpu.memory_space<vmem>>) dst(%dma_wait3A_205 : memref<40x128xf32, #tpu.memory_space<vmem_shared>>)
      tpu.yield
    }) : () -> ()
    %add3A_22 = arith.constant 40 : i32
    %add3A_23 = arith.addi %mul3A_19, %add3A_22 : i32
    "tpu.region"() ({
      %run_scoped3A = tpu.sem_alloc : memref<!tpu.dma_semaphore, #tpu.memory_space<semaphore_mem>>
      %dma_start3A_189 = arith.constant 0 : i32
      %dma_start3A_190 = arith.constant 0 : i32
      %dma_start3A_191 = tpu.memref_slice %arg8[%dma_start3A_189, %dma_start3A_190] : memref<48x128xf32, #tpu.memory_space<vmem>> -> memref<40x128xf32, #tpu.memory_space<vmem>>
      %dma_start3A_192 = arith.constant 0 : i32
      %dma_start3A_193 = tpu.memref_slice %arg12[%add3A_23, %dma_start3A_192] : memref<10240x128xf32, #tpu.memory_space<vmem_shared>> -> memref<40x128xf32, #tpu.memory_space<vmem_shared>>
      %dma_start3A_194 = arith.constant 0 : i32
      %dma_start3A_195 = tpu.memref_slice %arg12[%add3A_23, %dma_start3A_194] : memref<10240x128xf32, #tpu.memory_space<vmem_shared>> -> memref<40x128xf32, #tpu.memory_space<vmem_shared>>
      %dma_start3A_196 = arith.constant 0 : i32
      %dma_start3A_197 = arith.constant 0 : i32
      %dma_start3A_198 = tpu.memref_slice %arg8[%dma_start3A_196, %dma_start3A_197] : memref<48x128xf32, #tpu.memory_space<vmem>> -> memref<40x128xf32, #tpu.memory_space<vmem>>
      tpu.enqueue_dma source(%dma_start3A_198 : memref<40x128xf32, #tpu.memory_space<vmem>>) target(%dma_start3A_195 : memref<40x128xf32, #tpu.memory_space<vmem_shared>>) target_semaphore(%run_scoped3A : memref<!tpu.dma_semaphore, #tpu.memory_space<semaphore_mem>>)
      %dma_wait3A_199 = arith.constant 0 : i32
      %dma_wait3A_200 = arith.constant 0 : i32
      %dma_wait3A_201 = tpu.memref_slice %arg8[%dma_wait3A_199, %dma_wait3A_200] : memref<48x128xf32, #tpu.memory_space<vmem>> -> memref<40x128xf32, #tpu.memory_space<vmem>>
      %dma_wait3A_202 = arith.constant 0 : i32
      %dma_wait3A_203 = tpu.memref_slice %arg12[%add3A_23, %dma_wait3A_202] : memref<10240x128xf32, #tpu.memory_space<vmem_shared>> -> memref<40x128xf32, #tpu.memory_space<vmem_shared>>
      %dma_wait3A_204 = arith.constant 0 : i32
      %dma_wait3A_205 = tpu.memref_slice %arg12[%add3A_23, %dma_wait3A_204] : memref<10240x128xf32, #tpu.memory_space<vmem_shared>> -> memref<40x128xf32, #tpu.memory_space<vmem_shared>>
      %dma_wait3A_206 = arith.constant 0 : i32
      %dma_wait3A_207 = arith.constant 0 : i32
      %dma_wait3A_208 = tpu.memref_slice %arg8[%dma_wait3A_206, %dma_wait3A_207] : memref<48x128xf32, #tpu.memory_space<vmem>> -> memref<40x128xf32, #tpu.memory_space<vmem>>
      tpu.wait_dma2 semaphore(%run_scoped3A : memref<!tpu.dma_semaphore, #tpu.memory_space<semaphore_mem>>) src(%dma_wait3A_208 : memref<40x128xf32, #tpu.memory_space<vmem>>) dst(%dma_wait3A_205 : memref<40x128xf32, #tpu.memory_space<vmem_shared>>)
      tpu.yield
    }) : () -> ()
    %add3A_24 = arith.constant 80 : i32
    %add3A_25 = arith.addi %mul3A_19, %add3A_24 : i32
    "tpu.region"() ({
      %run_scoped3A = tpu.sem_alloc : memref<!tpu.dma_semaphore, #tpu.memory_space<semaphore_mem>>
      %dma_start3A_189 = arith.constant 0 : i32
      %dma_start3A_190 = arith.constant 0 : i32
      %dma_start3A_191 = tpu.memref_slice %arg8[%dma_start3A_189, %dma_start3A_190] : memref<48x128xf32, #tpu.memory_space<vmem>> -> memref<40x128xf32, #tpu.memory_space<vmem>>
      %dma_start3A_192 = arith.constant 0 : i32
      %dma_start3A_193 = tpu.memref_slice %arg12[%add3A_25, %dma_start3A_192] : memref<10240x128xf32, #tpu.memory_space<vmem_shared>> -> memref<40x128xf32, #tpu.memory_space<vmem_shared>>
      %dma_start3A_194 = arith.constant 0 : i32
      %dma_start3A_195 = tpu.memref_slice %arg12[%add3A_25, %dma_start3A_194] : memref<10240x128xf32, #tpu.memory_space<vmem_shared>> -> memref<40x128xf32, #tpu.memory_space<vmem_shared>>
      %dma_start3A_196 = arith.constant 0 : i32
      %dma_start3A_197 = arith.constant 0 : i32
      %dma_start3A_198 = tpu.memref_slice %arg8[%dma_start3A_196, %dma_start3A_197] : memref<48x128xf32, #tpu.memory_space<vmem>> -> memref<40x128xf32, #tpu.memory_space<vmem>>
      tpu.enqueue_dma source(%dma_start3A_198 : memref<40x128xf32, #tpu.memory_space<vmem>>) target(%dma_start3A_195 : memref<40x128xf32, #tpu.memory_space<vmem_shared>>) target_semaphore(%run_scoped3A : memref<!tpu.dma_semaphore, #tpu.memory_space<semaphore_mem>>)
      %dma_wait3A_199 = arith.constant 0 : i32
      %dma_wait3A_200 = arith.constant 0 : i32
      %dma_wait3A_201 = tpu.memref_slice %arg8[%dma_wait3A_199, %dma_wait3A_200] : memref<48x128xf32, #tpu.memory_space<vmem>> -> memref<40x128xf32, #tpu.memory_space<vmem>>
      %dma_wait3A_202 = arith.constant 0 : i32
      %dma_wait3A_203 = tpu.memref_slice %arg12[%add3A_25, %dma_wait3A_202] : memref<10240x128xf32, #tpu.memory_space<vmem_shared>> -> memref<40x128xf32, #tpu.memory_space<vmem_shared>>
      %dma_wait3A_204 = arith.constant 0 : i32
      %dma_wait3A_205 = tpu.memref_slice %arg12[%add3A_25, %dma_wait3A_204] : memref<10240x128xf32, #tpu.memory_space<vmem_shared>> -> memref<40x128xf32, #tpu.memory_space<vmem_shared>>
      %dma_wait3A_206 = arith.constant 0 : i32
      %dma_wait3A_207 = arith.constant 0 : i32
      %dma_wait3A_208 = tpu.memref_slice %arg8[%dma_wait3A_206, %dma_wait3A_207] : memref<48x128xf32, #tpu.memory_space<vmem>> -> memref<40x128xf32, #tpu.memory_space<vmem>>
      tpu.wait_dma2 semaphore(%run_scoped3A : memref<!tpu.dma_semaphore, #tpu.memory_space<semaphore_mem>>) src(%dma_wait3A_208 : memref<40x128xf32, #tpu.memory_space<vmem>>) dst(%dma_wait3A_205 : memref<40x128xf32, #tpu.memory_space<vmem_shared>>)
      tpu.yield
    }) : () -> ()
    %add3A_26 = arith.constant 120 : i32
    %add3A_27 = arith.addi %mul3A_19, %add3A_26 : i32
    "tpu.region"() ({
      %run_scoped3A = tpu.sem_alloc : memref<!tpu.dma_semaphore, #tpu.memory_space<semaphore_mem>>
      %dma_start3A_189 = arith.constant 0 : i32
      %dma_start3A_190 = arith.constant 0 : i32
      %dma_start3A_191 = tpu.memref_slice %arg8[%dma_start3A_189, %dma_start3A_190] : memref<48x128xf32, #tpu.memory_space<vmem>> -> memref<40x128xf32, #tpu.memory_space<vmem>>
      %dma_start3A_192 = arith.constant 0 : i32
      %dma_start3A_193 = tpu.memref_slice %arg12[%add3A_27, %dma_start3A_192] : memref<10240x128xf32, #tpu.memory_space<vmem_shared>> -> memref<40x128xf32, #tpu.memory_space<vmem_shared>>
      %dma_start3A_194 = arith.constant 0 : i32
      %dma_start3A_195 = tpu.memref_slice %arg12[%add3A_27, %dma_start3A_194] : memref<10240x128xf32, #tpu.memory_space<vmem_shared>> -> memref<40x128xf32, #tpu.memory_space<vmem_shared>>
      %dma_start3A_196 = arith.constant 0 : i32
      %dma_start3A_197 = arith.constant 0 : i32
      %dma_start3A_198 = tpu.memref_slice %arg8[%dma_start3A_196, %dma_start3A_197] : memref<48x128xf32, #tpu.memory_space<vmem>> -> memref<40x128xf32, #tpu.memory_space<vmem>>
      tpu.enqueue_dma source(%dma_start3A_198 : memref<40x128xf32, #tpu.memory_space<vmem>>) target(%dma_start3A_195 : memref<40x128xf32, #tpu.memory_space<vmem_shared>>) target_semaphore(%run_scoped3A : memref<!tpu.dma_semaphore, #tpu.memory_space<semaphore_mem>>)
      %dma_wait3A_199 = arith.constant 0 : i32
      %dma_wait3A_200 = arith.constant 0 : i32
      %dma_wait3A_201 = tpu.memref_slice %arg8[%dma_wait3A_199, %dma_wait3A_200] : memref<48x128xf32, #tpu.memory_space<vmem>> -> memref<40x128xf32, #tpu.memory_space<vmem>>
      %dma_wait3A_202 = arith.constant 0 : i32
      %dma_wait3A_203 = tpu.memref_slice %arg12[%add3A_27, %dma_wait3A_202] : memref<10240x128xf32, #tpu.memory_space<vmem_shared>> -> memref<40x128xf32, #tpu.memory_space<vmem_shared>>
      %dma_wait3A_204 = arith.constant 0 : i32
      %dma_wait3A_205 = tpu.memref_slice %arg12[%add3A_27, %dma_wait3A_204] : memref<10240x128xf32, #tpu.memory_space<vmem_shared>> -> memref<40x128xf32, #tpu.memory_space<vmem_shared>>
      %dma_wait3A_206 = arith.constant 0 : i32
      %dma_wait3A_207 = arith.constant 0 : i32
      %dma_wait3A_208 = tpu.memref_slice %arg8[%dma_wait3A_206, %dma_wait3A_207] : memref<48x128xf32, #tpu.memory_space<vmem>> -> memref<40x128xf32, #tpu.memory_space<vmem>>
      tpu.wait_dma2 semaphore(%run_scoped3A : memref<!tpu.dma_semaphore, #tpu.memory_space<semaphore_mem>>) src(%dma_wait3A_208 : memref<40x128xf32, #tpu.memory_space<vmem>>) dst(%dma_wait3A_205 : memref<40x128xf32, #tpu.memory_space<vmem_shared>>)
      tpu.yield
    }) : () -> ()
    %add3A_28 = arith.constant 160 : i32
    %add3A_29 = arith.addi %mul3A_19, %add3A_28 : i32
    "tpu.region"() ({
      %run_scoped3A = tpu.sem_alloc : memref<!tpu.dma_semaphore, #tpu.memory_space<semaphore_mem>>
      %dma_start3A_189 = arith.constant 0 : i32
      %dma_start3A_190 = arith.constant 0 : i32
      %dma_start3A_191 = tpu.memref_slice %arg8[%dma_start3A_189, %dma_start3A_190] : memref<48x128xf32, #tpu.memory_space<vmem>> -> memref<40x128xf32, #tpu.memory_space<vmem>>
      %dma_start3A_192 = arith.constant 0 : i32
      %dma_start3A_193 = tpu.memref_slice %arg12[%add3A_29, %dma_start3A_192] : memref<10240x128xf32, #tpu.memory_space<vmem_shared>> -> memref<40x128xf32, #tpu.memory_space<vmem_shared>>
      %dma_start3A_194 = arith.constant 0 : i32
      %dma_start3A_195 = tpu.memref_slice %arg12[%add3A_29, %dma_start3A_194] : memref<10240x128xf32, #tpu.memory_space<vmem_shared>> -> memref<40x128xf32, #tpu.memory_space<vmem_shared>>
      %dma_start3A_196 = arith.constant 0 : i32
      %dma_start3A_197 = arith.constant 0 : i32
      %dma_start3A_198 = tpu.memref_slice %arg8[%dma_start3A_196, %dma_start3A_197] : memref<48x128xf32, #tpu.memory_space<vmem>> -> memref<40x128xf32, #tpu.memory_space<vmem>>
      tpu.enqueue_dma source(%dma_start3A_198 : memref<40x128xf32, #tpu.memory_space<vmem>>) target(%dma_start3A_195 : memref<40x128xf32, #tpu.memory_space<vmem_shared>>) target_semaphore(%run_scoped3A : memref<!tpu.dma_semaphore, #tpu.memory_space<semaphore_mem>>)
      %dma_wait3A_199 = arith.constant 0 : i32
      %dma_wait3A_200 = arith.constant 0 : i32
      %dma_wait3A_201 = tpu.memref_slice %arg8[%dma_wait3A_199, %dma_wait3A_200] : memref<48x128xf32, #tpu.memory_space<vmem>> -> memref<40x128xf32, #tpu.memory_space<vmem>>
      %dma_wait3A_202 = arith.constant 0 : i32
      %dma_wait3A_203 = tpu.memref_slice %arg12[%add3A_29, %dma_wait3A_202] : memref<10240x128xf32, #tpu.memory_space<vmem_shared>> -> memref<40x128xf32, #tpu.memory_space<vmem_shared>>
      %dma_wait3A_204 = arith.constant 0 : i32
      %dma_wait3A_205 = tpu.memref_slice %arg12[%add3A_29, %dma_wait3A_204] : memref<10240x128xf32, #tpu.memory_space<vmem_shared>> -> memref<40x128xf32, #tpu.memory_space<vmem_shared>>
      %dma_wait3A_206 = arith.constant 0 : i32
      %dma_wait3A_207 = arith.constant 0 : i32
      %dma_wait3A_208 = tpu.memref_slice %arg8[%dma_wait3A_206, %dma_wait3A_207] : memref<48x128xf32, #tpu.memory_space<vmem>> -> memref<40x128xf32, #tpu.memory_space<vmem>>
      tpu.wait_dma2 semaphore(%run_scoped3A : memref<!tpu.dma_semaphore, #tpu.memory_space<semaphore_mem>>) src(%dma_wait3A_208 : memref<40x128xf32, #tpu.memory_space<vmem>>) dst(%dma_wait3A_205 : memref<40x128xf32, #tpu.memory_space<vmem_shared>>)
      tpu.yield
    }) : () -> ()
    %add3A_30 = arith.constant 200 : i32
    %add3A_31 = arith.addi %mul3A_19, %add3A_30 : i32
    "tpu.region"() ({
      %run_scoped3A = tpu.sem_alloc : memref<!tpu.dma_semaphore, #tpu.memory_space<semaphore_mem>>
      %dma_start3A_189 = arith.constant 0 : i32
      %dma_start3A_190 = arith.constant 0 : i32
      %dma_start3A_191 = tpu.memref_slice %arg8[%dma_start3A_189, %dma_start3A_190] : memref<48x128xf32, #tpu.memory_space<vmem>> -> memref<40x128xf32, #tpu.memory_space<vmem>>
      %dma_start3A_192 = arith.constant 0 : i32
      %dma_start3A_193 = tpu.memref_slice %arg12[%add3A_31, %dma_start3A_192] : memref<10240x128xf32, #tpu.memory_space<vmem_shared>> -> memref<40x128xf32, #tpu.memory_space<vmem_shared>>
      %dma_start3A_194 = arith.constant 0 : i32
      %dma_start3A_195 = tpu.memref_slice %arg12[%add3A_31, %dma_start3A_194] : memref<10240x128xf32, #tpu.memory_space<vmem_shared>> -> memref<40x128xf32, #tpu.memory_space<vmem_shared>>
      %dma_start3A_196 = arith.constant 0 : i32
      %dma_start3A_197 = arith.constant 0 : i32
      %dma_start3A_198 = tpu.memref_slice %arg8[%dma_start3A_196, %dma_start3A_197] : memref<48x128xf32, #tpu.memory_space<vmem>> -> memref<40x128xf32, #tpu.memory_space<vmem>>
      tpu.enqueue_dma source(%dma_start3A_198 : memref<40x128xf32, #tpu.memory_space<vmem>>) target(%dma_start3A_195 : memref<40x128xf32, #tpu.memory_space<vmem_shared>>) target_semaphore(%run_scoped3A : memref<!tpu.dma_semaphore, #tpu.memory_space<semaphore_mem>>)
      %dma_wait3A_199 = arith.constant 0 : i32
      %dma_wait3A_200 = arith.constant 0 : i32
      %dma_wait3A_201 = tpu.memref_slice %arg8[%dma_wait3A_199, %dma_wait3A_200] : memref<48x128xf32, #tpu.memory_space<vmem>> -> memref<40x128xf32, #tpu.memory_space<vmem>>
      %dma_wait3A_202 = arith.constant 0 : i32
      %dma_wait3A_203 = tpu.memref_slice %arg12[%add3A_31, %dma_wait3A_202] : memref<10240x128xf32, #tpu.memory_space<vmem_shared>> -> memref<40x128xf32, #tpu.memory_space<vmem_shared>>
      %dma_wait3A_204 = arith.constant 0 : i32
      %dma_wait3A_205 = tpu.memref_slice %arg12[%add3A_31, %dma_wait3A_204] : memref<10240x128xf32, #tpu.memory_space<vmem_shared>> -> memref<40x128xf32, #tpu.memory_space<vmem_shared>>
      %dma_wait3A_206 = arith.constant 0 : i32
      %dma_wait3A_207 = arith.constant 0 : i32
      %dma_wait3A_208 = tpu.memref_slice %arg8[%dma_wait3A_206, %dma_wait3A_207] : memref<48x128xf32, #tpu.memory_space<vmem>> -> memref<40x128xf32, #tpu.memory_space<vmem>>
      tpu.wait_dma2 semaphore(%run_scoped3A : memref<!tpu.dma_semaphore, #tpu.memory_space<semaphore_mem>>) src(%dma_wait3A_208 : memref<40x128xf32, #tpu.memory_space<vmem>>) dst(%dma_wait3A_205 : memref<40x128xf32, #tpu.memory_space<vmem_shared>>)
      tpu.yield
    }) : () -> ()
    %add3A_32 = arith.constant 240 : i32
    %add3A_33 = arith.addi %mul3A_19, %add3A_32 : i32
    "tpu.region"() ({
      %run_scoped3A = tpu.sem_alloc : memref<!tpu.dma_semaphore, #tpu.memory_space<semaphore_mem>>
      %dma_start3A_189 = arith.constant 0 : i32
      %dma_start3A_190 = arith.constant 0 : i32
      %dma_start3A_191 = tpu.memref_slice %arg8[%dma_start3A_189, %dma_start3A_190] : memref<48x128xf32, #tpu.memory_space<vmem>> -> memref<40x128xf32, #tpu.memory_space<vmem>>
      %dma_start3A_192 = arith.constant 0 : i32
      %dma_start3A_193 = tpu.memref_slice %arg12[%add3A_33, %dma_start3A_192] : memref<10240x128xf32, #tpu.memory_space<vmem_shared>> -> memref<40x128xf32, #tpu.memory_space<vmem_shared>>
      %dma_start3A_194 = arith.constant 0 : i32
      %dma_start3A_195 = tpu.memref_slice %arg12[%add3A_33, %dma_start3A_194] : memref<10240x128xf32, #tpu.memory_space<vmem_shared>> -> memref<40x128xf32, #tpu.memory_space<vmem_shared>>
      %dma_start3A_196 = arith.constant 0 : i32
      %dma_start3A_197 = arith.constant 0 : i32
      %dma_start3A_198 = tpu.memref_slice %arg8[%dma_start3A_196, %dma_start3A_197] : memref<48x128xf32, #tpu.memory_space<vmem>> -> memref<40x128xf32, #tpu.memory_space<vmem>>
      tpu.enqueue_dma source(%dma_start3A_198 : memref<40x128xf32, #tpu.memory_space<vmem>>) target(%dma_start3A_195 : memref<40x128xf32, #tpu.memory_space<vmem_shared>>) target_semaphore(%run_scoped3A : memref<!tpu.dma_semaphore, #tpu.memory_space<semaphore_mem>>)
      %dma_wait3A_199 = arith.constant 0 : i32
      %dma_wait3A_200 = arith.constant 0 : i32
      %dma_wait3A_201 = tpu.memref_slice %arg8[%dma_wait3A_199, %dma_wait3A_200] : memref<48x128xf32, #tpu.memory_space<vmem>> -> memref<40x128xf32, #tpu.memory_space<vmem>>
      %dma_wait3A_202 = arith.constant 0 : i32
      %dma_wait3A_203 = tpu.memref_slice %arg12[%add3A_33, %dma_wait3A_202] : memref<10240x128xf32, #tpu.memory_space<vmem_shared>> -> memref<40x128xf32, #tpu.memory_space<vmem_shared>>
      %dma_wait3A_204 = arith.constant 0 : i32
      %dma_wait3A_205 = tpu.memref_slice %arg12[%add3A_33, %dma_wait3A_204] : memref<10240x128xf32, #tpu.memory_space<vmem_shared>> -> memref<40x128xf32, #tpu.memory_space<vmem_shared>>
      %dma_wait3A_206 = arith.constant 0 : i32
      %dma_wait3A_207 = arith.constant 0 : i32
      %dma_wait3A_208 = tpu.memref_slice %arg8[%dma_wait3A_206, %dma_wait3A_207] : memref<48x128xf32, #tpu.memory_space<vmem>> -> memref<40x128xf32, #tpu.memory_space<vmem>>
      tpu.wait_dma2 semaphore(%run_scoped3A : memref<!tpu.dma_semaphore, #tpu.memory_space<semaphore_mem>>) src(%dma_wait3A_208 : memref<40x128xf32, #tpu.memory_space<vmem>>) dst(%dma_wait3A_205 : memref<40x128xf32, #tpu.memory_space<vmem_shared>>)
      tpu.yield
    }) : () -> ()
    %add3A_34 = arith.constant 280 : i32
    %add3A_35 = arith.addi %mul3A_19, %add3A_34 : i32
    "tpu.region"() ({
      %run_scoped3A = tpu.sem_alloc : memref<!tpu.dma_semaphore, #tpu.memory_space<semaphore_mem>>
      %dma_start3A_189 = arith.constant 0 : i32
      %dma_start3A_190 = arith.constant 0 : i32
      %dma_start3A_191 = tpu.memref_slice %arg8[%dma_start3A_189, %dma_start3A_190] : memref<48x128xf32, #tpu.memory_space<vmem>> -> memref<40x128xf32, #tpu.memory_space<vmem>>
      %dma_start3A_192 = arith.constant 0 : i32
      %dma_start3A_193 = tpu.memref_slice %arg12[%add3A_35, %dma_start3A_192] : memref<10240x128xf32, #tpu.memory_space<vmem_shared>> -> memref<40x128xf32, #tpu.memory_space<vmem_shared>>
      %dma_start3A_194 = arith.constant 0 : i32
      %dma_start3A_195 = tpu.memref_slice %arg12[%add3A_35, %dma_start3A_194] : memref<10240x128xf32, #tpu.memory_space<vmem_shared>> -> memref<40x128xf32, #tpu.memory_space<vmem_shared>>
      %dma_start3A_196 = arith.constant 0 : i32
      %dma_start3A_197 = arith.constant 0 : i32
      %dma_start3A_198 = tpu.memref_slice %arg8[%dma_start3A_196, %dma_start3A_197] : memref<48x128xf32, #tpu.memory_space<vmem>> -> memref<40x128xf32, #tpu.memory_space<vmem>>
      tpu.enqueue_dma source(%dma_start3A_198 : memref<40x128xf32, #tpu.memory_space<vmem>>) target(%dma_start3A_195 : memref<40x128xf32, #tpu.memory_space<vmem_shared>>) target_semaphore(%run_scoped3A : memref<!tpu.dma_semaphore, #tpu.memory_space<semaphore_mem>>)
      %dma_wait3A_199 = arith.constant 0 : i32
      %dma_wait3A_200 = arith.constant 0 : i32
      %dma_wait3A_201 = tpu.memref_slice %arg8[%dma_wait3A_199, %dma_wait3A_200] : memref<48x128xf32, #tpu.memory_space<vmem>> -> memref<40x128xf32, #tpu.memory_space<vmem>>
      %dma_wait3A_202 = arith.constant 0 : i32
      %dma_wait3A_203 = tpu.memref_slice %arg12[%add3A_35, %dma_wait3A_202] : memref<10240x128xf32, #tpu.memory_space<vmem_shared>> -> memref<40x128xf32, #tpu.memory_space<vmem_shared>>
      %dma_wait3A_204 = arith.constant 0 : i32
      %dma_wait3A_205 = tpu.memref_slice %arg12[%add3A_35, %dma_wait3A_204] : memref<10240x128xf32, #tpu.memory_space<vmem_shared>> -> memref<40x128xf32, #tpu.memory_space<vmem_shared>>
      %dma_wait3A_206 = arith.constant 0 : i32
      %dma_wait3A_207 = arith.constant 0 : i32
      %dma_wait3A_208 = tpu.memref_slice %arg8[%dma_wait3A_206, %dma_wait3A_207] : memref<48x128xf32, #tpu.memory_space<vmem>> -> memref<40x128xf32, #tpu.memory_space<vmem>>
      tpu.wait_dma2 semaphore(%run_scoped3A : memref<!tpu.dma_semaphore, #tpu.memory_space<semaphore_mem>>) src(%dma_wait3A_208 : memref<40x128xf32, #tpu.memory_space<vmem>>) dst(%dma_wait3A_205 : memref<40x128xf32, #tpu.memory_space<vmem_shared>>)
      tpu.yield
    }) : () -> ()
    %add3A_36 = arith.constant 320 : i32
    %add3A_37 = arith.addi %mul3A_19, %add3A_36 : i32
    "tpu.region"() ({
      %run_scoped3A = tpu.sem_alloc : memref<!tpu.dma_semaphore, #tpu.memory_space<semaphore_mem>>
      %dma_start3A_189 = arith.constant 0 : i32
      %dma_start3A_190 = arith.constant 0 : i32
      %dma_start3A_191 = tpu.memref_slice %arg8[%dma_start3A_189, %dma_start3A_190] : memref<48x128xf32, #tpu.memory_space<vmem>> -> memref<40x128xf32, #tpu.memory_space<vmem>>
      %dma_start3A_192 = arith.constant 0 : i32
      %dma_start3A_193 = tpu.memref_slice %arg12[%add3A_37, %dma_start3A_192] : memref<10240x128xf32, #tpu.memory_space<vmem_shared>> -> memref<40x128xf32, #tpu.memory_space<vmem_shared>>
      %dma_start3A_194 = arith.constant 0 : i32
      %dma_start3A_195 = tpu.memref_slice %arg12[%add3A_37, %dma_start3A_194] : memref<10240x128xf32, #tpu.memory_space<vmem_shared>> -> memref<40x128xf32, #tpu.memory_space<vmem_shared>>
      %dma_start3A_196 = arith.constant 0 : i32
      %dma_start3A_197 = arith.constant 0 : i32
      %dma_start3A_198 = tpu.memref_slice %arg8[%dma_start3A_196, %dma_start3A_197] : memref<48x128xf32, #tpu.memory_space<vmem>> -> memref<40x128xf32, #tpu.memory_space<vmem>>
      tpu.enqueue_dma source(%dma_start3A_198 : memref<40x128xf32, #tpu.memory_space<vmem>>) target(%dma_start3A_195 : memref<40x128xf32, #tpu.memory_space<vmem_shared>>) target_semaphore(%run_scoped3A : memref<!tpu.dma_semaphore, #tpu.memory_space<semaphore_mem>>)
      %dma_wait3A_199 = arith.constant 0 : i32
      %dma_wait3A_200 = arith.constant 0 : i32
      %dma_wait3A_201 = tpu.memref_slice %arg8[%dma_wait3A_199, %dma_wait3A_200] : memref<48x128xf32, #tpu.memory_space<vmem>> -> memref<40x128xf32, #tpu.memory_space<vmem>>
      %dma_wait3A_202 = arith.constant 0 : i32
      %dma_wait3A_203 = tpu.memref_slice %arg12[%add3A_37, %dma_wait3A_202] : memref<10240x128xf32, #tpu.memory_space<vmem_shared>> -> memref<40x128xf32, #tpu.memory_space<vmem_shared>>
      %dma_wait3A_204 = arith.constant 0 : i32
      %dma_wait3A_205 = tpu.memref_slice %arg12[%add3A_37, %dma_wait3A_204] : memref<10240x128xf32, #tpu.memory_space<vmem_shared>> -> memref<40x128xf32, #tpu.memory_space<vmem_shared>>
      %dma_wait3A_206 = arith.constant 0 : i32
      %dma_wait3A_207 = arith.constant 0 : i32
      %dma_wait3A_208 = tpu.memref_slice %arg8[%dma_wait3A_206, %dma_wait3A_207] : memref<48x128xf32, #tpu.memory_space<vmem>> -> memref<40x128xf32, #tpu.memory_space<vmem>>
      tpu.wait_dma2 semaphore(%run_scoped3A : memref<!tpu.dma_semaphore, #tpu.memory_space<semaphore_mem>>) src(%dma_wait3A_208 : memref<40x128xf32, #tpu.memory_space<vmem>>) dst(%dma_wait3A_205 : memref<40x128xf32, #tpu.memory_space<vmem_shared>>)
      tpu.yield
    }) : () -> ()
    %add3A_38 = arith.constant 360 : i32
    %add3A_39 = arith.addi %mul3A_19, %add3A_38 : i32
    "tpu.region"() ({
      %run_scoped3A = tpu.sem_alloc : memref<!tpu.dma_semaphore, #tpu.memory_space<semaphore_mem>>
      %dma_start3A_189 = arith.constant 0 : i32
      %dma_start3A_190 = arith.constant 0 : i32
      %dma_start3A_191 = tpu.memref_slice %arg8[%dma_start3A_189, %dma_start3A_190] : memref<48x128xf32, #tpu.memory_space<vmem>> -> memref<40x128xf32, #tpu.memory_space<vmem>>
      %dma_start3A_192 = arith.constant 0 : i32
      %dma_start3A_193 = tpu.memref_slice %arg12[%add3A_39, %dma_start3A_192] : memref<10240x128xf32, #tpu.memory_space<vmem_shared>> -> memref<40x128xf32, #tpu.memory_space<vmem_shared>>
      %dma_start3A_194 = arith.constant 0 : i32
      %dma_start3A_195 = tpu.memref_slice %arg12[%add3A_39, %dma_start3A_194] : memref<10240x128xf32, #tpu.memory_space<vmem_shared>> -> memref<40x128xf32, #tpu.memory_space<vmem_shared>>
      %dma_start3A_196 = arith.constant 0 : i32
      %dma_start3A_197 = arith.constant 0 : i32
      %dma_start3A_198 = tpu.memref_slice %arg8[%dma_start3A_196, %dma_start3A_197] : memref<48x128xf32, #tpu.memory_space<vmem>> -> memref<40x128xf32, #tpu.memory_space<vmem>>
      tpu.enqueue_dma source(%dma_start3A_198 : memref<40x128xf32, #tpu.memory_space<vmem>>) target(%dma_start3A_195 : memref<40x128xf32, #tpu.memory_space<vmem_shared>>) target_semaphore(%run_scoped3A : memref<!tpu.dma_semaphore, #tpu.memory_space<semaphore_mem>>)
      %dma_wait3A_199 = arith.constant 0 : i32
      %dma_wait3A_200 = arith.constant 0 : i32
      %dma_wait3A_201 = tpu.memref_slice %arg8[%dma_wait3A_199, %dma_wait3A_200] : memref<48x128xf32, #tpu.memory_space<vmem>> -> memref<40x128xf32, #tpu.memory_space<vmem>>
      %dma_wait3A_202 = arith.constant 0 : i32
      %dma_wait3A_203 = tpu.memref_slice %arg12[%add3A_39, %dma_wait3A_202] : memref<10240x128xf32, #tpu.memory_space<vmem_shared>> -> memref<40x128xf32, #tpu.memory_space<vmem_shared>>
      %dma_wait3A_204 = arith.constant 0 : i32
      %dma_wait3A_205 = tpu.memref_slice %arg12[%add3A_39, %dma_wait3A_204] : memref<10240x128xf32, #tpu.memory_space<vmem_shared>> -> memref<40x128xf32, #tpu.memory_space<vmem_shared>>
      %dma_wait3A_206 = arith.constant 0 : i32
      %dma_wait3A_207 = arith.constant 0 : i32
      %dma_wait3A_208 = tpu.memref_slice %arg8[%dma_wait3A_206, %dma_wait3A_207] : memref<48x128xf32, #tpu.memory_space<vmem>> -> memref<40x128xf32, #tpu.memory_space<vmem>>
      tpu.wait_dma2 semaphore(%run_scoped3A : memref<!tpu.dma_semaphore, #tpu.memory_space<semaphore_mem>>) src(%dma_wait3A_208 : memref<40x128xf32, #tpu.memory_space<vmem>>) dst(%dma_wait3A_205 : memref<40x128xf32, #tpu.memory_space<vmem_shared>>)
      tpu.yield
    }) : () -> ()
    %add3A_40 = arith.constant 400 : i32
    %add3A_41 = arith.addi %mul3A_19, %add3A_40 : i32
    "tpu.region"() ({
      %run_scoped3A = tpu.sem_alloc : memref<!tpu.dma_semaphore, #tpu.memory_space<semaphore_mem>>
      %dma_start3A_189 = arith.constant 0 : i32
      %dma_start3A_190 = arith.constant 0 : i32
      %dma_start3A_191 = tpu.memref_slice %arg8[%dma_start3A_189, %dma_start3A_190] : memref<48x128xf32, #tpu.memory_space<vmem>> -> memref<40x128xf32, #tpu.memory_space<vmem>>
      %dma_start3A_192 = arith.constant 0 : i32
      %dma_start3A_193 = tpu.memref_slice %arg12[%add3A_41, %dma_start3A_192] : memref<10240x128xf32, #tpu.memory_space<vmem_shared>> -> memref<40x128xf32, #tpu.memory_space<vmem_shared>>
      %dma_start3A_194 = arith.constant 0 : i32
      %dma_start3A_195 = tpu.memref_slice %arg12[%add3A_41, %dma_start3A_194] : memref<10240x128xf32, #tpu.memory_space<vmem_shared>> -> memref<40x128xf32, #tpu.memory_space<vmem_shared>>
      %dma_start3A_196 = arith.constant 0 : i32
      %dma_start3A_197 = arith.constant 0 : i32
      %dma_start3A_198 = tpu.memref_slice %arg8[%dma_start3A_196, %dma_start3A_197] : memref<48x128xf32, #tpu.memory_space<vmem>> -> memref<40x128xf32, #tpu.memory_space<vmem>>
      tpu.enqueue_dma source(%dma_start3A_198 : memref<40x128xf32, #tpu.memory_space<vmem>>) target(%dma_start3A_195 : memref<40x128xf32, #tpu.memory_space<vmem_shared>>) target_semaphore(%run_scoped3A : memref<!tpu.dma_semaphore, #tpu.memory_space<semaphore_mem>>)
      %dma_wait3A_199 = arith.constant 0 : i32
      %dma_wait3A_200 = arith.constant 0 : i32
      %dma_wait3A_201 = tpu.memref_slice %arg8[%dma_wait3A_199, %dma_wait3A_200] : memref<48x128xf32, #tpu.memory_space<vmem>> -> memref<40x128xf32, #tpu.memory_space<vmem>>
      %dma_wait3A_202 = arith.constant 0 : i32
      %dma_wait3A_203 = tpu.memref_slice %arg12[%add3A_41, %dma_wait3A_202] : memref<10240x128xf32, #tpu.memory_space<vmem_shared>> -> memref<40x128xf32, #tpu.memory_space<vmem_shared>>
      %dma_wait3A_204 = arith.constant 0 : i32
      %dma_wait3A_205 = tpu.memref_slice %arg12[%add3A_41, %dma_wait3A_204] : memref<10240x128xf32, #tpu.memory_space<vmem_shared>> -> memref<40x128xf32, #tpu.memory_space<vmem_shared>>
      %dma_wait3A_206 = arith.constant 0 : i32
      %dma_wait3A_207 = arith.constant 0 : i32
      %dma_wait3A_208 = tpu.memref_slice %arg8[%dma_wait3A_206, %dma_wait3A_207] : memref<48x128xf32, #tpu.memory_space<vmem>> -> memref<40x128xf32, #tpu.memory_space<vmem>>
      tpu.wait_dma2 semaphore(%run_scoped3A : memref<!tpu.dma_semaphore, #tpu.memory_space<semaphore_mem>>) src(%dma_wait3A_208 : memref<40x128xf32, #tpu.memory_space<vmem>>) dst(%dma_wait3A_205 : memref<40x128xf32, #tpu.memory_space<vmem_shared>>)
      tpu.yield
    }) : () -> ()
    %add3A_42 = arith.constant 440 : i32
    %add3A_43 = arith.addi %mul3A_19, %add3A_42 : i32
    "tpu.region"() ({
      %run_scoped3A = tpu.sem_alloc : memref<!tpu.dma_semaphore, #tpu.memory_space<semaphore_mem>>
      %dma_start3A_189 = arith.constant 0 : i32
      %dma_start3A_190 = arith.constant 0 : i32
      %dma_start3A_191 = tpu.memref_slice %arg8[%dma_start3A_189, %dma_start3A_190] : memref<48x128xf32, #tpu.memory_space<vmem>> -> memref<40x128xf32, #tpu.memory_space<vmem>>
      %dma_start3A_192 = arith.constant 0 : i32
      %dma_start3A_193 = tpu.memref_slice %arg12[%add3A_43, %dma_start3A_192] : memref<10240x128xf32, #tpu.memory_space<vmem_shared>> -> memref<40x128xf32, #tpu.memory_space<vmem_shared>>
      %dma_start3A_194 = arith.constant 0 : i32
      %dma_start3A_195 = tpu.memref_slice %arg12[%add3A_43, %dma_start3A_194] : memref<10240x128xf32, #tpu.memory_space<vmem_shared>> -> memref<40x128xf32, #tpu.memory_space<vmem_shared>>
      %dma_start3A_196 = arith.constant 0 : i32
      %dma_start3A_197 = arith.constant 0 : i32
      %dma_start3A_198 = tpu.memref_slice %arg8[%dma_start3A_196, %dma_start3A_197] : memref<48x128xf32, #tpu.memory_space<vmem>> -> memref<40x128xf32, #tpu.memory_space<vmem>>
      tpu.enqueue_dma source(%dma_start3A_198 : memref<40x128xf32, #tpu.memory_space<vmem>>) target(%dma_start3A_195 : memref<40x128xf32, #tpu.memory_space<vmem_shared>>) target_semaphore(%run_scoped3A : memref<!tpu.dma_semaphore, #tpu.memory_space<semaphore_mem>>)
      %dma_wait3A_199 = arith.constant 0 : i32
      %dma_wait3A_200 = arith.constant 0 : i32
      %dma_wait3A_201 = tpu.memref_slice %arg8[%dma_wait3A_199, %dma_wait3A_200] : memref<48x128xf32, #tpu.memory_space<vmem>> -> memref<40x128xf32, #tpu.memory_space<vmem>>
      %dma_wait3A_202 = arith.constant 0 : i32
      %dma_wait3A_203 = tpu.memref_slice %arg12[%add3A_43, %dma_wait3A_202] : memref<10240x128xf32, #tpu.memory_space<vmem_shared>> -> memref<40x128xf32, #tpu.memory_space<vmem_shared>>
      %dma_wait3A_204 = arith.constant 0 : i32
      %dma_wait3A_205 = tpu.memref_slice %arg12[%add3A_43, %dma_wait3A_204] : memref<10240x128xf32, #tpu.memory_space<vmem_shared>> -> memref<40x128xf32, #tpu.memory_space<vmem_shared>>
      %dma_wait3A_206 = arith.constant 0 : i32
      %dma_wait3A_207 = arith.constant 0 : i32
      %dma_wait3A_208 = tpu.memref_slice %arg8[%dma_wait3A_206, %dma_wait3A_207] : memref<48x128xf32, #tpu.memory_space<vmem>> -> memref<40x128xf32, #tpu.memory_space<vmem>>
      tpu.wait_dma2 semaphore(%run_scoped3A : memref<!tpu.dma_semaphore, #tpu.memory_space<semaphore_mem>>) src(%dma_wait3A_208 : memref<40x128xf32, #tpu.memory_space<vmem>>) dst(%dma_wait3A_205 : memref<40x128xf32, #tpu.memory_space<vmem_shared>>)
      tpu.yield
    }) : () -> ()
    %add3A_44 = arith.constant 480 : i32
    %add3A_45 = arith.addi %mul3A_19, %add3A_44 : i32
    "tpu.region"() ({
      %run_scoped3A = tpu.sem_alloc : memref<!tpu.dma_semaphore, #tpu.memory_space<semaphore_mem>>
      %dma_start3A_189 = arith.constant 0 : i32
      %dma_start3A_190 = arith.constant 0 : i32
      %dma_start3A_191 = tpu.memref_slice %arg8[%dma_start3A_189, %dma_start3A_190] : memref<48x128xf32, #tpu.memory_space<vmem>> -> memref<40x128xf32, #tpu.memory_space<vmem>>
      %dma_start3A_192 = arith.constant 0 : i32
      %dma_start3A_193 = tpu.memref_slice %arg12[%add3A_45, %dma_start3A_192] : memref<10240x128xf32, #tpu.memory_space<vmem_shared>> -> memref<40x128xf32, #tpu.memory_space<vmem_shared>>
      %dma_start3A_194 = arith.constant 0 : i32
      %dma_start3A_195 = tpu.memref_slice %arg12[%add3A_45, %dma_start3A_194] : memref<10240x128xf32, #tpu.memory_space<vmem_shared>> -> memref<40x128xf32, #tpu.memory_space<vmem_shared>>
      %dma_start3A_196 = arith.constant 0 : i32
      %dma_start3A_197 = arith.constant 0 : i32
      %dma_start3A_198 = tpu.memref_slice %arg8[%dma_start3A_196, %dma_start3A_197] : memref<48x128xf32, #tpu.memory_space<vmem>> -> memref<40x128xf32, #tpu.memory_space<vmem>>
      tpu.enqueue_dma source(%dma_start3A_198 : memref<40x128xf32, #tpu.memory_space<vmem>>) target(%dma_start3A_195 : memref<40x128xf32, #tpu.memory_space<vmem_shared>>) target_semaphore(%run_scoped3A : memref<!tpu.dma_semaphore, #tpu.memory_space<semaphore_mem>>)
      %dma_wait3A_199 = arith.constant 0 : i32
      %dma_wait3A_200 = arith.constant 0 : i32
      %dma_wait3A_201 = tpu.memref_slice %arg8[%dma_wait3A_199, %dma_wait3A_200] : memref<48x128xf32, #tpu.memory_space<vmem>> -> memref<40x128xf32, #tpu.memory_space<vmem>>
      %dma_wait3A_202 = arith.constant 0 : i32
      %dma_wait3A_203 = tpu.memref_slice %arg12[%add3A_45, %dma_wait3A_202] : memref<10240x128xf32, #tpu.memory_space<vmem_shared>> -> memref<40x128xf32, #tpu.memory_space<vmem_shared>>
      %dma_wait3A_204 = arith.constant 0 : i32
      %dma_wait3A_205 = tpu.memref_slice %arg12[%add3A_45, %dma_wait3A_204] : memref<10240x128xf32, #tpu.memory_space<vmem_shared>> -> memref<40x128xf32, #tpu.memory_space<vmem_shared>>
      %dma_wait3A_206 = arith.constant 0 : i32
      %dma_wait3A_207 = arith.constant 0 : i32
      %dma_wait3A_208 = tpu.memref_slice %arg8[%dma_wait3A_206, %dma_wait3A_207] : memref<48x128xf32, #tpu.memory_space<vmem>> -> memref<40x128xf32, #tpu.memory_space<vmem>>
      tpu.wait_dma2 semaphore(%run_scoped3A : memref<!tpu.dma_semaphore, #tpu.memory_space<semaphore_mem>>) src(%dma_wait3A_208 : memref<40x128xf32, #tpu.memory_space<vmem>>) dst(%dma_wait3A_205 : memref<40x128xf32, #tpu.memory_space<vmem_shared>>)
      tpu.yield
    }) : () -> ()
    %add3A_46 = arith.constant 520 : i32
    %add3A_47 = arith.addi %mul3A_19, %add3A_46 : i32
    "tpu.region"() ({
      %run_scoped3A = tpu.sem_alloc : memref<!tpu.dma_semaphore, #tpu.memory_space<semaphore_mem>>
      %dma_start3A_189 = arith.constant 0 : i32
      %dma_start3A_190 = arith.constant 0 : i32
      %dma_start3A_191 = tpu.memref_slice %arg8[%dma_start3A_189, %dma_start3A_190] : memref<48x128xf32, #tpu.memory_space<vmem>> -> memref<40x128xf32, #tpu.memory_space<vmem>>
      %dma_start3A_192 = arith.constant 0 : i32
      %dma_start3A_193 = tpu.memref_slice %arg12[%add3A_47, %dma_start3A_192] : memref<10240x128xf32, #tpu.memory_space<vmem_shared>> -> memref<40x128xf32, #tpu.memory_space<vmem_shared>>
      %dma_start3A_194 = arith.constant 0 : i32
      %dma_start3A_195 = tpu.memref_slice %arg12[%add3A_47, %dma_start3A_194] : memref<10240x128xf32, #tpu.memory_space<vmem_shared>> -> memref<40x128xf32, #tpu.memory_space<vmem_shared>>
      %dma_start3A_196 = arith.constant 0 : i32
      %dma_start3A_197 = arith.constant 0 : i32
      %dma_start3A_198 = tpu.memref_slice %arg8[%dma_start3A_196, %dma_start3A_197] : memref<48x128xf32, #tpu.memory_space<vmem>> -> memref<40x128xf32, #tpu.memory_space<vmem>>
      tpu.enqueue_dma source(%dma_start3A_198 : memref<40x128xf32, #tpu.memory_space<vmem>>) target(%dma_start3A_195 : memref<40x128xf32, #tpu.memory_space<vmem_shared>>) target_semaphore(%run_scoped3A : memref<!tpu.dma_semaphore, #tpu.memory_space<semaphore_mem>>)
      %dma_wait3A_199 = arith.constant 0 : i32
      %dma_wait3A_200 = arith.constant 0 : i32
      %dma_wait3A_201 = tpu.memref_slice %arg8[%dma_wait3A_199, %dma_wait3A_200] : memref<48x128xf32, #tpu.memory_space<vmem>> -> memref<40x128xf32, #tpu.memory_space<vmem>>
      %dma_wait3A_202 = arith.constant 0 : i32
      %dma_wait3A_203 = tpu.memref_slice %arg12[%add3A_47, %dma_wait3A_202] : memref<10240x128xf32, #tpu.memory_space<vmem_shared>> -> memref<40x128xf32, #tpu.memory_space<vmem_shared>>
      %dma_wait3A_204 = arith.constant 0 : i32
      %dma_wait3A_205 = tpu.memref_slice %arg12[%add3A_47, %dma_wait3A_204] : memref<10240x128xf32, #tpu.memory_space<vmem_shared>> -> memref<40x128xf32, #tpu.memory_space<vmem_shared>>
      %dma_wait3A_206 = arith.constant 0 : i32
      %dma_wait3A_207 = arith.constant 0 : i32
      %dma_wait3A_208 = tpu.memref_slice %arg8[%dma_wait3A_206, %dma_wait3A_207] : memref<48x128xf32, #tpu.memory_space<vmem>> -> memref<40x128xf32, #tpu.memory_space<vmem>>
      tpu.wait_dma2 semaphore(%run_scoped3A : memref<!tpu.dma_semaphore, #tpu.memory_space<semaphore_mem>>) src(%dma_wait3A_208 : memref<40x128xf32, #tpu.memory_space<vmem>>) dst(%dma_wait3A_205 : memref<40x128xf32, #tpu.memory_space<vmem_shared>>)
      tpu.yield
    }) : () -> ()
    %add3A_48 = arith.constant 560 : i32
    %add3A_49 = arith.addi %mul3A_19, %add3A_48 : i32
    "tpu.region"() ({
      %run_scoped3A = tpu.sem_alloc : memref<!tpu.dma_semaphore, #tpu.memory_space<semaphore_mem>>
      %dma_start3A_189 = arith.constant 0 : i32
      %dma_start3A_190 = arith.constant 0 : i32
      %dma_start3A_191 = tpu.memref_slice %arg8[%dma_start3A_189, %dma_start3A_190] : memref<48x128xf32, #tpu.memory_space<vmem>> -> memref<40x128xf32, #tpu.memory_space<vmem>>
      %dma_start3A_192 = arith.constant 0 : i32
      %dma_start3A_193 = tpu.memref_slice %arg12[%add3A_49, %dma_start3A_192] : memref<10240x128xf32, #tpu.memory_space<vmem_shared>> -> memref<40x128xf32, #tpu.memory_space<vmem_shared>>
      %dma_start3A_194 = arith.constant 0 : i32
      %dma_start3A_195 = tpu.memref_slice %arg12[%add3A_49, %dma_start3A_194] : memref<10240x128xf32, #tpu.memory_space<vmem_shared>> -> memref<40x128xf32, #tpu.memory_space<vmem_shared>>
      %dma_start3A_196 = arith.constant 0 : i32
      %dma_start3A_197 = arith.constant 0 : i32
      %dma_start3A_198 = tpu.memref_slice %arg8[%dma_start3A_196, %dma_start3A_197] : memref<48x128xf32, #tpu.memory_space<vmem>> -> memref<40x128xf32, #tpu.memory_space<vmem>>
      tpu.enqueue_dma source(%dma_start3A_198 : memref<40x128xf32, #tpu.memory_space<vmem>>) target(%dma_start3A_195 : memref<40x128xf32, #tpu.memory_space<vmem_shared>>) target_semaphore(%run_scoped3A : memref<!tpu.dma_semaphore, #tpu.memory_space<semaphore_mem>>)
      %dma_wait3A_199 = arith.constant 0 : i32
      %dma_wait3A_200 = arith.constant 0 : i32
      %dma_wait3A_201 = tpu.memref_slice %arg8[%dma_wait3A_199, %dma_wait3A_200] : memref<48x128xf32, #tpu.memory_space<vmem>> -> memref<40x128xf32, #tpu.memory_space<vmem>>
      %dma_wait3A_202 = arith.constant 0 : i32
      %dma_wait3A_203 = tpu.memref_slice %arg12[%add3A_49, %dma_wait3A_202] : memref<10240x128xf32, #tpu.memory_space<vmem_shared>> -> memref<40x128xf32, #tpu.memory_space<vmem_shared>>
      %dma_wait3A_204 = arith.constant 0 : i32
      %dma_wait3A_205 = tpu.memref_slice %arg12[%add3A_49, %dma_wait3A_204] : memref<10240x128xf32, #tpu.memory_space<vmem_shared>> -> memref<40x128xf32, #tpu.memory_space<vmem_shared>>
      %dma_wait3A_206 = arith.constant 0 : i32
      %dma_wait3A_207 = arith.constant 0 : i32
      %dma_wait3A_208 = tpu.memref_slice %arg8[%dma_wait3A_206, %dma_wait3A_207] : memref<48x128xf32, #tpu.memory_space<vmem>> -> memref<40x128xf32, #tpu.memory_space<vmem>>
      tpu.wait_dma2 semaphore(%run_scoped3A : memref<!tpu.dma_semaphore, #tpu.memory_space<semaphore_mem>>) src(%dma_wait3A_208 : memref<40x128xf32, #tpu.memory_space<vmem>>) dst(%dma_wait3A_205 : memref<40x128xf32, #tpu.memory_space<vmem_shared>>)
      tpu.yield
    }) : () -> ()
    %add3A_50 = arith.constant 600 : i32
    %add3A_51 = arith.addi %mul3A_19, %add3A_50 : i32
    "tpu.region"() ({
      %run_scoped3A = tpu.sem_alloc : memref<!tpu.dma_semaphore, #tpu.memory_space<semaphore_mem>>
      %dma_start3A_189 = arith.constant 0 : i32
      %dma_start3A_190 = arith.constant 0 : i32
      %dma_start3A_191 = tpu.memref_slice %arg8[%dma_start3A_189, %dma_start3A_190] : memref<48x128xf32, #tpu.memory_space<vmem>> -> memref<40x128xf32, #tpu.memory_space<vmem>>
      %dma_start3A_192 = arith.constant 0 : i32
      %dma_start3A_193 = tpu.memref_slice %arg12[%add3A_51, %dma_start3A_192] : memref<10240x128xf32, #tpu.memory_space<vmem_shared>> -> memref<40x128xf32, #tpu.memory_space<vmem_shared>>
      %dma_start3A_194 = arith.constant 0 : i32
      %dma_start3A_195 = tpu.memref_slice %arg12[%add3A_51, %dma_start3A_194] : memref<10240x128xf32, #tpu.memory_space<vmem_shared>> -> memref<40x128xf32, #tpu.memory_space<vmem_shared>>
      %dma_start3A_196 = arith.constant 0 : i32
      %dma_start3A_197 = arith.constant 0 : i32
      %dma_start3A_198 = tpu.memref_slice %arg8[%dma_start3A_196, %dma_start3A_197] : memref<48x128xf32, #tpu.memory_space<vmem>> -> memref<40x128xf32, #tpu.memory_space<vmem>>
      tpu.enqueue_dma source(%dma_start3A_198 : memref<40x128xf32, #tpu.memory_space<vmem>>) target(%dma_start3A_195 : memref<40x128xf32, #tpu.memory_space<vmem_shared>>) target_semaphore(%run_scoped3A : memref<!tpu.dma_semaphore, #tpu.memory_space<semaphore_mem>>)
      %dma_wait3A_199 = arith.constant 0 : i32
      %dma_wait3A_200 = arith.constant 0 : i32
      %dma_wait3A_201 = tpu.memref_slice %arg8[%dma_wait3A_199, %dma_wait3A_200] : memref<48x128xf32, #tpu.memory_space<vmem>> -> memref<40x128xf32, #tpu.memory_space<vmem>>
      %dma_wait3A_202 = arith.constant 0 : i32
      %dma_wait3A_203 = tpu.memref_slice %arg12[%add3A_51, %dma_wait3A_202] : memref<10240x128xf32, #tpu.memory_space<vmem_shared>> -> memref<40x128xf32, #tpu.memory_space<vmem_shared>>
      %dma_wait3A_204 = arith.constant 0 : i32
      %dma_wait3A_205 = tpu.memref_slice %arg12[%add3A_51, %dma_wait3A_204] : memref<10240x128xf32, #tpu.memory_space<vmem_shared>> -> memref<40x128xf32, #tpu.memory_space<vmem_shared>>
      %dma_wait3A_206 = arith.constant 0 : i32
      %dma_wait3A_207 = arith.constant 0 : i32
      %dma_wait3A_208 = tpu.memref_slice %arg8[%dma_wait3A_206, %dma_wait3A_207] : memref<48x128xf32, #tpu.memory_space<vmem>> -> memref<40x128xf32, #tpu.memory_space<vmem>>
      tpu.wait_dma2 semaphore(%run_scoped3A : memref<!tpu.dma_semaphore, #tpu.memory_space<semaphore_mem>>) src(%dma_wait3A_208 : memref<40x128xf32, #tpu.memory_space<vmem>>) dst(%dma_wait3A_205 : memref<40x128xf32, #tpu.memory_space<vmem_shared>>)
      tpu.yield
    }) : () -> ()
    %dma_wait3A = arith.constant 0 : i32
    %dma_wait3A_52 = tpu.memref_slice %arg3[%add3A, %dma_wait3A] : memref<32x10032xi32, #tpu.memory_space<hbm>> -> memref<1x10032xi32, #tpu.memory_space<hbm>>
    %dma_wait3A_53 = tpu.memref_squeeze %dma_wait3A_52 : memref<1x10032xi32, #tpu.memory_space<hbm>> -> memref<10032xi32, #tpu.memory_space<hbm>>
    %dma_wait3A_54 = arith.constant 0 : i32
    %dma_wait3A_55 = tpu.memref_slice %arg3[%add3A, %dma_wait3A_54] : memref<32x10032xi32, #tpu.memory_space<hbm>> -> memref<1x10032xi32, #tpu.memory_space<hbm>>
    %dma_wait3A_56 = tpu.memref_squeeze %dma_wait3A_55 : memref<1x10032xi32, #tpu.memory_space<hbm>> -> memref<10032xi32, #tpu.memory_space<hbm>>
    tpu.wait_dma2 semaphore(%arg13 : memref<!tpu.dma_semaphore, #tpu.memory_space<semaphore_mem>>) src(%dma_wait3A_56 : memref<10032xi32, #tpu.memory_space<hbm>>) dst(%arg6 : memref<10032xi32, #tpu.memory_space<vmem>>)
    %dma_wait3A_57 = arith.constant 0 : i32
    %dma_wait3A_58 = tpu.memref_slice %arg4[%add3A, %dma_wait3A_57] : memref<32x10032xi32, #tpu.memory_space<hbm>> -> memref<1x10032xi32, #tpu.memory_space<hbm>>
    %dma_wait3A_59 = tpu.memref_squeeze %dma_wait3A_58 : memref<1x10032xi32, #tpu.memory_space<hbm>> -> memref<10032xi32, #tpu.memory_space<hbm>>
    %dma_wait3A_60 = arith.constant 0 : i32
    %dma_wait3A_61 = tpu.memref_slice %arg4[%add3A, %dma_wait3A_60] : memref<32x10032xi32, #tpu.memory_space<hbm>> -> memref<1x10032xi32, #tpu.memory_space<hbm>>
    %dma_wait3A_62 = tpu.memref_squeeze %dma_wait3A_61 : memref<1x10032xi32, #tpu.memory_space<hbm>> -> memref<10032xi32, #tpu.memory_space<hbm>>
    tpu.wait_dma2 semaphore(%arg13 : memref<!tpu.dma_semaphore, #tpu.memory_space<semaphore_mem>>) src(%dma_wait3A_62 : memref<10032xi32, #tpu.memory_space<hbm>>) dst(%arg7 : memref<10032xi32, #tpu.memory_space<vmem>>)
    %barrier3A = arith.constant 0 : index
    tpu.barrier barrier_id(%barrier3A)
    %multiple_of3A = arith.constant 0 : i32
    %multiple_of3A_63 = tpu.assume_multiple %multiple_of3A, 8 : i32
    %dma_start3A_64 = tpu.memref_slice %arg6[%multiple_of3A_63] : memref<10032xi32, #tpu.memory_space<vmem>> -> memref<48xi32, #tpu.memory_space<vmem>>
    %dma_start3A_65 = arith.constant 0 : i32
    %dma_start3A_66 = arith.constant 0 : i32
    %dma_start3A_67 = tpu.memref_slice %arg2[%dma_start3A_65, %dma_start3A_66] : memref<10000x128xf32, #tpu.memory_space<hbm>> -> memref<10000x128xf32, #tpu.memory_space<hbm>>
    tpu.enqueue_indirect_dma source(%dma_start3A_67 : memref<10000x128xf32, #tpu.memory_space<hbm>>) target(%arg8 : memref<48x128xf32, #tpu.memory_space<vmem>>) offsets(%dma_start3A_64 : memref<48xi32, #tpu.memory_space<vmem>>) semaphore(%arg14 : memref<!tpu.dma_semaphore, #tpu.memory_space<semaphore_mem>>)
    %multiple_of3A_68 = arith.constant 48 : i32
    %multiple_of3A_69 = tpu.assume_multiple %multiple_of3A_68, 8 : i32
    %dma_start3A_70 = tpu.memref_slice %arg6[%multiple_of3A_69] : memref<10032xi32, #tpu.memory_space<vmem>> -> memref<48xi32, #tpu.memory_space<vmem>>
    %dma_start3A_71 = arith.constant 0 : i32
    %dma_start3A_72 = arith.constant 0 : i32
    %dma_start3A_73 = tpu.memref_slice %arg2[%dma_start3A_71, %dma_start3A_72] : memref<10000x128xf32, #tpu.memory_space<hbm>> -> memref<10000x128xf32, #tpu.memory_space<hbm>>
    tpu.enqueue_indirect_dma source(%dma_start3A_73 : memref<10000x128xf32, #tpu.memory_space<hbm>>) target(%arg9 : memref<48x128xf32, #tpu.memory_space<vmem>>) offsets(%dma_start3A_70 : memref<48xi32, #tpu.memory_space<vmem>>) semaphore(%arg14 : memref<!tpu.dma_semaphore, #tpu.memory_space<semaphore_mem>>)
    %multiple_of3A_74 = arith.constant 96 : i32
    %multiple_of3A_75 = tpu.assume_multiple %multiple_of3A_74, 8 : i32
    %dma_start3A_76 = tpu.memref_slice %arg6[%multiple_of3A_75] : memref<10032xi32, #tpu.memory_space<vmem>> -> memref<48xi32, #tpu.memory_space<vmem>>
    %dma_start3A_77 = arith.constant 0 : i32
    %dma_start3A_78 = arith.constant 0 : i32
    %dma_start3A_79 = tpu.memref_slice %arg2[%dma_start3A_77, %dma_start3A_78] : memref<10000x128xf32, #tpu.memory_space<hbm>> -> memref<10000x128xf32, #tpu.memory_space<hbm>>
    tpu.enqueue_indirect_dma source(%dma_start3A_79 : memref<10000x128xf32, #tpu.memory_space<hbm>>) target(%arg10 : memref<48x128xf32, #tpu.memory_space<vmem>>) offsets(%dma_start3A_76 : memref<48xi32, #tpu.memory_space<vmem>>) semaphore(%arg14 : memref<!tpu.dma_semaphore, #tpu.memory_space<semaphore_mem>>)
    %dma_wait3A_80 = arith.constant 0 : i32
    %dma_wait3A_81 = arith.constant 0 : i32
    %dma_wait3A_82 = tpu.memref_slice %arg2[%dma_wait3A_80, %dma_wait3A_81] : memref<10000x128xf32, #tpu.memory_space<hbm>> -> memref<48x128xf32, #tpu.memory_space<hbm>>
    %dma_wait3A_83 = arith.constant 0 : i32
    %dma_wait3A_84 = arith.constant 0 : i32
    %dma_wait3A_85 = tpu.memref_slice %arg2[%dma_wait3A_83, %dma_wait3A_84] : memref<10000x128xf32, #tpu.memory_space<hbm>> -> memref<48x128xf32, #tpu.memory_space<hbm>>
    tpu.wait_dma2 semaphore(%arg14 : memref<!tpu.dma_semaphore, #tpu.memory_space<semaphore_mem>>) src(%dma_wait3A_85 : memref<48x128xf32, #tpu.memory_space<hbm>>) dst(%arg8 : memref<48x128xf32, #tpu.memory_space<vmem>>)
    %multiple_of3A_86 = arith.constant 0 : i32
    %multiple_of3A_87 = tpu.assume_multiple %multiple_of3A_86, 8 : i32
    %dma_start3A_88 = tpu.memref_slice %arg7[%multiple_of3A_87] : memref<10032xi32, #tpu.memory_space<vmem>> -> memref<48xi32, #tpu.memory_space<vmem>>
    %dma_start3A_89 = arith.constant 0 : i32
    %dma_start3A_90 = arith.constant 0 : i32
    %dma_start3A_91 = tpu.memref_slice %arg12[%dma_start3A_89, %dma_start3A_90] : memref<10240x128xf32, #tpu.memory_space<vmem_shared>> -> memref<10240x128xf32, #tpu.memory_space<vmem_shared>>
    tpu.enqueue_indirect_dma source(%arg8 : memref<48x128xf32, #tpu.memory_space<vmem>>) target(%dma_start3A_91 : memref<10240x128xf32, #tpu.memory_space<vmem_shared>>) offsets(%dma_start3A_88 : memref<48xi32, #tpu.memory_space<vmem>>) semaphore(%arg15 : memref<!tpu.dma_semaphore, #tpu.memory_space<semaphore_mem>>) {add = true}
    %multiple_of3A_92 = arith.constant 144 : i32
    %multiple_of3A_93 = tpu.assume_multiple %multiple_of3A_92, 8 : i32
    %dma_start3A_94 = tpu.memref_slice %arg6[%multiple_of3A_93] : memref<10032xi32, #tpu.memory_space<vmem>> -> memref<48xi32, #tpu.memory_space<vmem>>
    %dma_start3A_95 = arith.constant 0 : i32
    %dma_start3A_96 = arith.constant 0 : i32
    %dma_start3A_97 = tpu.memref_slice %arg2[%dma_start3A_95, %dma_start3A_96] : memref<10000x128xf32, #tpu.memory_space<hbm>> -> memref<10000x128xf32, #tpu.memory_space<hbm>>
    tpu.enqueue_indirect_dma source(%dma_start3A_97 : memref<10000x128xf32, #tpu.memory_space<hbm>>) target(%arg11 : memref<48x128xf32, #tpu.memory_space<vmem>>) offsets(%dma_start3A_94 : memref<48xi32, #tpu.memory_space<vmem>>) semaphore(%arg14 : memref<!tpu.dma_semaphore, #tpu.memory_space<semaphore_mem>>)
    %scan3A_98 = arith.constant 0 : i32
    %scan3A_99 = arith.constant 0 : i32
    %scan3A_100 = arith.constant 51 : i32
    %scan3A_101 = arith.addi %scan3A_99, %scan3A_100 : i32
    %scan3A_102 = arith.constant 1 : i32
    scf.for %scan3A_189 = %scan3A_99 to %scan3A_101 step %scan3A_102  : i32 {
      %mul3A_190 = arith.constant 4 : i32
      %mul3A_191 = arith.muli %scan3A_189, %mul3A_190 : i32
      %add3A_192 = arith.constant 1 : i32
      %add3A_193 = arith.addi %mul3A_191, %add3A_192 : i32
      %dma_wait3A_194 = arith.constant 0 : i32
      %dma_wait3A_195 = arith.constant 0 : i32
      %dma_wait3A_196 = tpu.memref_slice %arg2[%dma_wait3A_194, %dma_wait3A_195] : memref<10000x128xf32, #tpu.memory_space<hbm>> -> memref<48x128xf32, #tpu.memory_space<hbm>>
      %dma_wait3A_197 = arith.constant 0 : i32
      %dma_wait3A_198 = arith.constant 0 : i32
      %dma_wait3A_199 = tpu.memref_slice %arg2[%dma_wait3A_197, %dma_wait3A_198] : memref<10000x128xf32, #tpu.memory_space<hbm>> -> memref<48x128xf32, #tpu.memory_space<hbm>>
      tpu.wait_dma2 semaphore(%arg14 : memref<!tpu.dma_semaphore, #tpu.memory_space<semaphore_mem>>) src(%dma_wait3A_199 : memref<48x128xf32, #tpu.memory_space<hbm>>) dst(%arg9 : memref<48x128xf32, #tpu.memory_space<vmem>>)
      %add3A_200 = arith.constant 0 : i32
      %add3A_201 = arith.addi %add3A_193, %add3A_200 : i32
      %mul3A_202 = arith.constant 48 : i32
      %mul3A_203 = arith.muli %add3A_201, %mul3A_202 : i32
      %multiple_of3A_204 = tpu.assume_multiple %mul3A_203, 8 : i32
      %dma_start3A_205 = tpu.memref_slice %arg7[%multiple_of3A_204] : memref<10032xi32, #tpu.memory_space<vmem>> -> memref<48xi32, #tpu.memory_space<vmem>>
      %dma_start3A_206 = arith.constant 0 : i32
      %dma_start3A_207 = arith.constant 0 : i32
      %dma_start3A_208 = tpu.memref_slice %arg12[%dma_start3A_206, %dma_start3A_207] : memref<10240x128xf32, #tpu.memory_space<vmem_shared>> -> memref<10240x128xf32, #tpu.memory_space<vmem_shared>>
      tpu.enqueue_indirect_dma source(%arg9 : memref<48x128xf32, #tpu.memory_space<vmem>>) target(%dma_start3A_208 : memref<10240x128xf32, #tpu.memory_space<vmem_shared>>) offsets(%dma_start3A_205 : memref<48xi32, #tpu.memory_space<vmem>>) semaphore(%arg15 : memref<!tpu.dma_semaphore, #tpu.memory_space<semaphore_mem>>) {add = true}
      %dma_wait3A_209 = arith.constant 0 : i32
      %dma_wait3A_210 = arith.constant 0 : i32
      %dma_wait3A_211 = tpu.memref_slice %arg2[%dma_wait3A_209, %dma_wait3A_210] : memref<10000x128xf32, #tpu.memory_space<hbm>> -> memref<48x128xf32, #tpu.memory_space<hbm>>
      %dma_wait3A_212 = arith.constant 0 : i32
      %dma_wait3A_213 = arith.constant 0 : i32
      %dma_wait3A_214 = tpu.memref_slice %arg2[%dma_wait3A_212, %dma_wait3A_213] : memref<10000x128xf32, #tpu.memory_space<hbm>> -> memref<48x128xf32, #tpu.memory_space<hbm>>
      tpu.wait_dma2 semaphore(%arg15 : memref<!tpu.dma_semaphore, #tpu.memory_space<semaphore_mem>>) src(%dma_wait3A_214 : memref<48x128xf32, #tpu.memory_space<hbm>>) dst(%arg8 : memref<48x128xf32, #tpu.memory_space<vmem>>)
      %add3A_215 = arith.constant 0 : i32
      %add3A_216 = arith.addi %add3A_193, %add3A_215 : i32
      %add3A_217 = arith.constant 3 : i32
      %add3A_218 = arith.addi %add3A_216, %add3A_217 : i32
      %mul3A_219 = arith.constant 48 : i32
      %mul3A_220 = arith.muli %add3A_218, %mul3A_219 : i32
      %multiple_of3A_221 = tpu.assume_multiple %mul3A_220, 8 : i32
      %dma_start3A_222 = tpu.memref_slice %arg6[%multiple_of3A_221] : memref<10032xi32, #tpu.memory_space<vmem>> -> memref<48xi32, #tpu.memory_space<vmem>>
      %dma_start3A_223 = arith.constant 0 : i32
      %dma_start3A_224 = arith.constant 0 : i32
      %dma_start3A_225 = tpu.memref_slice %arg2[%dma_start3A_223, %dma_start3A_224] : memref<10000x128xf32, #tpu.memory_space<hbm>> -> memref<10000x128xf32, #tpu.memory_space<hbm>>
      tpu.enqueue_indirect_dma source(%dma_start3A_225 : memref<10000x128xf32, #tpu.memory_space<hbm>>) target(%arg8 : memref<48x128xf32, #tpu.memory_space<vmem>>) offsets(%dma_start3A_222 : memref<48xi32, #tpu.memory_space<vmem>>) semaphore(%arg14 : memref<!tpu.dma_semaphore, #tpu.memory_space<semaphore_mem>>)
      %dma_wait3A_226 = arith.constant 0 : i32
      %dma_wait3A_227 = arith.constant 0 : i32
      %dma_wait3A_228 = tpu.memref_slice %arg2[%dma_wait3A_226, %dma_wait3A_227] : memref<10000x128xf32, #tpu.memory_space<hbm>> -> memref<48x128xf32, #tpu.memory_space<hbm>>
      %dma_wait3A_229 = arith.constant 0 : i32
      %dma_wait3A_230 = arith.constant 0 : i32
      %dma_wait3A_231 = tpu.memref_slice %arg2[%dma_wait3A_229, %dma_wait3A_230] : memref<10000x128xf32, #tpu.memory_space<hbm>> -> memref<48x128xf32, #tpu.memory_space<hbm>>
      tpu.wait_dma2 semaphore(%arg14 : memref<!tpu.dma_semaphore, #tpu.memory_space<semaphore_mem>>) src(%dma_wait3A_231 : memref<48x128xf32, #tpu.memory_space<hbm>>) dst(%arg10 : memref<48x128xf32, #tpu.memory_space<vmem>>)
      %add3A_232 = arith.constant 1 : i32
      %add3A_233 = arith.addi %add3A_193, %add3A_232 : i32
      %mul3A_234 = arith.constant 48 : i32
      %mul3A_235 = arith.muli %add3A_233, %mul3A_234 : i32
      %multiple_of3A_236 = tpu.assume_multiple %mul3A_235, 8 : i32
      %dma_start3A_237 = tpu.memref_slice %arg7[%multiple_of3A_236] : memref<10032xi32, #tpu.memory_space<vmem>> -> memref<48xi32, #tpu.memory_space<vmem>>
      %dma_start3A_238 = arith.constant 0 : i32
      %dma_start3A_239 = arith.constant 0 : i32
      %dma_start3A_240 = tpu.memref_slice %arg12[%dma_start3A_238, %dma_start3A_239] : memref<10240x128xf32, #tpu.memory_space<vmem_shared>> -> memref<10240x128xf32, #tpu.memory_space<vmem_shared>>
      tpu.enqueue_indirect_dma source(%arg10 : memref<48x128xf32, #tpu.memory_space<vmem>>) target(%dma_start3A_240 : memref<10240x128xf32, #tpu.memory_space<vmem_shared>>) offsets(%dma_start3A_237 : memref<48xi32, #tpu.memory_space<vmem>>) semaphore(%arg15 : memref<!tpu.dma_semaphore, #tpu.memory_space<semaphore_mem>>) {add = true}
      %dma_wait3A_241 = arith.constant 0 : i32
      %dma_wait3A_242 = arith.constant 0 : i32
      %dma_wait3A_243 = tpu.memref_slice %arg2[%dma_wait3A_241, %dma_wait3A_242] : memref<10000x128xf32, #tpu.memory_space<hbm>> -> memref<48x128xf32, #tpu.memory_space<hbm>>
      %dma_wait3A_244 = arith.constant 0 : i32
      %dma_wait3A_245 = arith.constant 0 : i32
      %dma_wait3A_246 = tpu.memref_slice %arg2[%dma_wait3A_244, %dma_wait3A_245] : memref<10000x128xf32, #tpu.memory_space<hbm>> -> memref<48x128xf32, #tpu.memory_space<hbm>>
      tpu.wait_dma2 semaphore(%arg15 : memref<!tpu.dma_semaphore, #tpu.memory_space<semaphore_mem>>) src(%dma_wait3A_246 : memref<48x128xf32, #tpu.memory_space<hbm>>) dst(%arg9 : memref<48x128xf32, #tpu.memory_space<vmem>>)
      %add3A_247 = arith.constant 1 : i32
      %add3A_248 = arith.addi %add3A_193, %add3A_247 : i32
      %add3A_249 = arith.constant 3 : i32
      %add3A_250 = arith.addi %add3A_248, %add3A_249 : i32
      %mul3A_251 = arith.constant 48 : i32
      %mul3A_252 = arith.muli %add3A_250, %mul3A_251 : i32
      %multiple_of3A_253 = tpu.assume_multiple %mul3A_252, 8 : i32
      %dma_start3A_254 = tpu.memref_slice %arg6[%multiple_of3A_253] : memref<10032xi32, #tpu.memory_space<vmem>> -> memref<48xi32, #tpu.memory_space<vmem>>
      %dma_start3A_255 = arith.constant 0 : i32
      %dma_start3A_256 = arith.constant 0 : i32
      %dma_start3A_257 = tpu.memref_slice %arg2[%dma_start3A_255, %dma_start3A_256] : memref<10000x128xf32, #tpu.memory_space<hbm>> -> memref<10000x128xf32, #tpu.memory_space<hbm>>
      tpu.enqueue_indirect_dma source(%dma_start3A_257 : memref<10000x128xf32, #tpu.memory_space<hbm>>) target(%arg9 : memref<48x128xf32, #tpu.memory_space<vmem>>) offsets(%dma_start3A_254 : memref<48xi32, #tpu.memory_space<vmem>>) semaphore(%arg14 : memref<!tpu.dma_semaphore, #tpu.memory_space<semaphore_mem>>)
      %dma_wait3A_258 = arith.constant 0 : i32
      %dma_wait3A_259 = arith.constant 0 : i32
      %dma_wait3A_260 = tpu.memref_slice %arg2[%dma_wait3A_258, %dma_wait3A_259] : memref<10000x128xf32, #tpu.memory_space<hbm>> -> memref<48x128xf32, #tpu.memory_space<hbm>>
      %dma_wait3A_261 = arith.constant 0 : i32
      %dma_wait3A_262 = arith.constant 0 : i32
      %dma_wait3A_263 = tpu.memref_slice %arg2[%dma_wait3A_261, %dma_wait3A_262] : memref<10000x128xf32, #tpu.memory_space<hbm>> -> memref<48x128xf32, #tpu.memory_space<hbm>>
      tpu.wait_dma2 semaphore(%arg14 : memref<!tpu.dma_semaphore, #tpu.memory_space<semaphore_mem>>) src(%dma_wait3A_263 : memref<48x128xf32, #tpu.memory_space<hbm>>) dst(%arg11 : memref<48x128xf32, #tpu.memory_space<vmem>>)
      %add3A_264 = arith.constant 2 : i32
      %add3A_265 = arith.addi %add3A_193, %add3A_264 : i32
      %mul3A_266 = arith.constant 48 : i32
      %mul3A_267 = arith.muli %add3A_265, %mul3A_266 : i32
      %multiple_of3A_268 = tpu.assume_multiple %mul3A_267, 8 : i32
      %dma_start3A_269 = tpu.memref_slice %arg7[%multiple_of3A_268] : memref<10032xi32, #tpu.memory_space<vmem>> -> memref<48xi32, #tpu.memory_space<vmem>>
      %dma_start3A_270 = arith.constant 0 : i32
      %dma_start3A_271 = arith.constant 0 : i32
      %dma_start3A_272 = tpu.memref_slice %arg12[%dma_start3A_270, %dma_start3A_271] : memref<10240x128xf32, #tpu.memory_space<vmem_shared>> -> memref<10240x128xf32, #tpu.memory_space<vmem_shared>>
      tpu.enqueue_indirect_dma source(%arg11 : memref<48x128xf32, #tpu.memory_space<vmem>>) target(%dma_start3A_272 : memref<10240x128xf32, #tpu.memory_space<vmem_shared>>) offsets(%dma_start3A_269 : memref<48xi32, #tpu.memory_space<vmem>>) semaphore(%arg15 : memref<!tpu.dma_semaphore, #tpu.memory_space<semaphore_mem>>) {add = true}
      %dma_wait3A_273 = arith.constant 0 : i32
      %dma_wait3A_274 = arith.constant 0 : i32
      %dma_wait3A_275 = tpu.memref_slice %arg2[%dma_wait3A_273, %dma_wait3A_274] : memref<10000x128xf32, #tpu.memory_space<hbm>> -> memref<48x128xf32, #tpu.memory_space<hbm>>
      %dma_wait3A_276 = arith.constant 0 : i32
      %dma_wait3A_277 = arith.constant 0 : i32
      %dma_wait3A_278 = tpu.memref_slice %arg2[%dma_wait3A_276, %dma_wait3A_277] : memref<10000x128xf32, #tpu.memory_space<hbm>> -> memref<48x128xf32, #tpu.memory_space<hbm>>
      tpu.wait_dma2 semaphore(%arg15 : memref<!tpu.dma_semaphore, #tpu.memory_space<semaphore_mem>>) src(%dma_wait3A_278 : memref<48x128xf32, #tpu.memory_space<hbm>>) dst(%arg10 : memref<48x128xf32, #tpu.memory_space<vmem>>)
      %add3A_279 = arith.constant 2 : i32
      %add3A_280 = arith.addi %add3A_193, %add3A_279 : i32
      %add3A_281 = arith.constant 3 : i32
      %add3A_282 = arith.addi %add3A_280, %add3A_281 : i32
      %mul3A_283 = arith.constant 48 : i32
      %mul3A_284 = arith.muli %add3A_282, %mul3A_283 : i32
      %multiple_of3A_285 = tpu.assume_multiple %mul3A_284, 8 : i32
      %dma_start3A_286 = tpu.memref_slice %arg6[%multiple_of3A_285] : memref<10032xi32, #tpu.memory_space<vmem>> -> memref<48xi32, #tpu.memory_space<vmem>>
      %dma_start3A_287 = arith.constant 0 : i32
      %dma_start3A_288 = arith.constant 0 : i32
      %dma_start3A_289 = tpu.memref_slice %arg2[%dma_start3A_287, %dma_start3A_288] : memref<10000x128xf32, #tpu.memory_space<hbm>> -> memref<10000x128xf32, #tpu.memory_space<hbm>>
      tpu.enqueue_indirect_dma source(%dma_start3A_289 : memref<10000x128xf32, #tpu.memory_space<hbm>>) target(%arg10 : memref<48x128xf32, #tpu.memory_space<vmem>>) offsets(%dma_start3A_286 : memref<48xi32, #tpu.memory_space<vmem>>) semaphore(%arg14 : memref<!tpu.dma_semaphore, #tpu.memory_space<semaphore_mem>>)
      %dma_wait3A_290 = arith.constant 0 : i32
      %dma_wait3A_291 = arith.constant 0 : i32
      %dma_wait3A_292 = tpu.memref_slice %arg2[%dma_wait3A_290, %dma_wait3A_291] : memref<10000x128xf32, #tpu.memory_space<hbm>> -> memref<48x128xf32, #tpu.memory_space<hbm>>
      %dma_wait3A_293 = arith.constant 0 : i32
      %dma_wait3A_294 = arith.constant 0 : i32
      %dma_wait3A_295 = tpu.memref_slice %arg2[%dma_wait3A_293, %dma_wait3A_294] : memref<10000x128xf32, #tpu.memory_space<hbm>> -> memref<48x128xf32, #tpu.memory_space<hbm>>
      tpu.wait_dma2 semaphore(%arg14 : memref<!tpu.dma_semaphore, #tpu.memory_space<semaphore_mem>>) src(%dma_wait3A_295 : memref<48x128xf32, #tpu.memory_space<hbm>>) dst(%arg8 : memref<48x128xf32, #tpu.memory_space<vmem>>)
      %add3A_296 = arith.constant 3 : i32
      %add3A_297 = arith.addi %add3A_193, %add3A_296 : i32
      %mul3A_298 = arith.constant 48 : i32
      %mul3A_299 = arith.muli %add3A_297, %mul3A_298 : i32
      %multiple_of3A_300 = tpu.assume_multiple %mul3A_299, 8 : i32
      %dma_start3A_301 = tpu.memref_slice %arg7[%multiple_of3A_300] : memref<10032xi32, #tpu.memory_space<vmem>> -> memref<48xi32, #tpu.memory_space<vmem>>
      %dma_start3A_302 = arith.constant 0 : i32
      %dma_start3A_303 = arith.constant 0 : i32
      %dma_start3A_304 = tpu.memref_slice %arg12[%dma_start3A_302, %dma_start3A_303] : memref<10240x128xf32, #tpu.memory_space<vmem_shared>> -> memref<10240x128xf32, #tpu.memory_space<vmem_shared>>
      tpu.enqueue_indirect_dma source(%arg8 : memref<48x128xf32, #tpu.memory_space<vmem>>) target(%dma_start3A_304 : memref<10240x128xf32, #tpu.memory_space<vmem_shared>>) offsets(%dma_start3A_301 : memref<48xi32, #tpu.memory_space<vmem>>) semaphore(%arg15 : memref<!tpu.dma_semaphore, #tpu.memory_space<semaphore_mem>>) {add = true}
      %dma_wait3A_305 = arith.constant 0 : i32
      %dma_wait3A_306 = arith.constant 0 : i32
      %dma_wait3A_307 = tpu.memref_slice %arg2[%dma_wait3A_305, %dma_wait3A_306] : memref<10000x128xf32, #tpu.memory_space<hbm>> -> memref<48x128xf32, #tpu.memory_space<hbm>>
      %dma_wait3A_308 = arith.constant 0 : i32
      %dma_wait3A_309 = arith.constant 0 : i32
      %dma_wait3A_310 = tpu.memref_slice %arg2[%dma_wait3A_308, %dma_wait3A_309] : memref<10000x128xf32, #tpu.memory_space<hbm>> -> memref<48x128xf32, #tpu.memory_space<hbm>>
      tpu.wait_dma2 semaphore(%arg15 : memref<!tpu.dma_semaphore, #tpu.memory_space<semaphore_mem>>) src(%dma_wait3A_310 : memref<48x128xf32, #tpu.memory_space<hbm>>) dst(%arg11 : memref<48x128xf32, #tpu.memory_space<vmem>>)
      %add3A_311 = arith.constant 3 : i32
      %add3A_312 = arith.addi %add3A_193, %add3A_311 : i32
      %add3A_313 = arith.constant 3 : i32
      %add3A_314 = arith.addi %add3A_312, %add3A_313 : i32
      %mul3A_315 = arith.constant 48 : i32
      %mul3A_316 = arith.muli %add3A_314, %mul3A_315 : i32
      %multiple_of3A_317 = tpu.assume_multiple %mul3A_316, 8 : i32
      %dma_start3A_318 = tpu.memref_slice %arg6[%multiple_of3A_317] : memref<10032xi32, #tpu.memory_space<vmem>> -> memref<48xi32, #tpu.memory_space<vmem>>
      %dma_start3A_319 = arith.constant 0 : i32
      %dma_start3A_320 = arith.constant 0 : i32
      %dma_start3A_321 = tpu.memref_slice %arg2[%dma_start3A_319, %dma_start3A_320] : memref<10000x128xf32, #tpu.memory_space<hbm>> -> memref<10000x128xf32, #tpu.memory_space<hbm>>
      tpu.enqueue_indirect_dma source(%dma_start3A_321 : memref<10000x128xf32, #tpu.memory_space<hbm>>) target(%arg11 : memref<48x128xf32, #tpu.memory_space<vmem>>) offsets(%dma_start3A_318 : memref<48xi32, #tpu.memory_space<vmem>>) semaphore(%arg14 : memref<!tpu.dma_semaphore, #tpu.memory_space<semaphore_mem>>)
    }
    %scan3A_103 = arith.constant 51 : i32
    %dma_wait3A_104 = arith.constant 0 : i32
    %dma_wait3A_105 = arith.constant 0 : i32
    %dma_wait3A_106 = tpu.memref_slice %arg2[%dma_wait3A_104, %dma_wait3A_105] : memref<10000x128xf32, #tpu.memory_space<hbm>> -> memref<48x128xf32, #tpu.memory_space<hbm>>
    %dma_wait3A_107 = arith.constant 0 : i32
    %dma_wait3A_108 = arith.constant 0 : i32
    %dma_wait3A_109 = tpu.memref_slice %arg2[%dma_wait3A_107, %dma_wait3A_108] : memref<10000x128xf32, #tpu.memory_space<hbm>> -> memref<48x128xf32, #tpu.memory_space<hbm>>
    tpu.wait_dma2 semaphore(%arg14 : memref<!tpu.dma_semaphore, #tpu.memory_space<semaphore_mem>>) src(%dma_wait3A_109 : memref<48x128xf32, #tpu.memory_space<hbm>>) dst(%arg9 : memref<48x128xf32, #tpu.memory_space<vmem>>)
    %multiple_of3A_110 = arith.constant 9840 : i32
    %multiple_of3A_111 = tpu.assume_multiple %multiple_of3A_110, 8 : i32
    %dma_start3A_112 = tpu.memref_slice %arg7[%multiple_of3A_111] : memref<10032xi32, #tpu.memory_space<vmem>> -> memref<48xi32, #tpu.memory_space<vmem>>
    %dma_start3A_113 = arith.constant 0 : i32
    %dma_start3A_114 = arith.constant 0 : i32
    %dma_start3A_115 = tpu.memref_slice %arg12[%dma_start3A_113, %dma_start3A_114] : memref<10240x128xf32, #tpu.memory_space<vmem_shared>> -> memref<10240x128xf32, #tpu.memory_space<vmem_shared>>
    tpu.enqueue_indirect_dma source(%arg9 : memref<48x128xf32, #tpu.memory_space<vmem>>) target(%dma_start3A_115 : memref<10240x128xf32, #tpu.memory_space<vmem_shared>>) offsets(%dma_start3A_112 : memref<48xi32, #tpu.memory_space<vmem>>) semaphore(%arg15 : memref<!tpu.dma_semaphore, #tpu.memory_space<semaphore_mem>>) {add = true}
    %dma_wait3A_116 = arith.constant 0 : i32
    %dma_wait3A_117 = arith.constant 0 : i32
    %dma_wait3A_118 = tpu.memref_slice %arg2[%dma_wait3A_116, %dma_wait3A_117] : memref<10000x128xf32, #tpu.memory_space<hbm>> -> memref<48x128xf32, #tpu.memory_space<hbm>>
    %dma_wait3A_119 = arith.constant 0 : i32
    %dma_wait3A_120 = arith.constant 0 : i32
    %dma_wait3A_121 = tpu.memref_slice %arg2[%dma_wait3A_119, %dma_wait3A_120] : memref<10000x128xf32, #tpu.memory_space<hbm>> -> memref<48x128xf32, #tpu.memory_space<hbm>>
    tpu.wait_dma2 semaphore(%arg15 : memref<!tpu.dma_semaphore, #tpu.memory_space<semaphore_mem>>) src(%dma_wait3A_121 : memref<48x128xf32, #tpu.memory_space<hbm>>) dst(%arg8 : memref<48x128xf32, #tpu.memory_space<vmem>>)
    %multiple_of3A_122 = arith.constant 9984 : i32
    %multiple_of3A_123 = tpu.assume_multiple %multiple_of3A_122, 8 : i32
    %dma_start3A_124 = tpu.memref_slice %arg6[%multiple_of3A_123] : memref<10032xi32, #tpu.memory_space<vmem>> -> memref<48xi32, #tpu.memory_space<vmem>>
    %dma_start3A_125 = arith.constant 0 : i32
    %dma_start3A_126 = arith.constant 0 : i32
    %dma_start3A_127 = tpu.memref_slice %arg2[%dma_start3A_125, %dma_start3A_126] : memref<10000x128xf32, #tpu.memory_space<hbm>> -> memref<10000x128xf32, #tpu.memory_space<hbm>>
    tpu.enqueue_indirect_dma source(%dma_start3A_127 : memref<10000x128xf32, #tpu.memory_space<hbm>>) target(%arg8 : memref<48x128xf32, #tpu.memory_space<vmem>>) offsets(%dma_start3A_124 : memref<48xi32, #tpu.memory_space<vmem>>) semaphore(%arg14 : memref<!tpu.dma_semaphore, #tpu.memory_space<semaphore_mem>>)
    %dma_wait3A_128 = arith.constant 0 : i32
    %dma_wait3A_129 = arith.constant 0 : i32
    %dma_wait3A_130 = tpu.memref_slice %arg2[%dma_wait3A_128, %dma_wait3A_129] : memref<10000x128xf32, #tpu.memory_space<hbm>> -> memref<48x128xf32, #tpu.memory_space<hbm>>
    %dma_wait3A_131 = arith.constant 0 : i32
    %dma_wait3A_132 = arith.constant 0 : i32
    %dma_wait3A_133 = tpu.memref_slice %arg2[%dma_wait3A_131, %dma_wait3A_132] : memref<10000x128xf32, #tpu.memory_space<hbm>> -> memref<48x128xf32, #tpu.memory_space<hbm>>
    tpu.wait_dma2 semaphore(%arg14 : memref<!tpu.dma_semaphore, #tpu.memory_space<semaphore_mem>>) src(%dma_wait3A_133 : memref<48x128xf32, #tpu.memory_space<hbm>>) dst(%arg10 : memref<48x128xf32, #tpu.memory_space<vmem>>)
    %multiple_of3A_134 = arith.constant 9888 : i32
    %multiple_of3A_135 = tpu.assume_multiple %multiple_of3A_134, 8 : i32
    %dma_start3A_136 = tpu.memref_slice %arg7[%multiple_of3A_135] : memref<10032xi32, #tpu.memory_space<vmem>> -> memref<48xi32, #tpu.memory_space<vmem>>
    %dma_start3A_137 = arith.constant 0 : i32
    %dma_start3A_138 = arith.constant 0 : i32
    %dma_start3A_139 = tpu.memref_slice %arg12[%dma_start3A_137, %dma_start3A_138] : memref<10240x128xf32, #tpu.memory_space<vmem_shared>> -> memref<10240x128xf32, #tpu.memory_space<vmem_shared>>
    tpu.enqueue_indirect_dma source(%arg10 : memref<48x128xf32, #tpu.memory_space<vmem>>) target(%dma_start3A_139 : memref<10240x128xf32, #tpu.memory_space<vmem_shared>>) offsets(%dma_start3A_136 : memref<48xi32, #tpu.memory_space<vmem>>) semaphore(%arg15 : memref<!tpu.dma_semaphore, #tpu.memory_space<semaphore_mem>>) {add = true}
    %dma_wait3A_140 = arith.constant 0 : i32
    %dma_wait3A_141 = arith.constant 0 : i32
    %dma_wait3A_142 = tpu.memref_slice %arg2[%dma_wait3A_140, %dma_wait3A_141] : memref<10000x128xf32, #tpu.memory_space<hbm>> -> memref<48x128xf32, #tpu.memory_space<hbm>>
    %dma_wait3A_143 = arith.constant 0 : i32
    %dma_wait3A_144 = arith.constant 0 : i32
    %dma_wait3A_145 = tpu.memref_slice %arg2[%dma_wait3A_143, %dma_wait3A_144] : memref<10000x128xf32, #tpu.memory_space<hbm>> -> memref<48x128xf32, #tpu.memory_space<hbm>>
    tpu.wait_dma2 semaphore(%arg15 : memref<!tpu.dma_semaphore, #tpu.memory_space<semaphore_mem>>) src(%dma_wait3A_145 : memref<48x128xf32, #tpu.memory_space<hbm>>) dst(%arg9 : memref<48x128xf32, #tpu.memory_space<vmem>>)
    %dma_wait3A_146 = arith.constant 0 : i32
    %dma_wait3A_147 = arith.constant 0 : i32
    %dma_wait3A_148 = tpu.memref_slice %arg2[%dma_wait3A_146, %dma_wait3A_147] : memref<10000x128xf32, #tpu.memory_space<hbm>> -> memref<48x128xf32, #tpu.memory_space<hbm>>
    %dma_wait3A_149 = arith.constant 0 : i32
    %dma_wait3A_150 = arith.constant 0 : i32
    %dma_wait3A_151 = tpu.memref_slice %arg2[%dma_wait3A_149, %dma_wait3A_150] : memref<10000x128xf32, #tpu.memory_space<hbm>> -> memref<48x128xf32, #tpu.memory_space<hbm>>
    tpu.wait_dma2 semaphore(%arg14 : memref<!tpu.dma_semaphore, #tpu.memory_space<semaphore_mem>>) src(%dma_wait3A_151 : memref<48x128xf32, #tpu.memory_space<hbm>>) dst(%arg11 : memref<48x128xf32, #tpu.memory_space<vmem>>)
    %multiple_of3A_152 = arith.constant 9936 : i32
    %multiple_of3A_153 = tpu.assume_multiple %multiple_of3A_152, 8 : i32
    %dma_start3A_154 = tpu.memref_slice %arg7[%multiple_of3A_153] : memref<10032xi32, #tpu.memory_space<vmem>> -> memref<48xi32, #tpu.memory_space<vmem>>
    %dma_start3A_155 = arith.constant 0 : i32
    %dma_start3A_156 = arith.constant 0 : i32
    %dma_start3A_157 = tpu.memref_slice %arg12[%dma_start3A_155, %dma_start3A_156] : memref<10240x128xf32, #tpu.memory_space<vmem_shared>> -> memref<10240x128xf32, #tpu.memory_space<vmem_shared>>
    tpu.enqueue_indirect_dma source(%arg11 : memref<48x128xf32, #tpu.memory_space<vmem>>) target(%dma_start3A_157 : memref<10240x128xf32, #tpu.memory_space<vmem_shared>>) offsets(%dma_start3A_154 : memref<48xi32, #tpu.memory_space<vmem>>) semaphore(%arg15 : memref<!tpu.dma_semaphore, #tpu.memory_space<semaphore_mem>>) {add = true}
    %dma_wait3A_158 = arith.constant 0 : i32
    %dma_wait3A_159 = arith.constant 0 : i32
    %dma_wait3A_160 = tpu.memref_slice %arg2[%dma_wait3A_158, %dma_wait3A_159] : memref<10000x128xf32, #tpu.memory_space<hbm>> -> memref<48x128xf32, #tpu.memory_space<hbm>>
    %dma_wait3A_161 = arith.constant 0 : i32
    %dma_wait3A_162 = arith.constant 0 : i32
    %dma_wait3A_163 = tpu.memref_slice %arg2[%dma_wait3A_161, %dma_wait3A_162] : memref<10000x128xf32, #tpu.memory_space<hbm>> -> memref<48x128xf32, #tpu.memory_space<hbm>>
    tpu.wait_dma2 semaphore(%arg15 : memref<!tpu.dma_semaphore, #tpu.memory_space<semaphore_mem>>) src(%dma_wait3A_163 : memref<48x128xf32, #tpu.memory_space<hbm>>) dst(%arg10 : memref<48x128xf32, #tpu.memory_space<vmem>>)
    %dma_wait3A_164 = arith.constant 0 : i32
    %dma_wait3A_165 = arith.constant 0 : i32
    %dma_wait3A_166 = tpu.memref_slice %arg2[%dma_wait3A_164, %dma_wait3A_165] : memref<10000x128xf32, #tpu.memory_space<hbm>> -> memref<48x128xf32, #tpu.memory_space<hbm>>
    %dma_wait3A_167 = arith.constant 0 : i32
    %dma_wait3A_168 = arith.constant 0 : i32
    %dma_wait3A_169 = tpu.memref_slice %arg2[%dma_wait3A_167, %dma_wait3A_168] : memref<10000x128xf32, #tpu.memory_space<hbm>> -> memref<48x128xf32, #tpu.memory_space<hbm>>
    tpu.wait_dma2 semaphore(%arg14 : memref<!tpu.dma_semaphore, #tpu.memory_space<semaphore_mem>>) src(%dma_wait3A_169 : memref<48x128xf32, #tpu.memory_space<hbm>>) dst(%arg8 : memref<48x128xf32, #tpu.memory_space<vmem>>)
    %multiple_of3A_170 = arith.constant 9984 : i32
    %multiple_of3A_171 = tpu.assume_multiple %multiple_of3A_170, 8 : i32
    %dma_start3A_172 = tpu.memref_slice %arg7[%multiple_of3A_171] : memref<10032xi32, #tpu.memory_space<vmem>> -> memref<48xi32, #tpu.memory_space<vmem>>
    %dma_start3A_173 = arith.constant 0 : i32
    %dma_start3A_174 = arith.constant 0 : i32
    %dma_start3A_175 = tpu.memref_slice %arg12[%dma_start3A_173, %dma_start3A_174] : memref<10240x128xf32, #tpu.memory_space<vmem_shared>> -> memref<10240x128xf32, #tpu.memory_space<vmem_shared>>
    tpu.enqueue_indirect_dma source(%arg8 : memref<48x128xf32, #tpu.memory_space<vmem>>) target(%dma_start3A_175 : memref<10240x128xf32, #tpu.memory_space<vmem_shared>>) offsets(%dma_start3A_172 : memref<48xi32, #tpu.memory_space<vmem>>) semaphore(%arg15 : memref<!tpu.dma_semaphore, #tpu.memory_space<semaphore_mem>>) {add = true}
    %dma_wait3A_176 = arith.constant 0 : i32
    %dma_wait3A_177 = arith.constant 0 : i32
    %dma_wait3A_178 = tpu.memref_slice %arg2[%dma_wait3A_176, %dma_wait3A_177] : memref<10000x128xf32, #tpu.memory_space<hbm>> -> memref<48x128xf32, #tpu.memory_space<hbm>>
    %dma_wait3A_179 = arith.constant 0 : i32
    %dma_wait3A_180 = arith.constant 0 : i32
    %dma_wait3A_181 = tpu.memref_slice %arg2[%dma_wait3A_179, %dma_wait3A_180] : memref<10000x128xf32, #tpu.memory_space<hbm>> -> memref<48x128xf32, #tpu.memory_space<hbm>>
    tpu.wait_dma2 semaphore(%arg15 : memref<!tpu.dma_semaphore, #tpu.memory_space<semaphore_mem>>) src(%dma_wait3A_181 : memref<48x128xf32, #tpu.memory_space<hbm>>) dst(%arg11 : memref<48x128xf32, #tpu.memory_space<vmem>>)
    %dma_wait3A_182 = arith.constant 0 : i32
    %dma_wait3A_183 = arith.constant 0 : i32
    %dma_wait3A_184 = tpu.memref_slice %arg2[%dma_wait3A_182, %dma_wait3A_183] : memref<10000x128xf32, #tpu.memory_space<hbm>> -> memref<48x128xf32, #tpu.memory_space<hbm>>
    %dma_wait3A_185 = arith.constant 0 : i32
    %dma_wait3A_186 = arith.constant 0 : i32
    %dma_wait3A_187 = tpu.memref_slice %arg2[%dma_wait3A_185, %dma_wait3A_186] : memref<10000x128xf32, #tpu.memory_space<hbm>> -> memref<48x128xf32, #tpu.memory_space<hbm>>
    tpu.wait_dma2 semaphore(%arg15 : memref<!tpu.dma_semaphore, #tpu.memory_space<semaphore_mem>>) src(%dma_wait3A_187 : memref<48x128xf32, #tpu.memory_space<hbm>>) dst(%arg8 : memref<48x128xf32, #tpu.memory_space<vmem>>)
    %barrier3A_188 = arith.constant 0 : index
    tpu.barrier barrier_id(%barrier3A_188)
    "tpu.region"() ({
      %run_scoped3A = tpu.sem_alloc : memref<!tpu.dma_semaphore, #tpu.memory_space<semaphore_mem>>
      %dma_start3A_189 = arith.constant 0 : i32
      %dma_start3A_190 = arith.constant 0 : i32
      %dma_start3A_191 = tpu.memref_slice %arg5[%arg0, %dma_start3A_189, %dma_start3A_190] : memref<2x10240x128xf32, #tpu.memory_space<hbm>> -> memref<1x10240x128xf32, #tpu.memory_space<hbm>>
      %dma_start3A_192 = tpu.memref_squeeze %dma_start3A_191 : memref<1x10240x128xf32, #tpu.memory_space<hbm>> -> memref<10240x128xf32, #tpu.memory_space<hbm>>
      %dma_start3A_193 = arith.constant 0 : i32
      %dma_start3A_194 = tpu.memref_slice %dma_start3A_192[%mul3A_19, %dma_start3A_193] : memref<10240x128xf32, #tpu.memory_space<hbm>> -> memref<640x128xf32, #tpu.memory_space<hbm>>
      %dma_start3A_195 = arith.constant 0 : i32
      %dma_start3A_196 = tpu.memref_slice %arg12[%mul3A_19, %dma_start3A_195] : memref<10240x128xf32, #tpu.memory_space<vmem_shared>> -> memref<640x128xf32, #tpu.memory_space<vmem_shared>>
      tpu.enqueue_dma source(%dma_start3A_196 : memref<640x128xf32, #tpu.memory_space<vmem_shared>>) target(%dma_start3A_194 : memref<640x128xf32, #tpu.memory_space<hbm>>) target_semaphore(%run_scoped3A : memref<!tpu.dma_semaphore, #tpu.memory_space<semaphore_mem>>)
      %dma_wait3A_197 = arith.constant 0 : i32
      %dma_wait3A_198 = arith.constant 0 : i32
      %dma_wait3A_199 = tpu.memref_slice %arg5[%arg0, %dma_wait3A_197, %dma_wait3A_198] : memref<2x10240x128xf32, #tpu.memory_space<hbm>> -> memref<1x10240x128xf32, #tpu.memory_space<hbm>>
      %dma_wait3A_200 = tpu.memref_squeeze %dma_wait3A_199 : memref<1x10240x128xf32, #tpu.memory_space<hbm>> -> memref<10240x128xf32, #tpu.memory_space<hbm>>
      %dma_wait3A_201 = arith.constant 0 : i32
      %dma_wait3A_202 = tpu.memref_slice %dma_wait3A_200[%mul3A_19, %dma_wait3A_201] : memref<10240x128xf32, #tpu.memory_space<hbm>> -> memref<640x128xf32, #tpu.memory_space<hbm>>
      %dma_wait3A_203 = arith.constant 0 : i32
      %dma_wait3A_204 = tpu.memref_slice %arg12[%mul3A_19, %dma_wait3A_203] : memref<10240x128xf32, #tpu.memory_space<vmem_shared>> -> memref<640x128xf32, #tpu.memory_space<vmem_shared>>
      tpu.wait_dma2 semaphore(%run_scoped3A : memref<!tpu.dma_semaphore, #tpu.memory_space<semaphore_mem>>) src(%dma_wait3A_204 : memref<640x128xf32, #tpu.memory_space<vmem_shared>>) dst(%dma_wait3A_202 : memref<640x128xf32, #tpu.memory_space<hbm>>)
      tpu.yield
    }) : () -> ()
    return
  }
}

module attributes {stable_mosaic.version = 14 : i64} {
  func.func @_tc_body(%arg0: i32, %arg1: memref<2x400x128xf32, #tpu.memory_space<vmem>>, %arg2: memref<400x128xf32, #tpu.memory_space<vmem>>, %arg3: memref<128x128xf32, #tpu.memory_space<vmem>>, %arg4: memref<1x128xf32, #tpu.memory_space<vmem>>, %arg5: memref<128x128xf32, #tpu.memory_space<vmem>>, %arg6: memref<1x128xf32, #tpu.memory_space<vmem>>, %arg7: memref<400x128xf32, #tpu.memory_space<vmem>>) attributes {dimension_semantics = [#tpu.dimension_semantics<arbitrary>], iteration_bounds = array<i64: 25>, scalar_prefetch = 0 : i64, scratch_operands = 0 : i64, tpu.core_type = #tpu.core_type<tc>, window_params = [{transform_indices = @transform_0, window_bounds = array<i64: 2, 400, 128>}, {transform_indices = @transform_1, window_bounds = array<i64: 400, 128>}, {pipeline_mode = #tpu.pipeline_mode<synchronous>, transform_indices = @transform_2, window_bounds = array<i64: 128, 128>}, {pipeline_mode = #tpu.pipeline_mode<synchronous>, transform_indices = @transform_3, window_bounds = array<i64: 1, 128>}, {pipeline_mode = #tpu.pipeline_mode<synchronous>, transform_indices = @transform_4, window_bounds = array<i64: 128, 128>}, {pipeline_mode = #tpu.pipeline_mode<synchronous>, transform_indices = @transform_5, window_bounds = array<i64: 1, 128>}, {transform_indices = @transform_6, window_bounds = array<i64: 400, 128>}]} {
    %get3A = arith.constant 0 : index
    %get3A_0 = arith.constant 0 : index
    %get3A_1 = arith.constant 0 : index
    %get3A_2 = vector.load %arg1[%get3A, %get3A_0, %get3A_1] : memref<2x400x128xf32, #tpu.memory_space<vmem>>, vector<1x400x128xf32>
    %get3A_3 = vector.shape_cast %get3A_2 : vector<1x400x128xf32> to vector<400x128xf32>
    %get3A_4 = arith.constant 1 : index
    %get3A_5 = arith.constant 0 : index
    %get3A_6 = arith.constant 0 : index
    %get3A_7 = vector.load %arg1[%get3A_4, %get3A_5, %get3A_6] : memref<2x400x128xf32, #tpu.memory_space<vmem>>, vector<1x400x128xf32>
    %get3A_8 = vector.shape_cast %get3A_7 : vector<1x400x128xf32> to vector<400x128xf32>
    %add3A = arith.addf %get3A_3, %get3A_8 : vector<400x128xf32>
    %get3A_9 = arith.constant 0 : index
    %get3A_10 = arith.constant 0 : index
    %get3A_11 = vector.load %arg3[%get3A_9, %get3A_10] : memref<128x128xf32, #tpu.memory_space<vmem>>, vector<128x128xf32>
    %dot_general3A = arith.constant dense<0.000000e+00> : vector<400x128xf32>
    %dot_general3A_12 = tpu.matmul %add3A, %get3A_11, %dot_general3A {dimension_numbers = #tpu.dot_dimension_numbers<[1], [0], [0], [1], [0, 0, 1, 1], [], []>, transpose_lhs_hint = false} : vector<400x128xf32>, vector<128x128xf32>, vector<400x128xf32> -> vector<400x128xf32>
    %get3A_13 = arith.constant 0 : index
    %get3A_14 = arith.constant 0 : index
    %get3A_15 = vector.load %arg4[%get3A_13, %get3A_14] : memref<1x128xf32, #tpu.memory_space<vmem>>, vector<1x128xf32>
    %add3A_16 = vector.broadcast %get3A_15 : vector<1x128xf32> to vector<400x128xf32>
    %add3A_17 = arith.addf %dot_general3A_12, %add3A_16 : vector<400x128xf32>
    %get3A_18 = arith.constant 0 : index
    %get3A_19 = arith.constant 0 : index
    %get3A_20 = vector.load %arg2[%get3A_18, %get3A_19] : memref<400x128xf32, #tpu.memory_space<vmem>>, vector<400x128xf32>
    %get3A_21 = arith.constant 0 : index
    %get3A_22 = arith.constant 0 : index
    %get3A_23 = vector.load %arg5[%get3A_21, %get3A_22] : memref<128x128xf32, #tpu.memory_space<vmem>>, vector<128x128xf32>
    %dot_general3A_24 = arith.constant dense<0.000000e+00> : vector<400x128xf32>
    %dot_general3A_25 = tpu.matmul %get3A_20, %get3A_23, %dot_general3A_24 {dimension_numbers = #tpu.dot_dimension_numbers<[1], [0], [0], [1], [0, 0, 1, 1], [], []>, transpose_lhs_hint = false} : vector<400x128xf32>, vector<128x128xf32>, vector<400x128xf32> -> vector<400x128xf32>
    %get3A_26 = arith.constant 0 : index
    %get3A_27 = arith.constant 0 : index
    %get3A_28 = vector.load %arg6[%get3A_26, %get3A_27] : memref<1x128xf32, #tpu.memory_space<vmem>>, vector<1x128xf32>
    %add3A_29 = vector.broadcast %get3A_28 : vector<1x128xf32> to vector<400x128xf32>
    %add3A_30 = arith.addf %dot_general3A_25, %add3A_29 : vector<400x128xf32>
    %max3A = arith.constant 0.000000e+00 : f32
    %max3A_31 = vector.broadcast %max3A : f32 to vector<400x128xf32>
    %max3A_32 = arith.maximumf %add3A_17, %max3A_31 : vector<400x128xf32>
    %max3A_33 = arith.constant 0.000000e+00 : f32
    %max3A_34 = vector.broadcast %max3A_33 : f32 to vector<400x128xf32>
    %max3A_35 = arith.maximumf %add3A_30, %max3A_34 : vector<400x128xf32>
    %add3A_36 = arith.addf %max3A_32, %max3A_35 : vector<400x128xf32>
    %swap3A = arith.constant 0 : index
    %swap3A_37 = arith.constant 0 : index
    %swap3A_38 = vector.load %arg7[%swap3A, %swap3A_37] : memref<400x128xf32, #tpu.memory_space<vmem>>, vector<400x128xf32>
    tpu.vector_store %arg7[%swap3A, %swap3A_37], %add3A_36 {strides = array<i32>} : memref<400x128xf32, #tpu.memory_space<vmem>>, vector<400x128xf32>,
    return
  }
  func.func @transform_0(%arg0: i32) -> (i32, i32, i32) {
    %c0_i32 = arith.constant 0 : i32
    %c0_i32_0 = arith.constant 0 : i32
    %c0_i32_1 = arith.constant 0 : i32
    return %c0_i32, %arg0, %c0_i32_0 : i32, i32, i32
  }
  func.func @transform_1(%arg0: i32) -> (i32, i32) {
    %c0_i32 = arith.constant 0 : i32
    %c0_i32_0 = arith.constant 0 : i32
    return %arg0, %c0_i32 : i32, i32
  }
  func.func @transform_2(%arg0: i32) -> (i32, i32) {
    %c0_i32 = arith.constant 0 : i32
    %c0_i32_0 = arith.constant 0 : i32
    %c0_i32_1 = arith.constant 0 : i32
    return %c0_i32, %c0_i32_0 : i32, i32
  }
  func.func @transform_3(%arg0: i32) -> (i32, i32) {
    %c0_i32 = arith.constant 0 : i32
    %c0_i32_0 = arith.constant 0 : i32
    %c0_i32_1 = arith.constant 0 : i32
    return %c0_i32, %c0_i32_0 : i32, i32
  }
  func.func @transform_4(%arg0: i32) -> (i32, i32) {
    %c0_i32 = arith.constant 0 : i32
    %c0_i32_0 = arith.constant 0 : i32
    %c0_i32_1 = arith.constant 0 : i32
    return %c0_i32, %c0_i32_0 : i32, i32
  }
  func.func @transform_5(%arg0: i32) -> (i32, i32) {
    %c0_i32 = arith.constant 0 : i32
    %c0_i32_0 = arith.constant 0 : i32
    %c0_i32_1 = arith.constant 0 : i32
    return %c0_i32, %c0_i32_0 : i32, i32
  }
  func.func @transform_6(%arg0: i32) -> (i32, i32) {
    %c0_i32 = arith.constant 0 : i32
    %c0_i32_0 = arith.constant 0 : i32
    return %arg0, %c0_i32 : i32, i32
  }
}

module attributes {stable_mosaic.version = 14 : i64} {
  func.func @_tc_body(%arg0: i32, %arg1: memref<2x400x128xf32, #tpu.memory_space<vmem>>, %arg2: memref<400x128xf32, #tpu.memory_space<vmem>>, %arg3: memref<128x128xf32, #tpu.memory_space<vmem>>, %arg4: memref<1x128xf32, #tpu.memory_space<vmem>>, %arg5: memref<128x128xf32, #tpu.memory_space<vmem>>, %arg6: memref<1x128xf32, #tpu.memory_space<vmem>>, %arg7: memref<400x128xf32, #tpu.memory_space<vmem>>) attributes {dimension_semantics = [#tpu.dimension_semantics<arbitrary>], iteration_bounds = array<i64: 25>, scalar_prefetch = 0 : i64, scratch_operands = 0 : i64, tpu.core_type = #tpu.core_type<tc>, window_params = [{transform_indices = @transform_0, window_bounds = array<i64: 2, 400, 128>}, {transform_indices = @transform_1, window_bounds = array<i64: 400, 128>}, {pipeline_mode = #tpu.pipeline_mode<synchronous>, transform_indices = @transform_2, window_bounds = array<i64: 128, 128>}, {pipeline_mode = #tpu.pipeline_mode<synchronous>, transform_indices = @transform_3, window_bounds = array<i64: 1, 128>}, {pipeline_mode = #tpu.pipeline_mode<synchronous>, transform_indices = @transform_4, window_bounds = array<i64: 128, 128>}, {pipeline_mode = #tpu.pipeline_mode<synchronous>, transform_indices = @transform_5, window_bounds = array<i64: 1, 128>}, {transform_indices = @transform_6, window_bounds = array<i64: 400, 128>}]} {
    %get3A = arith.constant 0 : index
    %get3A_0 = arith.constant 0 : index
    %get3A_1 = arith.constant 0 : index
    %get3A_2 = vector.load %arg1[%get3A, %get3A_0, %get3A_1] : memref<2x400x128xf32, #tpu.memory_space<vmem>>, vector<1x400x128xf32>
    %get3A_3 = vector.shape_cast %get3A_2 : vector<1x400x128xf32> to vector<400x128xf32>
    %get3A_4 = arith.constant 1 : index
    %get3A_5 = arith.constant 0 : index
    %get3A_6 = arith.constant 0 : index
    %get3A_7 = vector.load %arg1[%get3A_4, %get3A_5, %get3A_6] : memref<2x400x128xf32, #tpu.memory_space<vmem>>, vector<1x400x128xf32>
    %get3A_8 = vector.shape_cast %get3A_7 : vector<1x400x128xf32> to vector<400x128xf32>
    %add3A = arith.addf %get3A_3, %get3A_8 : vector<400x128xf32>
    %get3A_9 = arith.constant 0 : index
    %get3A_10 = arith.constant 0 : index
    %get3A_11 = vector.load %arg3[%get3A_9, %get3A_10] : memref<128x128xf32, #tpu.memory_space<vmem>>, vector<128x128xf32>
    %dot_general3A = arith.constant dense<0.000000e+00> : vector<400x128xf32>
    %dot_general3A_12 = tpu.matmul %add3A, %get3A_11, %dot_general3A {dimension_numbers = #tpu.dot_dimension_numbers<[1], [0], [0], [1], [0, 0, 1, 1], [], []>, transpose_lhs_hint = false} : vector<400x128xf32>, vector<128x128xf32>, vector<400x128xf32> -> vector<400x128xf32>
    %get3A_13 = arith.constant 0 : index
    %get3A_14 = arith.constant 0 : index
    %get3A_15 = vector.load %arg4[%get3A_13, %get3A_14] : memref<1x128xf32, #tpu.memory_space<vmem>>, vector<1x128xf32>
    %add3A_16 = vector.broadcast %get3A_15 : vector<1x128xf32> to vector<400x128xf32>
    %add3A_17 = arith.addf %dot_general3A_12, %add3A_16 : vector<400x128xf32>
    %get3A_18 = arith.constant 0 : index
    %get3A_19 = arith.constant 0 : index
    %get3A_20 = vector.load %arg2[%get3A_18, %get3A_19] : memref<400x128xf32, #tpu.memory_space<vmem>>, vector<400x128xf32>
    %get3A_21 = arith.constant 0 : index
    %get3A_22 = arith.constant 0 : index
    %get3A_23 = vector.load %arg5[%get3A_21, %get3A_22] : memref<128x128xf32, #tpu.memory_space<vmem>>, vector<128x128xf32>
    %dot_general3A_24 = arith.constant dense<0.000000e+00> : vector<400x128xf32>
    %dot_general3A_25 = tpu.matmul %get3A_20, %get3A_23, %dot_general3A_24 {dimension_numbers = #tpu.dot_dimension_numbers<[1], [0], [0], [1], [0, 0, 1, 1], [], []>, transpose_lhs_hint = false} : vector<400x128xf32>, vector<128x128xf32>, vector<400x128xf32> -> vector<400x128xf32>
    %get3A_26 = arith.constant 0 : index
    %get3A_27 = arith.constant 0 : index
    %get3A_28 = vector.load %arg6[%get3A_26, %get3A_27] : memref<1x128xf32, #tpu.memory_space<vmem>>, vector<1x128xf32>
    %add3A_29 = vector.broadcast %get3A_28 : vector<1x128xf32> to vector<400x128xf32>
    %add3A_30 = arith.addf %dot_general3A_25, %add3A_29 : vector<400x128xf32>
    %max3A = arith.constant 0.000000e+00 : f32
    %max3A_31 = vector.broadcast %max3A : f32 to vector<400x128xf32>
    %max3A_32 = arith.maximumf %add3A_17, %max3A_31 : vector<400x128xf32>
    %max3A_33 = arith.constant 0.000000e+00 : f32
    %max3A_34 = vector.broadcast %max3A_33 : f32 to vector<400x128xf32>
    %max3A_35 = arith.maximumf %add3A_30, %max3A_34 : vector<400x128xf32>
    %add3A_36 = arith.addf %max3A_32, %max3A_35 : vector<400x128xf32>
    %swap3A = arith.constant 0 : index
    %swap3A_37 = arith.constant 0 : index
    %swap3A_38 = vector.load %arg7[%swap3A, %swap3A_37] : memref<400x128xf32, #tpu.memory_space<vmem>>, vector<400x128xf32>
    tpu.vector_store %arg7[%swap3A, %swap3A_37], %add3A_36 {strides = array<i32>} : memref<400x128xf32, #tpu.memory_space<vmem>>, vector<400x128xf32>,
    return
  }
  func.func @transform_0(%arg0: i32) -> (i32, i32, i32) {
    %c0_i32 = arith.constant 0 : i32
    %c0_i32_0 = arith.constant 0 : i32
    %c0_i32_1 = arith.constant 0 : i32
    return %c0_i32, %arg0, %c0_i32_0 : i32, i32, i32
  }
  func.func @transform_1(%arg0: i32) -> (i32, i32) {
    %c0_i32 = arith.constant 0 : i32
    %c0_i32_0 = arith.constant 0 : i32
    return %arg0, %c0_i32 : i32, i32
  }
  func.func @transform_2(%arg0: i32) -> (i32, i32) {
    %c0_i32 = arith.constant 0 : i32
    %c0_i32_0 = arith.constant 0 : i32
    %c0_i32_1 = arith.constant 0 : i32
    return %c0_i32, %c0_i32_0 : i32, i32
  }
  func.func @transform_3(%arg0: i32) -> (i32, i32) {
    %c0_i32 = arith.constant 0 : i32
    %c0_i32_0 = arith.constant 0 : i32
    %c0_i32_1 = arith.constant 0 : i32
    return %c0_i32, %c0_i32_0 : i32, i32
  }
  func.func @transform_4(%arg0: i32) -> (i32, i32) {
    %c0_i32 = arith.constant 0 : i32
    %c0_i32_0 = arith.constant 0 : i32
    %c0_i32_1 = arith.constant 0 : i32
    return %c0_i32, %c0_i32_0 : i32, i32
  }
  func.func @transform_5(%arg0: i32) -> (i32, i32) {
    %c0_i32 = arith.constant 0 : i32
    %c0_i32_0 = arith.constant 0 : i32
    %c0_i32_1 = arith.constant 0 : i32
    return %c0_i32, %c0_i32_0 : i32, i32
  }
  func.func @transform_6(%arg0: i32) -> (i32, i32) {
    %c0_i32 = arith.constant 0 : i32
    %c0_i32_0 = arith.constant 0 : i32
    return %arg0, %c0_i32 : i32, i32
  }
}

</mosaic_0001>

<sc_bundles>
// kernel: kernel.11.cloned.1.call-start
scs
__scs_entry_jumppad:
0x0: {  	(pc) =	sbr.rel $0x88, $3  }
0x1: {  	(tag) =	ssettag $0x0;
	lr =	simm.s32 $0x1  }
0x2: {  	[smem:$0x3F9B] =	sst lr;
	_ =	strace $0xD0000000  }
0x3: {  	_ = 	snop  }
0x4: {  	_ = 	snop  }
0x5: {  	_ = 	snop  }
0x6: {  	_ = 	snop  }
0x7: {  	_ = 	snop  }
__scs_overlays_trampoline_lowered:
0x8: {  	[smem:$0x3FAA] =	sst s0  }
0x9: {  	[smem:$0x3FAB] =	sst s1  }
0xa: {  	[smem:$0x3FAC] =	sst s2  }
0xb: {  	[smem:$0x3FAD] =	sst s3  }
0xc: {  	[smem:$0x3FAE] =	sst s4  }
0xd: {  	[smem:$0x3FAF] =	sst s5  }
0xe: {  	[smem:$0x3FB0] =	sst s6  }
0xf: {  	[smem:$0x3FB1] =	sst s7  }
0x10: {  	[smem:$0x3FB2] =	sst s8  }
0x11: {  	[smem:$0x3FB3] =	sst s9;
	s0 =	simm.s32 @!p0 $0x0  }
0x12: {  	s1 =	sld [smem:$0x3F99];
	s0 =	simm.s32 @p0 $0x1  }
0x13: {  	[smem:$0x3FB4] =	sst s0;
	s0 =	simm.s32 @!p1 $0x0  }
0x14: {  	s2 =	sld [smem:$0x3F98];
	s0 =	simm.s32 @p1 $0x1  }
0x15: {  	[smem:$0x3FB5] =	sst s0;
	s0 =	simm.s32 @!p2 $0x0  }
0x16: {  	s3 =	sld [smem:$0x3FDB];
	s0 =	simm.s32 @p2 $0x1  }
0x17: {  	s4 =	simm.s32 $0x1BF5;
	[smem:$0x3FB7] =	sst s0  }
0x18: {  	s0 =	sld [smem:$0x3F9A];
	_ =	swait.ge [sflag:s4], $0x0  }
0x19: {  	s7 =	sld [smem:$0x3F9B]  }
0x1a: {  	s8 =	sadd.s32 $0xFFFFE003, lr  }
0x1b: {  	s9 =	sadd.s32 $0xFFFFFEF7, lr;
	s5 =	simm.s32 $0xFFFFFFFF;
	p2 =	slt.u32 s8, $0xFFFFF086  }
0x1c: {  	p1 =	slt.u32 s9, $0xF7A;
	s5 =	simm.s32 @!p2 $0x0  }
0x1d: {  	s5 =	simm.s32 @p1 $0x1;
	p0 =	seq.s32 s7, s2  }
0x1e: {  	s7 =	smul.u32 @!p0 $0xF7A, s2;
	p2 =	seq.s32 @!p0 s5, $0x0  }
0x1f: {  	s9 =	smul.u32 $0xF7A, s1;
	s8 =	simm.s32 @!p0 $0x1BF5;
	p2 =	por !p2, p0  }
0x20: {  	[sflag:s8] =	ssyncset.s32 @!p0 $0xFFFFF086;
	s6 =	sadd.s32 @!p0 s3, s7;
	s7 =	simm.s32 @!p0 $0x108  }
0x21: {  	s3 =	sadd.s32 s3, s9;
	s6 =	sadd.s32 @!p0 $0x88, s6;
	s7 =	simm.s32 @p2 $0x1082  }
0x22: {  	[simem:s7], [sflag:s8] =	dma.local @!p0 [hbm:s6], $0xF7A  }
0x23: {  	s9 =	sor.u32 $0xD0000000, s2;
	s6 =	simm.s32 $0x108;
	_ =	swait.ge @!p0 [sflag:s8], $0x0  }
0x24: {  	s3 =	sadd.s32 $0x88, s3;
	s6 =	simm.s32 @!p1 $0x1082;
	[sflag:s4] =	ssyncset.s32 $0xFFFFF086  }
0x25: {  	[simem:s6], [sflag:s4] =	dma.local [hbm:s3], $0xF7A  }
0x26: {  	[smem:$0x3F9B] =	sst s1;
	(tag) =	ssettag s2;
	_ =	strace s9  }
0x27: {  	s1 =	sld [smem:$0x3FAB]  }
0x28: {  	s2 =	sld [smem:$0x3FAC]  }
0x29: {  	s4 =	sld [smem:$0x3FAE]  }
0x2a: {  	p0 =	seq.s32 s5, $0x0;
	s5 =	sld [smem:$0x3FAF]  }
0x2b: {  	s6 =	sld [smem:$0x3FB0]  }
0x2c: {  	s7 =	sld [smem:$0x3FB1]  }
0x2d: {  	s3 =	simm.s32 $0x108;
	s8 =	sld [smem:$0x3FB2]  }
0x2e: {  	s3 =	simm.s32 @!p0 $0x1082;
	s9 =	sld [smem:$0x3FB3]  }
0x2f: {  	lr =	sadd.s32 s0, s3;
	s0 =	sld [smem:$0x3FAA]  }
0x30: {  	s3 =	sld [smem:$0x3FAD]  }
0x31: {  	[smem:$0x3FB6] =	sst s10  }
0x32: {  	s10 =	sld [smem:$0x3FB4];
	_ =	sdelay $0x3  }
0x33: {  	p0 =	seq.s32 s10, $0x1;
	s10 =	sld [smem:$0x3FB6];
	_ =	sdelay $0x3  }
0x34: {  	[smem:$0x3FB6] =	sst s10  }
0x35: {  	s10 =	sld [smem:$0x3FB5];
	_ =	sdelay $0x3  }
0x36: {  	p1 =	seq.s32 s10, $0x1;
	s10 =	sld [smem:$0x3FB6];
	_ =	sdelay $0x3  }
0x37: {  	[smem:$0x3FB6] =	sst s10  }
0x38: {  	s10 =	sld [smem:$0x3FB7]  }
0x39: {  	_ = 	snop;
	(pc) =	sbr.ind lr, $3  }
0x3a: {  	_ = 	snop  }
0x3b: {  	_ = 	snop  }
0x3c: {  	p2 =	seq.s32 s10, $0x1;
	s10 =	sld [smem:$0x3FB6]  }
0x3d: {  	_ =	shalt  }
0x3e: {  	_ =	shalt  }
0x3f: {  	_ =	shalt  }
0x40: {  	_ =	shalt  }
0x41: {  	_ =	shalt  }
0x42: {  	_ =	shalt  }
0x43: {  	_ =	shalt  }
0x44: {  	_ =	shalt  }
0x45: {  	_ =	shalt  }
0x46: {  	_ =	shalt  }
0x47: {  	_ =	shalt  }
0x48: {  	_ =	shalt  }
0x49: {  	_ =	shalt  }
0x4a: {  	_ =	shalt  }
0x4b: {  	_ =	shalt  }
0x4c: {  	_ =	shalt  }
0x4d: {  	_ =	shalt  }
0x4e: {  	_ =	shalt  }
0x4f: {  	_ =	shalt  }
0x50: {  	_ =	shalt  }
0x51: {  	_ =	shalt  }
0x52: {  	_ =	shalt  }
0x53: {  	_ =	shalt  }
0x54: {  	_ =	shalt  }
0x55: {  	_ =	shalt  }
0x56: {  	_ =	shalt  }
0x57: {  	_ =	shalt  }
0x58: {  	_ =	shalt  }
0x59: {  	_ =	shalt  }
0x5a: {  	_ =	shalt  }
0x5b: {  	_ =	shalt  }
0x5c: {  	_ =	shalt  }
0x5d: {  	_ =	shalt  }
0x5e: {  	_ =	shalt  }
0x5f: {  	_ =	shalt  }
0x60: {  	_ =	shalt  }
0x61: {  	_ =	shalt  }
0x62: {  	_ =	shalt  }
0x63: {  	_ =	shalt  }
0x64: {  	_ =	shalt  }
0x65: {  	_ =	shalt  }
0x66: {  	_ =	shalt  }
0x67: {  	_ =	shalt  }
0x68: {  	_ =	shalt  }
0x69: {  	_ =	shalt  }
0x6a: {  	_ =	shalt  }
0x6b: {  	_ =	shalt  }
0x6c: {  	_ =	shalt  }
0x6d: {  	_ =	shalt  }
0x6e: {  	_ =	shalt  }
0x6f: {  	_ =	shalt  }
0x70: {  	_ =	shalt  }
0x71: {  	_ =	shalt  }
0x72: {  	_ =	shalt  }
0x73: {  	_ =	shalt  }
0x74: {  	_ =	shalt  }
0x75: {  	_ =	shalt  }
0x76: {  	_ =	shalt  }
0x77: {  	_ =	shalt  }
0x78: {  	_ =	shalt  }
0x79: {  	_ =	shalt  }
0x7a: {  	_ =	shalt  }
0x7b: {  	_ =	shalt  }
0x7c: {  	_ =	shalt  }
0x7d: {  	_ =	shalt  }
0x7e: {  	_ =	shalt  }
0x7f: {  	_ =	shalt  }
0x80: {  	_ =	shalt  }
0x81: {  	_ =	shalt  }
0x82: {  	_ =	shalt  }
0x83: {  	_ =	shalt  }
0x84: {  	_ =	shalt  }
0x85: {  	_ =	shalt  }
0x86: {  	_ =	shalt  }
0x87: {  	_ =	shalt  }
.Lfunc_end0:
.L_simem_size_0:
called_computation.1_lowered:
.L_overlay_start_0:
0x88: {  	s2 =	sld [smem:$0x3FD9]  }
0x89: {  	s3 =	sld [smem:$0x3FFE];
	_ =	sdelay $0x1  }
0x8a: {  	s1 =	srdreg.scid  }
0x8b: {  	s0 =	sand.u32 $0x1, s1  }
0x8c: {  	s17 =	sshll.u32 s0, $0xA;
	s2 =	sadd.s32 s3, s2  }
0x8d: {  	s2 =	sadd.s32 s2, s17  }
0x8e: {  	[smem:$0x3FC2] =	sst s2  }
0x8f: {  	_ = 	snop  }
0x90: {  	s2 =	sld [smem:$0x3FD0];
	(tm) =	ssettm $0x1  }
0x91: {  	s18 =	sld [smem:$0x3FFB];
	_ =	sdelay $0x3  }
0x92: {  	_ =	strace s18  }
0x93: {  	s3 =	sld [smem:$0x3FFC];
	_ =	sdelay $0x3  }
0x94: {  	_ =	strace s3  }
0x95: {  	s3 =	sld [smem:$0x3FFD];
	_ =	sdelay $0x3  }
0x96: {  	_ =	strace s3  }
0x97: {  	_ =	strace $0x8FFFFFFF  }
0x98: {  	s19 =	sld [smem:$0x3FDB];
	_ =	sdelay $0x1  }
0x99: {  	s4 =	simm.s32 $_scs_section_size  }
0x9a: {  	s5 =	simm.s32 $_size__tile_overlayer_lowered;
	s6 =	simm.s32 $_tile_overlayer_lowered  }
0x9b: {  	s22 =	simm.s32 $0x1BFF;
	s21 =	sshll.u32 s6, $0x1;
	s3 =	sadd.s32 s4, s19  }
0x9c: {  	s7 =	simm.s32 $0x0;
	s20 =	sshll.u32 s5, $0x1;
	s5 =	sadd.s32 s21, s3  }
0x9d: {  	[timem:s7], [sflag:s22] =	dma.local [hbm:s5], s20  }
0x9e: {  	_ =	swait.ge [sflag:s22], s20  }
0x9f: {  	s4 =	ssub.s32 $0x0, s20;
	[sflag:s22] =	ssyncset.done $0x0  }
0xa0: {  	[sflag:s22] =	ssyncadd.s32 s4;
	_ =	sdelay $0x1  }
0xa1: {  	s23 =	simm.s32 $0x1B8B  }
0xa2: {  	_ =	swait.ge [sflag:s23], $0x1  }
0xa3: {  	[sflag:s23] =	ssyncset.done $0x0  }
0xa4: {  	s25 =	simm.s32 $0x1B8E;
	s24 =	sld [smem:$0x3FFE];
	[sflag:s23] =	ssyncadd.s32 $0xFFFFFFFF  }
0xa5: {  	s26 =	simm.s32 $execute0_lowered;
	[smem:$0x3FD2] =	sst s25  }
0xa6: {  	s5 =	sshll.u32 s26, $0x1;
	_ =	strace $0x80000049;
	[dreg:$0x1] =	wrdreg $0xFFFFFFFF  }
0xa7: {  	s28 =	simm.s32 $_size_execute0_lowered;
	s3 =	sadd.s32 s3, s5;
	[dreg:$0x0] =	wrdreg $0x0  }
0xa8: {  	s5 =	sshll.u32 s28, $0x1;
	[dreg:$0x2] =	wrdreg s3  }
0xa9: {  	[dreg:$0x3] =	wrdreg s5  }
0xaa: {  	[dreg:$0x4] =	wrdreg $0xC0  }
0xab: {  	_ =	task [dreg:s7], $0x5FFFF  }
0xac: {  	[dreg:$0x1] =	wrdreg $0xFFFFFFFF  }
0xad: {  	[dreg:$0x0] =	wrdreg $0x60  }
0xae: {  	[dreg:$0x2] =	wrdreg s2  }
0xaf: {  	[dreg:$0x3] =	wrdreg s24  }
0xb0: {  	[dreg:$0x4] =	wrdreg $0xAF000  }
0xb1: {  	[dreg:$0x5] =	wrdreg $0x9  }
0xb2: {  	_ =	task.clear_ibuf [dreg:s7], $0x6FFFF;
	_ =	strace $0x90000049  }
0xb3: {  	s29 =	simm.s32 $0x9;
	_ =	strace $0x8000004B  }
0xb4: {  	_ =	swait.ge [sflag:s29], $0x1  }
0xb5: {  	[sflag:s29] =	ssyncadd.s32 $0xFFFFFFFF  }
0xb6: {  	_ =	strace $0x9000004B  }
0xb7: {  	_ =	sfence  }
0xb8: {  	s30 =	sld [smem:$0x0];
	_ =	sdelay $0x2  }
0xb9: {  	s31 =	sshll.u32 s1, $0xD;
	s1 =	sshrl.u32 s1, $0x2  }
0xba: {  	s3 =	sand.u32 $0x4000, s31;
	s1 =	sadd.s32 s1, s30  }
0xbb: {  	s0 =	sor.u32 s3, s0;
	s1 =	sshll.u32 s1, $0x11  }
0xbc: {  	s0 =	sor.u32 s1, s0  }
0xbd: {  	s0 =	sadd.s32 $0x8F2B, s0  }
0xbe: {  	[sflag:s0] =	ssyncadd.remote.s32 $0x1  }
0xbf: {  	_ =	sfence.sel $0xFFFF  }
0xc0: {  	[dreg:$0x0] =	wrdreg $0xFFFFFFFF;
	(pc) =	sbr.abs _section_cstart, $3  }
0xc1: {  	[dreg:$0x1] =	wrdreg $0xFFFFFFFF  }
0xc2: {  	_ =	task.clear_ibuf [dreg:s7], $0x2FFFF;
	_ =	strace $0x9FFFFFFF  }
0xc3: {  	(tm) =	ssettm $0x7FFFFFFF  }
tec
execute0_lowered:
.L_overlay_start_1:
0x0: {  	(tag) =	ssettag $0x1  }
0x1: {  	s0 =	srdreg.scid;
	s1 =	rddreg [dreg:$0x0]  }
0x2: {  	s8 =	stileid.u32;
	s4 =	rddreg [dreg:$0x1]  }
0x3: {  	s3 =	rddreg [dreg:$0x2];
	s6 =	simm.s32 $0x0;
	s28 =	simm.s32 $0x2780  }
0x4: {  	s29 =	simm.s32 $0x4F00;
	s30 =	simm.s32 $0x4;
	s31 =	simm.s32 $0x1  }
0x5: {  	s9 =	simm.s32 $0x0;
	s0 =	sand.u32 $0x1, s0;
	s18 =	smul.u32 $0x50000, s8  }
0x6: {  	s5 =	sshll.u32 s8, $0x7;
	[smem:$0x7FF] =	sst s6;
	s26 =	smul.u32 $0x2800, s8  }
0x7: {  	s6 =	simm.s32 $0x9700;
	s2 =	sshll.u32 s0, $0x4;
	s5 =	sand.u32 $0x380, s5  }
0x8: {  	s17 =	smul.u32 $0x28000, s0;
	s0 =	ssub.s32 $0x2, s0;
	_ =	strace $0x8000004A  }
0x9: {  	s2 =	sor.u32 s8, s2;
	s7 =	sshrl.u32 s0, $0x1;
	s19 =	sshrl.u32 s18, $0x2  }
0xa: {  	s2 =	sshrl.u32 s2, $0x3;
	s0 =	ssub.s32 s0, s7;
	s7 =	sadd.s32 s19, s3  }
0xb: {  	s8 =	simm.s32 $0x3;
	s2 =	smul.u32 $0x13C00, s2;
	s21 =	sadd.s32 $0x1400, s7  }
0xc: {  	s22 =	sadd.s32 $0x2800, s7;
	s23 =	sadd.s32 $0x3C00, s7;
	[dreg:$0x6] =	wrdreg s21  }
0xd: {  	s24 =	sadd.s32 $0x5000, s7;
	s25 =	sadd.s32 $0x6400, s7;
	[dreg:$0x7] =	wrdreg s22  }
0xe: {  	s13 =	sadd.s32 $0x7800, s7;
	s14 =	sadd.s32 $0x8C00, s7;
	[dreg:$0x8] =	wrdreg s23  }
0xf: {  	s15 =	sadd.s32 $0xA000, s7;
	s16 =	sadd.s32 $0xB400, s7;
	[dreg:$0x9] =	wrdreg s24  }
0x10: {  	s18 =	sadd.s32 $0xDC00, s7;
	s19 =	sadd.s32 $0xF000, s7;
	[dreg:$0xa] =	wrdreg s25  }
0x11: {  	s21 =	sadd.s32 $0x11800, s7;
	s22 =	sadd.s32 $0x12C00, s7;
	s2 =	sor.u32 s5, s2  }
0x12: {  	s23 =	smax.u32 s0, $0x1;
	s25 =	simm.s32 $0x80;
	s2 =	sshrl.u32 s2, $0x3  }
0x13: {  	s0 =	simm.s32 $0x7F00;
	s5 =	simm.s32 $0x2;
	s2 =	sadd.s32 s2, s4  }
0x14: {  	s4 =	sadd.s32 s17, s4;
	s17 =	sadd.s32 $0xC800, s7;
	s20 =	sadd.s32 $0xC400, s2  }
0x15: {  	s2 =	sadd.s32 $0x2600, s2;
	s4 =	sadd.s32 $0x16200, s4;
	[dreg:$0x4] =	wrdreg s20  }
0x16: {  	[dreg:$0x5] =	wrdreg s2;
	s20 =	sadd.s32 $0x10400, s7;
	s24 =	sadd.s32 s26, s4  }
0x17: {  	v0 =	vimm.f32 $0.0e+00;
	s26 =	simm.s32 $0x400;
	s2 =	simm.s32 $0x30;
	s4 =	simm.s32 $0x6700  }
.LBB2_1:
0x18: {  	s10 =	simm.s32 $0x0;
	s11 =	rddreg [dreg:$0x4]  }
0x19: {  	[tilespmem:s10], [sflag:$0x1] =	stream.strided.gather [hbm4b:s11+s25], $0x2780, s26, s25, $0x38;
	[tilespmem:$0x1EF00] =	vst v63  }
0x1a: {  	s12 =	rddreg [dreg:$0x5];
	s10 =	simm.s32 $0x0;
	s11 =	simm.s32 $0x200  }
0x1b: {  	[tilespmem:s28], [sflag:$0x1] =	stream.strided.gather [hbm4b:s12+s25], $0x2780, s26, s25, $0x38;
	[tilespmem:$0x1EF00] =	vst v63  }
.LBB2_2:
0x1c: {  	p0 =	sne.s32 s11, $0x4E00;
	[tilespmem:s10+$0x4F70] =	vst v0  }
0x1d: {  	[tilespmem:s10+$0x4F00] =	vst v0  }
0x1e: {  	[tilespmem:s10+$0x4F10] =	vst v0  }
.Ltmp0:
0x1f: {  	[tilespmem:s10+$0x4F20] =	vst v0;
	(pc) =	sbr.rel @p0 .LBB2_2-.Ltmp0, $4  }
0x20: {  	[tilespmem:s10+$0x4F30] =	vst v0  }
0x21: {  	[tilespmem:s10+$0x4F40] =	vst v0  }
0x22: {  	[tilespmem:s10+$0x4F50] =	vst v0  }
0x23: {  	[tilespmem:s10+$0x4F60] =	vst v0;
	s10 =	sshra.s32 s11, $0x2;
	s11 =	sadd.s32 $0x200, s11  }
0x24: {  	[tilespmem:s10+$0x4F70] =	vst v0  }
0x25: {  	[tilespmem:s10+$0x4F00] =	vst v0  }
0x26: {  	[tilespmem:s10+$0x4F10] =	vst v0  }
0x27: {  	[tilespmem:s10+$0x4F20] =	vst v0  }
0x28: {  	[tilespmem:s10+$0x4F30] =	vst v0  }
0x29: {  	[tilespmem:s10+$0x4F40] =	vst v0  }
0x2a: {  	[tilespmem:s10+$0x4F50] =	vst v0  }
0x2b: {  	[tilespmem:s10+$0x4F60] =	vst v0  }
0x2c: {  	[spmem:s7] =	stream.linear.scatter [tilespmem:s29], [sflag:$0x4], $0x1400, $0x38;
	[tilespmem:$0x1EF00] =	vst v63  }
0x2d: {  	_ =	swait.ge [sflag:s30], $0x1400  }
0x2e: {  	[sflag:s30] =	ssyncset.done $0x0  }
0x2f: {  	s12 =	rddreg [dreg:$0x6];
	[sflag:s30] =	ssyncadd.s32 $0xFFFFEC00  }
0x30: {  	[spmem:s12] =	stream.linear.scatter [tilespmem:s29], [sflag:$0x4], $0x1400, $0x38;
	[tilespmem:$0x1EF00] =	vst v63  }
0x31: {  	_ =	swait.ge [sflag:s30], $0x1400  }
0x32: {  	[sflag:s30] =	ssyncset.done $0x0  }
0x33: {  	s11 =	rddreg [dreg:$0x7];
	[sflag:s30] =	ssyncadd.s32 $0xFFFFEC00  }
0x34: {  	[spmem:s11] =	stream.linear.scatter [tilespmem:s29], [sflag:$0x4], $0x1400, $0x38;
	[tilespmem:$0x1EF00] =	vst v63  }
0x35: {  	_ =	swait.ge [sflag:s30], $0x1400  }
0x36: {  	[sflag:s30] =	ssyncset.done $0x0  }
0x37: {  	s12 =	rddreg [dreg:$0x8];
	[sflag:s30] =	ssyncadd.s32 $0xFFFFEC00  }
0x38: {  	[spmem:s12] =	stream.linear.scatter [tilespmem:s29], [sflag:$0x4], $0x1400, $0x38;
	[tilespmem:$0x1EF00] =	vst v63  }
0x39: {  	_ =	swait.ge [sflag:s30], $0x1400  }
0x3a: {  	[sflag:s30] =	ssyncset.done $0x0  }
0x3b: {  	s11 =	rddreg [dreg:$0x9];
	[sflag:s30] =	ssyncadd.s32 $0xFFFFEC00  }
0x3c: {  	[spmem:s11] =	stream.linear.scatter [tilespmem:s29], [sflag:$0x4], $0x1400, $0x38;
	[tilespmem:$0x1EF00] =	vst v63  }
0x3d: {  	_ =	swait.ge [sflag:s30], $0x1400  }
0x3e: {  	[sflag:s30] =	ssyncset.done $0x0  }
0x3f: {  	s12 =	rddreg [dreg:$0xa];
	[sflag:s30] =	ssyncadd.s32 $0xFFFFEC00  }
0x40: {  	[spmem:s12] =	stream.linear.scatter [tilespmem:s29], [sflag:$0x4], $0x1400, $0x38;
	[tilespmem:$0x1EF00] =	vst v63  }
0x41: {  	_ =	swait.ge [sflag:s30], $0x1400  }
0x42: {  	[sflag:s30] =	ssyncset.done $0x0  }
0x43: {  	[sflag:s30] =	ssyncadd.s32 $0xFFFFEC00  }
0x44: {  	[spmem:s13] =	stream.linear.scatter [tilespmem:s29], [sflag:$0x4], $0x1400, $0x38;
	[tilespmem:$0x1EF00] =	vst v63  }
0x45: {  	_ =	swait.ge [sflag:s30], $0x1400  }
0x46: {  	[sflag:s30] =	ssyncset.done $0x0  }
0x47: {  	[sflag:s30] =	ssyncadd.s32 $0xFFFFEC00  }
0x48: {  	[spmem:s14] =	stream.linear.scatter [tilespmem:s29], [sflag:$0x4], $0x1400, $0x38;
	[tilespmem:$0x1EF00] =	vst v63  }
0x49: {  	_ =	swait.ge [sflag:s30], $0x1400  }
0x4a: {  	[sflag:s30] =	ssyncset.done $0x0  }
0x4b: {  	[sflag:s30] =	ssyncadd.s32 $0xFFFFEC00  }
0x4c: {  	[spmem:s15] =	stream.linear.scatter [tilespmem:s29], [sflag:$0x4], $0x1400, $0x38;
	[tilespmem:$0x1EF00] =	vst v63  }
0x4d: {  	_ =	swait.ge [sflag:s30], $0x1400  }
0x4e: {  	[sflag:s30] =	ssyncset.done $0x0  }
0x4f: {  	[sflag:s30] =	ssyncadd.s32 $0xFFFFEC00  }
0x50: {  	[spmem:s16] =	stream.linear.scatter [tilespmem:s29], [sflag:$0x4], $0x1400, $0x38;
	[tilespmem:$0x1EF00] =	vst v63  }
0x51: {  	_ =	swait.ge [sflag:s30], $0x1400  }
0x52: {  	[sflag:s30] =	ssyncset.done $0x0  }
0x53: {  	[sflag:s30] =	ssyncadd.s32 $0xFFFFEC00  }
0x54: {  	[spmem:s17] =	stream.linear.scatter [tilespmem:s29], [sflag:$0x4], $0x1400, $0x38;
	[tilespmem:$0x1EF00] =	vst v63  }
0x55: {  	_ =	swait.ge [sflag:s30], $0x1400  }
0x56: {  	[sflag:s30] =	ssyncset.done $0x0  }
0x57: {  	[sflag:s30] =	ssyncadd.s32 $0xFFFFEC00  }
0x58: {  	[spmem:s18] =	stream.linear.scatter [tilespmem:s29], [sflag:$0x4], $0x1400, $0x38;
	[tilespmem:$0x1EF00] =	vst v63  }
0x59: {  	_ =	swait.ge [sflag:s30], $0x1400  }
0x5a: {  	[sflag:s30] =	ssyncset.done $0x0  }
0x5b: {  	[sflag:s30] =	ssyncadd.s32 $0xFFFFEC00  }
0x5c: {  	[spmem:s19] =	stream.linear.scatter [tilespmem:s29], [sflag:$0x4], $0x1400, $0x38;
	[tilespmem:$0x1EF00] =	vst v63  }
0x5d: {  	_ =	swait.ge [sflag:s30], $0x1400  }
0x5e: {  	[sflag:s30] =	ssyncset.done $0x0  }
0x5f: {  	[sflag:s30] =	ssyncadd.s32 $0xFFFFEC00  }
0x60: {  	[spmem:s20] =	stream.linear.scatter [tilespmem:s29], [sflag:$0x4], $0x1400, $0x38;
	[tilespmem:$0x1EF00] =	vst v63  }
0x61: {  	_ =	swait.ge [sflag:s30], $0x1400  }
0x62: {  	[sflag:s30] =	ssyncset.done $0x0  }
0x63: {  	[sflag:s30] =	ssyncadd.s32 $0xFFFFEC00  }
0x64: {  	[spmem:s21] =	stream.linear.scatter [tilespmem:s29], [sflag:$0x4], $0x1400, $0x38;
	[tilespmem:$0x1EF00] =	vst v63  }
0x65: {  	_ =	swait.ge [sflag:s30], $0x1400  }
0x66: {  	[sflag:s30] =	ssyncset.done $0x0  }
0x67: {  	[sflag:s30] =	ssyncadd.s32 $0xFFFFEC00  }
0x68: {  	[spmem:s22] =	stream.linear.scatter [tilespmem:s29], [sflag:$0x4], $0x1400, $0x38;
	[tilespmem:$0x1EF00] =	vst v63  }
0x69: {  	_ =	swait.ge [sflag:s30], $0x1400  }
0x6a: {  	[sflag:s30] =	ssyncset.done $0x0  }
0x6b: {  	[sflag:s30] =	ssyncadd.s32 $0xFFFFEC00  }
0x6c: {  	_ =	swait.ge [sflag:s31], $0x2780  }
0x6d: {  	[sflag:s31] =	ssyncset.done $0x0  }
0x6e: {  	[sflag:s31] =	ssyncadd.s32 $0xFFFFD880  }
0x6f: {  	_ =	swait.ge [sflag:s31], $0x2780  }
0x70: {  	[sflag:s31] =	ssyncset.done $0x0  }
0x71: {  	[sflag:s31] =	ssyncadd.s32 $0xFFFFD880  }
0x72: {  	s11 =	simm.s32 $0x0;
	[bflag:$0x0] =	sbarrier.arrive $0xFFFF  }
0x73: {  	[tilespmem:s29], [sflag:$0x2] =	stream.indirect.gather [hbm4b:s1+s2], $0x80, s11, s2, $0xb8;
	[tilespmem:$0x1EF00] =	vst v63  }
0x74: {  	_ = 	snop  }
0x75: {  	[tilespmem:s4], [sflag:$0x2] =	stream.indirect.gather [hbm4b:s1+s2], $0x80, s2, s2, $0xb8;
	[tilespmem:$0x1EF00] =	vst v63  }
0x76: {  	s12 =	simm.s32 $0x60  }
0x77: {  	[tilespmem:s0], [sflag:$0x2] =	stream.indirect.gather [hbm4b:s1+s2], $0x80, s12, s2, $0xb8;
	[tilespmem:$0x1EF00] =	vst v63  }
0x78: {  	_ =	swait.ge [sflag:s5], $0x1800  }
0x79: {  	[sflag:s5] =	ssyncset.done $0x0  }
0x7a: {  	[sflag:s5] =	ssyncadd.s32 $0xFFFFE800  }
0x7b: {  	[spmem:s3] =	stream.indirect.scatter.add.f32 [tilespmem:s29], [sflag:$0x3], $0x80, s28, s2, $0xb8;
	[tilespmem:$0x1EF00] =	vst v63  }
0x7c: {  	s11 =	simm.s32 $0x90  }
0x7d: {  	[tilespmem:s6], [sflag:$0x2] =	stream.indirect.gather [hbm4b:s1+s2], $0x80, s11, s2, $0xb8;
	[tilespmem:$0x1EF00] =	vst v63  }
0x7e: {  	_ =	swait.ge [sflag:s5], $0x1800  }
0x7f: {  	[sflag:s5] =	ssyncset.done $0x0  }
0x80: {  	s12 =	simm.s32 $0x27B0;
	[sflag:s5] =	ssyncadd.s32 $0xFFFFE800  }
0x81: {  	[spmem:s3] =	stream.indirect.scatter.add.f32 [tilespmem:s4], [sflag:$0x3], $0x80, s12, s2, $0xb8;
	[tilespmem:$0x1EF00] =	vst v63  }
0x82: {  	_ =	swait.ge [sflag:s8], $0x1800  }
0x83: {  	[sflag:s8] =	ssyncset.done $0x0  }
0x84: {  	s11 =	simm.s32 $0xC0;
	[sflag:s8] =	ssyncadd.s32 $0xFFFFE800  }
0x85: {  	[tilespmem:s29], [sflag:$0x2] =	stream.indirect.gather [hbm4b:s1+s2], $0x80, s11, s2, $0xb8;
	[tilespmem:$0x1EF00] =	vst v63  }
0x86: {  	_ =	swait.ge [sflag:s5], $0x1800  }
0x87: {  	[sflag:s5] =	ssyncset.done $0x0  }
0x88: {  	s12 =	simm.s32 $0x27E0;
	[sflag:s5] =	ssyncadd.s32 $0xFFFFE800  }
0x89: {  	[spmem:s3] =	stream.indirect.scatter.add.f32 [tilespmem:s0], [sflag:$0x3], $0x80, s12, s2, $0xb8;
	[tilespmem:$0x1EF00] =	vst v63  }
0x8a: {  	_ =	swait.ge [sflag:s8], $0x1800  }
0x8b: {  	[sflag:s8] =	ssyncset.done $0x0  }
0x8c: {  	s11 =	simm.s32 $0xF0;
	[sflag:s8] =	ssyncadd.s32 $0xFFFFE800  }
0x8d: {  	[tilespmem:s4], [sflag:$0x2] =	stream.indirect.gather [hbm4b:s1+s2], $0x80, s11, s2, $0xb8;
	[tilespmem:$0x1EF00] =	vst v63  }
0x8e: {  	_ =	swait.ge [sflag:s5], $0x1800  }
0x8f: {  	[sflag:s5] =	ssyncset.done $0x0  }
0x90: {  	s12 =	simm.s32 $0x2810;
	[sflag:s5] =	ssyncadd.s32 $0xFFFFE800  }
0x91: {  	[spmem:s3] =	stream.indirect.scatter.add.f32 [tilespmem:s6], [sflag:$0x3], $0x80, s12, s2, $0xb8;
	[tilespmem:$0x1EF00] =	vst v63  }
0x92: {  	_ =	swait.ge [sflag:s8], $0x1800  }
0x93: {  	[sflag:s8] =	ssyncset.done $0x0  }
0x94: {  	s11 =	simm.s32 $0x120;
	[sflag:s8] =	ssyncadd.s32 $0xFFFFE800  }
0x95: {  	[tilespmem:s0], [sflag:$0x2] =	stream.indirect.gather [hbm4b:s1+s2], $0x80, s11, s2, $0xb8;
	[tilespmem:$0x1EF00] =	vst v63  }
0x96: {  	_ =	swait.ge [sflag:s5], $0x1800  }
0x97: {  	[sflag:s5] =	ssyncset.done $0x0  }
0x98: {  	s12 =	simm.s32 $0x2840;
	[sflag:s5] =	ssyncadd.s32 $0xFFFFE800  }
0x99: {  	[spmem:s3] =	stream.indirect.scatter.add.f32 [tilespmem:s29], [sflag:$0x3], $0x80, s12, s2, $0xb8;
	[tilespmem:$0x1EF00] =	vst v63  }
0x9a: {  	_ =	swait.ge [sflag:s8], $0x1800  }
0x9b: {  	[sflag:s8] =	ssyncset.done $0x0  }
0x9c: {  	s10 =	simm.s32 $0x300;
	s11 =	simm.s32 $0x150;
	[sflag:s8] =	ssyncadd.s32 $0xFFFFE800  }
.LBB2_4:
0x9d: {  	[tilespmem:s6], [sflag:$0x2] =	stream.indirect.gather [hbm4b:s1+s2], $0x80, s11, s2, $0xb8;
	[tilespmem:$0x1EF00] =	vst v63  }
0x9e: {  	s11 =	smov.u32 s10  }
0x9f: {  	p0 =	sne.s32 s10, $0x9600;
	s10 =	sadd.s32 $0x300, s10;
	_ =	swait.ge [sflag:s5], $0x1800  }
0xa0: {  	s11 =	sshra.s32 s11, $0x2;
	[sflag:s5] =	ssyncset.done $0x0  }
0xa1: {  	s12 =	sadd.s32 $0x27B0, s11;
	[sflag:s5] =	ssyncadd.s32 $0xFFFFE800  }
0xa2: {  	[spmem:s3] =	stream.indirect.scatter.add.f32 [tilespmem:s4], [sflag:$0x3], $0x80, s12, s2, $0xb8;
	[tilespmem:$0x1EF00] =	vst v63  }
0xa3: {  	_ =	swait.ge [sflag:s8], $0x1800  }
0xa4: {  	[sflag:s8] =	ssyncset.done $0x0  }
0xa5: {  	s12 =	sadd.s32 $0xC0, s11;
	[sflag:s8] =	ssyncadd.s32 $0xFFFFE800  }
0xa6: {  	[tilespmem:s29], [sflag:$0x2] =	stream.indirect.gather [hbm4b:s1+s2], $0x80, s12, s2, $0xb8;
	[tilespmem:$0x1EF00] =	vst v63  }
0xa7: {  	_ =	swait.ge [sflag:s5], $0x1800  }
0xa8: {  	[sflag:s5] =	ssyncset.done $0x0  }
0xa9: {  	s12 =	sadd.s32 $0x27E0, s11;
	[sflag:s5] =	ssyncadd.s32 $0xFFFFE800  }
0xaa: {  	[spmem:s3] =	stream.indirect.scatter.add.f32 [tilespmem:s0], [sflag:$0x3], $0x80, s12, s2, $0xb8;
	[tilespmem:$0x1EF00] =	vst v63  }
0xab: {  	_ =	swait.ge [sflag:s8], $0x1800  }
0xac: {  	[sflag:s8] =	ssyncset.done $0x0  }
0xad: {  	s12 =	sadd.s32 $0xF0, s11;
	[sflag:s8] =	ssyncadd.s32 $0xFFFFE800  }
0xae: {  	[tilespmem:s4], [sflag:$0x2] =	stream.indirect.gather [hbm4b:s1+s2], $0x80, s12, s2, $0xb8;
	[tilespmem:$0x1EF00] =	vst v63  }
0xaf: {  	_ =	swait.ge [sflag:s5], $0x1800  }
0xb0: {  	[sflag:s5] =	ssyncset.done $0x0  }
0xb1: {  	s12 =	sadd.s32 $0x2810, s11;
	[sflag:s5] =	ssyncadd.s32 $0xFFFFE800  }
0xb2: {  	[spmem:s3] =	stream.indirect.scatter.add.f32 [tilespmem:s6], [sflag:$0x3], $0x80, s12, s2, $0xb8;
	[tilespmem:$0x1EF00] =	vst v63  }
0xb3: {  	_ =	swait.ge [sflag:s8], $0x1800  }
0xb4: {  	[sflag:s8] =	ssyncset.done $0x0  }
0xb5: {  	s12 =	sadd.s32 $0x120, s11;
	[sflag:s8] =	ssyncadd.s32 $0xFFFFE800  }
0xb6: {  	[tilespmem:s0], [sflag:$0x2] =	stream.indirect.gather [hbm4b:s1+s2], $0x80, s12, s2, $0xb8;
	[tilespmem:$0x1EF00] =	vst v63  }
0xb7: {  	_ =	swait.ge [sflag:s5], $0x1800  }
0xb8: {  	[sflag:s5] =	ssyncset.done $0x0  }
.Ltmp1:
0xb9: {  	s12 =	sadd.s32 $0x2840, s11;
	[sflag:s5] =	ssyncadd.s32 $0xFFFFE800;
	(pc) =	sbr.rel @p0 .LBB2_4-.Ltmp1, $4  }
0xba: {  	[spmem:s3] =	stream.indirect.scatter.add.f32 [tilespmem:s29], [sflag:$0x3], $0x80, s12, s2, $0xb8;
	[tilespmem:$0x1EF00] =	vst v63  }
0xbb: {  	_ =	swait.ge [sflag:s8], $0x1800  }
0xbc: {  	[sflag:s8] =	ssyncset.done $0x0  }
0xbd: {  	s11 =	sadd.s32 $0x150, s11;
	[sflag:s8] =	ssyncadd.s32 $0xFFFFE800  }
0xbe: {  	[tilespmem:s6], [sflag:$0x2] =	stream.indirect.gather [hbm4b:s1+s2], $0x80, s11, s2, $0xb8;
	[tilespmem:$0x1EF00] =	vst v63  }
0xbf: {  	_ =	swait.ge [sflag:s5], $0x1800  }
0xc0: {  	[sflag:s5] =	ssyncset.done $0x0  }
0xc1: {  	s10 =	simm.s32 $0x4DF0;
	[sflag:s5] =	ssyncadd.s32 $0xFFFFE800  }
0xc2: {  	[spmem:s3] =	stream.indirect.scatter.add.f32 [tilespmem:s4], [sflag:$0x3], $0x80, s10, s2, $0xb8;
	[tilespmem:$0x1EF00] =	vst v63  }
0xc3: {  	_ =	swait.ge [sflag:s8], $0x1800  }
0xc4: {  	[sflag:s8] =	ssyncset.done $0x0  }
0xc5: {  	s11 =	simm.s32 $0x2700;
	[sflag:s8] =	ssyncadd.s32 $0xFFFFE800  }
0xc6: {  	[tilespmem:s29], [sflag:$0x2] =	stream.indirect.gather [hbm4b:s1+s2], $0x80, s11, s2, $0xb8;
	[tilespmem:$0x1EF00] =	vst v63  }
0xc7: {  	_ =	swait.ge [sflag:s5], $0x1800  }
0xc8: {  	[sflag:s5] =	ssyncset.done $0x0  }
0xc9: {  	s12 =	simm.s32 $0x4E20;
	[sflag:s5] =	ssyncadd.s32 $0xFFFFE800  }
0xca: {  	[spmem:s3] =	stream.indirect.scatter.add.f32 [tilespmem:s0], [sflag:$0x3], $0x80, s12, s2, $0xb8;
	[tilespmem:$0x1EF00] =	vst v63  }
0xcb: {  	_ =	swait.ge [sflag:s8], $0x1800  }
0xcc: {  	[sflag:s8] =	ssyncset.done $0x0  }
0xcd: {  	[sflag:s8] =	ssyncadd.s32 $0xFFFFE800  }
0xce: {  	_ =	swait.ge [sflag:s5], $0x1800  }
0xcf: {  	[sflag:s5] =	ssyncset.done $0x0  }
0xd0: {  	s11 =	simm.s32 $0x4E50;
	[sflag:s5] =	ssyncadd.s32 $0xFFFFE800  }
0xd1: {  	[spmem:s3] =	stream.indirect.scatter.add.f32 [tilespmem:s6], [sflag:$0x3], $0x80, s11, s2, $0xb8;
	[tilespmem:$0x1EF00] =	vst v63  }
0xd2: {  	_ =	swait.ge [sflag:s8], $0x1800  }
0xd3: {  	[sflag:s8] =	ssyncset.done $0x0  }
0xd4: {  	[sflag:s8] =	ssyncadd.s32 $0xFFFFE800  }
0xd5: {  	_ =	swait.ge [sflag:s5], $0x1800  }
0xd6: {  	[sflag:s5] =	ssyncset.done $0x0  }
0xd7: {  	s12 =	simm.s32 $0x4E80;
	[sflag:s5] =	ssyncadd.s32 $0xFFFFE800  }
0xd8: {  	[spmem:s3] =	stream.indirect.scatter.add.f32 [tilespmem:s29], [sflag:$0x3], $0x80, s12, s2, $0xb8;
	[tilespmem:$0x1EF00] =	vst v63  }
0xd9: {  	_ =	swait.ge [sflag:s8], $0x1800  }
0xda: {  	[sflag:s8] =	ssyncset.done $0x0  }
0xdb: {  	[sflag:s8] =	ssyncadd.s32 $0xFFFFE800  }
0xdc: {  	s11 =	stileid.u32;
	_ =	swait.ge [sflag:s8], $0x1800  }
0xdd: {  	s9 =	sadd.s32 $0x1, s9;
	s10 =	sshll.u32 s11, $0x6;
	[sflag:s8] =	ssyncset.done $0x0  }
0xde: {  	p0 =	sne.s32 s9, s23;
	s10 =	sor.u32 $0x1C04, s10;
	[sflag:s8] =	ssyncadd.s32 $0xFFFFE800  }
.Ltmp2:
0xdf: {  	s12 =	sshrl.u32 s7, $0x3;
	[bflag:$0x0] =	sbarrier.arrive $0xFFFF;
	(pc) =	sbr.rel @p0 .LBB2_1-.Ltmp2, $4  }
0xe0: {  	[hbm:s24], [sflag:s10] =	dma.local [spmem:s12], $0x2800  }
0xe1: {  	_ =	swait.ge [sflag:s30], $0x2800  }
0xe2: {  	[sflag:s30] =	ssyncset.done $0x0  }
0xe3: {  	[sflag:s30] =	ssyncadd.s32 $0xFFFFD800  }
0xe4: {  	_ =	sfence.sel $0x180000  }
0xe5: {  	[bflag:$0x0] =	sbarrier.arrive $0xFFFF  }
0xe6: {  	_ =	strace $0x9000004A  }
0xe7: {  	s0 =	stileid.u32;
	[bflag:$0x2] =	sbarrier.arrive $0xFFFF  }
0xe8: {  	p0 =	sne.s32 s0, $0x0;
	s0 =	rddreg [dreg:$0x3]  }
0xe9: {  	s0 =	sadd.s32 @!p0 $0x100000, s0  }
0xea: {  	[sflag:s0] =	ssyncadd.tile.s32 @!p0 $0x1;
	_ =	shalt  }
.Lfunc_end2:
_tile_overlayer_lowered:
.L_overlay_start_2:
0xeb: {  	(tag) =	ssettag $0x2  }
0xec: {  	s0 =	rddreg [dreg:$0x0];
	s2 =	stileid.u32  }
0xed: {  	s1 =	rddreg [dreg:$0x1];
	p0 =	sne.s32 s2, $0x0  }
0xee: {  	s3 =	rddreg [dreg:$0x2];
	[bflag:$0x3] =	sbarrier.arrive $0xFFFF;
	s2 =	simm.s32 @!p0 $0x1C04  }
0xef: {  	[timem:s3], [sflag:s2] =	dma.local @!p0 [hbm:s0], s1  }
0xf0: {  	s0 =	simm.s32 @!p0 $0x4  }
0xf1: {  	_ =	swait.ge @!p0 [sflag:s0], s1  }
0xf2: {  	s1 =	ssub.s32 @!p0 $0x0, s1;
	[sflag:s0] =	ssyncset.done @!p0 $0x0  }
0xf3: {  	[sflag:s0] =	ssyncadd.s32 @!p0 s1  }
0xf4: {  	[bflag:$0x3] =	sbarrier.arrive $0xFFFF  }
0xf5: {  	_ =	shalt  }

// kernel: kernel.14.cloned.1.call-start
scs
__scs_entry_jumppad:
0x0: {  	(pc) =	sbr.rel $0x88, $3  }
0x1: {  	(tag) =	ssettag $0x0;
	lr =	simm.s32 $0x1  }
0x2: {  	[smem:$0x3F9B] =	sst lr;
	_ =	strace $0xD0000000  }
0x3: {  	_ = 	snop  }
0x4: {  	_ = 	snop  }
0x5: {  	_ = 	snop  }
0x6: {  	_ = 	snop  }
0x7: {  	_ = 	snop  }
__scs_overlays_trampoline_lowered:
0x8: {  	[smem:$0x3FAA] =	sst s0  }
0x9: {  	[smem:$0x3FAB] =	sst s1  }
0xa: {  	[smem:$0x3FAC] =	sst s2  }
0xb: {  	[smem:$0x3FAD] =	sst s3  }
0xc: {  	[smem:$0x3FAE] =	sst s4  }
0xd: {  	[smem:$0x3FAF] =	sst s5  }
0xe: {  	[smem:$0x3FB0] =	sst s6  }
0xf: {  	[smem:$0x3FB1] =	sst s7  }
0x10: {  	[smem:$0x3FB2] =	sst s8  }
0x11: {  	[smem:$0x3FB3] =	sst s9;
	s0 =	simm.s32 @!p0 $0x0  }
0x12: {  	s1 =	sld [smem:$0x3F99];
	s0 =	simm.s32 @p0 $0x1  }
0x13: {  	[smem:$0x3FB4] =	sst s0;
	s0 =	simm.s32 @!p1 $0x0  }
0x14: {  	s2 =	sld [smem:$0x3F98];
	s0 =	simm.s32 @p1 $0x1  }
0x15: {  	[smem:$0x3FB5] =	sst s0;
	s0 =	simm.s32 @!p2 $0x0  }
0x16: {  	s3 =	sld [smem:$0x3FDB];
	s0 =	simm.s32 @p2 $0x1  }
0x17: {  	s4 =	simm.s32 $0x1BF5;
	[smem:$0x3FB7] =	sst s0  }
0x18: {  	s0 =	sld [smem:$0x3F9A];
	_ =	swait.ge [sflag:s4], $0x0  }
0x19: {  	s7 =	sld [smem:$0x3F9B]  }
0x1a: {  	s8 =	sadd.s32 $0xFFFFE003, lr  }
0x1b: {  	s9 =	sadd.s32 $0xFFFFFEF7, lr;
	s5 =	simm.s32 $0xFFFFFFFF;
	p2 =	slt.u32 s8, $0xFFFFF086  }
0x1c: {  	p1 =	slt.u32 s9, $0xF7A;
	s5 =	simm.s32 @!p2 $0x0  }
0x1d: {  	s5 =	simm.s32 @p1 $0x1;
	p0 =	seq.s32 s7, s2  }
0x1e: {  	s7 =	smul.u32 @!p0 $0xF7A, s2;
	p2 =	seq.s32 @!p0 s5, $0x0  }
0x1f: {  	s9 =	smul.u32 $0xF7A, s1;
	s8 =	simm.s32 @!p0 $0x1BF5;
	p2 =	por !p2, p0  }
0x20: {  	[sflag:s8] =	ssyncset.s32 @!p0 $0xFFFFF086;
	s6 =	sadd.s32 @!p0 s3, s7;
	s7 =	simm.s32 @!p0 $0x108  }
0x21: {  	s3 =	sadd.s32 s3, s9;
	s6 =	sadd.s32 @!p0 $0x88, s6;
	s7 =	simm.s32 @p2 $0x1082  }
0x22: {  	[simem:s7], [sflag:s8] =	dma.local @!p0 [hbm:s6], $0xF7A  }
0x23: {  	s9 =	sor.u32 $0xD0000000, s2;
	s6 =	simm.s32 $0x108;
	_ =	swait.ge @!p0 [sflag:s8], $0x0  }
0x24: {  	s3 =	sadd.s32 $0x88, s3;
	s6 =	simm.s32 @!p1 $0x1082;
	[sflag:s4] =	ssyncset.s32 $0xFFFFF086  }
0x25: {  	[simem:s6], [sflag:s4] =	dma.local [hbm:s3], $0xF7A  }
0x26: {  	[smem:$0x3F9B] =	sst s1;
	(tag) =	ssettag s2;
	_ =	strace s9  }
0x27: {  	s1 =	sld [smem:$0x3FAB]  }
0x28: {  	s2 =	sld [smem:$0x3FAC]  }
0x29: {  	s4 =	sld [smem:$0x3FAE]  }
0x2a: {  	p0 =	seq.s32 s5, $0x0;
	s5 =	sld [smem:$0x3FAF]  }
0x2b: {  	s6 =	sld [smem:$0x3FB0]  }
0x2c: {  	s7 =	sld [smem:$0x3FB1]  }
0x2d: {  	s3 =	simm.s32 $0x108;
	s8 =	sld [smem:$0x3FB2]  }
0x2e: {  	s3 =	simm.s32 @!p0 $0x1082;
	s9 =	sld [smem:$0x3FB3]  }
0x2f: {  	lr =	sadd.s32 s0, s3;
	s0 =	sld [smem:$0x3FAA]  }
0x30: {  	s3 =	sld [smem:$0x3FAD]  }
0x31: {  	[smem:$0x3FB6] =	sst s10  }
0x32: {  	s10 =	sld [smem:$0x3FB4];
	_ =	sdelay $0x3  }
0x33: {  	p0 =	seq.s32 s10, $0x1;
	s10 =	sld [smem:$0x3FB6];
	_ =	sdelay $0x3  }
0x34: {  	[smem:$0x3FB6] =	sst s10  }
0x35: {  	s10 =	sld [smem:$0x3FB5];
	_ =	sdelay $0x3  }
0x36: {  	p1 =	seq.s32 s10, $0x1;
	s10 =	sld [smem:$0x3FB6];
	_ =	sdelay $0x3  }
0x37: {  	[smem:$0x3FB6] =	sst s10  }
0x38: {  	s10 =	sld [smem:$0x3FB7]  }
0x39: {  	_ = 	snop;
	(pc) =	sbr.ind lr, $3  }
0x3a: {  	_ = 	snop  }
0x3b: {  	_ = 	snop  }
0x3c: {  	p2 =	seq.s32 s10, $0x1;
	s10 =	sld [smem:$0x3FB6]  }
0x3d: {  	_ =	shalt  }
0x3e: {  	_ =	shalt  }
0x3f: {  	_ =	shalt  }
0x40: {  	_ =	shalt  }
0x41: {  	_ =	shalt  }
0x42: {  	_ =	shalt  }
0x43: {  	_ =	shalt  }
0x44: {  	_ =	shalt  }
0x45: {  	_ =	shalt  }
0x46: {  	_ =	shalt  }
0x47: {  	_ =	shalt  }
0x48: {  	_ =	shalt  }
0x49: {  	_ =	shalt  }
0x4a: {  	_ =	shalt  }
0x4b: {  	_ =	shalt  }
0x4c: {  	_ =	shalt  }
0x4d: {  	_ =	shalt  }
0x4e: {  	_ =	shalt  }
0x4f: {  	_ =	shalt  }
0x50: {  	_ =	shalt  }
0x51: {  	_ =	shalt  }
0x52: {  	_ =	shalt  }
0x53: {  	_ =	shalt  }
0x54: {  	_ =	shalt  }
0x55: {  	_ =	shalt  }
0x56: {  	_ =	shalt  }
0x57: {  	_ =	shalt  }
0x58: {  	_ =	shalt  }
0x59: {  	_ =	shalt  }
0x5a: {  	_ =	shalt  }
0x5b: {  	_ =	shalt  }
0x5c: {  	_ =	shalt  }
0x5d: {  	_ =	shalt  }
0x5e: {  	_ =	shalt  }
0x5f: {  	_ =	shalt  }
0x60: {  	_ =	shalt  }
0x61: {  	_ =	shalt  }
0x62: {  	_ =	shalt  }
0x63: {  	_ =	shalt  }
0x64: {  	_ =	shalt  }
0x65: {  	_ =	shalt  }
0x66: {  	_ =	shalt  }
0x67: {  	_ =	shalt  }
0x68: {  	_ =	shalt  }
0x69: {  	_ =	shalt  }
0x6a: {  	_ =	shalt  }
0x6b: {  	_ =	shalt  }
0x6c: {  	_ =	shalt  }
0x6d: {  	_ =	shalt  }
0x6e: {  	_ =	shalt  }
0x6f: {  	_ =	shalt  }
0x70: {  	_ =	shalt  }
0x71: {  	_ =	shalt  }
0x72: {  	_ =	shalt  }
0x73: {  	_ =	shalt  }
0x74: {  	_ =	shalt  }
0x75: {  	_ =	shalt  }
0x76: {  	_ =	shalt  }
0x77: {  	_ =	shalt  }
0x78: {  	_ =	shalt  }
0x79: {  	_ =	shalt  }
0x7a: {  	_ =	shalt  }
0x7b: {  	_ =	shalt  }
0x7c: {  	_ =	shalt  }
0x7d: {  	_ =	shalt  }
0x7e: {  	_ =	shalt  }
0x7f: {  	_ =	shalt  }
0x80: {  	_ =	shalt  }
0x81: {  	_ =	shalt  }
0x82: {  	_ =	shalt  }
0x83: {  	_ =	shalt  }
0x84: {  	_ =	shalt  }
0x85: {  	_ =	shalt  }
0x86: {  	_ =	shalt  }
0x87: {  	_ =	shalt  }
.Lfunc_end0:
.L_simem_size_0:
called_computation.2_lowered:
.L_overlay_start_0:
0x88: {  	s2 =	sld [smem:$0x3FD9]  }
0x89: {  	s3 =	sld [smem:$0x3FFE];
	_ =	sdelay $0x1  }
0x8a: {  	s1 =	srdreg.scid  }
0x8b: {  	s0 =	sand.u32 $0x1, s1  }
0x8c: {  	s17 =	sshll.u32 s0, $0xA;
	s2 =	sadd.s32 s3, s2  }
0x8d: {  	s2 =	sadd.s32 s2, s17  }
0x8e: {  	[smem:$0x3FC2] =	sst s2  }
0x8f: {  	_ = 	snop  }
0x90: {  	s2 =	sld [smem:$0x3FD0];
	(tm) =	ssettm $0x1  }
0x91: {  	s18 =	sld [smem:$0x3FFB];
	_ =	sdelay $0x3  }
0x92: {  	_ =	strace s18  }
0x93: {  	s3 =	sld [smem:$0x3FFC];
	_ =	sdelay $0x3  }
0x94: {  	_ =	strace s3  }
0x95: {  	s3 =	sld [smem:$0x3FFD];
	_ =	sdelay $0x3  }
0x96: {  	_ =	strace s3  }
0x97: {  	_ =	strace $0x8FFFFFFF  }
0x98: {  	s19 =	sld [smem:$0x3FDB];
	_ =	sdelay $0x1  }
0x99: {  	s4 =	simm.s32 $_scs_section_size  }
0x9a: {  	s5 =	simm.s32 $_size__tile_overlayer_lowered;
	s6 =	simm.s32 $_tile_overlayer_lowered  }
0x9b: {  	s22 =	simm.s32 $0x1BFF;
	s21 =	sshll.u32 s6, $0x1;
	s3 =	sadd.s32 s4, s19  }
0x9c: {  	s7 =	simm.s32 $0x0;
	s20 =	sshll.u32 s5, $0x1;
	s5 =	sadd.s32 s21, s3  }
0x9d: {  	[timem:s7], [sflag:s22] =	dma.local [hbm:s5], s20  }
0x9e: {  	_ =	swait.ge [sflag:s22], s20  }
0x9f: {  	s4 =	ssub.s32 $0x0, s20;
	[sflag:s22] =	ssyncset.done $0x0  }
0xa0: {  	[sflag:s22] =	ssyncadd.s32 s4;
	_ =	sdelay $0x1  }
0xa1: {  	s23 =	simm.s32 $0x1B8B  }
0xa2: {  	_ =	swait.ge [sflag:s23], $0x1  }
0xa3: {  	[sflag:s23] =	ssyncset.done $0x0  }
0xa4: {  	s25 =	simm.s32 $0x1B8E;
	s24 =	sld [smem:$0x3FFE];
	[sflag:s23] =	ssyncadd.s32 $0xFFFFFFFF  }
0xa5: {  	s26 =	simm.s32 $execute0_lowered;
	[smem:$0x3FD2] =	sst s25  }
0xa6: {  	s5 =	sshll.u32 s26, $0x1;
	_ =	strace $0x8000004C;
	[dreg:$0x1] =	wrdreg $0xFFFFFFFF  }
0xa7: {  	s28 =	simm.s32 $_size_execute0_lowered;
	s3 =	sadd.s32 s3, s5;
	[dreg:$0x0] =	wrdreg $0x0  }
0xa8: {  	s5 =	sshll.u32 s28, $0x1;
	[dreg:$0x2] =	wrdreg s3  }
0xa9: {  	[dreg:$0x3] =	wrdreg s5  }
0xaa: {  	[dreg:$0x4] =	wrdreg $0xC0  }
0xab: {  	_ =	task [dreg:s7], $0x5FFFF  }
0xac: {  	[dreg:$0x1] =	wrdreg $0xFFFFFFFF  }
0xad: {  	[dreg:$0x0] =	wrdreg $0x60  }
0xae: {  	[dreg:$0x2] =	wrdreg s2  }
0xaf: {  	[dreg:$0x3] =	wrdreg s24  }
0xb0: {  	[dreg:$0x4] =	wrdreg $0xAF000  }
0xb1: {  	[dreg:$0x5] =	wrdreg $0x9  }
0xb2: {  	_ =	task.clear_ibuf [dreg:s7], $0x6FFFF;
	_ =	strace $0x9000004C  }
0xb3: {  	s29 =	simm.s32 $0x9;
	_ =	strace $0x8000004E  }
0xb4: {  	_ =	swait.ge [sflag:s29], $0x1  }
0xb5: {  	[sflag:s29] =	ssyncadd.s32 $0xFFFFFFFF  }
0xb6: {  	_ =	strace $0x9000004E  }
0xb7: {  	_ =	sfence  }
0xb8: {  	s30 =	sld [smem:$0x0];
	_ =	sdelay $0x2  }
0xb9: {  	s31 =	sshll.u32 s1, $0xD;
	s1 =	sshrl.u32 s1, $0x2  }
0xba: {  	s3 =	sand.u32 $0x4000, s31;
	s1 =	sadd.s32 s1, s30  }
0xbb: {  	s0 =	sor.u32 s3, s0;
	s1 =	sshll.u32 s1, $0x11  }
0xbc: {  	s0 =	sor.u32 s1, s0  }
0xbd: {  	s0 =	sadd.s32 $0x8F2B, s0  }
0xbe: {  	[sflag:s0] =	ssyncadd.remote.s32 $0x1  }
0xbf: {  	_ =	sfence.sel $0xFFFF  }
0xc0: {  	[dreg:$0x0] =	wrdreg $0xFFFFFFFF;
	(pc) =	sbr.abs _section_cstart, $3  }
0xc1: {  	[dreg:$0x1] =	wrdreg $0xFFFFFFFF  }
0xc2: {  	_ =	task.clear_ibuf [dreg:s7], $0x2FFFF;
	_ =	strace $0x9FFFFFFF  }
0xc3: {  	(tm) =	ssettm $0x7FFFFFFF  }
tec
execute0_lowered:
.L_overlay_start_1:
0x0: {  	(tag) =	ssettag $0x1  }
0x1: {  	s0 =	srdreg.scid;
	s1 =	rddreg [dreg:$0x0]  }
0x2: {  	s8 =	stileid.u32;
	s4 =	rddreg [dreg:$0x1]  }
0x3: {  	s3 =	rddreg [dreg:$0x2];
	s6 =	simm.s32 $0x0;
	s28 =	simm.s32 $0x2780  }
0x4: {  	s29 =	simm.s32 $0x4F00;
	s30 =	simm.s32 $0x4;
	s31 =	simm.s32 $0x1  }
0x5: {  	s9 =	simm.s32 $0x0;
	s0 =	sand.u32 $0x1, s0;
	s18 =	smul.u32 $0x50000, s8  }
0x6: {  	s5 =	sshll.u32 s8, $0x7;
	[smem:$0x7FF] =	sst s6;
	s26 =	smul.u32 $0x2800, s8  }
0x7: {  	s6 =	simm.s32 $0x9700;
	s2 =	sshll.u32 s0, $0x4;
	s5 =	sand.u32 $0x380, s5  }
0x8: {  	s17 =	smul.u32 $0x28000, s0;
	s0 =	ssub.s32 $0x2, s0;
	_ =	strace $0x8000004D  }
0x9: {  	s2 =	sor.u32 s8, s2;
	s7 =	sshrl.u32 s0, $0x1;
	s19 =	sshrl.u32 s18, $0x2  }
0xa: {  	s2 =	sshrl.u32 s2, $0x3;
	s0 =	ssub.s32 s0, s7;
	s7 =	sadd.s32 s19, s3  }
0xb: {  	s8 =	simm.s32 $0x3;
	s2 =	smul.u32 $0x13C00, s2;
	s21 =	sadd.s32 $0x1400, s7  }
0xc: {  	s22 =	sadd.s32 $0x2800, s7;
	s23 =	sadd.s32 $0x3C00, s7;
	[dreg:$0x6] =	wrdreg s21  }
0xd: {  	s24 =	sadd.s32 $0x5000, s7;
	s25 =	sadd.s32 $0x6400, s7;
	[dreg:$0x7] =	wrdreg s22  }
0xe: {  	s13 =	sadd.s32 $0x7800, s7;
	s14 =	sadd.s32 $0x8C00, s7;
	[dreg:$0x8] =	wrdreg s23  }
0xf: {  	s15 =	sadd.s32 $0xA000, s7;
	s16 =	sadd.s32 $0xB400, s7;
	[dreg:$0x9] =	wrdreg s24  }
0x10: {  	s18 =	sadd.s32 $0xDC00, s7;
	s19 =	sadd.s32 $0xF000, s7;
	[dreg:$0xa] =	wrdreg s25  }
0x11: {  	s21 =	sadd.s32 $0x11800, s7;
	s22 =	sadd.s32 $0x12C00, s7;
	s2 =	sor.u32 s5, s2  }
0x12: {  	s23 =	smax.u32 s0, $0x1;
	s25 =	simm.s32 $0x80;
	s2 =	sshrl.u32 s2, $0x3  }
0x13: {  	s0 =	simm.s32 $0x7F00;
	s5 =	simm.s32 $0x2;
	s2 =	sadd.s32 s2, s4  }
0x14: {  	s4 =	sadd.s32 s17, s4;
	s17 =	sadd.s32 $0xC800, s7;
	s20 =	sadd.s32 $0xC400, s2  }
0x15: {  	s2 =	sadd.s32 $0x2600, s2;
	s4 =	sadd.s32 $0x16200, s4;
	[dreg:$0x4] =	wrdreg s20  }
0x16: {  	[dreg:$0x5] =	wrdreg s2;
	s20 =	sadd.s32 $0x10400, s7;
	s24 =	sadd.s32 s26, s4  }
0x17: {  	v0 =	vimm.f32 $0.0e+00;
	s26 =	simm.s32 $0x400;
	s2 =	simm.s32 $0x30;
	s4 =	simm.s32 $0x6700  }
.LBB2_1:
0x18: {  	s10 =	simm.s32 $0x0;
	s11 =	rddreg [dreg:$0x4]  }
0x19: {  	[tilespmem:s10], [sflag:$0x1] =	stream.strided.gather [hbm4b:s11+s25], $0x2780, s26, s25, $0x38;
	[tilespmem:$0x1EF00] =	vst v63  }
0x1a: {  	s12 =	rddreg [dreg:$0x5];
	s10 =	simm.s32 $0x0;
	s11 =	simm.s32 $0x200  }
0x1b: {  	[tilespmem:s28], [sflag:$0x1] =	stream.strided.gather [hbm4b:s12+s25], $0x2780, s26, s25, $0x38;
	[tilespmem:$0x1EF00] =	vst v63  }
.LBB2_2:
0x1c: {  	p0 =	sne.s32 s11, $0x4E00;
	[tilespmem:s10+$0x4F70] =	vst v0  }
0x1d: {  	[tilespmem:s10+$0x4F00] =	vst v0  }
0x1e: {  	[tilespmem:s10+$0x4F10] =	vst v0  }
.Ltmp0:
0x1f: {  	[tilespmem:s10+$0x4F20] =	vst v0;
	(pc) =	sbr.rel @p0 .LBB2_2-.Ltmp0, $4  }
0x20: {  	[tilespmem:s10+$0x4F30] =	vst v0  }
0x21: {  	[tilespmem:s10+$0x4F40] =	vst v0  }
0x22: {  	[tilespmem:s10+$0x4F50] =	vst v0  }
0x23: {  	[tilespmem:s10+$0x4F60] =	vst v0;
	s10 =	sshra.s32 s11, $0x2;
	s11 =	sadd.s32 $0x200, s11  }
0x24: {  	[tilespmem:s10+$0x4F70] =	vst v0  }
0x25: {  	[tilespmem:s10+$0x4F00] =	vst v0  }
0x26: {  	[tilespmem:s10+$0x4F10] =	vst v0  }
0x27: {  	[tilespmem:s10+$0x4F20] =	vst v0  }
0x28: {  	[tilespmem:s10+$0x4F30] =	vst v0  }
0x29: {  	[tilespmem:s10+$0x4F40] =	vst v0  }
0x2a: {  	[tilespmem:s10+$0x4F50] =	vst v0  }
0x2b: {  	[tilespmem:s10+$0x4F60] =	vst v0  }
0x2c: {  	[spmem:s7] =	stream.linear.scatter [tilespmem:s29], [sflag:$0x4], $0x1400, $0x38;
	[tilespmem:$0x1EF00] =	vst v63  }
0x2d: {  	_ =	swait.ge [sflag:s30], $0x1400  }
0x2e: {  	[sflag:s30] =	ssyncset.done $0x0  }
0x2f: {  	s12 =	rddreg [dreg:$0x6];
	[sflag:s30] =	ssyncadd.s32 $0xFFFFEC00  }
0x30: {  	[spmem:s12] =	stream.linear.scatter [tilespmem:s29], [sflag:$0x4], $0x1400, $0x38;
	[tilespmem:$0x1EF00] =	vst v63  }
0x31: {  	_ =	swait.ge [sflag:s30], $0x1400  }
0x32: {  	[sflag:s30] =	ssyncset.done $0x0  }
0x33: {  	s11 =	rddreg [dreg:$0x7];
	[sflag:s30] =	ssyncadd.s32 $0xFFFFEC00  }
0x34: {  	[spmem:s11] =	stream.linear.scatter [tilespmem:s29], [sflag:$0x4], $0x1400, $0x38;
	[tilespmem:$0x1EF00] =	vst v63  }
0x35: {  	_ =	swait.ge [sflag:s30], $0x1400  }
0x36: {  	[sflag:s30] =	ssyncset.done $0x0  }
0x37: {  	s12 =	rddreg [dreg:$0x8];
	[sflag:s30] =	ssyncadd.s32 $0xFFFFEC00  }
0x38: {  	[spmem:s12] =	stream.linear.scatter [tilespmem:s29], [sflag:$0x4], $0x1400, $0x38;
	[tilespmem:$0x1EF00] =	vst v63  }
0x39: {  	_ =	swait.ge [sflag:s30], $0x1400  }
0x3a: {  	[sflag:s30] =	ssyncset.done $0x0  }
0x3b: {  	s11 =	rddreg [dreg:$0x9];
	[sflag:s30] =	ssyncadd.s32 $0xFFFFEC00  }
0x3c: {  	[spmem:s11] =	stream.linear.scatter [tilespmem:s29], [sflag:$0x4], $0x1400, $0x38;
	[tilespmem:$0x1EF00] =	vst v63  }
0x3d: {  	_ =	swait.ge [sflag:s30], $0x1400  }
0x3e: {  	[sflag:s30] =	ssyncset.done $0x0  }
0x3f: {  	s12 =	rddreg [dreg:$0xa];
	[sflag:s30] =	ssyncadd.s32 $0xFFFFEC00  }
0x40: {  	[spmem:s12] =	stream.linear.scatter [tilespmem:s29], [sflag:$0x4], $0x1400, $0x38;
	[tilespmem:$0x1EF00] =	vst v63  }
0x41: {  	_ =	swait.ge [sflag:s30], $0x1400  }
0x42: {  	[sflag:s30] =	ssyncset.done $0x0  }
0x43: {  	[sflag:s30] =	ssyncadd.s32 $0xFFFFEC00  }
0x44: {  	[spmem:s13] =	stream.linear.scatter [tilespmem:s29], [sflag:$0x4], $0x1400, $0x38;
	[tilespmem:$0x1EF00] =	vst v63  }
0x45: {  	_ =	swait.ge [sflag:s30], $0x1400  }
0x46: {  	[sflag:s30] =	ssyncset.done $0x0  }
0x47: {  	[sflag:s30] =	ssyncadd.s32 $0xFFFFEC00  }
0x48: {  	[spmem:s14] =	stream.linear.scatter [tilespmem:s29], [sflag:$0x4], $0x1400, $0x38;
	[tilespmem:$0x1EF00] =	vst v63  }
0x49: {  	_ =	swait.ge [sflag:s30], $0x1400  }
0x4a: {  	[sflag:s30] =	ssyncset.done $0x0  }
0x4b: {  	[sflag:s30] =	ssyncadd.s32 $0xFFFFEC00  }
0x4c: {  	[spmem:s15] =	stream.linear.scatter [tilespmem:s29], [sflag:$0x4], $0x1400, $0x38;
	[tilespmem:$0x1EF00] =	vst v63  }
0x4d: {  	_ =	swait.ge [sflag:s30], $0x1400  }
0x4e: {  	[sflag:s30] =	ssyncset.done $0x0  }
0x4f: {  	[sflag:s30] =	ssyncadd.s32 $0xFFFFEC00  }
0x50: {  	[spmem:s16] =	stream.linear.scatter [tilespmem:s29], [sflag:$0x4], $0x1400, $0x38;
	[tilespmem:$0x1EF00] =	vst v63  }
0x51: {  	_ =	swait.ge [sflag:s30], $0x1400  }
0x52: {  	[sflag:s30] =	ssyncset.done $0x0  }
0x53: {  	[sflag:s30] =	ssyncadd.s32 $0xFFFFEC00  }
0x54: {  	[spmem:s17] =	stream.linear.scatter [tilespmem:s29], [sflag:$0x4], $0x1400, $0x38;
	[tilespmem:$0x1EF00] =	vst v63  }
0x55: {  	_ =	swait.ge [sflag:s30], $0x1400  }
0x56: {  	[sflag:s30] =	ssyncset.done $0x0  }
0x57: {  	[sflag:s30] =	ssyncadd.s32 $0xFFFFEC00  }
0x58: {  	[spmem:s18] =	stream.linear.scatter [tilespmem:s29], [sflag:$0x4], $0x1400, $0x38;
	[tilespmem:$0x1EF00] =	vst v63  }
0x59: {  	_ =	swait.ge [sflag:s30], $0x1400  }
0x5a: {  	[sflag:s30] =	ssyncset.done $0x0  }
0x5b: {  	[sflag:s30] =	ssyncadd.s32 $0xFFFFEC00  }
0x5c: {  	[spmem:s19] =	stream.linear.scatter [tilespmem:s29], [sflag:$0x4], $0x1400, $0x38;
	[tilespmem:$0x1EF00] =	vst v63  }
0x5d: {  	_ =	swait.ge [sflag:s30], $0x1400  }
0x5e: {  	[sflag:s30] =	ssyncset.done $0x0  }
0x5f: {  	[sflag:s30] =	ssyncadd.s32 $0xFFFFEC00  }
0x60: {  	[spmem:s20] =	stream.linear.scatter [tilespmem:s29], [sflag:$0x4], $0x1400, $0x38;
	[tilespmem:$0x1EF00] =	vst v63  }
0x61: {  	_ =	swait.ge [sflag:s30], $0x1400  }
0x62: {  	[sflag:s30] =	ssyncset.done $0x0  }
0x63: {  	[sflag:s30] =	ssyncadd.s32 $0xFFFFEC00  }
0x64: {  	[spmem:s21] =	stream.linear.scatter [tilespmem:s29], [sflag:$0x4], $0x1400, $0x38;
	[tilespmem:$0x1EF00] =	vst v63  }
0x65: {  	_ =	swait.ge [sflag:s30], $0x1400  }
0x66: {  	[sflag:s30] =	ssyncset.done $0x0  }
0x67: {  	[sflag:s30] =	ssyncadd.s32 $0xFFFFEC00  }
0x68: {  	[spmem:s22] =	stream.linear.scatter [tilespmem:s29], [sflag:$0x4], $0x1400, $0x38;
	[tilespmem:$0x1EF00] =	vst v63  }
0x69: {  	_ =	swait.ge [sflag:s30], $0x1400  }
0x6a: {  	[sflag:s30] =	ssyncset.done $0x0  }
0x6b: {  	[sflag:s30] =	ssyncadd.s32 $0xFFFFEC00  }
0x6c: {  	_ =	swait.ge [sflag:s31], $0x2780  }
0x6d: {  	[sflag:s31] =	ssyncset.done $0x0  }
0x6e: {  	[sflag:s31] =	ssyncadd.s32 $0xFFFFD880  }
0x6f: {  	_ =	swait.ge [sflag:s31], $0x2780  }
0x70: {  	[sflag:s31] =	ssyncset.done $0x0  }
0x71: {  	[sflag:s31] =	ssyncadd.s32 $0xFFFFD880  }
0x72: {  	s11 =	simm.s32 $0x0;
	[bflag:$0x0] =	sbarrier.arrive $0xFFFF  }
0x73: {  	[tilespmem:s29], [sflag:$0x2] =	stream.indirect.gather [hbm4b:s1+s2], $0x80, s11, s2, $0xb8;
	[tilespmem:$0x1EF00] =	vst v63  }
0x74: {  	_ = 	snop  }
0x75: {  	[tilespmem:s4], [sflag:$0x2] =	stream.indirect.gather [hbm4b:s1+s2], $0x80, s2, s2, $0xb8;
	[tilespmem:$0x1EF00] =	vst v63  }
0x76: {  	s12 =	simm.s32 $0x60  }
0x77: {  	[tilespmem:s0], [sflag:$0x2] =	stream.indirect.gather [hbm4b:s1+s2], $0x80, s12, s2, $0xb8;
	[tilespmem:$0x1EF00] =	vst v63  }
0x78: {  	_ =	swait.ge [sflag:s5], $0x1800  }
0x79: {  	[sflag:s5] =	ssyncset.done $0x0  }
0x7a: {  	[sflag:s5] =	ssyncadd.s32 $0xFFFFE800  }
0x7b: {  	[spmem:s3] =	stream.indirect.scatter.add.f32 [tilespmem:s29], [sflag:$0x3], $0x80, s28, s2, $0xb8;
	[tilespmem:$0x1EF00] =	vst v63  }
0x7c: {  	s11 =	simm.s32 $0x90  }
0x7d: {  	[tilespmem:s6], [sflag:$0x2] =	stream.indirect.gather [hbm4b:s1+s2], $0x80, s11, s2, $0xb8;
	[tilespmem:$0x1EF00] =	vst v63  }
0x7e: {  	_ =	swait.ge [sflag:s5], $0x1800  }
0x7f: {  	[sflag:s5] =	ssyncset.done $0x0  }
0x80: {  	s12 =	simm.s32 $0x27B0;
	[sflag:s5] =	ssyncadd.s32 $0xFFFFE800  }
0x81: {  	[spmem:s3] =	stream.indirect.scatter.add.f32 [tilespmem:s4], [sflag:$0x3], $0x80, s12, s2, $0xb8;
	[tilespmem:$0x1EF00] =	vst v63  }
0x82: {  	_ =	swait.ge [sflag:s8], $0x1800  }
0x83: {  	[sflag:s8] =	ssyncset.done $0x0  }
0x84: {  	s11 =	simm.s32 $0xC0;
	[sflag:s8] =	ssyncadd.s32 $0xFFFFE800  }
0x85: {  	[tilespmem:s29], [sflag:$0x2] =	stream.indirect.gather [hbm4b:s1+s2], $0x80, s11, s2, $0xb8;
	[tilespmem:$0x1EF00] =	vst v63  }
0x86: {  	_ =	swait.ge [sflag:s5], $0x1800  }
0x87: {  	[sflag:s5] =	ssyncset.done $0x0  }
0x88: {  	s12 =	simm.s32 $0x27E0;
	[sflag:s5] =	ssyncadd.s32 $0xFFFFE800  }
0x89: {  	[spmem:s3] =	stream.indirect.scatter.add.f32 [tilespmem:s0], [sflag:$0x3], $0x80, s12, s2, $0xb8;
	[tilespmem:$0x1EF00] =	vst v63  }
0x8a: {  	_ =	swait.ge [sflag:s8], $0x1800  }
0x8b: {  	[sflag:s8] =	ssyncset.done $0x0  }
0x8c: {  	s11 =	simm.s32 $0xF0;
	[sflag:s8] =	ssyncadd.s32 $0xFFFFE800  }
0x8d: {  	[tilespmem:s4], [sflag:$0x2] =	stream.indirect.gather [hbm4b:s1+s2], $0x80, s11, s2, $0xb8;
	[tilespmem:$0x1EF00] =	vst v63  }
0x8e: {  	_ =	swait.ge [sflag:s5], $0x1800  }
0x8f: {  	[sflag:s5] =	ssyncset.done $0x0  }
0x90: {  	s12 =	simm.s32 $0x2810;
	[sflag:s5] =	ssyncadd.s32 $0xFFFFE800  }
0x91: {  	[spmem:s3] =	stream.indirect.scatter.add.f32 [tilespmem:s6], [sflag:$0x3], $0x80, s12, s2, $0xb8;
	[tilespmem:$0x1EF00] =	vst v63  }
0x92: {  	_ =	swait.ge [sflag:s8], $0x1800  }
0x93: {  	[sflag:s8] =	ssyncset.done $0x0  }
0x94: {  	s11 =	simm.s32 $0x120;
	[sflag:s8] =	ssyncadd.s32 $0xFFFFE800  }
0x95: {  	[tilespmem:s0], [sflag:$0x2] =	stream.indirect.gather [hbm4b:s1+s2], $0x80, s11, s2, $0xb8;
	[tilespmem:$0x1EF00] =	vst v63  }
0x96: {  	_ =	swait.ge [sflag:s5], $0x1800  }
0x97: {  	[sflag:s5] =	ssyncset.done $0x0  }
0x98: {  	s12 =	simm.s32 $0x2840;
	[sflag:s5] =	ssyncadd.s32 $0xFFFFE800  }
0x99: {  	[spmem:s3] =	stream.indirect.scatter.add.f32 [tilespmem:s29], [sflag:$0x3], $0x80, s12, s2, $0xb8;
	[tilespmem:$0x1EF00] =	vst v63  }
0x9a: {  	_ =	swait.ge [sflag:s8], $0x1800  }
0x9b: {  	[sflag:s8] =	ssyncset.done $0x0  }
0x9c: {  	s10 =	simm.s32 $0x300;
	s11 =	simm.s32 $0x150;
	[sflag:s8] =	ssyncadd.s32 $0xFFFFE800  }
.LBB2_4:
0x9d: {  	[tilespmem:s6], [sflag:$0x2] =	stream.indirect.gather [hbm4b:s1+s2], $0x80, s11, s2, $0xb8;
	[tilespmem:$0x1EF00] =	vst v63  }
0x9e: {  	s11 =	smov.u32 s10  }
0x9f: {  	p0 =	sne.s32 s10, $0x9600;
	s10 =	sadd.s32 $0x300, s10;
	_ =	swait.ge [sflag:s5], $0x1800  }
0xa0: {  	s11 =	sshra.s32 s11, $0x2;
	[sflag:s5] =	ssyncset.done $0x0  }
0xa1: {  	s12 =	sadd.s32 $0x27B0, s11;
	[sflag:s5] =	ssyncadd.s32 $0xFFFFE800  }
0xa2: {  	[spmem:s3] =	stream.indirect.scatter.add.f32 [tilespmem:s4], [sflag:$0x3], $0x80, s12, s2, $0xb8;
	[tilespmem:$0x1EF00] =	vst v63  }
0xa3: {  	_ =	swait.ge [sflag:s8], $0x1800  }
0xa4: {  	[sflag:s8] =	ssyncset.done $0x0  }
0xa5: {  	s12 =	sadd.s32 $0xC0, s11;
	[sflag:s8] =	ssyncadd.s32 $0xFFFFE800  }
0xa6: {  	[tilespmem:s29], [sflag:$0x2] =	stream.indirect.gather [hbm4b:s1+s2], $0x80, s12, s2, $0xb8;
	[tilespmem:$0x1EF00] =	vst v63  }
0xa7: {  	_ =	swait.ge [sflag:s5], $0x1800  }
0xa8: {  	[sflag:s5] =	ssyncset.done $0x0  }
0xa9: {  	s12 =	sadd.s32 $0x27E0, s11;
	[sflag:s5] =	ssyncadd.s32 $0xFFFFE800  }
0xaa: {  	[spmem:s3] =	stream.indirect.scatter.add.f32 [tilespmem:s0], [sflag:$0x3], $0x80, s12, s2, $0xb8;
	[tilespmem:$0x1EF00] =	vst v63  }
0xab: {  	_ =	swait.ge [sflag:s8], $0x1800  }
0xac: {  	[sflag:s8] =	ssyncset.done $0x0  }
0xad: {  	s12 =	sadd.s32 $0xF0, s11;
	[sflag:s8] =	ssyncadd.s32 $0xFFFFE800  }
0xae: {  	[tilespmem:s4], [sflag:$0x2] =	stream.indirect.gather [hbm4b:s1+s2], $0x80, s12, s2, $0xb8;
	[tilespmem:$0x1EF00] =	vst v63  }
0xaf: {  	_ =	swait.ge [sflag:s5], $0x1800  }
0xb0: {  	[sflag:s5] =	ssyncset.done $0x0  }
0xb1: {  	s12 =	sadd.s32 $0x2810, s11;
	[sflag:s5] =	ssyncadd.s32 $0xFFFFE800  }
0xb2: {  	[spmem:s3] =	stream.indirect.scatter.add.f32 [tilespmem:s6], [sflag:$0x3], $0x80, s12, s2, $0xb8;
	[tilespmem:$0x1EF00] =	vst v63  }
0xb3: {  	_ =	swait.ge [sflag:s8], $0x1800  }
0xb4: {  	[sflag:s8] =	ssyncset.done $0x0  }
0xb5: {  	s12 =	sadd.s32 $0x120, s11;
	[sflag:s8] =	ssyncadd.s32 $0xFFFFE800  }
0xb6: {  	[tilespmem:s0], [sflag:$0x2] =	stream.indirect.gather [hbm4b:s1+s2], $0x80, s12, s2, $0xb8;
	[tilespmem:$0x1EF00] =	vst v63  }
0xb7: {  	_ =	swait.ge [sflag:s5], $0x1800  }
0xb8: {  	[sflag:s5] =	ssyncset.done $0x0  }
.Ltmp1:
0xb9: {  	s12 =	sadd.s32 $0x2840, s11;
	[sflag:s5] =	ssyncadd.s32 $0xFFFFE800;
	(pc) =	sbr.rel @p0 .LBB2_4-.Ltmp1, $4  }
0xba: {  	[spmem:s3] =	stream.indirect.scatter.add.f32 [tilespmem:s29], [sflag:$0x3], $0x80, s12, s2, $0xb8;
	[tilespmem:$0x1EF00] =	vst v63  }
0xbb: {  	_ =	swait.ge [sflag:s8], $0x1800  }
0xbc: {  	[sflag:s8] =	ssyncset.done $0x0  }
0xbd: {  	s11 =	sadd.s32 $0x150, s11;
	[sflag:s8] =	ssyncadd.s32 $0xFFFFE800  }
0xbe: {  	[tilespmem:s6], [sflag:$0x2] =	stream.indirect.gather [hbm4b:s1+s2], $0x80, s11, s2, $0xb8;
	[tilespmem:$0x1EF00] =	vst v63  }
0xbf: {  	_ =	swait.ge [sflag:s5], $0x1800  }
0xc0: {  	[sflag:s5] =	ssyncset.done $0x0  }
0xc1: {  	s10 =	simm.s32 $0x4DF0;
	[sflag:s5] =	ssyncadd.s32 $0xFFFFE800  }
0xc2: {  	[spmem:s3] =	stream.indirect.scatter.add.f32 [tilespmem:s4], [sflag:$0x3], $0x80, s10, s2, $0xb8;
	[tilespmem:$0x1EF00] =	vst v63  }
0xc3: {  	_ =	swait.ge [sflag:s8], $0x1800  }
0xc4: {  	[sflag:s8] =	ssyncset.done $0x0  }
0xc5: {  	s11 =	simm.s32 $0x2700;
	[sflag:s8] =	ssyncadd.s32 $0xFFFFE800  }
0xc6: {  	[tilespmem:s29], [sflag:$0x2] =	stream.indirect.gather [hbm4b:s1+s2], $0x80, s11, s2, $0xb8;
	[tilespmem:$0x1EF00] =	vst v63  }
0xc7: {  	_ =	swait.ge [sflag:s5], $0x1800  }
0xc8: {  	[sflag:s5] =	ssyncset.done $0x0  }
0xc9: {  	s12 =	simm.s32 $0x4E20;
	[sflag:s5] =	ssyncadd.s32 $0xFFFFE800  }
0xca: {  	[spmem:s3] =	stream.indirect.scatter.add.f32 [tilespmem:s0], [sflag:$0x3], $0x80, s12, s2, $0xb8;
	[tilespmem:$0x1EF00] =	vst v63  }
0xcb: {  	_ =	swait.ge [sflag:s8], $0x1800  }
0xcc: {  	[sflag:s8] =	ssyncset.done $0x0  }
0xcd: {  	[sflag:s8] =	ssyncadd.s32 $0xFFFFE800  }
0xce: {  	_ =	swait.ge [sflag:s5], $0x1800  }
0xcf: {  	[sflag:s5] =	ssyncset.done $0x0  }
0xd0: {  	s11 =	simm.s32 $0x4E50;
	[sflag:s5] =	ssyncadd.s32 $0xFFFFE800  }
0xd1: {  	[spmem:s3] =	stream.indirect.scatter.add.f32 [tilespmem:s6], [sflag:$0x3], $0x80, s11, s2, $0xb8;
	[tilespmem:$0x1EF00] =	vst v63  }
0xd2: {  	_ =	swait.ge [sflag:s8], $0x1800  }
0xd3: {  	[sflag:s8] =	ssyncset.done $0x0  }
0xd4: {  	[sflag:s8] =	ssyncadd.s32 $0xFFFFE800  }
0xd5: {  	_ =	swait.ge [sflag:s5], $0x1800  }
0xd6: {  	[sflag:s5] =	ssyncset.done $0x0  }
0xd7: {  	s12 =	simm.s32 $0x4E80;
	[sflag:s5] =	ssyncadd.s32 $0xFFFFE800  }
0xd8: {  	[spmem:s3] =	stream.indirect.scatter.add.f32 [tilespmem:s29], [sflag:$0x3], $0x80, s12, s2, $0xb8;
	[tilespmem:$0x1EF00] =	vst v63  }
0xd9: {  	_ =	swait.ge [sflag:s8], $0x1800  }
0xda: {  	[sflag:s8] =	ssyncset.done $0x0  }
0xdb: {  	[sflag:s8] =	ssyncadd.s32 $0xFFFFE800  }
0xdc: {  	s11 =	stileid.u32;
	_ =	swait.ge [sflag:s8], $0x1800  }
0xdd: {  	s9 =	sadd.s32 $0x1, s9;
	s10 =	sshll.u32 s11, $0x6;
	[sflag:s8] =	ssyncset.done $0x0  }
0xde: {  	p0 =	sne.s32 s9, s23;
	s10 =	sor.u32 $0x1C04, s10;
	[sflag:s8] =	ssyncadd.s32 $0xFFFFE800  }
.Ltmp2:
0xdf: {  	s12 =	sshrl.u32 s7, $0x3;
	[bflag:$0x0] =	sbarrier.arrive $0xFFFF;
	(pc) =	sbr.rel @p0 .LBB2_1-.Ltmp2, $4  }
0xe0: {  	[hbm:s24], [sflag:s10] =	dma.local [spmem:s12], $0x2800  }
0xe1: {  	_ =	swait.ge [sflag:s30], $0x2800  }
0xe2: {  	[sflag:s30] =	ssyncset.done $0x0  }
0xe3: {  	[sflag:s30] =	ssyncadd.s32 $0xFFFFD800  }
0xe4: {  	_ =	sfence.sel $0x180000  }
0xe5: {  	[bflag:$0x0] =	sbarrier.arrive $0xFFFF  }
0xe6: {  	_ =	strace $0x9000004D  }
0xe7: {  	s0 =	stileid.u32;
	[bflag:$0x2] =	sbarrier.arrive $0xFFFF  }
0xe8: {  	p0 =	sne.s32 s0, $0x0;
	s0 =	rddreg [dreg:$0x3]  }
0xe9: {  	s0 =	sadd.s32 @!p0 $0x100000, s0  }
0xea: {  	[sflag:s0] =	ssyncadd.tile.s32 @!p0 $0x1;
	_ =	shalt  }
.Lfunc_end2:
_tile_overlayer_lowered:
.L_overlay_start_2:
0xeb: {  	(tag) =	ssettag $0x2  }
0xec: {  	s0 =	rddreg [dreg:$0x0];
	s2 =	stileid.u32  }
0xed: {  	s1 =	rddreg [dreg:$0x1];
	p0 =	sne.s32 s2, $0x0  }
0xee: {  	s3 =	rddreg [dreg:$0x2];
	[bflag:$0x3] =	sbarrier.arrive $0xFFFF;
	s2 =	simm.s32 @!p0 $0x1C04  }
0xef: {  	[timem:s3], [sflag:s2] =	dma.local @!p0 [hbm:s0], s1  }
0xf0: {  	s0 =	simm.s32 @!p0 $0x4  }
0xf1: {  	_ =	swait.ge @!p0 [sflag:s0], s1  }
0xf2: {  	s1 =	ssub.s32 @!p0 $0x0, s1;
	[sflag:s0] =	ssyncset.done @!p0 $0x0  }
0xf3: {  	[sflag:s0] =	ssyncadd.s32 @!p0 s1  }
0xf4: {  	[bflag:$0x3] =	sbarrier.arrive $0xFFFF  }
0xf5: {  	_ =	shalt  }

// kernel: kernel.8.cloned.1.call-start
scs
__scs_entry_jumppad:
0x0: {  	(pc) =	sbr.rel $0x88, $3  }
0x1: {  	(tag) =	ssettag $0x0;
	lr =	simm.s32 $0x1  }
0x2: {  	[smem:$0x3F9B] =	sst lr;
	_ =	strace $0xD0000000  }
0x3: {  	_ = 	snop  }
0x4: {  	_ = 	snop  }
0x5: {  	_ = 	snop  }
0x6: {  	_ = 	snop  }
0x7: {  	_ = 	snop  }
__scs_overlays_trampoline_lowered:
0x8: {  	[smem:$0x3FAA] =	sst s0  }
0x9: {  	[smem:$0x3FAB] =	sst s1  }
0xa: {  	[smem:$0x3FAC] =	sst s2  }
0xb: {  	[smem:$0x3FAD] =	sst s3  }
0xc: {  	[smem:$0x3FAE] =	sst s4  }
0xd: {  	[smem:$0x3FAF] =	sst s5  }
0xe: {  	[smem:$0x3FB0] =	sst s6  }
0xf: {  	[smem:$0x3FB1] =	sst s7  }
0x10: {  	[smem:$0x3FB2] =	sst s8  }
0x11: {  	[smem:$0x3FB3] =	sst s9;
	s0 =	simm.s32 @!p0 $0x0  }
0x12: {  	s1 =	sld [smem:$0x3F99];
	s0 =	simm.s32 @p0 $0x1  }
0x13: {  	[smem:$0x3FB4] =	sst s0;
	s0 =	simm.s32 @!p1 $0x0  }
0x14: {  	s2 =	sld [smem:$0x3F98];
	s0 =	simm.s32 @p1 $0x1  }
0x15: {  	[smem:$0x3FB5] =	sst s0;
	s0 =	simm.s32 @!p2 $0x0  }
0x16: {  	s3 =	sld [smem:$0x3FDB];
	s0 =	simm.s32 @p2 $0x1  }
0x17: {  	s4 =	simm.s32 $0x1BF5;
	[smem:$0x3FB7] =	sst s0  }
0x18: {  	s0 =	sld [smem:$0x3F9A];
	_ =	swait.ge [sflag:s4], $0x0  }
0x19: {  	s7 =	sld [smem:$0x3F9B]  }
0x1a: {  	s8 =	sadd.s32 $0xFFFFE003, lr  }
0x1b: {  	s9 =	sadd.s32 $0xFFFFFEF7, lr;
	s5 =	simm.s32 $0xFFFFFFFF;
	p2 =	slt.u32 s8, $0xFFFFF086  }
0x1c: {  	p1 =	slt.u32 s9, $0xF7A;
	s5 =	simm.s32 @!p2 $0x0  }
0x1d: {  	s5 =	simm.s32 @p1 $0x1;
	p0 =	seq.s32 s7, s2  }
0x1e: {  	s7 =	smul.u32 @!p0 $0xF7A, s2;
	p2 =	seq.s32 @!p0 s5, $0x0  }
0x1f: {  	s9 =	smul.u32 $0xF7A, s1;
	s8 =	simm.s32 @!p0 $0x1BF5;
	p2 =	por !p2, p0  }
0x20: {  	[sflag:s8] =	ssyncset.s32 @!p0 $0xFFFFF086;
	s6 =	sadd.s32 @!p0 s3, s7;
	s7 =	simm.s32 @!p0 $0x108  }
0x21: {  	s3 =	sadd.s32 s3, s9;
	s6 =	sadd.s32 @!p0 $0x88, s6;
	s7 =	simm.s32 @p2 $0x1082  }
0x22: {  	[simem:s7], [sflag:s8] =	dma.local @!p0 [hbm:s6], $0xF7A  }
0x23: {  	s9 =	sor.u32 $0xD0000000, s2;
	s6 =	simm.s32 $0x108;
	_ =	swait.ge @!p0 [sflag:s8], $0x0  }
0x24: {  	s3 =	sadd.s32 $0x88, s3;
	s6 =	simm.s32 @!p1 $0x1082;
	[sflag:s4] =	ssyncset.s32 $0xFFFFF086  }
0x25: {  	[simem:s6], [sflag:s4] =	dma.local [hbm:s3], $0xF7A  }
0x26: {  	[smem:$0x3F9B] =	sst s1;
	(tag) =	ssettag s2;
	_ =	strace s9  }
0x27: {  	s1 =	sld [smem:$0x3FAB]  }
0x28: {  	s2 =	sld [smem:$0x3FAC]  }
0x29: {  	s4 =	sld [smem:$0x3FAE]  }
0x2a: {  	p0 =	seq.s32 s5, $0x0;
	s5 =	sld [smem:$0x3FAF]  }
0x2b: {  	s6 =	sld [smem:$0x3FB0]  }
0x2c: {  	s7 =	sld [smem:$0x3FB1]  }
0x2d: {  	s3 =	simm.s32 $0x108;
	s8 =	sld [smem:$0x3FB2]  }
0x2e: {  	s3 =	simm.s32 @!p0 $0x1082;
	s9 =	sld [smem:$0x3FB3]  }
0x2f: {  	lr =	sadd.s32 s0, s3;
	s0 =	sld [smem:$0x3FAA]  }
0x30: {  	s3 =	sld [smem:$0x3FAD]  }
0x31: {  	[smem:$0x3FB6] =	sst s10  }
0x32: {  	s10 =	sld [smem:$0x3FB4];
	_ =	sdelay $0x3  }
0x33: {  	p0 =	seq.s32 s10, $0x1;
	s10 =	sld [smem:$0x3FB6];
	_ =	sdelay $0x3  }
0x34: {  	[smem:$0x3FB6] =	sst s10  }
0x35: {  	s10 =	sld [smem:$0x3FB5];
	_ =	sdelay $0x3  }
0x36: {  	p1 =	seq.s32 s10, $0x1;
	s10 =	sld [smem:$0x3FB6];
	_ =	sdelay $0x3  }
0x37: {  	[smem:$0x3FB6] =	sst s10  }
0x38: {  	s10 =	sld [smem:$0x3FB7]  }
0x39: {  	_ = 	snop;
	(pc) =	sbr.ind lr, $3  }
0x3a: {  	_ = 	snop  }
0x3b: {  	_ = 	snop  }
0x3c: {  	p2 =	seq.s32 s10, $0x1;
	s10 =	sld [smem:$0x3FB6]  }
0x3d: {  	_ =	shalt  }
0x3e: {  	_ =	shalt  }
0x3f: {  	_ =	shalt  }
0x40: {  	_ =	shalt  }
0x41: {  	_ =	shalt  }
0x42: {  	_ =	shalt  }
0x43: {  	_ =	shalt  }
0x44: {  	_ =	shalt  }
0x45: {  	_ =	shalt  }
0x46: {  	_ =	shalt  }
0x47: {  	_ =	shalt  }
0x48: {  	_ =	shalt  }
0x49: {  	_ =	shalt  }
0x4a: {  	_ =	shalt  }
0x4b: {  	_ =	shalt  }
0x4c: {  	_ =	shalt  }
0x4d: {  	_ =	shalt  }
0x4e: {  	_ =	shalt  }
0x4f: {  	_ =	shalt  }
0x50: {  	_ =	shalt  }
0x51: {  	_ =	shalt  }
0x52: {  	_ =	shalt  }
0x53: {  	_ =	shalt  }
0x54: {  	_ =	shalt  }
0x55: {  	_ =	shalt  }
0x56: {  	_ =	shalt  }
0x57: {  	_ =	shalt  }
0x58: {  	_ =	shalt  }
0x59: {  	_ =	shalt  }
0x5a: {  	_ =	shalt  }
0x5b: {  	_ =	shalt  }
0x5c: {  	_ =	shalt  }
0x5d: {  	_ =	shalt  }
0x5e: {  	_ =	shalt  }
0x5f: {  	_ =	shalt  }
0x60: {  	_ =	shalt  }
0x61: {  	_ =	shalt  }
0x62: {  	_ =	shalt  }
0x63: {  	_ =	shalt  }
0x64: {  	_ =	shalt  }
0x65: {  	_ =	shalt  }
0x66: {  	_ =	shalt  }
0x67: {  	_ =	shalt  }
0x68: {  	_ =	shalt  }
0x69: {  	_ =	shalt  }
0x6a: {  	_ =	shalt  }
0x6b: {  	_ =	shalt  }
0x6c: {  	_ =	shalt  }
0x6d: {  	_ =	shalt  }
0x6e: {  	_ =	shalt  }
0x6f: {  	_ =	shalt  }
0x70: {  	_ =	shalt  }
0x71: {  	_ =	shalt  }
0x72: {  	_ =	shalt  }
0x73: {  	_ =	shalt  }
0x74: {  	_ =	shalt  }
0x75: {  	_ =	shalt  }
0x76: {  	_ =	shalt  }
0x77: {  	_ =	shalt  }
0x78: {  	_ =	shalt  }
0x79: {  	_ =	shalt  }
0x7a: {  	_ =	shalt  }
0x7b: {  	_ =	shalt  }
0x7c: {  	_ =	shalt  }
0x7d: {  	_ =	shalt  }
0x7e: {  	_ =	shalt  }
0x7f: {  	_ =	shalt  }
0x80: {  	_ =	shalt  }
0x81: {  	_ =	shalt  }
0x82: {  	_ =	shalt  }
0x83: {  	_ =	shalt  }
0x84: {  	_ =	shalt  }
0x85: {  	_ =	shalt  }
0x86: {  	_ =	shalt  }
0x87: {  	_ =	shalt  }
.Lfunc_end0:
.L_simem_size_0:
called_computation_lowered:
.L_overlay_start_0:
0x88: {  	s2 =	sld [smem:$0x3FD9]  }
0x89: {  	s3 =	sld [smem:$0x3FFE];
	_ =	sdelay $0x1  }
0x8a: {  	s1 =	srdreg.scid  }
0x8b: {  	s0 =	sand.u32 $0x1, s1  }
0x8c: {  	s17 =	sshll.u32 s0, $0xA;
	s2 =	sadd.s32 s3, s2  }
0x8d: {  	s2 =	sadd.s32 s2, s17  }
0x8e: {  	[smem:$0x3FC2] =	sst s2  }
0x8f: {  	_ = 	snop  }
0x90: {  	s2 =	sld [smem:$0x3FC9];
	(tm) =	ssettm $0x1  }
0x91: {  	s18 =	sld [smem:$0x3FFB];
	_ =	sdelay $0x3  }
0x92: {  	_ =	strace s18  }
0x93: {  	s3 =	sld [smem:$0x3FFC];
	_ =	sdelay $0x3  }
0x94: {  	_ =	strace s3  }
0x95: {  	s3 =	sld [smem:$0x3FFD];
	_ =	sdelay $0x3  }
0x96: {  	_ =	strace s3  }
0x97: {  	_ =	strace $0x8FFFFFFF  }
0x98: {  	s19 =	sld [smem:$0x3FDB];
	_ =	sdelay $0x1  }
0x99: {  	s4 =	simm.s32 $_scs_section_size  }
0x9a: {  	s5 =	simm.s32 $_size__tile_overlayer_lowered;
	s6 =	simm.s32 $_tile_overlayer_lowered  }
0x9b: {  	s22 =	simm.s32 $0x1BFF;
	s21 =	sshll.u32 s6, $0x1;
	s3 =	sadd.s32 s4, s19  }
0x9c: {  	s7 =	simm.s32 $0x0;
	s20 =	sshll.u32 s5, $0x1;
	s5 =	sadd.s32 s21, s3  }
0x9d: {  	[timem:s7], [sflag:s22] =	dma.local [hbm:s5], s20  }
0x9e: {  	_ =	swait.ge [sflag:s22], s20  }
0x9f: {  	s4 =	ssub.s32 $0x0, s20;
	[sflag:s22] =	ssyncset.done $0x0  }
0xa0: {  	[sflag:s22] =	ssyncadd.s32 s4;
	_ =	sdelay $0x1  }
0xa1: {  	s23 =	simm.s32 $0x1B8B  }
0xa2: {  	_ =	swait.ge [sflag:s23], $0x1  }
0xa3: {  	[sflag:s23] =	ssyncset.done $0x0  }
0xa4: {  	s25 =	simm.s32 $0x1B8E;
	s24 =	sld [smem:$0x3FFE];
	[sflag:s23] =	ssyncadd.s32 $0xFFFFFFFF  }
0xa5: {  	s26 =	simm.s32 $execute0_lowered;
	[smem:$0x3FD2] =	sst s25  }
0xa6: {  	s5 =	sshll.u32 s26, $0x1;
	_ =	strace $0x80000046;
	[dreg:$0x1] =	wrdreg $0xFFFFFFFF  }
0xa7: {  	s28 =	simm.s32 $_size_execute0_lowered;
	s3 =	sadd.s32 s3, s5;
	[dreg:$0x0] =	wrdreg $0x0  }
0xa8: {  	s5 =	sshll.u32 s28, $0x1;
	[dreg:$0x2] =	wrdreg s3  }
0xa9: {  	[dreg:$0x3] =	wrdreg s5  }
0xaa: {  	[dreg:$0x4] =	wrdreg $0xC0  }
0xab: {  	_ =	task [dreg:s7], $0x5FFFF  }
0xac: {  	[dreg:$0x1] =	wrdreg $0xFFFFFFFF  }
0xad: {  	[dreg:$0x0] =	wrdreg $0x60  }
0xae: {  	[dreg:$0x2] =	wrdreg s2  }
0xaf: {  	[dreg:$0x3] =	wrdreg s24  }
0xb0: {  	[dreg:$0x4] =	wrdreg $0xAF000  }
0xb1: {  	[dreg:$0x5] =	wrdreg $0x9  }
0xb2: {  	_ =	task.clear_ibuf [dreg:s7], $0x6FFFF;
	_ =	strace $0x90000046  }
0xb3: {  	s29 =	simm.s32 $0x9;
	_ =	strace $0x80000048  }
0xb4: {  	_ =	swait.ge [sflag:s29], $0x1  }
0xb5: {  	[sflag:s29] =	ssyncadd.s32 $0xFFFFFFFF  }
0xb6: {  	_ =	strace $0x90000048  }
0xb7: {  	_ =	sfence  }
0xb8: {  	s30 =	sld [smem:$0x0];
	_ =	sdelay $0x2  }
0xb9: {  	s31 =	sshll.u32 s1, $0xD;
	s1 =	sshrl.u32 s1, $0x2  }
0xba: {  	s3 =	sand.u32 $0x4000, s31;
	s1 =	sadd.s32 s1, s30  }
0xbb: {  	s0 =	sor.u32 s3, s0;
	s1 =	sshll.u32 s1, $0x11  }
0xbc: {  	s0 =	sor.u32 s1, s0  }
0xbd: {  	s0 =	sadd.s32 $0x8F2B, s0  }
0xbe: {  	[sflag:s0] =	ssyncadd.remote.s32 $0x1  }
0xbf: {  	_ =	sfence.sel $0xFFFF  }
0xc0: {  	[dreg:$0x0] =	wrdreg $0xFFFFFFFF;
	(pc) =	sbr.abs _section_cstart, $3  }
0xc1: {  	[dreg:$0x1] =	wrdreg $0xFFFFFFFF  }
0xc2: {  	_ =	task.clear_ibuf [dreg:s7], $0x2FFFF;
	_ =	strace $0x9FFFFFFF  }
0xc3: {  	(tm) =	ssettm $0x7FFFFFFF  }
tec
execute0_lowered:
.L_overlay_start_1:
0x0: {  	(tag) =	ssettag $0x1  }
0x1: {  	s0 =	srdreg.scid;
	s1 =	rddreg [dreg:$0x0]  }
0x2: {  	s8 =	stileid.u32;
	s4 =	rddreg [dreg:$0x1]  }
0x3: {  	s3 =	rddreg [dreg:$0x2];
	s6 =	simm.s32 $0x0;
	s28 =	simm.s32 $0x2780  }
0x4: {  	s29 =	simm.s32 $0x4F00;
	s30 =	simm.s32 $0x4;
	s31 =	simm.s32 $0x1  }
0x5: {  	s9 =	simm.s32 $0x0;
	s0 =	sand.u32 $0x1, s0;
	s18 =	smul.u32 $0x50000, s8  }
0x6: {  	s5 =	sshll.u32 s8, $0x7;
	[smem:$0x7FF] =	sst s6;
	s26 =	smul.u32 $0x2800, s8  }
0x7: {  	s6 =	simm.s32 $0x9700;
	s2 =	sshll.u32 s0, $0x4;
	s5 =	sand.u32 $0x380, s5  }
0x8: {  	s17 =	smul.u32 $0x28000, s0;
	s0 =	ssub.s32 $0x2, s0;
	_ =	strace $0x80000047  }
0x9: {  	s2 =	sor.u32 s8, s2;
	s7 =	sshrl.u32 s0, $0x1;
	s19 =	sshrl.u32 s18, $0x2  }
0xa: {  	s2 =	sshrl.u32 s2, $0x3;
	s0 =	ssub.s32 s0, s7;
	s7 =	sadd.s32 s19, s3  }
0xb: {  	s8 =	simm.s32 $0x3;
	s2 =	smul.u32 $0x13C00, s2;
	s21 =	sadd.s32 $0x1400, s7  }
0xc: {  	s22 =	sadd.s32 $0x2800, s7;
	s23 =	sadd.s32 $0x3C00, s7;
	[dreg:$0x6] =	wrdreg s21  }
0xd: {  	s24 =	sadd.s32 $0x5000, s7;
	s25 =	sadd.s32 $0x6400, s7;
	[dreg:$0x7] =	wrdreg s22  }
0xe: {  	s13 =	sadd.s32 $0x7800, s7;
	s14 =	sadd.s32 $0x8C00, s7;
	[dreg:$0x8] =	wrdreg s23  }
0xf: {  	s15 =	sadd.s32 $0xA000, s7;
	s16 =	sadd.s32 $0xB400, s7;
	[dreg:$0x9] =	wrdreg s24  }
0x10: {  	s18 =	sadd.s32 $0xDC00, s7;
	s19 =	sadd.s32 $0xF000, s7;
	[dreg:$0xa] =	wrdreg s25  }
0x11: {  	s21 =	sadd.s32 $0x11800, s7;
	s22 =	sadd.s32 $0x12C00, s7;
	s2 =	sor.u32 s5, s2  }
0x12: {  	s23 =	smax.u32 s0, $0x1;
	s25 =	simm.s32 $0x80;
	s2 =	sshrl.u32 s2, $0x3  }
0x13: {  	s0 =	simm.s32 $0x7F00;
	s5 =	simm.s32 $0x2;
	s2 =	sadd.s32 s2, s4  }
0x14: {  	s4 =	sadd.s32 s17, s4;
	s17 =	sadd.s32 $0xC800, s7;
	s20 =	sadd.s32 $0xC400, s2  }
0x15: {  	s2 =	sadd.s32 $0x2600, s2;
	s4 =	sadd.s32 $0x16200, s4;
	[dreg:$0x4] =	wrdreg s20  }
0x16: {  	[dreg:$0x5] =	wrdreg s2;
	s20 =	sadd.s32 $0x10400, s7;
	s24 =	sadd.s32 s26, s4  }
0x17: {  	v0 =	vimm.f32 $0.0e+00;
	s26 =	simm.s32 $0x400;
	s2 =	simm.s32 $0x30;
	s4 =	simm.s32 $0x6700  }
.LBB2_1:
0x18: {  	s10 =	simm.s32 $0x0;
	s11 =	rddreg [dreg:$0x4]  }
0x19: {  	[tilespmem:s10], [sflag:$0x1] =	stream.strided.gather [hbm4b:s11+s25], $0x2780, s26, s25, $0x38;
	[tilespmem:$0x1EF00] =	vst v63  }
0x1a: {  	s12 =	rddreg [dreg:$0x5];
	s10 =	simm.s32 $0x0;
	s11 =	simm.s32 $0x200  }
0x1b: {  	[tilespmem:s28], [sflag:$0x1] =	stream.strided.gather [hbm4b:s12+s25], $0x2780, s26, s25, $0x38;
	[tilespmem:$0x1EF00] =	vst v63  }
.LBB2_2:
0x1c: {  	p0 =	sne.s32 s11, $0x4E00;
	[tilespmem:s10+$0x4F70] =	vst v0  }
0x1d: {  	[tilespmem:s10+$0x4F00] =	vst v0  }
0x1e: {  	[tilespmem:s10+$0x4F10] =	vst v0  }
.Ltmp0:
0x1f: {  	[tilespmem:s10+$0x4F20] =	vst v0;
	(pc) =	sbr.rel @p0 .LBB2_2-.Ltmp0, $4  }
0x20: {  	[tilespmem:s10+$0x4F30] =	vst v0  }
0x21: {  	[tilespmem:s10+$0x4F40] =	vst v0  }
0x22: {  	[tilespmem:s10+$0x4F50] =	vst v0  }
0x23: {  	[tilespmem:s10+$0x4F60] =	vst v0;
	s10 =	sshra.s32 s11, $0x2;
	s11 =	sadd.s32 $0x200, s11  }
0x24: {  	[tilespmem:s10+$0x4F70] =	vst v0  }
0x25: {  	[tilespmem:s10+$0x4F00] =	vst v0  }
0x26: {  	[tilespmem:s10+$0x4F10] =	vst v0  }
0x27: {  	[tilespmem:s10+$0x4F20] =	vst v0  }
0x28: {  	[tilespmem:s10+$0x4F30] =	vst v0  }
0x29: {  	[tilespmem:s10+$0x4F40] =	vst v0  }
0x2a: {  	[tilespmem:s10+$0x4F50] =	vst v0  }
0x2b: {  	[tilespmem:s10+$0x4F60] =	vst v0  }
0x2c: {  	[spmem:s7] =	stream.linear.scatter [tilespmem:s29], [sflag:$0x4], $0x1400, $0x38;
	[tilespmem:$0x1EF00] =	vst v63  }
0x2d: {  	_ =	swait.ge [sflag:s30], $0x1400  }
0x2e: {  	[sflag:s30] =	ssyncset.done $0x0  }
0x2f: {  	s12 =	rddreg [dreg:$0x6];
	[sflag:s30] =	ssyncadd.s32 $0xFFFFEC00  }
0x30: {  	[spmem:s12] =	stream.linear.scatter [tilespmem:s29], [sflag:$0x4], $0x1400, $0x38;
	[tilespmem:$0x1EF00] =	vst v63  }
0x31: {  	_ =	swait.ge [sflag:s30], $0x1400  }
0x32: {  	[sflag:s30] =	ssyncset.done $0x0  }
0x33: {  	s11 =	rddreg [dreg:$0x7];
	[sflag:s30] =	ssyncadd.s32 $0xFFFFEC00  }
0x34: {  	[spmem:s11] =	stream.linear.scatter [tilespmem:s29], [sflag:$0x4], $0x1400, $0x38;
	[tilespmem:$0x1EF00] =	vst v63  }
0x35: {  	_ =	swait.ge [sflag:s30], $0x1400  }
0x36: {  	[sflag:s30] =	ssyncset.done $0x0  }
0x37: {  	s12 =	rddreg [dreg:$0x8];
	[sflag:s30] =	ssyncadd.s32 $0xFFFFEC00  }
0x38: {  	[spmem:s12] =	stream.linear.scatter [tilespmem:s29], [sflag:$0x4], $0x1400, $0x38;
	[tilespmem:$0x1EF00] =	vst v63  }
0x39: {  	_ =	swait.ge [sflag:s30], $0x1400  }
0x3a: {  	[sflag:s30] =	ssyncset.done $0x0  }
0x3b: {  	s11 =	rddreg [dreg:$0x9];
	[sflag:s30] =	ssyncadd.s32 $0xFFFFEC00  }
0x3c: {  	[spmem:s11] =	stream.linear.scatter [tilespmem:s29], [sflag:$0x4], $0x1400, $0x38;
	[tilespmem:$0x1EF00] =	vst v63  }
0x3d: {  	_ =	swait.ge [sflag:s30], $0x1400  }
0x3e: {  	[sflag:s30] =	ssyncset.done $0x0  }
0x3f: {  	s12 =	rddreg [dreg:$0xa];
	[sflag:s30] =	ssyncadd.s32 $0xFFFFEC00  }
0x40: {  	[spmem:s12] =	stream.linear.scatter [tilespmem:s29], [sflag:$0x4], $0x1400, $0x38;
	[tilespmem:$0x1EF00] =	vst v63  }
0x41: {  	_ =	swait.ge [sflag:s30], $0x1400  }
0x42: {  	[sflag:s30] =	ssyncset.done $0x0  }
0x43: {  	[sflag:s30] =	ssyncadd.s32 $0xFFFFEC00  }
0x44: {  	[spmem:s13] =	stream.linear.scatter [tilespmem:s29], [sflag:$0x4], $0x1400, $0x38;
	[tilespmem:$0x1EF00] =	vst v63  }
0x45: {  	_ =	swait.ge [sflag:s30], $0x1400  }
0x46: {  	[sflag:s30] =	ssyncset.done $0x0  }
0x47: {  	[sflag:s30] =	ssyncadd.s32 $0xFFFFEC00  }
0x48: {  	[spmem:s14] =	stream.linear.scatter [tilespmem:s29], [sflag:$0x4], $0x1400, $0x38;
	[tilespmem:$0x1EF00] =	vst v63  }
0x49: {  	_ =	swait.ge [sflag:s30], $0x1400  }
0x4a: {  	[sflag:s30] =	ssyncset.done $0x0  }
0x4b: {  	[sflag:s30] =	ssyncadd.s32 $0xFFFFEC00  }
0x4c: {  	[spmem:s15] =	stream.linear.scatter [tilespmem:s29], [sflag:$0x4], $0x1400, $0x38;
	[tilespmem:$0x1EF00] =	vst v63  }
0x4d: {  	_ =	swait.ge [sflag:s30], $0x1400  }
0x4e: {  	[sflag:s30] =	ssyncset.done $0x0  }
0x4f: {  	[sflag:s30] =	ssyncadd.s32 $0xFFFFEC00  }
0x50: {  	[spmem:s16] =	stream.linear.scatter [tilespmem:s29], [sflag:$0x4], $0x1400, $0x38;
	[tilespmem:$0x1EF00] =	vst v63  }
0x51: {  	_ =	swait.ge [sflag:s30], $0x1400  }
0x52: {  	[sflag:s30] =	ssyncset.done $0x0  }
0x53: {  	[sflag:s30] =	ssyncadd.s32 $0xFFFFEC00  }
0x54: {  	[spmem:s17] =	stream.linear.scatter [tilespmem:s29], [sflag:$0x4], $0x1400, $0x38;
	[tilespmem:$0x1EF00] =	vst v63  }
0x55: {  	_ =	swait.ge [sflag:s30], $0x1400  }
0x56: {  	[sflag:s30] =	ssyncset.done $0x0  }
0x57: {  	[sflag:s30] =	ssyncadd.s32 $0xFFFFEC00  }
0x58: {  	[spmem:s18] =	stream.linear.scatter [tilespmem:s29], [sflag:$0x4], $0x1400, $0x38;
	[tilespmem:$0x1EF00] =	vst v63  }
0x59: {  	_ =	swait.ge [sflag:s30], $0x1400  }
0x5a: {  	[sflag:s30] =	ssyncset.done $0x0  }
0x5b: {  	[sflag:s30] =	ssyncadd.s32 $0xFFFFEC00  }
0x5c: {  	[spmem:s19] =	stream.linear.scatter [tilespmem:s29], [sflag:$0x4], $0x1400, $0x38;
	[tilespmem:$0x1EF00] =	vst v63  }
0x5d: {  	_ =	swait.ge [sflag:s30], $0x1400  }
0x5e: {  	[sflag:s30] =	ssyncset.done $0x0  }
0x5f: {  	[sflag:s30] =	ssyncadd.s32 $0xFFFFEC00  }
0x60: {  	[spmem:s20] =	stream.linear.scatter [tilespmem:s29], [sflag:$0x4], $0x1400, $0x38;
	[tilespmem:$0x1EF00] =	vst v63  }
0x61: {  	_ =	swait.ge [sflag:s30], $0x1400  }
0x62: {  	[sflag:s30] =	ssyncset.done $0x0  }
0x63: {  	[sflag:s30] =	ssyncadd.s32 $0xFFFFEC00  }
0x64: {  	[spmem:s21] =	stream.linear.scatter [tilespmem:s29], [sflag:$0x4], $0x1400, $0x38;
	[tilespmem:$0x1EF00] =	vst v63  }
0x65: {  	_ =	swait.ge [sflag:s30], $0x1400  }
0x66: {  	[sflag:s30] =	ssyncset.done $0x0  }
0x67: {  	[sflag:s30] =	ssyncadd.s32 $0xFFFFEC00  }
0x68: {  	[spmem:s22] =	stream.linear.scatter [tilespmem:s29], [sflag:$0x4], $0x1400, $0x38;
	[tilespmem:$0x1EF00] =	vst v63  }
0x69: {  	_ =	swait.ge [sflag:s30], $0x1400  }
0x6a: {  	[sflag:s30] =	ssyncset.done $0x0  }
0x6b: {  	[sflag:s30] =	ssyncadd.s32 $0xFFFFEC00  }
0x6c: {  	_ =	swait.ge [sflag:s31], $0x2780  }
0x6d: {  	[sflag:s31] =	ssyncset.done $0x0  }
0x6e: {  	[sflag:s31] =	ssyncadd.s32 $0xFFFFD880  }
0x6f: {  	_ =	swait.ge [sflag:s31], $0x2780  }
0x70: {  	[sflag:s31] =	ssyncset.done $0x0  }
0x71: {  	[sflag:s31] =	ssyncadd.s32 $0xFFFFD880  }
0x72: {  	s11 =	simm.s32 $0x0;
	[bflag:$0x0] =	sbarrier.arrive $0xFFFF  }
0x73: {  	[tilespmem:s29], [sflag:$0x2] =	stream.indirect.gather [hbm4b:s1+s2], $0x80, s11, s2, $0xb8;
	[tilespmem:$0x1EF00] =	vst v63  }
0x74: {  	_ = 	snop  }
0x75: {  	[tilespmem:s4], [sflag:$0x2] =	stream.indirect.gather [hbm4b:s1+s2], $0x80, s2, s2, $0xb8;
	[tilespmem:$0x1EF00] =	vst v63  }
0x76: {  	s12 =	simm.s32 $0x60  }
0x77: {  	[tilespmem:s0], [sflag:$0x2] =	stream.indirect.gather [hbm4b:s1+s2], $0x80, s12, s2, $0xb8;
	[tilespmem:$0x1EF00] =	vst v63  }
0x78: {  	_ =	swait.ge [sflag:s5], $0x1800  }
0x79: {  	[sflag:s5] =	ssyncset.done $0x0  }
0x7a: {  	[sflag:s5] =	ssyncadd.s32 $0xFFFFE800  }
0x7b: {  	[spmem:s3] =	stream.indirect.scatter.add.f32 [tilespmem:s29], [sflag:$0x3], $0x80, s28, s2, $0xb8;
	[tilespmem:$0x1EF00] =	vst v63  }
0x7c: {  	s11 =	simm.s32 $0x90  }
0x7d: {  	[tilespmem:s6], [sflag:$0x2] =	stream.indirect.gather [hbm4b:s1+s2], $0x80, s11, s2, $0xb8;
	[tilespmem:$0x1EF00] =	vst v63  }
0x7e: {  	_ =	swait.ge [sflag:s5], $0x1800  }
0x7f: {  	[sflag:s5] =	ssyncset.done $0x0  }
0x80: {  	s12 =	simm.s32 $0x27B0;
	[sflag:s5] =	ssyncadd.s32 $0xFFFFE800  }
0x81: {  	[spmem:s3] =	stream.indirect.scatter.add.f32 [tilespmem:s4], [sflag:$0x3], $0x80, s12, s2, $0xb8;
	[tilespmem:$0x1EF00] =	vst v63  }
0x82: {  	_ =	swait.ge [sflag:s8], $0x1800  }
0x83: {  	[sflag:s8] =	ssyncset.done $0x0  }
0x84: {  	s11 =	simm.s32 $0xC0;
	[sflag:s8] =	ssyncadd.s32 $0xFFFFE800  }
0x85: {  	[tilespmem:s29], [sflag:$0x2] =	stream.indirect.gather [hbm4b:s1+s2], $0x80, s11, s2, $0xb8;
	[tilespmem:$0x1EF00] =	vst v63  }
0x86: {  	_ =	swait.ge [sflag:s5], $0x1800  }
0x87: {  	[sflag:s5] =	ssyncset.done $0x0  }
0x88: {  	s12 =	simm.s32 $0x27E0;
	[sflag:s5] =	ssyncadd.s32 $0xFFFFE800  }
0x89: {  	[spmem:s3] =	stream.indirect.scatter.add.f32 [tilespmem:s0], [sflag:$0x3], $0x80, s12, s2, $0xb8;
	[tilespmem:$0x1EF00] =	vst v63  }
0x8a: {  	_ =	swait.ge [sflag:s8], $0x1800  }
0x8b: {  	[sflag:s8] =	ssyncset.done $0x0  }
0x8c: {  	s11 =	simm.s32 $0xF0;
	[sflag:s8] =	ssyncadd.s32 $0xFFFFE800  }
0x8d: {  	[tilespmem:s4], [sflag:$0x2] =	stream.indirect.gather [hbm4b:s1+s2], $0x80, s11, s2, $0xb8;
	[tilespmem:$0x1EF00] =	vst v63  }
0x8e: {  	_ =	swait.ge [sflag:s5], $0x1800  }
0x8f: {  	[sflag:s5] =	ssyncset.done $0x0  }
0x90: {  	s12 =	simm.s32 $0x2810;
	[sflag:s5] =	ssyncadd.s32 $0xFFFFE800  }
0x91: {  	[spmem:s3] =	stream.indirect.scatter.add.f32 [tilespmem:s6], [sflag:$0x3], $0x80, s12, s2, $0xb8;
	[tilespmem:$0x1EF00] =	vst v63  }
0x92: {  	_ =	swait.ge [sflag:s8], $0x1800  }
0x93: {  	[sflag:s8] =	ssyncset.done $0x0  }
0x94: {  	s11 =	simm.s32 $0x120;
	[sflag:s8] =	ssyncadd.s32 $0xFFFFE800  }
0x95: {  	[tilespmem:s0], [sflag:$0x2] =	stream.indirect.gather [hbm4b:s1+s2], $0x80, s11, s2, $0xb8;
	[tilespmem:$0x1EF00] =	vst v63  }
0x96: {  	_ =	swait.ge [sflag:s5], $0x1800  }
0x97: {  	[sflag:s5] =	ssyncset.done $0x0  }
0x98: {  	s12 =	simm.s32 $0x2840;
	[sflag:s5] =	ssyncadd.s32 $0xFFFFE800  }
0x99: {  	[spmem:s3] =	stream.indirect.scatter.add.f32 [tilespmem:s29], [sflag:$0x3], $0x80, s12, s2, $0xb8;
	[tilespmem:$0x1EF00] =	vst v63  }
0x9a: {  	_ =	swait.ge [sflag:s8], $0x1800  }
0x9b: {  	[sflag:s8] =	ssyncset.done $0x0  }
0x9c: {  	s10 =	simm.s32 $0x300;
	s11 =	simm.s32 $0x150;
	[sflag:s8] =	ssyncadd.s32 $0xFFFFE800  }
.LBB2_4:
0x9d: {  	[tilespmem:s6], [sflag:$0x2] =	stream.indirect.gather [hbm4b:s1+s2], $0x80, s11, s2, $0xb8;
	[tilespmem:$0x1EF00] =	vst v63  }
0x9e: {  	s11 =	smov.u32 s10  }
0x9f: {  	p0 =	sne.s32 s10, $0x9600;
	s10 =	sadd.s32 $0x300, s10;
	_ =	swait.ge [sflag:s5], $0x1800  }
0xa0: {  	s11 =	sshra.s32 s11, $0x2;
	[sflag:s5] =	ssyncset.done $0x0  }
0xa1: {  	s12 =	sadd.s32 $0x27B0, s11;
	[sflag:s5] =	ssyncadd.s32 $0xFFFFE800  }
0xa2: {  	[spmem:s3] =	stream.indirect.scatter.add.f32 [tilespmem:s4], [sflag:$0x3], $0x80, s12, s2, $0xb8;
	[tilespmem:$0x1EF00] =	vst v63  }
0xa3: {  	_ =	swait.ge [sflag:s8], $0x1800  }
0xa4: {  	[sflag:s8] =	ssyncset.done $0x0  }
0xa5: {  	s12 =	sadd.s32 $0xC0, s11;
	[sflag:s8] =	ssyncadd.s32 $0xFFFFE800  }
0xa6: {  	[tilespmem:s29], [sflag:$0x2] =	stream.indirect.gather [hbm4b:s1+s2], $0x80, s12, s2, $0xb8;
	[tilespmem:$0x1EF00] =	vst v63  }
0xa7: {  	_ =	swait.ge [sflag:s5], $0x1800  }
0xa8: {  	[sflag:s5] =	ssyncset.done $0x0  }
0xa9: {  	s12 =	sadd.s32 $0x27E0, s11;
	[sflag:s5] =	ssyncadd.s32 $0xFFFFE800  }
0xaa: {  	[spmem:s3] =	stream.indirect.scatter.add.f32 [tilespmem:s0], [sflag:$0x3], $0x80, s12, s2, $0xb8;
	[tilespmem:$0x1EF00] =	vst v63  }
0xab: {  	_ =	swait.ge [sflag:s8], $0x1800  }
0xac: {  	[sflag:s8] =	ssyncset.done $0x0  }
0xad: {  	s12 =	sadd.s32 $0xF0, s11;
	[sflag:s8] =	ssyncadd.s32 $0xFFFFE800  }
0xae: {  	[tilespmem:s4], [sflag:$0x2] =	stream.indirect.gather [hbm4b:s1+s2], $0x80, s12, s2, $0xb8;
	[tilespmem:$0x1EF00] =	vst v63  }
0xaf: {  	_ =	swait.ge [sflag:s5], $0x1800  }
0xb0: {  	[sflag:s5] =	ssyncset.done $0x0  }
0xb1: {  	s12 =	sadd.s32 $0x2810, s11;
	[sflag:s5] =	ssyncadd.s32 $0xFFFFE800  }
0xb2: {  	[spmem:s3] =	stream.indirect.scatter.add.f32 [tilespmem:s6], [sflag:$0x3], $0x80, s12, s2, $0xb8;
	[tilespmem:$0x1EF00] =	vst v63  }
0xb3: {  	_ =	swait.ge [sflag:s8], $0x1800  }
0xb4: {  	[sflag:s8] =	ssyncset.done $0x0  }
0xb5: {  	s12 =	sadd.s32 $0x120, s11;
	[sflag:s8] =	ssyncadd.s32 $0xFFFFE800  }
0xb6: {  	[tilespmem:s0], [sflag:$0x2] =	stream.indirect.gather [hbm4b:s1+s2], $0x80, s12, s2, $0xb8;
	[tilespmem:$0x1EF00] =	vst v63  }
0xb7: {  	_ =	swait.ge [sflag:s5], $0x1800  }
0xb8: {  	[sflag:s5] =	ssyncset.done $0x0  }
.Ltmp1:
0xb9: {  	s12 =	sadd.s32 $0x2840, s11;
	[sflag:s5] =	ssyncadd.s32 $0xFFFFE800;
	(pc) =	sbr.rel @p0 .LBB2_4-.Ltmp1, $4  }
0xba: {  	[spmem:s3] =	stream.indirect.scatter.add.f32 [tilespmem:s29], [sflag:$0x3], $0x80, s12, s2, $0xb8;
	[tilespmem:$0x1EF00] =	vst v63  }
0xbb: {  	_ =	swait.ge [sflag:s8], $0x1800  }
0xbc: {  	[sflag:s8] =	ssyncset.done $0x0  }
0xbd: {  	s11 =	sadd.s32 $0x150, s11;
	[sflag:s8] =	ssyncadd.s32 $0xFFFFE800  }
0xbe: {  	[tilespmem:s6], [sflag:$0x2] =	stream.indirect.gather [hbm4b:s1+s2], $0x80, s11, s2, $0xb8;
	[tilespmem:$0x1EF00] =	vst v63  }
0xbf: {  	_ =	swait.ge [sflag:s5], $0x1800  }
0xc0: {  	[sflag:s5] =	ssyncset.done $0x0  }
0xc1: {  	s10 =	simm.s32 $0x4DF0;
	[sflag:s5] =	ssyncadd.s32 $0xFFFFE800  }
0xc2: {  	[spmem:s3] =	stream.indirect.scatter.add.f32 [tilespmem:s4], [sflag:$0x3], $0x80, s10, s2, $0xb8;
	[tilespmem:$0x1EF00] =	vst v63  }
0xc3: {  	_ =	swait.ge [sflag:s8], $0x1800  }
0xc4: {  	[sflag:s8] =	ssyncset.done $0x0  }
0xc5: {  	s11 =	simm.s32 $0x2700;
	[sflag:s8] =	ssyncadd.s32 $0xFFFFE800  }
0xc6: {  	[tilespmem:s29], [sflag:$0x2] =	stream.indirect.gather [hbm4b:s1+s2], $0x80, s11, s2, $0xb8;
	[tilespmem:$0x1EF00] =	vst v63  }
0xc7: {  	_ =	swait.ge [sflag:s5], $0x1800  }
0xc8: {  	[sflag:s5] =	ssyncset.done $0x0  }
0xc9: {  	s12 =	simm.s32 $0x4E20;
	[sflag:s5] =	ssyncadd.s32 $0xFFFFE800  }
0xca: {  	[spmem:s3] =	stream.indirect.scatter.add.f32 [tilespmem:s0], [sflag:$0x3], $0x80, s12, s2, $0xb8;
	[tilespmem:$0x1EF00] =	vst v63  }
0xcb: {  	_ =	swait.ge [sflag:s8], $0x1800  }
0xcc: {  	[sflag:s8] =	ssyncset.done $0x0  }
0xcd: {  	[sflag:s8] =	ssyncadd.s32 $0xFFFFE800  }
0xce: {  	_ =	swait.ge [sflag:s5], $0x1800  }
0xcf: {  	[sflag:s5] =	ssyncset.done $0x0  }
0xd0: {  	s11 =	simm.s32 $0x4E50;
	[sflag:s5] =	ssyncadd.s32 $0xFFFFE800  }
0xd1: {  	[spmem:s3] =	stream.indirect.scatter.add.f32 [tilespmem:s6], [sflag:$0x3], $0x80, s11, s2, $0xb8;
	[tilespmem:$0x1EF00] =	vst v63  }
0xd2: {  	_ =	swait.ge [sflag:s8], $0x1800  }
0xd3: {  	[sflag:s8] =	ssyncset.done $0x0  }
0xd4: {  	[sflag:s8] =	ssyncadd.s32 $0xFFFFE800  }
0xd5: {  	_ =	swait.ge [sflag:s5], $0x1800  }
0xd6: {  	[sflag:s5] =	ssyncset.done $0x0  }
0xd7: {  	s12 =	simm.s32 $0x4E80;
	[sflag:s5] =	ssyncadd.s32 $0xFFFFE800  }
0xd8: {  	[spmem:s3] =	stream.indirect.scatter.add.f32 [tilespmem:s29], [sflag:$0x3], $0x80, s12, s2, $0xb8;
	[tilespmem:$0x1EF00] =	vst v63  }
0xd9: {  	_ =	swait.ge [sflag:s8], $0x1800  }
0xda: {  	[sflag:s8] =	ssyncset.done $0x0  }
0xdb: {  	[sflag:s8] =	ssyncadd.s32 $0xFFFFE800  }
0xdc: {  	s11 =	stileid.u32;
	_ =	swait.ge [sflag:s8], $0x1800  }
0xdd: {  	s9 =	sadd.s32 $0x1, s9;
	s10 =	sshll.u32 s11, $0x6;
	[sflag:s8] =	ssyncset.done $0x0  }
0xde: {  	p0 =	sne.s32 s9, s23;
	s10 =	sor.u32 $0x1C04, s10;
	[sflag:s8] =	ssyncadd.s32 $0xFFFFE800  }
.Ltmp2:
0xdf: {  	s12 =	sshrl.u32 s7, $0x3;
	[bflag:$0x0] =	sbarrier.arrive $0xFFFF;
	(pc) =	sbr.rel @p0 .LBB2_1-.Ltmp2, $4  }
0xe0: {  	[hbm:s24], [sflag:s10] =	dma.local [spmem:s12], $0x2800  }
0xe1: {  	_ =	swait.ge [sflag:s30], $0x2800  }
0xe2: {  	[sflag:s30] =	ssyncset.done $0x0  }
0xe3: {  	[sflag:s30] =	ssyncadd.s32 $0xFFFFD800  }
0xe4: {  	_ =	sfence.sel $0x180000  }
0xe5: {  	[bflag:$0x0] =	sbarrier.arrive $0xFFFF  }
0xe6: {  	_ =	strace $0x90000047  }
0xe7: {  	s0 =	stileid.u32;
	[bflag:$0x2] =	sbarrier.arrive $0xFFFF  }
0xe8: {  	p0 =	sne.s32 s0, $0x0;
	s0 =	rddreg [dreg:$0x3]  }
0xe9: {  	s0 =	sadd.s32 @!p0 $0x100000, s0  }
0xea: {  	[sflag:s0] =	ssyncadd.tile.s32 @!p0 $0x1;
	_ =	shalt  }
.Lfunc_end2:
_tile_overlayer_lowered:
.L_overlay_start_2:
0xeb: {  	(tag) =	ssettag $0x2  }
0xec: {  	s0 =	rddreg [dreg:$0x0];
	s2 =	stileid.u32  }
0xed: {  	s1 =	rddreg [dreg:$0x1];
	p0 =	sne.s32 s2, $0x0  }
0xee: {  	s3 =	rddreg [dreg:$0x2];
	[bflag:$0x3] =	sbarrier.arrive $0xFFFF;
	s2 =	simm.s32 @!p0 $0x1C04  }
0xef: {  	[timem:s3], [sflag:s2] =	dma.local @!p0 [hbm:s0], s1  }
0xf0: {  	s0 =	simm.s32 @!p0 $0x4  }
0xf1: {  	_ =	swait.ge @!p0 [sflag:s0], s1  }
0xf2: {  	s1 =	ssub.s32 @!p0 $0x0, s1;
	[sflag:s0] =	ssyncset.done @!p0 $0x0  }
0xf3: {  	[sflag:s0] =	ssyncadd.s32 @!p0 s1  }
0xf4: {  	[bflag:$0x3] =	sbarrier.arrive $0xFFFF  }
0xf5: {  	_ =	shalt  }

</sc_bundles>
